<compile_context>
chip_gen: v7x
topology: tpu7x:2x2x1
jax: 0.10.2.dev20260603
libtpu: 0.0.44.dev20260713+nightly
codegen_flags: <defaults>
</compile_context>

<pallas_src>
import functools

import jax
import jax.numpy as jnp
from jax import lax
from jax.experimental import pallas as pl
from jax.experimental.pallas import tpu as pltpu
from jax.experimental.pallas import tpu_sc as plsc

NC, NS, L = 2, 16, 16
NW = NC * NS

TW = 384
GCH = 40
SCH = 80

_PREC = lax.Precision.DEFAULT


def _silu(v):
    return v * jax.nn.sigmoid(v)


def _prep_tables(h, x, Wea, Web):
    N, D = h.shape
    NB = 2000

    def body(h_ref, x_ref, wa_ref, wb_ref, a_ref, b_ref):
        hb = h_ref[...]
        xp = jnp.concatenate(
            [x_ref[...], jnp.zeros((NB, TW - D - 3), jnp.float32)], axis=1)
        a = jnp.dot(hb, wa_ref[...], preferred_element_type=jnp.float32,
                    precision=_PREC)
        b = jnp.dot(hb, wb_ref[...], preferred_element_type=jnp.float32,
                    precision=_PREC)
        a_ref[...] = jnp.concatenate([a, xp], axis=1)
        b_ref[...] = jnp.concatenate([b, xp], axis=1)

    return pl.pallas_call(
        body,
        grid=(N // NB,),
        in_specs=[
            pl.BlockSpec((NB, D), lambda i: (i, 0)),
            pl.BlockSpec((NB, 3), lambda i: (i, 0)),
            pl.BlockSpec((D, D), lambda i: (0, 0)),
            pl.BlockSpec((D, D), lambda i: (0, 0)),
        ],
        out_specs=[
            pl.BlockSpec((NB, TW), lambda i: (i, 0)),
            pl.BlockSpec((NB, TW), lambda i: (i, 0)),
        ],
        out_shape=[
            jax.ShapeDtypeStruct((N, TW), jnp.float32),
            jax.ShapeDtypeStruct((N, TW), jnp.float32),
        ],
    )(h, x, Wea, Web)


def _gather_tables(At, Bt, ridx, cidx, E):
    mesh = plsc.VectorSubcoreMesh(core_axis_name="c", subcore_axis_name="s")
    EPW = E // NW
    NCHK = EPW // GCH
    D = TW - 128
    assert NCHK % 2 == 1 and NCHK >= 3

    @functools.partial(
        pl.kernel,
        out_type=jax.ShapeDtypeStruct((E, TW), jnp.float32),
        mesh=mesh,
        scratch_types=[
            pltpu.VMEM((NCHK, GCH), jnp.int32),
            pltpu.VMEM((NCHK, GCH), jnp.int32),
            pltpu.VMEM((GCH, TW), jnp.float32),
            pltpu.VMEM((GCH, TW), jnp.float32),
            pltpu.VMEM((GCH, TW), jnp.float32),
            pltpu.VMEM((GCH, TW), jnp.float32),
            pltpu.VMEM((GCH, TW), jnp.float32),
            pltpu.VMEM((GCH, TW), jnp.float32),
            pltpu.SemaphoreType.DMA,
            pltpu.SemaphoreType.DMA,
            pltpu.SemaphoreType.DMA,
            pltpu.SemaphoreType.DMA,
        ],
    )
    def gk(a_hbm, b_hbm, ri_hbm, ci_hbm, g_hbm,
           ri_v, ci_v, a0, b0, a1, b1, o0, o1, sg0, sg1, so0, so1):
        wid = lax.axis_index("s") * NC + lax.axis_index("c")
        base = wid * EPW
        pltpu.sync_copy(ri_hbm.at[wid], ri_v)
        pltpu.sync_copy(ci_hbm.at[wid], ci_v)

        def g_pair(k, ab, bb, sg):
            return (pltpu.make_async_copy(a_hbm.at[ri_v.at[k]], ab, sg),
                    pltpu.make_async_copy(b_hbm.at[ci_v.at[k]], bb, sg))

        def o_copy(k, ob, so):
            dst = pl.ds(base + k * GCH, GCH)
            return pltpu.make_async_copy(ob, g_hbm.at[dst], so)

        def issue(pair):
            pair[0].start()
            pair[1].start()

        def wait(pair):
            pair[0].wait()
            pair[1].wait()

        def fuse(ab, bb, ob):
            @pl.loop(0, GCH)
            def _(e):
                for j in range(0, D, L):
                    ob[e, pl.ds(j, L)] = (ab[e, pl.ds(j, L)]
                                          + bb[e, pl.ds(j, L)])
                for j in range(D, TW, L):
                    ob[e, pl.ds(j, L)] = (ab[e, pl.ds(j, L)]
                                          - bb[e, pl.ds(j, L)])

        issue(g_pair(0, a0, b0, sg0))
        wait(g_pair(0, a0, b0, sg0))
        issue(g_pair(1, a1, b1, sg1))
        fuse(a0, b0, o0)
        o_copy(0, o0, so0).start()
        wait(g_pair(1, a1, b1, sg1))
        issue(g_pair(2, a0, b0, sg0))
        fuse(a1, b1, o1)
        o_copy(1, o1, so1).start()

        @pl.loop(2, NCHK - 2, step=2)
        def _(k):
            wait(g_pair(k, a0, b0, sg0))
            issue(g_pair(k + 1, a1, b1, sg1))
            o_copy(k - 2, o0, so0).wait()
            fuse(a0, b0, o0)
            o_copy(k, o0, so0).start()
            wait(g_pair(k + 1, a1, b1, sg1))
            issue(g_pair(k + 2, a0, b0, sg0))
            o_copy(k - 1, o1, so1).wait()
            fuse(a1, b1, o1)
            o_copy(k + 1, o1, so1).start()

        k = NCHK - 1
        wait(g_pair(k, a0, b0, sg0))
        o_copy(k - 2, o0, so0).wait()
        fuse(a0, b0, o0)
        o_copy(k, o0, so0).start()
        o_copy(k - 1, o1, so1).wait()
        o_copy(k, o0, so0).wait()

    return gk(At, Bt, ridx.reshape(NW, NCHK, GCH), cidx.reshape(NW, NCHK, GCH))


def _edge_mlp(G, edge_attr, wc, Wd, be1, We2, be2):
    E = G.shape[0]
    D = We2.shape[0]
    ED = Wd.shape[0]
    EB = 2000

    def body(g_ref, ea_ref, wc_ref, wd_ref, b1_ref, w2_ref, b2_ref,
             m_ref):
        g = g_ref[...]
        dx = g[:, D:TW]
        radial = jnp.sum(dx * dx, axis=1, keepdims=True)
        lin = (g[:, :D] + radial * wc_ref[...]
               + jnp.dot(ea_ref[...], wd_ref[...],
                         preferred_element_type=jnp.float32, precision=_PREC)
               + b1_ref[...])
        m1 = _silu(lin)
        m2 = jnp.dot(m1, w2_ref[...], preferred_element_type=jnp.float32,
                     precision=_PREC) + b2_ref[...]
        m_ref[...] = _silu(m2)

    return pl.pallas_call(
        body,
        grid=(E // EB,),
        in_specs=[
            pl.BlockSpec((EB, TW), lambda i: (i, 0)),
            pl.BlockSpec((EB, ED), lambda i: (i, 0)),
            pl.BlockSpec((1, D), lambda i: (0, 0)),
            pl.BlockSpec((ED, D), lambda i: (0, 0)),
            pl.BlockSpec((1, D), lambda i: (0, 0)),
            pl.BlockSpec((D, D), lambda i: (0, 0)),
            pl.BlockSpec((1, D), lambda i: (0, 0)),
        ],
        out_specs=pl.BlockSpec((EB, D), lambda i: (i, 0)),
        out_shape=jax.ShapeDtypeStruct((E, D), jnp.float32),
    )(G, edge_attr, wc, Wd, be1.reshape(1, D), We2, be2.reshape(1, D))


def _segment_sum(m, ridx, N):
    E, D = m.shape
    DH = D // NC
    EPS = E // NS
    NCH = EPS // SCH
    assert NCH % 2 == 1 and NCH >= 3
    ZB = 1000
    NZ = N // ZB
    mesh = plsc.VectorSubcoreMesh(core_axis_name="c", subcore_axis_name="s")

    ridx3 = ridx.reshape(NS, NCH, SCH)
    zeros = jnp.zeros((N, DH), jnp.float32)

    @functools.partial(
        pl.kernel,
        out_type=jax.ShapeDtypeStruct((N, D), jnp.float32),
        mesh=mesh,
        scratch_types=[
            pltpu.VMEM((NCH, SCH), jnp.int32),
            pltpu.VMEM((SCH, DH), jnp.float32),
            pltpu.VMEM((SCH, DH), jnp.float32),
            pltpu.VMEM_SHARED((N, DH), jnp.float32),
            pltpu.SemaphoreType.DMA,
            pltpu.SemaphoreType.DMA,
        ],
    )
    def sk(m_hbm, ri_hbm, z_hbm, agg_hbm, idx_v, buf0, buf1, table, s0, s1):
        c = lax.axis_index("c")
        s = lax.axis_index("s")
        col0 = c * DH
        @pl.when(s < NZ)
        def _():
            pltpu.sync_copy(z_hbm.at[pl.ds(s * ZB, ZB)],
                            table.at[pl.ds(s * ZB, ZB)])
        pltpu.sync_copy(ri_hbm.at[s], idx_v)
        plsc.subcore_barrier()

        def load(k, buf, sem):
            return pltpu.make_async_copy(
                m_hbm.at[pl.ds(s * EPS + k * SCH, SCH), pl.ds(col0, DH)],
                buf, sem)

        def scat(k, buf):
            pltpu.sync_copy(buf, table.at[idx_v.at[k]], add=True)

        load(0, buf0, s0).start()

        @pl.loop(0, NCH - 1, step=2)
        def _(k):
            load(k + 1, buf1, s1).start()
            load(k, buf0, s0).wait()
            scat(k, buf0)
            load(k + 2, buf0, s0).start()
            load(k + 1, buf1, s1).wait()
            scat(k + 1, buf1)

        load(NCH - 1, buf0, s0).wait()
        scat(NCH - 1, buf0)

        plsc.subcore_barrier()
        @pl.when(s < NZ)
        def _():
            pltpu.sync_copy(table.at[pl.ds(s * ZB, ZB)],
                            agg_hbm.at[pl.ds(s * ZB, ZB), pl.ds(col0, DH)])

    return sk(m, ridx3, zeros)


def _node_mlp(h, agg, Wn1h, Wn1a, bn1, Wn2, bn2):
    N, D = h.shape
    NB = 2000

    P = len(agg)

    def body(h_ref, *refs):
        g_refs = refs[:P]
        w1h_ref, w1a_ref, b1_ref, w2_ref, b2_ref, o_ref = refs[P:]
        hb = h_ref[...]
        g = g_refs[0][...]
        for gr in g_refs[1:]:
            g = g + gr[...]
        lin = (jnp.dot(hb, w1h_ref[...], preferred_element_type=jnp.float32,
                       precision=_PREC)
               + jnp.dot(g, w1a_ref[...],
                         preferred_element_type=jnp.float32, precision=_PREC)
               + b1_ref[...])
        t = _silu(lin)
        o_ref[...] = (jnp.dot(t, w2_ref[...],
                              preferred_element_type=jnp.float32,
                              precision=_PREC)
                      + b2_ref[...] + hb)

    return pl.pallas_call(
        body,
        grid=(N // NB,),
        in_specs=[pl.BlockSpec((NB, D), lambda i: (i, 0))]
        + [pl.BlockSpec((NB, D), lambda i: (i, 0)) for _ in range(P)]
        + [
            pl.BlockSpec((D, D), lambda i: (0, 0)),
            pl.BlockSpec((D, D), lambda i: (0, 0)),
            pl.BlockSpec((1, D), lambda i: (0, 0)),
            pl.BlockSpec((D, D), lambda i: (0, 0)),
            pl.BlockSpec((1, D), lambda i: (0, 0)),
        ],
        out_specs=pl.BlockSpec((NB, D), lambda i: (i, 0)),
        out_shape=jax.ShapeDtypeStruct((N, D), jnp.float32),
    )(h, *agg, Wn1h, Wn1a, bn1.reshape(1, D), Wn2, bn2.reshape(1, D))


def kernel(h, x, edges, edge_attr, We1, be1, We2, be2, Wn1, bn1, Wn2, bn2):
    N, D = h.shape
    E = edges.shape[1]
    row = edges[0].astype(jnp.int32)
    col = edges[1].astype(jnp.int32)

    Wea = We1[0:D]
    Web = We1[D:2 * D]
    wc = We1[2 * D:2 * D + 1]
    Wd = We1[2 * D + 1:]

    At, Bt = _prep_tables(h, x, Wea, Web)
    G = _gather_tables(At, Bt, row, col, E)
    m = _edge_mlp(G, edge_attr, wc, Wd, be1, We2, be2)
    aggs = [_segment_sum(m, row, N)]
    h_new = _node_mlp(h, aggs, Wn1[0:D], Wn1[D:2 * D], bn1, Wn2, bn2)
    return (h_new, x)

# --- scband reference (transcript-rebuilt; emitter-appended) ---
"""Pipeline reference for scband-egnnlayer-5042291605586 (READ-ONLY COPY).

The authoritative reference and input builder live on the scoring server;
editing this copy changes nothing except your own understanding.
"""

import jax, jax.numpy as jnp
import numpy as np

def setup_inputs(seed: int = 0):
    key = jax.random.key(seed)
    ks = jax.random.split(key, 8)
    N, E, D, ED = 10000, 160000, 256, 16
    h = jax.random.normal(ks[0], (N, D), dtype=jnp.float32)
    x = jax.random.normal(ks[1], (N, 3), dtype=jnp.float32)
    edges = jax.random.randint(ks[2], (2, E), 0, N)
    edge_attr = jax.random.normal(ks[3], (E, ED), dtype=jnp.float32)
    din_e = 2 * D + 1 + ED
    We1 = jax.random.normal(ks[4], (din_e, D), dtype=jnp.float32) / np.sqrt(din_e)
    be1 = jnp.zeros((D,), dtype=jnp.float32)
    We2 = jax.random.normal(ks[5], (D, D), dtype=jnp.float32) / np.sqrt(D)
    be2 = jnp.zeros((D,), dtype=jnp.float32)
    Wn1 = jax.random.normal(ks[6], (2 * D, D), dtype=jnp.float32) / np.sqrt(2 * D)
    bn1 = jnp.zeros((D,), dtype=jnp.float32)
    Wn2 = jax.random.normal(ks[7], (D, D), dtype=jnp.float32) / np.sqrt(D)
    bn2 = jnp.zeros((D,), dtype=jnp.float32)
    return {"h": h, "x": x, "edges": edges, "edge_attr": edge_attr, "We1": We1, "be1": be1, "We2": We2, "be2": be2, "Wn1": Wn1, "bn1": bn1, "Wn2": Wn2, "bn2": bn2}

def reference(h, x, edges, edge_attr, We1, be1, We2, be2, Wn1, bn1, Wn2, bn2):
    # E_GCL forward (Satorras EGNN), update_coords=False, attention=False, residual=True
    row, col = edges[0], edges[1]
    # coord2radial
    coord_diff = x[row] - x[col]
    radial = jnp.sum(coord_diff ** 2, axis=1, keepdims=True)
    # edge_model: cat([h[row], h[col], radial, edge_attr]) -> MLP(Linear,SiLU,Linear,SiLU)
    ef = jnp.concatenate([h[row], h[col], radial, edge_attr], axis=1)
    m = jax.nn.silu(ef @ We1 + be1)
    m = jax.nn.silu(m @ We2 + be2)
    # node_model: scatter-add messages to destination (row), cat with h, MLP, residual
    agg = jax.ops.segment_sum(m, row, num_segments=h.shape[0])
    nf = jnp.concatenate([h, agg], axis=1)
    out = jax.nn.silu(nf @ Wn1 + bn1)
    out = out @ Wn2 + bn2
    h_new = h + out
    # update_coords=False -> coords pass through unchanged
    return (h_new, x)

if __name__ == "__main__":
    import jax
    _d = setup_inputs()
    print(jax.jit(kernel)(*tuple(_d.values())))

</pallas_src>

<mosaic_0001>
#map = affine_map<(d0, d1) -> (0, 0)>
#map1 = affine_map<(d0, d1) -> (0, 0, 0)>
module attributes {stable_mosaic.version = 14 : i64} {
  func.func @gk(%arg0: i32, %arg1: i32, %arg2: memref<10000x384xf32, #tpu.memory_space<hbm>>, %arg3: memref<10000x384xf32, #tpu.memory_space<hbm>>, %arg4: memref<32x125x40xi32, #tpu.memory_space<hbm>>, %arg5: memref<32x125x40xi32, #tpu.memory_space<hbm>>, %arg6: memref<160000x384xf32, #tpu.memory_space<hbm>>, %arg7: memref<125x40xi32, #tpu.memory_space<vmem>>, %arg8: memref<125x40xi32, #tpu.memory_space<vmem>>, %arg9: memref<40x384xf32, #tpu.memory_space<vmem>>, %arg10: memref<40x384xf32, #tpu.memory_space<vmem>>, %arg11: memref<40x384xf32, #tpu.memory_space<vmem>>, %arg12: memref<40x384xf32, #tpu.memory_space<vmem>>, %arg13: memref<40x384xf32, #tpu.memory_space<vmem>>, %arg14: memref<40x384xf32, #tpu.memory_space<vmem>>, %arg15: memref<!tpu.dma_semaphore, #tpu.memory_space<semaphore_mem>>, %arg16: memref<!tpu.dma_semaphore, #tpu.memory_space<semaphore_mem>>, %arg17: memref<!tpu.dma_semaphore, #tpu.memory_space<semaphore_mem>>, %arg18: memref<!tpu.dma_semaphore, #tpu.memory_space<semaphore_mem>>) attributes {dimension_semantics = [#tpu.dimension_semantics<core_parallel>, #tpu.dimension_semantics<subcore_parallel>], iteration_bounds = array<i64: 2, 16>, scalar_prefetch = 0 : i64, scratch_operands = 12 : i64, tpu.core_type = #tpu.core_type<sc_vector_subcore>, window_params = [{transform_indices = #map}, {transform_indices = #map}, {transform_indices = #map1}, {transform_indices = #map1}, {transform_indices = #map}]} {
    %mul3A = arith.constant 2 : i32
    %mul3A_0 = arith.muli %arg1, %mul3A : i32
    %add3A = arith.addi %mul3A_0, %arg0 : i32
    %mul3A_1 = arith.constant 5000 : i32
    %mul3A_2 = arith.muli %add3A, %mul3A_1 : i32
    "tpu.region"() ({
      %run_scoped3A = tpu.sem_alloc : memref<!tpu.dma_semaphore, #tpu.memory_space<semaphore_mem>>
      %dma_start3A_140 = arith.constant 0 : i32
      %dma_start3A_141 = arith.constant 0 : i32
      %dma_start3A_142 = tpu.memref_slice %arg4[%add3A, %dma_start3A_140, %dma_start3A_141] : memref<32x125x40xi32, #tpu.memory_space<hbm>> -> memref<1x125x40xi32, #tpu.memory_space<hbm>>
      %dma_start3A_143 = tpu.memref_squeeze %dma_start3A_142 : memref<1x125x40xi32, #tpu.memory_space<hbm>> -> memref<125x40xi32, #tpu.memory_space<hbm>>
      %dma_start3A_144 = arith.constant 0 : i32
      %dma_start3A_145 = arith.constant 0 : i32
      %dma_start3A_146 = tpu.memref_slice %arg4[%add3A, %dma_start3A_144, %dma_start3A_145] : memref<32x125x40xi32, #tpu.memory_space<hbm>> -> memref<1x125x40xi32, #tpu.memory_space<hbm>>
      %dma_start3A_147 = tpu.memref_squeeze %dma_start3A_146 : memref<1x125x40xi32, #tpu.memory_space<hbm>> -> memref<125x40xi32, #tpu.memory_space<hbm>>
      tpu.enqueue_dma source(%dma_start3A_147 : memref<125x40xi32, #tpu.memory_space<hbm>>) target(%arg7 : memref<125x40xi32, #tpu.memory_space<vmem>>) target_semaphore(%run_scoped3A : memref<!tpu.dma_semaphore, #tpu.memory_space<semaphore_mem>>)
      %dma_wait3A_148 = arith.constant 0 : i32
      %dma_wait3A_149 = arith.constant 0 : i32
      %dma_wait3A_150 = tpu.memref_slice %arg4[%add3A, %dma_wait3A_148, %dma_wait3A_149] : memref<32x125x40xi32, #tpu.memory_space<hbm>> -> memref<1x125x40xi32, #tpu.memory_space<hbm>>
      %dma_wait3A_151 = tpu.memref_squeeze %dma_wait3A_150 : memref<1x125x40xi32, #tpu.memory_space<hbm>> -> memref<125x40xi32, #tpu.memory_space<hbm>>
      %dma_wait3A_152 = arith.constant 0 : i32
      %dma_wait3A_153 = arith.constant 0 : i32
      %dma_wait3A_154 = tpu.memref_slice %arg4[%add3A, %dma_wait3A_152, %dma_wait3A_153] : memref<32x125x40xi32, #tpu.memory_space<hbm>> -> memref<1x125x40xi32, #tpu.memory_space<hbm>>
      %dma_wait3A_155 = tpu.memref_squeeze %dma_wait3A_154 : memref<1x125x40xi32, #tpu.memory_space<hbm>> -> memref<125x40xi32, #tpu.memory_space<hbm>>
      tpu.wait_dma2 semaphore(%run_scoped3A : memref<!tpu.dma_semaphore, #tpu.memory_space<semaphore_mem>>) src(%dma_wait3A_155 : memref<125x40xi32, #tpu.memory_space<hbm>>) dst(%arg7 : memref<125x40xi32, #tpu.memory_space<vmem>>)
      tpu.yield
    }) : () -> ()
    "tpu.region"() ({
      %run_scoped3A = tpu.sem_alloc : memref<!tpu.dma_semaphore, #tpu.memory_space<semaphore_mem>>
      %dma_start3A_140 = arith.constant 0 : i32
      %dma_start3A_141 = arith.constant 0 : i32
      %dma_start3A_142 = tpu.memref_slice %arg5[%add3A, %dma_start3A_140, %dma_start3A_141] : memref<32x125x40xi32, #tpu.memory_space<hbm>> -> memref<1x125x40xi32, #tpu.memory_space<hbm>>
      %dma_start3A_143 = tpu.memref_squeeze %dma_start3A_142 : memref<1x125x40xi32, #tpu.memory_space<hbm>> -> memref<125x40xi32, #tpu.memory_space<hbm>>
      %dma_start3A_144 = arith.constant 0 : i32
      %dma_start3A_145 = arith.constant 0 : i32
      %dma_start3A_146 = tpu.memref_slice %arg5[%add3A, %dma_start3A_144, %dma_start3A_145] : memref<32x125x40xi32, #tpu.memory_space<hbm>> -> memref<1x125x40xi32, #tpu.memory_space<hbm>>
      %dma_start3A_147 = tpu.memref_squeeze %dma_start3A_146 : memref<1x125x40xi32, #tpu.memory_space<hbm>> -> memref<125x40xi32, #tpu.memory_space<hbm>>
      tpu.enqueue_dma source(%dma_start3A_147 : memref<125x40xi32, #tpu.memory_space<hbm>>) target(%arg8 : memref<125x40xi32, #tpu.memory_space<vmem>>) target_semaphore(%run_scoped3A : memref<!tpu.dma_semaphore, #tpu.memory_space<semaphore_mem>>)
      %dma_wait3A_148 = arith.constant 0 : i32
      %dma_wait3A_149 = arith.constant 0 : i32
      %dma_wait3A_150 = tpu.memref_slice %arg5[%add3A, %dma_wait3A_148, %dma_wait3A_149] : memref<32x125x40xi32, #tpu.memory_space<hbm>> -> memref<1x125x40xi32, #tpu.memory_space<hbm>>
      %dma_wait3A_151 = tpu.memref_squeeze %dma_wait3A_150 : memref<1x125x40xi32, #tpu.memory_space<hbm>> -> memref<125x40xi32, #tpu.memory_space<hbm>>
      %dma_wait3A_152 = arith.constant 0 : i32
      %dma_wait3A_153 = arith.constant 0 : i32
      %dma_wait3A_154 = tpu.memref_slice %arg5[%add3A, %dma_wait3A_152, %dma_wait3A_153] : memref<32x125x40xi32, #tpu.memory_space<hbm>> -> memref<1x125x40xi32, #tpu.memory_space<hbm>>
      %dma_wait3A_155 = tpu.memref_squeeze %dma_wait3A_154 : memref<1x125x40xi32, #tpu.memory_space<hbm>> -> memref<125x40xi32, #tpu.memory_space<hbm>>
      tpu.wait_dma2 semaphore(%run_scoped3A : memref<!tpu.dma_semaphore, #tpu.memory_space<semaphore_mem>>) src(%dma_wait3A_155 : memref<125x40xi32, #tpu.memory_space<hbm>>) dst(%arg8 : memref<125x40xi32, #tpu.memory_space<vmem>>)
      tpu.yield
    }) : () -> ()
    %dma_start3A = arith.constant 0 : i32
    %dma_start3A_3 = arith.constant 0 : i32
    %dma_start3A_4 = tpu.memref_slice %arg7[%dma_start3A, %dma_start3A_3] : memref<125x40xi32, #tpu.memory_space<vmem>> -> memref<1x40xi32, #tpu.memory_space<vmem>>
    %dma_start3A_5 = tpu.memref_squeeze %dma_start3A_4 : memref<1x40xi32, #tpu.memory_space<vmem>> -> memref<40xi32, #tpu.memory_space<vmem>>
    %dma_start3A_6 = arith.constant 0 : i32
    %dma_start3A_7 = arith.constant 0 : i32
    %dma_start3A_8 = tpu.memref_slice %arg2[%dma_start3A_6, %dma_start3A_7] : memref<10000x384xf32, #tpu.memory_space<hbm>> -> memref<10000x384xf32, #tpu.memory_space<hbm>>
    tpu.enqueue_indirect_dma source(%dma_start3A_8 : memref<10000x384xf32, #tpu.memory_space<hbm>>) target(%arg9 : memref<40x384xf32, #tpu.memory_space<vmem>>) offsets(%dma_start3A_5 : memref<40xi32, #tpu.memory_space<vmem>>) semaphore(%arg15 : memref<!tpu.dma_semaphore, #tpu.memory_space<semaphore_mem>>)
    %dma_start3A_9 = arith.constant 0 : i32
    %dma_start3A_10 = arith.constant 0 : i32
    %dma_start3A_11 = tpu.memref_slice %arg8[%dma_start3A_9, %dma_start3A_10] : memref<125x40xi32, #tpu.memory_space<vmem>> -> memref<1x40xi32, #tpu.memory_space<vmem>>
    %dma_start3A_12 = tpu.memref_squeeze %dma_start3A_11 : memref<1x40xi32, #tpu.memory_space<vmem>> -> memref<40xi32, #tpu.memory_space<vmem>>
    %dma_start3A_13 = arith.constant 0 : i32
    %dma_start3A_14 = arith.constant 0 : i32
    %dma_start3A_15 = tpu.memref_slice %arg3[%dma_start3A_13, %dma_start3A_14] : memref<10000x384xf32, #tpu.memory_space<hbm>> -> memref<10000x384xf32, #tpu.memory_space<hbm>>
    tpu.enqueue_indirect_dma source(%dma_start3A_15 : memref<10000x384xf32, #tpu.memory_space<hbm>>) target(%arg10 : memref<40x384xf32, #tpu.memory_space<vmem>>) offsets(%dma_start3A_12 : memref<40xi32, #tpu.memory_space<vmem>>) semaphore(%arg15 : memref<!tpu.dma_semaphore, #tpu.memory_space<semaphore_mem>>)
    %dma_wait3A = arith.constant 0 : i32
    %dma_wait3A_16 = arith.constant 0 : i32
    %dma_wait3A_17 = tpu.memref_slice %arg7[%dma_wait3A, %dma_wait3A_16] : memref<125x40xi32, #tpu.memory_space<vmem>> -> memref<1x40xi32, #tpu.memory_space<vmem>>
    %dma_wait3A_18 = tpu.memref_squeeze %dma_wait3A_17 : memref<1x40xi32, #tpu.memory_space<vmem>> -> memref<40xi32, #tpu.memory_space<vmem>>
    %dma_wait3A_19 = arith.constant 0 : i32
    %dma_wait3A_20 = arith.constant 0 : i32
    %dma_wait3A_21 = tpu.memref_slice %arg2[%dma_wait3A_19, %dma_wait3A_20] : memref<10000x384xf32, #tpu.memory_space<hbm>> -> memref<10000x384xf32, #tpu.memory_space<hbm>>
    tpu.wait_indirect_dma semaphore(%arg15 : memref<!tpu.dma_semaphore, #tpu.memory_space<semaphore_mem>>) src(%dma_wait3A_21 : memref<10000x384xf32, #tpu.memory_space<hbm>>) dst(%arg9 : memref<40x384xf32, #tpu.memory_space<vmem>>)
    %dma_wait3A_22 = arith.constant 0 : i32
    %dma_wait3A_23 = arith.constant 0 : i32
    %dma_wait3A_24 = tpu.memref_slice %arg8[%dma_wait3A_22, %dma_wait3A_23] : memref<125x40xi32, #tpu.memory_space<vmem>> -> memref<1x40xi32, #tpu.memory_space<vmem>>
    %dma_wait3A_25 = tpu.memref_squeeze %dma_wait3A_24 : memref<1x40xi32, #tpu.memory_space<vmem>> -> memref<40xi32, #tpu.memory_space<vmem>>
    %dma_wait3A_26 = arith.constant 0 : i32
    %dma_wait3A_27 = arith.constant 0 : i32
    %dma_wait3A_28 = tpu.memref_slice %arg3[%dma_wait3A_26, %dma_wait3A_27] : memref<10000x384xf32, #tpu.memory_space<hbm>> -> memref<10000x384xf32, #tpu.memory_space<hbm>>
    tpu.wait_indirect_dma semaphore(%arg15 : memref<!tpu.dma_semaphore, #tpu.memory_space<semaphore_mem>>) src(%dma_wait3A_28 : memref<10000x384xf32, #tpu.memory_space<hbm>>) dst(%arg10 : memref<40x384xf32, #tpu.memory_space<vmem>>)
    %dma_start3A_29 = arith.constant 1 : i32
    %dma_start3A_30 = arith.constant 0 : i32
    %dma_start3A_31 = tpu.memref_slice %arg7[%dma_start3A_29, %dma_start3A_30] : memref<125x40xi32, #tpu.memory_space<vmem>> -> memref<1x40xi32, #tpu.memory_space<vmem>>
    %dma_start3A_32 = tpu.memref_squeeze %dma_start3A_31 : memref<1x40xi32, #tpu.memory_space<vmem>> -> memref<40xi32, #tpu.memory_space<vmem>>
    %dma_start3A_33 = arith.constant 0 : i32
    %dma_start3A_34 = arith.constant 0 : i32
    %dma_start3A_35 = tpu.memref_slice %arg2[%dma_start3A_33, %dma_start3A_34] : memref<10000x384xf32, #tpu.memory_space<hbm>> -> memref<10000x384xf32, #tpu.memory_space<hbm>>
    tpu.enqueue_indirect_dma source(%dma_start3A_35 : memref<10000x384xf32, #tpu.memory_space<hbm>>) target(%arg11 : memref<40x384xf32, #tpu.memory_space<vmem>>) offsets(%dma_start3A_32 : memref<40xi32, #tpu.memory_space<vmem>>) semaphore(%arg16 : memref<!tpu.dma_semaphore, #tpu.memory_space<semaphore_mem>>)
    %dma_start3A_36 = arith.constant 1 : i32
    %dma_start3A_37 = arith.constant 0 : i32
    %dma_start3A_38 = tpu.memref_slice %arg8[%dma_start3A_36, %dma_start3A_37] : memref<125x40xi32, #tpu.memory_space<vmem>> -> memref<1x40xi32, #tpu.memory_space<vmem>>
    %dma_start3A_39 = tpu.memref_squeeze %dma_start3A_38 : memref<1x40xi32, #tpu.memory_space<vmem>> -> memref<40xi32, #tpu.memory_space<vmem>>
    %dma_start3A_40 = arith.constant 0 : i32
    %dma_start3A_41 = arith.constant 0 : i32
    %dma_start3A_42 = tpu.memref_slice %arg3[%dma_start3A_40, %dma_start3A_41] : memref<10000x384xf32, #tpu.memory_space<hbm>> -> memref<10000x384xf32, #tpu.memory_space<hbm>>
    tpu.enqueue_indirect_dma source(%dma_start3A_42 : memref<10000x384xf32, #tpu.memory_space<hbm>>) target(%arg12 : memref<40x384xf32, #tpu.memory_space<vmem>>) offsets(%dma_start3A_39 : memref<40xi32, #tpu.memory_space<vmem>>) semaphore(%arg16 : memref<!tpu.dma_semaphore, #tpu.memory_space<semaphore_mem>>)
    %scan3A = arith.constant 0 : i32
    %scan3A_43 = arith.constant 40 : i32
    %scan3A_44 = arith.addi %scan3A, %scan3A_43 : i32
    %scan3A_45 = arith.constant 1 : i32
    scf.for %scan3A_140 = %scan3A to %scan3A_44 step %scan3A_45  : i32 {
      %mul3A_141 = arith.constant 1 : i32
      %mul3A_142 = arith.muli %scan3A_140, %mul3A_141 : i32
      %add3A_143 = arith.constant 0 : i32
      %add3A_144 = arith.addi %add3A_143, %mul3A_142 : i32
      %get3A = arith.index_cast %add3A_144 : i32 to index
      %get3A_145 = arith.constant 0 : index
      %get3A_146 = tpu.vector_load %arg9[%get3A, %get3A_145] {strides = array<i32>} : memref<40x384xf32, #tpu.memory_space<vmem>>, vector<1x16xf32>,
      %get3A_147 = vector.shape_cast %get3A_146 : vector<1x16xf32> to vector<16xf32>
      %get3A_148 = arith.index_cast %add3A_144 : i32 to index
      %get3A_149 = arith.constant 0 : index
      %get3A_150 = tpu.vector_load %arg10[%get3A_148, %get3A_149] {strides = array<i32>} : memref<40x384xf32, #tpu.memory_space<vmem>>, vector<1x16xf32>,
      %get3A_151 = vector.shape_cast %get3A_150 : vector<1x16xf32> to vector<16xf32>
      %add3A_152 = arith.addf %get3A_147, %get3A_151 : vector<16xf32>
      %swap3A = arith.index_cast %add3A_144 : i32 to index
      %swap3A_153 = arith.constant 0 : index
      %swap3A_154 = tpu.vector_load %arg13[%swap3A, %swap3A_153] {strides = array<i32>} : memref<40x384xf32, #tpu.memory_space<vmem>>, vector<1x16xf32>,
      %swap3A_155 = vector.shape_cast %swap3A_154 : vector<1x16xf32> to vector<16xf32>
      %swap3A_156 = vector.shape_cast %add3A_152 : vector<16xf32> to vector<1x16xf32>
      tpu.vector_store %arg13[%swap3A, %swap3A_153], %swap3A_156 {strides = array<i32>} : memref<40x384xf32, #tpu.memory_space<vmem>>, vector<1x16xf32>,
      %get3A_157 = arith.index_cast %add3A_144 : i32 to index
      %get3A_158 = arith.constant 16 : index
      %get3A_159 = tpu.vector_load %arg9[%get3A_157, %get3A_158] {strides = array<i32>} : memref<40x384xf32, #tpu.memory_space<vmem>>, vector<1x16xf32>,
      %get3A_160 = vector.shape_cast %get3A_159 : vector<1x16xf32> to vector<16xf32>
      %get3A_161 = arith.index_cast %add3A_144 : i32 to index
      %get3A_162 = arith.constant 16 : index
      %get3A_163 = tpu.vector_load %arg10[%get3A_161, %get3A_162] {strides = array<i32>} : memref<40x384xf32, #tpu.memory_space<vmem>>, vector<1x16xf32>,
      %get3A_164 = vector.shape_cast %get3A_163 : vector<1x16xf32> to vector<16xf32>
      %add3A_165 = arith.addf %get3A_160, %get3A_164 : vector<16xf32>
      %swap3A_166 = arith.index_cast %add3A_144 : i32 to index
      %swap3A_167 = arith.constant 16 : index
      %swap3A_168 = tpu.vector_load %arg13[%swap3A_166, %swap3A_167] {strides = array<i32>} : memref<40x384xf32, #tpu.memory_space<vmem>>, vector<1x16xf32>,
      %swap3A_169 = vector.shape_cast %swap3A_168 : vector<1x16xf32> to vector<16xf32>
      %swap3A_170 = vector.shape_cast %add3A_165 : vector<16xf32> to vector<1x16xf32>
      tpu.vector_store %arg13[%swap3A_166, %swap3A_167], %swap3A_170 {strides = array<i32>} : memref<40x384xf32, #tpu.memory_space<vmem>>, vector<1x16xf32>,
      %get3A_171 = arith.index_cast %add3A_144 : i32 to index
      %get3A_172 = arith.constant 32 : index
      %get3A_173 = tpu.vector_load %arg9[%get3A_171, %get3A_172] {strides = array<i32>} : memref<40x384xf32, #tpu.memory_space<vmem>>, vector<1x16xf32>,
      %get3A_174 = vector.shape_cast %get3A_173 : vector<1x16xf32> to vector<16xf32>
      %get3A_175 = arith.index_cast %add3A_144 : i32 to index
      %get3A_176 = arith.constant 32 : index
      %get3A_177 = tpu.vector_load %arg10[%get3A_175, %get3A_176] {strides = array<i32>} : memref<40x384xf32, #tpu.memory_space<vmem>>, vector<1x16xf32>,
      %get3A_178 = vector.shape_cast %get3A_177 : vector<1x16xf32> to vector<16xf32>
      %add3A_179 = arith.addf %get3A_174, %get3A_178 : vector<16xf32>
      %swap3A_180 = arith.index_cast %add3A_144 : i32 to index
      %swap3A_181 = arith.constant 32 : index
      %swap3A_182 = tpu.vector_load %arg13[%swap3A_180, %swap3A_181] {strides = array<i32>} : memref<40x384xf32, #tpu.memory_space<vmem>>, vector<1x16xf32>,
      %swap3A_183 = vector.shape_cast %swap3A_182 : vector<1x16xf32> to vector<16xf32>
      %swap3A_184 = vector.shape_cast %add3A_179 : vector<16xf32> to vector<1x16xf32>
      tpu.vector_store %arg13[%swap3A_180, %swap3A_181], %swap3A_184 {strides = array<i32>} : memref<40x384xf32, #tpu.memory_space<vmem>>, vector<1x16xf32>,
      %get3A_185 = arith.index_cast %add3A_144 : i32 to index
      %get3A_186 = arith.constant 48 : index
      %get3A_187 = tpu.vector_load %arg9[%get3A_185, %get3A_186] {strides = array<i32>} : memref<40x384xf32, #tpu.memory_space<vmem>>, vector<1x16xf32>,
      %get3A_188 = vector.shape_cast %get3A_187 : vector<1x16xf32> to vector<16xf32>
      %get3A_189 = arith.index_cast %add3A_144 : i32 to index
      %get3A_190 = arith.constant 48 : index
      %get3A_191 = tpu.vector_load %arg10[%get3A_189, %get3A_190] {strides = array<i32>} : memref<40x384xf32, #tpu.memory_space<vmem>>, vector<1x16xf32>,
      %get3A_192 = vector.shape_cast %get3A_191 : vector<1x16xf32> to vector<16xf32>
      %add3A_193 = arith.addf %get3A_188, %get3A_192 : vector<16xf32>
      %swap3A_194 = arith.index_cast %add3A_144 : i32 to index
      %swap3A_195 = arith.constant 48 : index
      %swap3A_196 = tpu.vector_load %arg13[%swap3A_194, %swap3A_195] {strides = array<i32>} : memref<40x384xf32, #tpu.memory_space<vmem>>, vector<1x16xf32>,
      %swap3A_197 = vector.shape_cast %swap3A_196 : vector<1x16xf32> to vector<16xf32>
      %swap3A_198 = vector.shape_cast %add3A_193 : vector<16xf32> to vector<1x16xf32>
      tpu.vector_store %arg13[%swap3A_194, %swap3A_195], %swap3A_198 {strides = array<i32>} : memref<40x384xf32, #tpu.memory_space<vmem>>, vector<1x16xf32>,
      %get3A_199 = arith.index_cast %add3A_144 : i32 to index
      %get3A_200 = arith.constant 64 : index
      %get3A_201 = tpu.vector_load %arg9[%get3A_199, %get3A_200] {strides = array<i32>} : memref<40x384xf32, #tpu.memory_space<vmem>>, vector<1x16xf32>,
      %get3A_202 = vector.shape_cast %get3A_201 : vector<1x16xf32> to vector<16xf32>
      %get3A_203 = arith.index_cast %add3A_144 : i32 to index
      %get3A_204 = arith.constant 64 : index
      %get3A_205 = tpu.vector_load %arg10[%get3A_203, %get3A_204] {strides = array<i32>} : memref<40x384xf32, #tpu.memory_space<vmem>>, vector<1x16xf32>,
      %get3A_206 = vector.shape_cast %get3A_205 : vector<1x16xf32> to vector<16xf32>
      %add3A_207 = arith.addf %get3A_202, %get3A_206 : vector<16xf32>
      %swap3A_208 = arith.index_cast %add3A_144 : i32 to index
      %swap3A_209 = arith.constant 64 : index
      %swap3A_210 = tpu.vector_load %arg13[%swap3A_208, %swap3A_209] {strides = array<i32>} : memref<40x384xf32, #tpu.memory_space<vmem>>, vector<1x16xf32>,
      %swap3A_211 = vector.shape_cast %swap3A_210 : vector<1x16xf32> to vector<16xf32>
      %swap3A_212 = vector.shape_cast %add3A_207 : vector<16xf32> to vector<1x16xf32>
      tpu.vector_store %arg13[%swap3A_208, %swap3A_209], %swap3A_212 {strides = array<i32>} : memref<40x384xf32, #tpu.memory_space<vmem>>, vector<1x16xf32>,
      %get3A_213 = arith.index_cast %add3A_144 : i32 to index
      %get3A_214 = arith.constant 80 : index
      %get3A_215 = tpu.vector_load %arg9[%get3A_213, %get3A_214] {strides = array<i32>} : memref<40x384xf32, #tpu.memory_space<vmem>>, vector<1x16xf32>,
      %get3A_216 = vector.shape_cast %get3A_215 : vector<1x16xf32> to vector<16xf32>
      %get3A_217 = arith.index_cast %add3A_144 : i32 to index
      %get3A_218 = arith.constant 80 : index
      %get3A_219 = tpu.vector_load %arg10[%get3A_217, %get3A_218] {strides = array<i32>} : memref<40x384xf32, #tpu.memory_space<vmem>>, vector<1x16xf32>,
      %get3A_220 = vector.shape_cast %get3A_219 : vector<1x16xf32> to vector<16xf32>
      %add3A_221 = arith.addf %get3A_216, %get3A_220 : vector<16xf32>
      %swap3A_222 = arith.index_cast %add3A_144 : i32 to index
      %swap3A_223 = arith.constant 80 : index
      %swap3A_224 = tpu.vector_load %arg13[%swap3A_222, %swap3A_223] {strides = array<i32>} : memref<40x384xf32, #tpu.memory_space<vmem>>, vector<1x16xf32>,
      %swap3A_225 = vector.shape_cast %swap3A_224 : vector<1x16xf32> to vector<16xf32>
      %swap3A_226 = vector.shape_cast %add3A_221 : vector<16xf32> to vector<1x16xf32>
      tpu.vector_store %arg13[%swap3A_222, %swap3A_223], %swap3A_226 {strides = array<i32>} : memref<40x384xf32, #tpu.memory_space<vmem>>, vector<1x16xf32>,
      %get3A_227 = arith.index_cast %add3A_144 : i32 to index
      %get3A_228 = arith.constant 96 : index
      %get3A_229 = tpu.vector_load %arg9[%get3A_227, %get3A_228] {strides = array<i32>} : memref<40x384xf32, #tpu.memory_space<vmem>>, vector<1x16xf32>,
      %get3A_230 = vector.shape_cast %get3A_229 : vector<1x16xf32> to vector<16xf32>
      %get3A_231 = arith.index_cast %add3A_144 : i32 to index
      %get3A_232 = arith.constant 96 : index
      %get3A_233 = tpu.vector_load %arg10[%get3A_231, %get3A_232] {strides = array<i32>} : memref<40x384xf32, #tpu.memory_space<vmem>>, vector<1x16xf32>,
      %get3A_234 = vector.shape_cast %get3A_233 : vector<1x16xf32> to vector<16xf32>
      %add3A_235 = arith.addf %get3A_230, %get3A_234 : vector<16xf32>
      %swap3A_236 = arith.index_cast %add3A_144 : i32 to index
      %swap3A_237 = arith.constant 96 : index
      %swap3A_238 = tpu.vector_load %arg13[%swap3A_236, %swap3A_237] {strides = array<i32>} : memref<40x384xf32, #tpu.memory_space<vmem>>, vector<1x16xf32>,
      %swap3A_239 = vector.shape_cast %swap3A_238 : vector<1x16xf32> to vector<16xf32>
      %swap3A_240 = vector.shape_cast %add3A_235 : vector<16xf32> to vector<1x16xf32>
      tpu.vector_store %arg13[%swap3A_236, %swap3A_237], %swap3A_240 {strides = array<i32>} : memref<40x384xf32, #tpu.memory_space<vmem>>, vector<1x16xf32>,
      %get3A_241 = arith.index_cast %add3A_144 : i32 to index
      %get3A_242 = arith.constant 112 : index
      %get3A_243 = tpu.vector_load %arg9[%get3A_241, %get3A_242] {strides = array<i32>} : memref<40x384xf32, #tpu.memory_space<vmem>>, vector<1x16xf32>,
      %get3A_244 = vector.shape_cast %get3A_243 : vector<1x16xf32> to vector<16xf32>
      %get3A_245 = arith.index_cast %add3A_144 : i32 to index
      %get3A_246 = arith.constant 112 : index
      %get3A_247 = tpu.vector_load %arg10[%get3A_245, %get3A_246] {strides = array<i32>} : memref<40x384xf32, #tpu.memory_space<vmem>>, vector<1x16xf32>,
      %get3A_248 = vector.shape_cast %get3A_247 : vector<1x16xf32> to vector<16xf32>
      %add3A_249 = arith.addf %get3A_244, %get3A_248 : vector<16xf32>
      %swap3A_250 = arith.index_cast %add3A_144 : i32 to index
      %swap3A_251 = arith.constant 112 : index
      %swap3A_252 = tpu.vector_load %arg13[%swap3A_250, %swap3A_251] {strides = array<i32>} : memref<40x384xf32, #tpu.memory_space<vmem>>, vector<1x16xf32>,
      %swap3A_253 = vector.shape_cast %swap3A_252 : vector<1x16xf32> to vector<16xf32>
      %swap3A_254 = vector.shape_cast %add3A_249 : vector<16xf32> to vector<1x16xf32>
      tpu.vector_store %arg13[%swap3A_250, %swap3A_251], %swap3A_254 {strides = array<i32>} : memref<40x384xf32, #tpu.memory_space<vmem>>, vector<1x16xf32>,
      %get3A_255 = arith.index_cast %add3A_144 : i32 to index
      %get3A_256 = arith.constant 128 : index
      %get3A_257 = tpu.vector_load %arg9[%get3A_255, %get3A_256] {strides = array<i32>} : memref<40x384xf32, #tpu.memory_space<vmem>>, vector<1x16xf32>,
      %get3A_258 = vector.shape_cast %get3A_257 : vector<1x16xf32> to vector<16xf32>
      %get3A_259 = arith.index_cast %add3A_144 : i32 to index
      %get3A_260 = arith.constant 128 : index
      %get3A_261 = tpu.vector_load %arg10[%get3A_259, %get3A_260] {strides = array<i32>} : memref<40x384xf32, #tpu.memory_space<vmem>>, vector<1x16xf32>,
      %get3A_262 = vector.shape_cast %get3A_261 : vector<1x16xf32> to vector<16xf32>
      %add3A_263 = arith.addf %get3A_258, %get3A_262 : vector<16xf32>
      %swap3A_264 = arith.index_cast %add3A_144 : i32 to index
      %swap3A_265 = arith.constant 128 : index
      %swap3A_266 = tpu.vector_load %arg13[%swap3A_264, %swap3A_265] {strides = array<i32>} : memref<40x384xf32, #tpu.memory_space<vmem>>, vector<1x16xf32>,
      %swap3A_267 = vector.shape_cast %swap3A_266 : vector<1x16xf32> to vector<16xf32>
      %swap3A_268 = vector.shape_cast %add3A_263 : vector<16xf32> to vector<1x16xf32>
      tpu.vector_store %arg13[%swap3A_264, %swap3A_265], %swap3A_268 {strides = array<i32>} : memref<40x384xf32, #tpu.memory_space<vmem>>, vector<1x16xf32>,
      %get3A_269 = arith.index_cast %add3A_144 : i32 to index
      %get3A_270 = arith.constant 144 : index
      %get3A_271 = tpu.vector_load %arg9[%get3A_269, %get3A_270] {strides = array<i32>} : memref<40x384xf32, #tpu.memory_space<vmem>>, vector<1x16xf32>,
      %get3A_272 = vector.shape_cast %get3A_271 : vector<1x16xf32> to vector<16xf32>
      %get3A_273 = arith.index_cast %add3A_144 : i32 to index
      %get3A_274 = arith.constant 144 : index
      %get3A_275 = tpu.vector_load %arg10[%get3A_273, %get3A_274] {strides = array<i32>} : memref<40x384xf32, #tpu.memory_space<vmem>>, vector<1x16xf32>,
      %get3A_276 = vector.shape_cast %get3A_275 : vector<1x16xf32> to vector<16xf32>
      %add3A_277 = arith.addf %get3A_272, %get3A_276 : vector<16xf32>
      %swap3A_278 = arith.index_cast %add3A_144 : i32 to index
      %swap3A_279 = arith.constant 144 : index
      %swap3A_280 = tpu.vector_load %arg13[%swap3A_278, %swap3A_279] {strides = array<i32>} : memref<40x384xf32, #tpu.memory_space<vmem>>, vector<1x16xf32>,
      %swap3A_281 = vector.shape_cast %swap3A_280 : vector<1x16xf32> to vector<16xf32>
      %swap3A_282 = vector.shape_cast %add3A_277 : vector<16xf32> to vector<1x16xf32>
      tpu.vector_store %arg13[%swap3A_278, %swap3A_279], %swap3A_282 {strides = array<i32>} : memref<40x384xf32, #tpu.memory_space<vmem>>, vector<1x16xf32>,
      %get3A_283 = arith.index_cast %add3A_144 : i32 to index
      %get3A_284 = arith.constant 160 : index
      %get3A_285 = tpu.vector_load %arg9[%get3A_283, %get3A_284] {strides = array<i32>} : memref<40x384xf32, #tpu.memory_space<vmem>>, vector<1x16xf32>,
      %get3A_286 = vector.shape_cast %get3A_285 : vector<1x16xf32> to vector<16xf32>
      %get3A_287 = arith.index_cast %add3A_144 : i32 to index
      %get3A_288 = arith.constant 160 : index
      %get3A_289 = tpu.vector_load %arg10[%get3A_287, %get3A_288] {strides = array<i32>} : memref<40x384xf32, #tpu.memory_space<vmem>>, vector<1x16xf32>,
      %get3A_290 = vector.shape_cast %get3A_289 : vector<1x16xf32> to vector<16xf32>
      %add3A_291 = arith.addf %get3A_286, %get3A_290 : vector<16xf32>
      %swap3A_292 = arith.index_cast %add3A_144 : i32 to index
      %swap3A_293 = arith.constant 160 : index
      %swap3A_294 = tpu.vector_load %arg13[%swap3A_292, %swap3A_293] {strides = array<i32>} : memref<40x384xf32, #tpu.memory_space<vmem>>, vector<1x16xf32>,
      %swap3A_295 = vector.shape_cast %swap3A_294 : vector<1x16xf32> to vector<16xf32>
      %swap3A_296 = vector.shape_cast %add3A_291 : vector<16xf32> to vector<1x16xf32>
      tpu.vector_store %arg13[%swap3A_292, %swap3A_293], %swap3A_296 {strides = array<i32>} : memref<40x384xf32, #tpu.memory_space<vmem>>, vector<1x16xf32>,
      %get3A_297 = arith.index_cast %add3A_144 : i32 to index
      %get3A_298 = arith.constant 176 : index
      %get3A_299 = tpu.vector_load %arg9[%get3A_297, %get3A_298] {strides = array<i32>} : memref<40x384xf32, #tpu.memory_space<vmem>>, vector<1x16xf32>,
      %get3A_300 = vector.shape_cast %get3A_299 : vector<1x16xf32> to vector<16xf32>
      %get3A_301 = arith.index_cast %add3A_144 : i32 to index
      %get3A_302 = arith.constant 176 : index
      %get3A_303 = tpu.vector_load %arg10[%get3A_301, %get3A_302] {strides = array<i32>} : memref<40x384xf32, #tpu.memory_space<vmem>>, vector<1x16xf32>,
      %get3A_304 = vector.shape_cast %get3A_303 : vector<1x16xf32> to vector<16xf32>
      %add3A_305 = arith.addf %get3A_300, %get3A_304 : vector<16xf32>
      %swap3A_306 = arith.index_cast %add3A_144 : i32 to index
      %swap3A_307 = arith.constant 176 : index
      %swap3A_308 = tpu.vector_load %arg13[%swap3A_306, %swap3A_307] {strides = array<i32>} : memref<40x384xf32, #tpu.memory_space<vmem>>, vector<1x16xf32>,
      %swap3A_309 = vector.shape_cast %swap3A_308 : vector<1x16xf32> to vector<16xf32>
      %swap3A_310 = vector.shape_cast %add3A_305 : vector<16xf32> to vector<1x16xf32>
      tpu.vector_store %arg13[%swap3A_306, %swap3A_307], %swap3A_310 {strides = array<i32>} : memref<40x384xf32, #tpu.memory_space<vmem>>, vector<1x16xf32>,
      %get3A_311 = arith.index_cast %add3A_144 : i32 to index
      %get3A_312 = arith.constant 192 : index
      %get3A_313 = tpu.vector_load %arg9[%get3A_311, %get3A_312] {strides = array<i32>} : memref<40x384xf32, #tpu.memory_space<vmem>>, vector<1x16xf32>,
      %get3A_314 = vector.shape_cast %get3A_313 : vector<1x16xf32> to vector<16xf32>
      %get3A_315 = arith.index_cast %add3A_144 : i32 to index
      %get3A_316 = arith.constant 192 : index
      %get3A_317 = tpu.vector_load %arg10[%get3A_315, %get3A_316] {strides = array<i32>} : memref<40x384xf32, #tpu.memory_space<vmem>>, vector<1x16xf32>,
      %get3A_318 = vector.shape_cast %get3A_317 : vector<1x16xf32> to vector<16xf32>
      %add3A_319 = arith.addf %get3A_314, %get3A_318 : vector<16xf32>
      %swap3A_320 = arith.index_cast %add3A_144 : i32 to index
      %swap3A_321 = arith.constant 192 : index
      %swap3A_322 = tpu.vector_load %arg13[%swap3A_320, %swap3A_321] {strides = array<i32>} : memref<40x384xf32, #tpu.memory_space<vmem>>, vector<1x16xf32>,
      %swap3A_323 = vector.shape_cast %swap3A_322 : vector<1x16xf32> to vector<16xf32>
      %swap3A_324 = vector.shape_cast %add3A_319 : vector<16xf32> to vector<1x16xf32>
      tpu.vector_store %arg13[%swap3A_320, %swap3A_321], %swap3A_324 {strides = array<i32>} : memref<40x384xf32, #tpu.memory_space<vmem>>, vector<1x16xf32>,
      %get3A_325 = arith.index_cast %add3A_144 : i32 to index
      %get3A_326 = arith.constant 208 : index
      %get3A_327 = tpu.vector_load %arg9[%get3A_325, %get3A_326] {strides = array<i32>} : memref<40x384xf32, #tpu.memory_space<vmem>>, vector<1x16xf32>,
      %get3A_328 = vector.shape_cast %get3A_327 : vector<1x16xf32> to vector<16xf32>
      %get3A_329 = arith.index_cast %add3A_144 : i32 to index
      %get3A_330 = arith.constant 208 : index
      %get3A_331 = tpu.vector_load %arg10[%get3A_329, %get3A_330] {strides = array<i32>} : memref<40x384xf32, #tpu.memory_space<vmem>>, vector<1x16xf32>,
      %get3A_332 = vector.shape_cast %get3A_331 : vector<1x16xf32> to vector<16xf32>
      %add3A_333 = arith.addf %get3A_328, %get3A_332 : vector<16xf32>
      %swap3A_334 = arith.index_cast %add3A_144 : i32 to index
      %swap3A_335 = arith.constant 208 : index
      %swap3A_336 = tpu.vector_load %arg13[%swap3A_334, %swap3A_335] {strides = array<i32>} : memref<40x384xf32, #tpu.memory_space<vmem>>, vector<1x16xf32>,
      %swap3A_337 = vector.shape_cast %swap3A_336 : vector<1x16xf32> to vector<16xf32>
      %swap3A_338 = vector.shape_cast %add3A_333 : vector<16xf32> to vector<1x16xf32>
      tpu.vector_store %arg13[%swap3A_334, %swap3A_335], %swap3A_338 {strides = array<i32>} : memref<40x384xf32, #tpu.memory_space<vmem>>, vector<1x16xf32>,
      %get3A_339 = arith.index_cast %add3A_144 : i32 to index
      %get3A_340 = arith.constant 224 : index
      %get3A_341 = tpu.vector_load %arg9[%get3A_339, %get3A_340] {strides = array<i32>} : memref<40x384xf32, #tpu.memory_space<vmem>>, vector<1x16xf32>,
      %get3A_342 = vector.shape_cast %get3A_341 : vector<1x16xf32> to vector<16xf32>
      %get3A_343 = arith.index_cast %add3A_144 : i32 to index
      %get3A_344 = arith.constant 224 : index
      %get3A_345 = tpu.vector_load %arg10[%get3A_343, %get3A_344] {strides = array<i32>} : memref<40x384xf32, #tpu.memory_space<vmem>>, vector<1x16xf32>,
      %get3A_346 = vector.shape_cast %get3A_345 : vector<1x16xf32> to vector<16xf32>
      %add3A_347 = arith.addf %get3A_342, %get3A_346 : vector<16xf32>
      %swap3A_348 = arith.index_cast %add3A_144 : i32 to index
      %swap3A_349 = arith.constant 224 : index
      %swap3A_350 = tpu.vector_load %arg13[%swap3A_348, %swap3A_349] {strides = array<i32>} : memref<40x384xf32, #tpu.memory_space<vmem>>, vector<1x16xf32>,
      %swap3A_351 = vector.shape_cast %swap3A_350 : vector<1x16xf32> to vector<16xf32>
      %swap3A_352 = vector.shape_cast %add3A_347 : vector<16xf32> to vector<1x16xf32>
      tpu.vector_store %arg13[%swap3A_348, %swap3A_349], %swap3A_352 {strides = array<i32>} : memref<40x384xf32, #tpu.memory_space<vmem>>, vector<1x16xf32>,
      %get3A_353 = arith.index_cast %add3A_144 : i32 to index
      %get3A_354 = arith.constant 240 : index
      %get3A_355 = tpu.vector_load %arg9[%get3A_353, %get3A_354] {strides = array<i32>} : memref<40x384xf32, #tpu.memory_space<vmem>>, vector<1x16xf32>,
      %get3A_356 = vector.shape_cast %get3A_355 : vector<1x16xf32> to vector<16xf32>
      %get3A_357 = arith.index_cast %add3A_144 : i32 to index
      %get3A_358 = arith.constant 240 : index
      %get3A_359 = tpu.vector_load %arg10[%get3A_357, %get3A_358] {strides = array<i32>} : memref<40x384xf32, #tpu.memory_space<vmem>>, vector<1x16xf32>,
      %get3A_360 = vector.shape_cast %get3A_359 : vector<1x16xf32> to vector<16xf32>
      %add3A_361 = arith.addf %get3A_356, %get3A_360 : vector<16xf32>
      %swap3A_362 = arith.index_cast %add3A_144 : i32 to index
      %swap3A_363 = arith.constant 240 : index
      %swap3A_364 = tpu.vector_load %arg13[%swap3A_362, %swap3A_363] {strides = array<i32>} : memref<40x384xf32, #tpu.memory_space<vmem>>, vector<1x16xf32>,
      %swap3A_365 = vector.shape_cast %swap3A_364 : vector<1x16xf32> to vector<16xf32>
      %swap3A_366 = vector.shape_cast %add3A_361 : vector<16xf32> to vector<1x16xf32>
      tpu.vector_store %arg13[%swap3A_362, %swap3A_363], %swap3A_366 {strides = array<i32>} : memref<40x384xf32, #tpu.memory_space<vmem>>, vector<1x16xf32>,
      %get3A_367 = arith.index_cast %add3A_144 : i32 to index
      %get3A_368 = arith.constant 256 : index
      %get3A_369 = tpu.vector_load %arg9[%get3A_367, %get3A_368] {strides = array<i32>} : memref<40x384xf32, #tpu.memory_space<vmem>>, vector<1x16xf32>,
      %get3A_370 = vector.shape_cast %get3A_369 : vector<1x16xf32> to vector<16xf32>
      %get3A_371 = arith.index_cast %add3A_144 : i32 to index
      %get3A_372 = arith.constant 256 : index
      %get3A_373 = tpu.vector_load %arg10[%get3A_371, %get3A_372] {strides = array<i32>} : memref<40x384xf32, #tpu.memory_space<vmem>>, vector<1x16xf32>,
      %get3A_374 = vector.shape_cast %get3A_373 : vector<1x16xf32> to vector<16xf32>
      %sub3A = arith.subf %get3A_370, %get3A_374 : vector<16xf32>
      %swap3A_375 = arith.index_cast %add3A_144 : i32 to index
      %swap3A_376 = arith.constant 256 : index
      %swap3A_377 = tpu.vector_load %arg13[%swap3A_375, %swap3A_376] {strides = array<i32>} : memref<40x384xf32, #tpu.memory_space<vmem>>, vector<1x16xf32>,
      %swap3A_378 = vector.shape_cast %swap3A_377 : vector<1x16xf32> to vector<16xf32>
      %swap3A_379 = vector.shape_cast %sub3A : vector<16xf32> to vector<1x16xf32>
      tpu.vector_store %arg13[%swap3A_375, %swap3A_376], %swap3A_379 {strides = array<i32>} : memref<40x384xf32, #tpu.memory_space<vmem>>, vector<1x16xf32>,
      %get3A_380 = arith.index_cast %add3A_144 : i32 to index
      %get3A_381 = arith.constant 272 : index
      %get3A_382 = tpu.vector_load %arg9[%get3A_380, %get3A_381] {strides = array<i32>} : memref<40x384xf32, #tpu.memory_space<vmem>>, vector<1x16xf32>,
      %get3A_383 = vector.shape_cast %get3A_382 : vector<1x16xf32> to vector<16xf32>
      %get3A_384 = arith.index_cast %add3A_144 : i32 to index
      %get3A_385 = arith.constant 272 : index
      %get3A_386 = tpu.vector_load %arg10[%get3A_384, %get3A_385] {strides = array<i32>} : memref<40x384xf32, #tpu.memory_space<vmem>>, vector<1x16xf32>,
      %get3A_387 = vector.shape_cast %get3A_386 : vector<1x16xf32> to vector<16xf32>
      %sub3A_388 = arith.subf %get3A_383, %get3A_387 : vector<16xf32>
      %swap3A_389 = arith.index_cast %add3A_144 : i32 to index
      %swap3A_390 = arith.constant 272 : index
      %swap3A_391 = tpu.vector_load %arg13[%swap3A_389, %swap3A_390] {strides = array<i32>} : memref<40x384xf32, #tpu.memory_space<vmem>>, vector<1x16xf32>,
      %swap3A_392 = vector.shape_cast %swap3A_391 : vector<1x16xf32> to vector<16xf32>
      %swap3A_393 = vector.shape_cast %sub3A_388 : vector<16xf32> to vector<1x16xf32>
      tpu.vector_store %arg13[%swap3A_389, %swap3A_390], %swap3A_393 {strides = array<i32>} : memref<40x384xf32, #tpu.memory_space<vmem>>, vector<1x16xf32>,
      %get3A_394 = arith.index_cast %add3A_144 : i32 to index
      %get3A_395 = arith.constant 288 : index
      %get3A_396 = tpu.vector_load %arg9[%get3A_394, %get3A_395] {strides = array<i32>} : memref<40x384xf32, #tpu.memory_space<vmem>>, vector<1x16xf32>,
      %get3A_397 = vector.shape_cast %get3A_396 : vector<1x16xf32> to vector<16xf32>
      %get3A_398 = arith.index_cast %add3A_144 : i32 to index
      %get3A_399 = arith.constant 288 : index
      %get3A_400 = tpu.vector_load %arg10[%get3A_398, %get3A_399] {strides = array<i32>} : memref<40x384xf32, #tpu.memory_space<vmem>>, vector<1x16xf32>,
      %get3A_401 = vector.shape_cast %get3A_400 : vector<1x16xf32> to vector<16xf32>
      %sub3A_402 = arith.subf %get3A_397, %get3A_401 : vector<16xf32>
      %swap3A_403 = arith.index_cast %add3A_144 : i32 to index
      %swap3A_404 = arith.constant 288 : index
      %swap3A_405 = tpu.vector_load %arg13[%swap3A_403, %swap3A_404] {strides = array<i32>} : memref<40x384xf32, #tpu.memory_space<vmem>>, vector<1x16xf32>,
      %swap3A_406 = vector.shape_cast %swap3A_405 : vector<1x16xf32> to vector<16xf32>
      %swap3A_407 = vector.shape_cast %sub3A_402 : vector<16xf32> to vector<1x16xf32>
      tpu.vector_store %arg13[%swap3A_403, %swap3A_404], %swap3A_407 {strides = array<i32>} : memref<40x384xf32, #tpu.memory_space<vmem>>, vector<1x16xf32>,
      %get3A_408 = arith.index_cast %add3A_144 : i32 to index
      %get3A_409 = arith.constant 304 : index
      %get3A_410 = tpu.vector_load %arg9[%get3A_408, %get3A_409] {strides = array<i32>} : memref<40x384xf32, #tpu.memory_space<vmem>>, vector<1x16xf32>,
      %get3A_411 = vector.shape_cast %get3A_410 : vector<1x16xf32> to vector<16xf32>
      %get3A_412 = arith.index_cast %add3A_144 : i32 to index
      %get3A_413 = arith.constant 304 : index
      %get3A_414 = tpu.vector_load %arg10[%get3A_412, %get3A_413] {strides = array<i32>} : memref<40x384xf32, #tpu.memory_space<vmem>>, vector<1x16xf32>,
      %get3A_415 = vector.shape_cast %get3A_414 : vector<1x16xf32> to vector<16xf32>
      %sub3A_416 = arith.subf %get3A_411, %get3A_415 : vector<16xf32>
      %swap3A_417 = arith.index_cast %add3A_144 : i32 to index
      %swap3A_418 = arith.constant 304 : index
      %swap3A_419 = tpu.vector_load %arg13[%swap3A_417, %swap3A_418] {strides = array<i32>} : memref<40x384xf32, #tpu.memory_space<vmem>>, vector<1x16xf32>,
      %swap3A_420 = vector.shape_cast %swap3A_419 : vector<1x16xf32> to vector<16xf32>
      %swap3A_421 = vector.shape_cast %sub3A_416 : vector<16xf32> to vector<1x16xf32>
      tpu.vector_store %arg13[%swap3A_417, %swap3A_418], %swap3A_421 {strides = array<i32>} : memref<40x384xf32, #tpu.memory_space<vmem>>, vector<1x16xf32>,
      %get3A_422 = arith.index_cast %add3A_144 : i32 to index
      %get3A_423 = arith.constant 320 : index
      %get3A_424 = tpu.vector_load %arg9[%get3A_422, %get3A_423] {strides = array<i32>} : memref<40x384xf32, #tpu.memory_space<vmem>>, vector<1x16xf32>,
      %get3A_425 = vector.shape_cast %get3A_424 : vector<1x16xf32> to vector<16xf32>
      %get3A_426 = arith.index_cast %add3A_144 : i32 to index
      %get3A_427 = arith.constant 320 : index
      %get3A_428 = tpu.vector_load %arg10[%get3A_426, %get3A_427] {strides = array<i32>} : memref<40x384xf32, #tpu.memory_space<vmem>>, vector<1x16xf32>,
      %get3A_429 = vector.shape_cast %get3A_428 : vector<1x16xf32> to vector<16xf32>
      %sub3A_430 = arith.subf %get3A_425, %get3A_429 : vector<16xf32>
      %swap3A_431 = arith.index_cast %add3A_144 : i32 to index
      %swap3A_432 = arith.constant 320 : index
      %swap3A_433 = tpu.vector_load %arg13[%swap3A_431, %swap3A_432] {strides = array<i32>} : memref<40x384xf32, #tpu.memory_space<vmem>>, vector<1x16xf32>,
      %swap3A_434 = vector.shape_cast %swap3A_433 : vector<1x16xf32> to vector<16xf32>
      %swap3A_435 = vector.shape_cast %sub3A_430 : vector<16xf32> to vector<1x16xf32>
      tpu.vector_store %arg13[%swap3A_431, %swap3A_432], %swap3A_435 {strides = array<i32>} : memref<40x384xf32, #tpu.memory_space<vmem>>, vector<1x16xf32>,
      %get3A_436 = arith.index_cast %add3A_144 : i32 to index
      %get3A_437 = arith.constant 336 : index
      %get3A_438 = tpu.vector_load %arg9[%get3A_436, %get3A_437] {strides = array<i32>} : memref<40x384xf32, #tpu.memory_space<vmem>>, vector<1x16xf32>,
      %get3A_439 = vector.shape_cast %get3A_438 : vector<1x16xf32> to vector<16xf32>
      %get3A_440 = arith.index_cast %add3A_144 : i32 to index
      %get3A_441 = arith.constant 336 : index
      %get3A_442 = tpu.vector_load %arg10[%get3A_440, %get3A_441] {strides = array<i32>} : memref<40x384xf32, #tpu.memory_space<vmem>>, vector<1x16xf32>,
      %get3A_443 = vector.shape_cast %get3A_442 : vector<1x16xf32> to vector<16xf32>
      %sub3A_444 = arith.subf %get3A_439, %get3A_443 : vector<16xf32>
      %swap3A_445 = arith.index_cast %add3A_144 : i32 to index
      %swap3A_446 = arith.constant 336 : index
      %swap3A_447 = tpu.vector_load %arg13[%swap3A_445, %swap3A_446] {strides = array<i32>} : memref<40x384xf32, #tpu.memory_space<vmem>>, vector<1x16xf32>,
      %swap3A_448 = vector.shape_cast %swap3A_447 : vector<1x16xf32> to vector<16xf32>
      %swap3A_449 = vector.shape_cast %sub3A_444 : vector<16xf32> to vector<1x16xf32>
      tpu.vector_store %arg13[%swap3A_445, %swap3A_446], %swap3A_449 {strides = array<i32>} : memref<40x384xf32, #tpu.memory_space<vmem>>, vector<1x16xf32>,
      %get3A_450 = arith.index_cast %add3A_144 : i32 to index
      %get3A_451 = arith.constant 352 : index
      %get3A_452 = tpu.vector_load %arg9[%get3A_450, %get3A_451] {strides = array<i32>} : memref<40x384xf32, #tpu.memory_space<vmem>>, vector<1x16xf32>,
      %get3A_453 = vector.shape_cast %get3A_452 : vector<1x16xf32> to vector<16xf32>
      %get3A_454 = arith.index_cast %add3A_144 : i32 to index
      %get3A_455 = arith.constant 352 : index
      %get3A_456 = tpu.vector_load %arg10[%get3A_454, %get3A_455] {strides = array<i32>} : memref<40x384xf32, #tpu.memory_space<vmem>>, vector<1x16xf32>,
      %get3A_457 = vector.shape_cast %get3A_456 : vector<1x16xf32> to vector<16xf32>
      %sub3A_458 = arith.subf %get3A_453, %get3A_457 : vector<16xf32>
      %swap3A_459 = arith.index_cast %add3A_144 : i32 to index
      %swap3A_460 = arith.constant 352 : index
      %swap3A_461 = tpu.vector_load %arg13[%swap3A_459, %swap3A_460] {strides = array<i32>} : memref<40x384xf32, #tpu.memory_space<vmem>>, vector<1x16xf32>,
      %swap3A_462 = vector.shape_cast %swap3A_461 : vector<1x16xf32> to vector<16xf32>
      %swap3A_463 = vector.shape_cast %sub3A_458 : vector<16xf32> to vector<1x16xf32>
      tpu.vector_store %arg13[%swap3A_459, %swap3A_460], %swap3A_463 {strides = array<i32>} : memref<40x384xf32, #tpu.memory_space<vmem>>, vector<1x16xf32>,
      %get3A_464 = arith.index_cast %add3A_144 : i32 to index
      %get3A_465 = arith.constant 368 : index
      %get3A_466 = tpu.vector_load %arg9[%get3A_464, %get3A_465] {strides = array<i32>} : memref<40x384xf32, #tpu.memory_space<vmem>>, vector<1x16xf32>,
      %get3A_467 = vector.shape_cast %get3A_466 : vector<1x16xf32> to vector<16xf32>
      %get3A_468 = arith.index_cast %add3A_144 : i32 to index
      %get3A_469 = arith.constant 368 : index
      %get3A_470 = tpu.vector_load %arg10[%get3A_468, %get3A_469] {strides = array<i32>} : memref<40x384xf32, #tpu.memory_space<vmem>>, vector<1x16xf32>,
      %get3A_471 = vector.shape_cast %get3A_470 : vector<1x16xf32> to vector<16xf32>
      %sub3A_472 = arith.subf %get3A_467, %get3A_471 : vector<16xf32>
      %swap3A_473 = arith.index_cast %add3A_144 : i32 to index
      %swap3A_474 = arith.constant 368 : index
      %swap3A_475 = tpu.vector_load %arg13[%swap3A_473, %swap3A_474] {strides = array<i32>} : memref<40x384xf32, #tpu.memory_space<vmem>>, vector<1x16xf32>,
      %swap3A_476 = vector.shape_cast %swap3A_475 : vector<1x16xf32> to vector<16xf32>
      %swap3A_477 = vector.shape_cast %sub3A_472 : vector<16xf32> to vector<1x16xf32>
      tpu.vector_store %arg13[%swap3A_473, %swap3A_474], %swap3A_477 {strides = array<i32>} : memref<40x384xf32, #tpu.memory_space<vmem>>, vector<1x16xf32>,
    }
    %scan3A_46 = arith.constant 40 : i32
    %add3A_47 = arith.constant 0 : i32
    %add3A_48 = arith.addi %mul3A_2, %add3A_47 : i32
    %dma_start3A_49 = arith.constant 0 : i32
    %dma_start3A_50 = tpu.memref_slice %arg6[%add3A_48, %dma_start3A_49] : memref<160000x384xf32, #tpu.memory_space<hbm>> -> memref<40x384xf32, #tpu.memory_space<hbm>>
    %dma_start3A_51 = arith.constant 0 : i32
    %dma_start3A_52 = tpu.memref_slice %arg6[%add3A_48, %dma_start3A_51] : memref<160000x384xf32, #tpu.memory_space<hbm>> -> memref<40x384xf32, #tpu.memory_space<hbm>>
    tpu.enqueue_dma source(%arg13 : memref<40x384xf32, #tpu.memory_space<vmem>>) target(%dma_start3A_52 : memref<40x384xf32, #tpu.memory_space<hbm>>) target_semaphore(%arg17 : memref<!tpu.dma_semaphore, #tpu.memory_space<semaphore_mem>>)
    %dma_wait3A_53 = arith.constant 1 : i32
    %dma_wait3A_54 = arith.constant 0 : i32
    %dma_wait3A_55 = tpu.memref_slice %arg7[%dma_wait3A_53, %dma_wait3A_54] : memref<125x40xi32, #tpu.memory_space<vmem>> -> memref<1x40xi32, #tpu.memory_space<vmem>>
    %dma_wait3A_56 = tpu.memref_squeeze %dma_wait3A_55 : memref<1x40xi32, #tpu.memory_space<vmem>> -> memref<40xi32, #tpu.memory_space<vmem>>
    %dma_wait3A_57 = arith.constant 0 : i32
    %dma_wait3A_58 = arith.constant 0 : i32
    %dma_wait3A_59 = tpu.memref_slice %arg2[%dma_wait3A_57, %dma_wait3A_58] : memref<10000x384xf32, #tpu.memory_space<hbm>> -> memref<10000x384xf32, #tpu.memory_space<hbm>>
    tpu.wait_indirect_dma semaphore(%arg16 : memref<!tpu.dma_semaphore, #tpu.memory_space<semaphore_mem>>) src(%dma_wait3A_59 : memref<10000x384xf32, #tpu.memory_space<hbm>>) dst(%arg11 : memref<40x384xf32, #tpu.memory_space<vmem>>)
    %dma_wait3A_60 = arith.constant 1 : i32
    %dma_wait3A_61 = arith.constant 0 : i32
    %dma_wait3A_62 = tpu.memref_slice %arg8[%dma_wait3A_60, %dma_wait3A_61] : memref<125x40xi32, #tpu.memory_space<vmem>> -> memref<1x40xi32, #tpu.memory_space<vmem>>
    %dma_wait3A_63 = tpu.memref_squeeze %dma_wait3A_62 : memref<1x40xi32, #tpu.memory_space<vmem>> -> memref<40xi32, #tpu.memory_space<vmem>>
    %dma_wait3A_64 = arith.constant 0 : i32
    %dma_wait3A_65 = arith.constant 0 : i32
    %dma_wait3A_66 = tpu.memref_slice %arg3[%dma_wait3A_64, %dma_wait3A_65] : memref<10000x384xf32, #tpu.memory_space<hbm>> -> memref<10000x384xf32, #tpu.memory_space<hbm>>
    tpu.wait_indirect_dma semaphore(%arg16 : memref<!tpu.dma_semaphore, #tpu.memory_space<semaphore_mem>>) src(%dma_wait3A_66 : memref<10000x384xf32, #tpu.memory_space<hbm>>) dst(%arg12 : memref<40x384xf32, #tpu.memory_space<vmem>>)
    %dma_start3A_67 = arith.constant 2 : i32
    %dma_start3A_68 = arith.constant 0 : i32
    %dma_start3A_69 = tpu.memref_slice %arg7[%dma_start3A_67, %dma_start3A_68] : memref<125x40xi32, #tpu.memory_space<vmem>> -> memref<1x40xi32, #tpu.memory_space<vmem>>
    %dma_start3A_70 = tpu.memref_squeeze %dma_start3A_69 : memref<1x40xi32, #tpu.memory_space<vmem>> -> memref<40xi32, #tpu.memory_space<vmem>>
    %dma_start3A_71 = arith.constant 0 : i32
    %dma_start3A_72 = arith.constant 0 : i32
    %dma_start3A_73 = tpu.memref_slice %arg2[%dma_start3A_71, %dma_start3A_72] : memref<10000x384xf32, #tpu.memory_space<hbm>> -> memref<10000x384xf32, #tpu.memory_space<hbm>>
    tpu.enqueue_indirect_dma source(%dma_start3A_73 : memref<10000x384xf32, #tpu.memory_space<hbm>>) target(%arg9 : memref<40x384xf32, #tpu.memory_space<vmem>>) offsets(%dma_start3A_70 : memref<40xi32, #tpu.memory_space<vmem>>) semaphore(%arg15 : memref<!tpu.dma_semaphore, #tpu.memory_space<semaphore_mem>>)
    %dma_start3A_74 = arith.constant 2 : i32
    %dma_start3A_75 = arith.constant 0 : i32
    %dma_start3A_76 = tpu.memref_slice %arg8[%dma_start3A_74, %dma_start3A_75] : memref<125x40xi32, #tpu.memory_space<vmem>> -> memref<1x40xi32, #tpu.memory_space<vmem>>
    %dma_start3A_77 = tpu.memref_squeeze %dma_start3A_76 : memref<1x40xi32, #tpu.memory_space<vmem>> -> memref<40xi32, #tpu.memory_space<vmem>>
    %dma_start3A_78 = arith.constant 0 : i32
    %dma_start3A_79 = arith.constant 0 : i32
    %dma_start3A_80 = tpu.memref_slice %arg3[%dma_start3A_78, %dma_start3A_79] : memref<10000x384xf32, #tpu.memory_space<hbm>> -> memref<10000x384xf32, #tpu.memory_space<hbm>>
    tpu.enqueue_indirect_dma source(%dma_start3A_80 : memref<10000x384xf32, #tpu.memory_space<hbm>>) target(%arg10 : memref<40x384xf32, #tpu.memory_space<vmem>>) offsets(%dma_start3A_77 : memref<40xi32, #tpu.memory_space<vmem>>) semaphore(%arg15 : memref<!tpu.dma_semaphore, #tpu.memory_space<semaphore_mem>>)
    %scan3A_81 = arith.constant 0 : i32
    %scan3A_82 = arith.constant 40 : i32
    %scan3A_83 = arith.addi %scan3A_81, %scan3A_82 : i32
    %scan3A_84 = arith.constant 1 : i32
    scf.for %scan3A_140 = %scan3A_81 to %scan3A_83 step %scan3A_84  : i32 {
      %mul3A_141 = arith.constant 1 : i32
      %mul3A_142 = arith.muli %scan3A_140, %mul3A_141 : i32
      %add3A_143 = arith.constant 0 : i32
      %add3A_144 = arith.addi %add3A_143, %mul3A_142 : i32
      %get3A = arith.index_cast %add3A_144 : i32 to index
      %get3A_145 = arith.constant 0 : index
      %get3A_146 = tpu.vector_load %arg11[%get3A, %get3A_145] {strides = array<i32>} : memref<40x384xf32, #tpu.memory_space<vmem>>, vector<1x16xf32>,
      %get3A_147 = vector.shape_cast %get3A_146 : vector<1x16xf32> to vector<16xf32>
      %get3A_148 = arith.index_cast %add3A_144 : i32 to index
      %get3A_149 = arith.constant 0 : index
      %get3A_150 = tpu.vector_load %arg12[%get3A_148, %get3A_149] {strides = array<i32>} : memref<40x384xf32, #tpu.memory_space<vmem>>, vector<1x16xf32>,
      %get3A_151 = vector.shape_cast %get3A_150 : vector<1x16xf32> to vector<16xf32>
      %add3A_152 = arith.addf %get3A_147, %get3A_151 : vector<16xf32>
      %swap3A = arith.index_cast %add3A_144 : i32 to index
      %swap3A_153 = arith.constant 0 : index
      %swap3A_154 = tpu.vector_load %arg14[%swap3A, %swap3A_153] {strides = array<i32>} : memref<40x384xf32, #tpu.memory_space<vmem>>, vector<1x16xf32>,
      %swap3A_155 = vector.shape_cast %swap3A_154 : vector<1x16xf32> to vector<16xf32>
      %swap3A_156 = vector.shape_cast %add3A_152 : vector<16xf32> to vector<1x16xf32>
      tpu.vector_store %arg14[%swap3A, %swap3A_153], %swap3A_156 {strides = array<i32>} : memref<40x384xf32, #tpu.memory_space<vmem>>, vector<1x16xf32>,
      %get3A_157 = arith.index_cast %add3A_144 : i32 to index
      %get3A_158 = arith.constant 16 : index
      %get3A_159 = tpu.vector_load %arg11[%get3A_157, %get3A_158] {strides = array<i32>} : memref<40x384xf32, #tpu.memory_space<vmem>>, vector<1x16xf32>,
      %get3A_160 = vector.shape_cast %get3A_159 : vector<1x16xf32> to vector<16xf32>
      %get3A_161 = arith.index_cast %add3A_144 : i32 to index
      %get3A_162 = arith.constant 16 : index
      %get3A_163 = tpu.vector_load %arg12[%get3A_161, %get3A_162] {strides = array<i32>} : memref<40x384xf32, #tpu.memory_space<vmem>>, vector<1x16xf32>,
      %get3A_164 = vector.shape_cast %get3A_163 : vector<1x16xf32> to vector<16xf32>
      %add3A_165 = arith.addf %get3A_160, %get3A_164 : vector<16xf32>
      %swap3A_166 = arith.index_cast %add3A_144 : i32 to index
      %swap3A_167 = arith.constant 16 : index
      %swap3A_168 = tpu.vector_load %arg14[%swap3A_166, %swap3A_167] {strides = array<i32>} : memref<40x384xf32, #tpu.memory_space<vmem>>, vector<1x16xf32>,
      %swap3A_169 = vector.shape_cast %swap3A_168 : vector<1x16xf32> to vector<16xf32>
      %swap3A_170 = vector.shape_cast %add3A_165 : vector<16xf32> to vector<1x16xf32>
      tpu.vector_store %arg14[%swap3A_166, %swap3A_167], %swap3A_170 {strides = array<i32>} : memref<40x384xf32, #tpu.memory_space<vmem>>, vector<1x16xf32>,
      %get3A_171 = arith.index_cast %add3A_144 : i32 to index
      %get3A_172 = arith.constant 32 : index
      %get3A_173 = tpu.vector_load %arg11[%get3A_171, %get3A_172] {strides = array<i32>} : memref<40x384xf32, #tpu.memory_space<vmem>>, vector<1x16xf32>,
      %get3A_174 = vector.shape_cast %get3A_173 : vector<1x16xf32> to vector<16xf32>
      %get3A_175 = arith.index_cast %add3A_144 : i32 to index
      %get3A_176 = arith.constant 32 : index
      %get3A_177 = tpu.vector_load %arg12[%get3A_175, %get3A_176] {strides = array<i32>} : memref<40x384xf32, #tpu.memory_space<vmem>>, vector<1x16xf32>,
      %get3A_178 = vector.shape_cast %get3A_177 : vector<1x16xf32> to vector<16xf32>
      %add3A_179 = arith.addf %get3A_174, %get3A_178 : vector<16xf32>
      %swap3A_180 = arith.index_cast %add3A_144 : i32 to index
      %swap3A_181 = arith.constant 32 : index
      %swap3A_182 = tpu.vector_load %arg14[%swap3A_180, %swap3A_181] {strides = array<i32>} : memref<40x384xf32, #tpu.memory_space<vmem>>, vector<1x16xf32>,
      %swap3A_183 = vector.shape_cast %swap3A_182 : vector<1x16xf32> to vector<16xf32>
      %swap3A_184 = vector.shape_cast %add3A_179 : vector<16xf32> to vector<1x16xf32>
      tpu.vector_store %arg14[%swap3A_180, %swap3A_181], %swap3A_184 {strides = array<i32>} : memref<40x384xf32, #tpu.memory_space<vmem>>, vector<1x16xf32>,
      %get3A_185 = arith.index_cast %add3A_144 : i32 to index
      %get3A_186 = arith.constant 48 : index
      %get3A_187 = tpu.vector_load %arg11[%get3A_185, %get3A_186] {strides = array<i32>} : memref<40x384xf32, #tpu.memory_space<vmem>>, vector<1x16xf32>,
      %get3A_188 = vector.shape_cast %get3A_187 : vector<1x16xf32> to vector<16xf32>
      %get3A_189 = arith.index_cast %add3A_144 : i32 to index
      %get3A_190 = arith.constant 48 : index
      %get3A_191 = tpu.vector_load %arg12[%get3A_189, %get3A_190] {strides = array<i32>} : memref<40x384xf32, #tpu.memory_space<vmem>>, vector<1x16xf32>,
      %get3A_192 = vector.shape_cast %get3A_191 : vector<1x16xf32> to vector<16xf32>
      %add3A_193 = arith.addf %get3A_188, %get3A_192 : vector<16xf32>
      %swap3A_194 = arith.index_cast %add3A_144 : i32 to index
      %swap3A_195 = arith.constant 48 : index
      %swap3A_196 = tpu.vector_load %arg14[%swap3A_194, %swap3A_195] {strides = array<i32>} : memref<40x384xf32, #tpu.memory_space<vmem>>, vector<1x16xf32>,
      %swap3A_197 = vector.shape_cast %swap3A_196 : vector<1x16xf32> to vector<16xf32>
      %swap3A_198 = vector.shape_cast %add3A_193 : vector<16xf32> to vector<1x16xf32>
      tpu.vector_store %arg14[%swap3A_194, %swap3A_195], %swap3A_198 {strides = array<i32>} : memref<40x384xf32, #tpu.memory_space<vmem>>, vector<1x16xf32>,
      %get3A_199 = arith.index_cast %add3A_144 : i32 to index
      %get3A_200 = arith.constant 64 : index
      %get3A_201 = tpu.vector_load %arg11[%get3A_199, %get3A_200] {strides = array<i32>} : memref<40x384xf32, #tpu.memory_space<vmem>>, vector<1x16xf32>,
      %get3A_202 = vector.shape_cast %get3A_201 : vector<1x16xf32> to vector<16xf32>
      %get3A_203 = arith.index_cast %add3A_144 : i32 to index
      %get3A_204 = arith.constant 64 : index
      %get3A_205 = tpu.vector_load %arg12[%get3A_203, %get3A_204] {strides = array<i32>} : memref<40x384xf32, #tpu.memory_space<vmem>>, vector<1x16xf32>,
      %get3A_206 = vector.shape_cast %get3A_205 : vector<1x16xf32> to vector<16xf32>
      %add3A_207 = arith.addf %get3A_202, %get3A_206 : vector<16xf32>
      %swap3A_208 = arith.index_cast %add3A_144 : i32 to index
      %swap3A_209 = arith.constant 64 : index
      %swap3A_210 = tpu.vector_load %arg14[%swap3A_208, %swap3A_209] {strides = array<i32>} : memref<40x384xf32, #tpu.memory_space<vmem>>, vector<1x16xf32>,
      %swap3A_211 = vector.shape_cast %swap3A_210 : vector<1x16xf32> to vector<16xf32>
      %swap3A_212 = vector.shape_cast %add3A_207 : vector<16xf32> to vector<1x16xf32>
      tpu.vector_store %arg14[%swap3A_208, %swap3A_209], %swap3A_212 {strides = array<i32>} : memref<40x384xf32, #tpu.memory_space<vmem>>, vector<1x16xf32>,
      %get3A_213 = arith.index_cast %add3A_144 : i32 to index
      %get3A_214 = arith.constant 80 : index
      %get3A_215 = tpu.vector_load %arg11[%get3A_213, %get3A_214] {strides = array<i32>} : memref<40x384xf32, #tpu.memory_space<vmem>>, vector<1x16xf32>,
      %get3A_216 = vector.shape_cast %get3A_215 : vector<1x16xf32> to vector<16xf32>
      %get3A_217 = arith.index_cast %add3A_144 : i32 to index
      %get3A_218 = arith.constant 80 : index
      %get3A_219 = tpu.vector_load %arg12[%get3A_217, %get3A_218] {strides = array<i32>} : memref<40x384xf32, #tpu.memory_space<vmem>>, vector<1x16xf32>,
      %get3A_220 = vector.shape_cast %get3A_219 : vector<1x16xf32> to vector<16xf32>
      %add3A_221 = arith.addf %get3A_216, %get3A_220 : vector<16xf32>
      %swap3A_222 = arith.index_cast %add3A_144 : i32 to index
      %swap3A_223 = arith.constant 80 : index
      %swap3A_224 = tpu.vector_load %arg14[%swap3A_222, %swap3A_223] {strides = array<i32>} : memref<40x384xf32, #tpu.memory_space<vmem>>, vector<1x16xf32>,
      %swap3A_225 = vector.shape_cast %swap3A_224 : vector<1x16xf32> to vector<16xf32>
      %swap3A_226 = vector.shape_cast %add3A_221 : vector<16xf32> to vector<1x16xf32>
      tpu.vector_store %arg14[%swap3A_222, %swap3A_223], %swap3A_226 {strides = array<i32>} : memref<40x384xf32, #tpu.memory_space<vmem>>, vector<1x16xf32>,
      %get3A_227 = arith.index_cast %add3A_144 : i32 to index
      %get3A_228 = arith.constant 96 : index
      %get3A_229 = tpu.vector_load %arg11[%get3A_227, %get3A_228] {strides = array<i32>} : memref<40x384xf32, #tpu.memory_space<vmem>>, vector<1x16xf32>,
      %get3A_230 = vector.shape_cast %get3A_229 : vector<1x16xf32> to vector<16xf32>
      %get3A_231 = arith.index_cast %add3A_144 : i32 to index
      %get3A_232 = arith.constant 96 : index
      %get3A_233 = tpu.vector_load %arg12[%get3A_231, %get3A_232] {strides = array<i32>} : memref<40x384xf32, #tpu.memory_space<vmem>>, vector<1x16xf32>,
      %get3A_234 = vector.shape_cast %get3A_233 : vector<1x16xf32> to vector<16xf32>
      %add3A_235 = arith.addf %get3A_230, %get3A_234 : vector<16xf32>
      %swap3A_236 = arith.index_cast %add3A_144 : i32 to index
      %swap3A_237 = arith.constant 96 : index
      %swap3A_238 = tpu.vector_load %arg14[%swap3A_236, %swap3A_237] {strides = array<i32>} : memref<40x384xf32, #tpu.memory_space<vmem>>, vector<1x16xf32>,
      %swap3A_239 = vector.shape_cast %swap3A_238 : vector<1x16xf32> to vector<16xf32>
      %swap3A_240 = vector.shape_cast %add3A_235 : vector<16xf32> to vector<1x16xf32>
      tpu.vector_store %arg14[%swap3A_236, %swap3A_237], %swap3A_240 {strides = array<i32>} : memref<40x384xf32, #tpu.memory_space<vmem>>, vector<1x16xf32>,
      %get3A_241 = arith.index_cast %add3A_144 : i32 to index
      %get3A_242 = arith.constant 112 : index
      %get3A_243 = tpu.vector_load %arg11[%get3A_241, %get3A_242] {strides = array<i32>} : memref<40x384xf32, #tpu.memory_space<vmem>>, vector<1x16xf32>,
      %get3A_244 = vector.shape_cast %get3A_243 : vector<1x16xf32> to vector<16xf32>
      %get3A_245 = arith.index_cast %add3A_144 : i32 to index
      %get3A_246 = arith.constant 112 : index
      %get3A_247 = tpu.vector_load %arg12[%get3A_245, %get3A_246] {strides = array<i32>} : memref<40x384xf32, #tpu.memory_space<vmem>>, vector<1x16xf32>,
      %get3A_248 = vector.shape_cast %get3A_247 : vector<1x16xf32> to vector<16xf32>
      %add3A_249 = arith.addf %get3A_244, %get3A_248 : vector<16xf32>
      %swap3A_250 = arith.index_cast %add3A_144 : i32 to index
      %swap3A_251 = arith.constant 112 : index
      %swap3A_252 = tpu.vector_load %arg14[%swap3A_250, %swap3A_251] {strides = array<i32>} : memref<40x384xf32, #tpu.memory_space<vmem>>, vector<1x16xf32>,
      %swap3A_253 = vector.shape_cast %swap3A_252 : vector<1x16xf32> to vector<16xf32>
      %swap3A_254 = vector.shape_cast %add3A_249 : vector<16xf32> to vector<1x16xf32>
      tpu.vector_store %arg14[%swap3A_250, %swap3A_251], %swap3A_254 {strides = array<i32>} : memref<40x384xf32, #tpu.memory_space<vmem>>, vector<1x16xf32>,
      %get3A_255 = arith.index_cast %add3A_144 : i32 to index
      %get3A_256 = arith.constant 128 : index
      %get3A_257 = tpu.vector_load %arg11[%get3A_255, %get3A_256] {strides = array<i32>} : memref<40x384xf32, #tpu.memory_space<vmem>>, vector<1x16xf32>,
      %get3A_258 = vector.shape_cast %get3A_257 : vector<1x16xf32> to vector<16xf32>
      %get3A_259 = arith.index_cast %add3A_144 : i32 to index
      %get3A_260 = arith.constant 128 : index
      %get3A_261 = tpu.vector_load %arg12[%get3A_259, %get3A_260] {strides = array<i32>} : memref<40x384xf32, #tpu.memory_space<vmem>>, vector<1x16xf32>,
      %get3A_262 = vector.shape_cast %get3A_261 : vector<1x16xf32> to vector<16xf32>
      %add3A_263 = arith.addf %get3A_258, %get3A_262 : vector<16xf32>
      %swap3A_264 = arith.index_cast %add3A_144 : i32 to index
      %swap3A_265 = arith.constant 128 : index
      %swap3A_266 = tpu.vector_load %arg14[%swap3A_264, %swap3A_265] {strides = array<i32>} : memref<40x384xf32, #tpu.memory_space<vmem>>, vector<1x16xf32>,
      %swap3A_267 = vector.shape_cast %swap3A_266 : vector<1x16xf32> to vector<16xf32>
      %swap3A_268 = vector.shape_cast %add3A_263 : vector<16xf32> to vector<1x16xf32>
      tpu.vector_store %arg14[%swap3A_264, %swap3A_265], %swap3A_268 {strides = array<i32>} : memref<40x384xf32, #tpu.memory_space<vmem>>, vector<1x16xf32>,
      %get3A_269 = arith.index_cast %add3A_144 : i32 to index
      %get3A_270 = arith.constant 144 : index
      %get3A_271 = tpu.vector_load %arg11[%get3A_269, %get3A_270] {strides = array<i32>} : memref<40x384xf32, #tpu.memory_space<vmem>>, vector<1x16xf32>,
      %get3A_272 = vector.shape_cast %get3A_271 : vector<1x16xf32> to vector<16xf32>
      %get3A_273 = arith.index_cast %add3A_144 : i32 to index
      %get3A_274 = arith.constant 144 : index
      %get3A_275 = tpu.vector_load %arg12[%get3A_273, %get3A_274] {strides = array<i32>} : memref<40x384xf32, #tpu.memory_space<vmem>>, vector<1x16xf32>,
      %get3A_276 = vector.shape_cast %get3A_275 : vector<1x16xf32> to vector<16xf32>
      %add3A_277 = arith.addf %get3A_272, %get3A_276 : vector<16xf32>
      %swap3A_278 = arith.index_cast %add3A_144 : i32 to index
      %swap3A_279 = arith.constant 144 : index
      %swap3A_280 = tpu.vector_load %arg14[%swap3A_278, %swap3A_279] {strides = array<i32>} : memref<40x384xf32, #tpu.memory_space<vmem>>, vector<1x16xf32>,
      %swap3A_281 = vector.shape_cast %swap3A_280 : vector<1x16xf32> to vector<16xf32>
      %swap3A_282 = vector.shape_cast %add3A_277 : vector<16xf32> to vector<1x16xf32>
      tpu.vector_store %arg14[%swap3A_278, %swap3A_279], %swap3A_282 {strides = array<i32>} : memref<40x384xf32, #tpu.memory_space<vmem>>, vector<1x16xf32>,
      %get3A_283 = arith.index_cast %add3A_144 : i32 to index
      %get3A_284 = arith.constant 160 : index
      %get3A_285 = tpu.vector_load %arg11[%get3A_283, %get3A_284] {strides = array<i32>} : memref<40x384xf32, #tpu.memory_space<vmem>>, vector<1x16xf32>,
      %get3A_286 = vector.shape_cast %get3A_285 : vector<1x16xf32> to vector<16xf32>
      %get3A_287 = arith.index_cast %add3A_144 : i32 to index
      %get3A_288 = arith.constant 160 : index
      %get3A_289 = tpu.vector_load %arg12[%get3A_287, %get3A_288] {strides = array<i32>} : memref<40x384xf32, #tpu.memory_space<vmem>>, vector<1x16xf32>,
      %get3A_290 = vector.shape_cast %get3A_289 : vector<1x16xf32> to vector<16xf32>
      %add3A_291 = arith.addf %get3A_286, %get3A_290 : vector<16xf32>
      %swap3A_292 = arith.index_cast %add3A_144 : i32 to index
      %swap3A_293 = arith.constant 160 : index
      %swap3A_294 = tpu.vector_load %arg14[%swap3A_292, %swap3A_293] {strides = array<i32>} : memref<40x384xf32, #tpu.memory_space<vmem>>, vector<1x16xf32>,
      %swap3A_295 = vector.shape_cast %swap3A_294 : vector<1x16xf32> to vector<16xf32>
      %swap3A_296 = vector.shape_cast %add3A_291 : vector<16xf32> to vector<1x16xf32>
      tpu.vector_store %arg14[%swap3A_292, %swap3A_293], %swap3A_296 {strides = array<i32>} : memref<40x384xf32, #tpu.memory_space<vmem>>, vector<1x16xf32>,
      %get3A_297 = arith.index_cast %add3A_144 : i32 to index
      %get3A_298 = arith.constant 176 : index
      %get3A_299 = tpu.vector_load %arg11[%get3A_297, %get3A_298] {strides = array<i32>} : memref<40x384xf32, #tpu.memory_space<vmem>>, vector<1x16xf32>,
      %get3A_300 = vector.shape_cast %get3A_299 : vector<1x16xf32> to vector<16xf32>
      %get3A_301 = arith.index_cast %add3A_144 : i32 to index
      %get3A_302 = arith.constant 176 : index
      %get3A_303 = tpu.vector_load %arg12[%get3A_301, %get3A_302] {strides = array<i32>} : memref<40x384xf32, #tpu.memory_space<vmem>>, vector<1x16xf32>,
      %get3A_304 = vector.shape_cast %get3A_303 : vector<1x16xf32> to vector<16xf32>
      %add3A_305 = arith.addf %get3A_300, %get3A_304 : vector<16xf32>
      %swap3A_306 = arith.index_cast %add3A_144 : i32 to index
      %swap3A_307 = arith.constant 176 : index
      %swap3A_308 = tpu.vector_load %arg14[%swap3A_306, %swap3A_307] {strides = array<i32>} : memref<40x384xf32, #tpu.memory_space<vmem>>, vector<1x16xf32>,
      %swap3A_309 = vector.shape_cast %swap3A_308 : vector<1x16xf32> to vector<16xf32>
      %swap3A_310 = vector.shape_cast %add3A_305 : vector<16xf32> to vector<1x16xf32>
      tpu.vector_store %arg14[%swap3A_306, %swap3A_307], %swap3A_310 {strides = array<i32>} : memref<40x384xf32, #tpu.memory_space<vmem>>, vector<1x16xf32>,
      %get3A_311 = arith.index_cast %add3A_144 : i32 to index
      %get3A_312 = arith.constant 192 : index
      %get3A_313 = tpu.vector_load %arg11[%get3A_311, %get3A_312] {strides = array<i32>} : memref<40x384xf32, #tpu.memory_space<vmem>>, vector<1x16xf32>,
      %get3A_314 = vector.shape_cast %get3A_313 : vector<1x16xf32> to vector<16xf32>
      %get3A_315 = arith.index_cast %add3A_144 : i32 to index
      %get3A_316 = arith.constant 192 : index
      %get3A_317 = tpu.vector_load %arg12[%get3A_315, %get3A_316] {strides = array<i32>} : memref<40x384xf32, #tpu.memory_space<vmem>>, vector<1x16xf32>,
      %get3A_318 = vector.shape_cast %get3A_317 : vector<1x16xf32> to vector<16xf32>
      %add3A_319 = arith.addf %get3A_314, %get3A_318 : vector<16xf32>
      %swap3A_320 = arith.index_cast %add3A_144 : i32 to index
      %swap3A_321 = arith.constant 192 : index
      %swap3A_322 = tpu.vector_load %arg14[%swap3A_320, %swap3A_321] {strides = array<i32>} : memref<40x384xf32, #tpu.memory_space<vmem>>, vector<1x16xf32>,
      %swap3A_323 = vector.shape_cast %swap3A_322 : vector<1x16xf32> to vector<16xf32>
      %swap3A_324 = vector.shape_cast %add3A_319 : vector<16xf32> to vector<1x16xf32>
      tpu.vector_store %arg14[%swap3A_320, %swap3A_321], %swap3A_324 {strides = array<i32>} : memref<40x384xf32, #tpu.memory_space<vmem>>, vector<1x16xf32>,
      %get3A_325 = arith.index_cast %add3A_144 : i32 to index
      %get3A_326 = arith.constant 208 : index
      %get3A_327 = tpu.vector_load %arg11[%get3A_325, %get3A_326] {strides = array<i32>} : memref<40x384xf32, #tpu.memory_space<vmem>>, vector<1x16xf32>,
      %get3A_328 = vector.shape_cast %get3A_327 : vector<1x16xf32> to vector<16xf32>
      %get3A_329 = arith.index_cast %add3A_144 : i32 to index
      %get3A_330 = arith.constant 208 : index
      %get3A_331 = tpu.vector_load %arg12[%get3A_329, %get3A_330] {strides = array<i32>} : memref<40x384xf32, #tpu.memory_space<vmem>>, vector<1x16xf32>,
      %get3A_332 = vector.shape_cast %get3A_331 : vector<1x16xf32> to vector<16xf32>
      %add3A_333 = arith.addf %get3A_328, %get3A_332 : vector<16xf32>
      %swap3A_334 = arith.index_cast %add3A_144 : i32 to index
      %swap3A_335 = arith.constant 208 : index
      %swap3A_336 = tpu.vector_load %arg14[%swap3A_334, %swap3A_335] {strides = array<i32>} : memref<40x384xf32, #tpu.memory_space<vmem>>, vector<1x16xf32>,
      %swap3A_337 = vector.shape_cast %swap3A_336 : vector<1x16xf32> to vector<16xf32>
      %swap3A_338 = vector.shape_cast %add3A_333 : vector<16xf32> to vector<1x16xf32>
      tpu.vector_store %arg14[%swap3A_334, %swap3A_335], %swap3A_338 {strides = array<i32>} : memref<40x384xf32, #tpu.memory_space<vmem>>, vector<1x16xf32>,
      %get3A_339 = arith.index_cast %add3A_144 : i32 to index
      %get3A_340 = arith.constant 224 : index
      %get3A_341 = tpu.vector_load %arg11[%get3A_339, %get3A_340] {strides = array<i32>} : memref<40x384xf32, #tpu.memory_space<vmem>>, vector<1x16xf32>,
      %get3A_342 = vector.shape_cast %get3A_341 : vector<1x16xf32> to vector<16xf32>
      %get3A_343 = arith.index_cast %add3A_144 : i32 to index
      %get3A_344 = arith.constant 224 : index
      %get3A_345 = tpu.vector_load %arg12[%get3A_343, %get3A_344] {strides = array<i32>} : memref<40x384xf32, #tpu.memory_space<vmem>>, vector<1x16xf32>,
      %get3A_346 = vector.shape_cast %get3A_345 : vector<1x16xf32> to vector<16xf32>
      %add3A_347 = arith.addf %get3A_342, %get3A_346 : vector<16xf32>
      %swap3A_348 = arith.index_cast %add3A_144 : i32 to index
      %swap3A_349 = arith.constant 224 : index
      %swap3A_350 = tpu.vector_load %arg14[%swap3A_348, %swap3A_349] {strides = array<i32>} : memref<40x384xf32, #tpu.memory_space<vmem>>, vector<1x16xf32>,
      %swap3A_351 = vector.shape_cast %swap3A_350 : vector<1x16xf32> to vector<16xf32>
      %swap3A_352 = vector.shape_cast %add3A_347 : vector<16xf32> to vector<1x16xf32>
      tpu.vector_store %arg14[%swap3A_348, %swap3A_349], %swap3A_352 {strides = array<i32>} : memref<40x384xf32, #tpu.memory_space<vmem>>, vector<1x16xf32>,
      %get3A_353 = arith.index_cast %add3A_144 : i32 to index
      %get3A_354 = arith.constant 240 : index
      %get3A_355 = tpu.vector_load %arg11[%get3A_353, %get3A_354] {strides = array<i32>} : memref<40x384xf32, #tpu.memory_space<vmem>>, vector<1x16xf32>,
      %get3A_356 = vector.shape_cast %get3A_355 : vector<1x16xf32> to vector<16xf32>
      %get3A_357 = arith.index_cast %add3A_144 : i32 to index
      %get3A_358 = arith.constant 240 : index
      %get3A_359 = tpu.vector_load %arg12[%get3A_357, %get3A_358] {strides = array<i32>} : memref<40x384xf32, #tpu.memory_space<vmem>>, vector<1x16xf32>,
      %get3A_360 = vector.shape_cast %get3A_359 : vector<1x16xf32> to vector<16xf32>
      %add3A_361 = arith.addf %get3A_356, %get3A_360 : vector<16xf32>
      %swap3A_362 = arith.index_cast %add3A_144 : i32 to index
      %swap3A_363 = arith.constant 240 : index
      %swap3A_364 = tpu.vector_load %arg14[%swap3A_362, %swap3A_363] {strides = array<i32>} : memref<40x384xf32, #tpu.memory_space<vmem>>, vector<1x16xf32>,
      %swap3A_365 = vector.shape_cast %swap3A_364 : vector<1x16xf32> to vector<16xf32>
      %swap3A_366 = vector.shape_cast %add3A_361 : vector<16xf32> to vector<1x16xf32>
      tpu.vector_store %arg14[%swap3A_362, %swap3A_363], %swap3A_366 {strides = array<i32>} : memref<40x384xf32, #tpu.memory_space<vmem>>, vector<1x16xf32>,
      %get3A_367 = arith.index_cast %add3A_144 : i32 to index
      %get3A_368 = arith.constant 256 : index
      %get3A_369 = tpu.vector_load %arg11[%get3A_367, %get3A_368] {strides = array<i32>} : memref<40x384xf32, #tpu.memory_space<vmem>>, vector<1x16xf32>,
      %get3A_370 = vector.shape_cast %get3A_369 : vector<1x16xf32> to vector<16xf32>
      %get3A_371 = arith.index_cast %add3A_144 : i32 to index
      %get3A_372 = arith.constant 256 : index
      %get3A_373 = tpu.vector_load %arg12[%get3A_371, %get3A_372] {strides = array<i32>} : memref<40x384xf32, #tpu.memory_space<vmem>>, vector<1x16xf32>,
      %get3A_374 = vector.shape_cast %get3A_373 : vector<1x16xf32> to vector<16xf32>
      %sub3A = arith.subf %get3A_370, %get3A_374 : vector<16xf32>
      %swap3A_375 = arith.index_cast %add3A_144 : i32 to index
      %swap3A_376 = arith.constant 256 : index
      %swap3A_377 = tpu.vector_load %arg14[%swap3A_375, %swap3A_376] {strides = array<i32>} : memref<40x384xf32, #tpu.memory_space<vmem>>, vector<1x16xf32>,
      %swap3A_378 = vector.shape_cast %swap3A_377 : vector<1x16xf32> to vector<16xf32>
      %swap3A_379 = vector.shape_cast %sub3A : vector<16xf32> to vector<1x16xf32>
      tpu.vector_store %arg14[%swap3A_375, %swap3A_376], %swap3A_379 {strides = array<i32>} : memref<40x384xf32, #tpu.memory_space<vmem>>, vector<1x16xf32>,
      %get3A_380 = arith.index_cast %add3A_144 : i32 to index
      %get3A_381 = arith.constant 272 : index
      %get3A_382 = tpu.vector_load %arg11[%get3A_380, %get3A_381] {strides = array<i32>} : memref<40x384xf32, #tpu.memory_space<vmem>>, vector<1x16xf32>,
      %get3A_383 = vector.shape_cast %get3A_382 : vector<1x16xf32> to vector<16xf32>
      %get3A_384 = arith.index_cast %add3A_144 : i32 to index
      %get3A_385 = arith.constant 272 : index
      %get3A_386 = tpu.vector_load %arg12[%get3A_384, %get3A_385] {strides = array<i32>} : memref<40x384xf32, #tpu.memory_space<vmem>>, vector<1x16xf32>,
      %get3A_387 = vector.shape_cast %get3A_386 : vector<1x16xf32> to vector<16xf32>
      %sub3A_388 = arith.subf %get3A_383, %get3A_387 : vector<16xf32>
      %swap3A_389 = arith.index_cast %add3A_144 : i32 to index
      %swap3A_390 = arith.constant 272 : index
      %swap3A_391 = tpu.vector_load %arg14[%swap3A_389, %swap3A_390] {strides = array<i32>} : memref<40x384xf32, #tpu.memory_space<vmem>>, vector<1x16xf32>,
      %swap3A_392 = vector.shape_cast %swap3A_391 : vector<1x16xf32> to vector<16xf32>
      %swap3A_393 = vector.shape_cast %sub3A_388 : vector<16xf32> to vector<1x16xf32>
      tpu.vector_store %arg14[%swap3A_389, %swap3A_390], %swap3A_393 {strides = array<i32>} : memref<40x384xf32, #tpu.memory_space<vmem>>, vector<1x16xf32>,
      %get3A_394 = arith.index_cast %add3A_144 : i32 to index
      %get3A_395 = arith.constant 288 : index
      %get3A_396 = tpu.vector_load %arg11[%get3A_394, %get3A_395] {strides = array<i32>} : memref<40x384xf32, #tpu.memory_space<vmem>>, vector<1x16xf32>,
      %get3A_397 = vector.shape_cast %get3A_396 : vector<1x16xf32> to vector<16xf32>
      %get3A_398 = arith.index_cast %add3A_144 : i32 to index
      %get3A_399 = arith.constant 288 : index
      %get3A_400 = tpu.vector_load %arg12[%get3A_398, %get3A_399] {strides = array<i32>} : memref<40x384xf32, #tpu.memory_space<vmem>>, vector<1x16xf32>,
      %get3A_401 = vector.shape_cast %get3A_400 : vector<1x16xf32> to vector<16xf32>
      %sub3A_402 = arith.subf %get3A_397, %get3A_401 : vector<16xf32>
      %swap3A_403 = arith.index_cast %add3A_144 : i32 to index
      %swap3A_404 = arith.constant 288 : index
      %swap3A_405 = tpu.vector_load %arg14[%swap3A_403, %swap3A_404] {strides = array<i32>} : memref<40x384xf32, #tpu.memory_space<vmem>>, vector<1x16xf32>,
      %swap3A_406 = vector.shape_cast %swap3A_405 : vector<1x16xf32> to vector<16xf32>
      %swap3A_407 = vector.shape_cast %sub3A_402 : vector<16xf32> to vector<1x16xf32>
      tpu.vector_store %arg14[%swap3A_403, %swap3A_404], %swap3A_407 {strides = array<i32>} : memref<40x384xf32, #tpu.memory_space<vmem>>, vector<1x16xf32>,
      %get3A_408 = arith.index_cast %add3A_144 : i32 to index
      %get3A_409 = arith.constant 304 : index
      %get3A_410 = tpu.vector_load %arg11[%get3A_408, %get3A_409] {strides = array<i32>} : memref<40x384xf32, #tpu.memory_space<vmem>>, vector<1x16xf32>,
      %get3A_411 = vector.shape_cast %get3A_410 : vector<1x16xf32> to vector<16xf32>
      %get3A_412 = arith.index_cast %add3A_144 : i32 to index
      %get3A_413 = arith.constant 304 : index
      %get3A_414 = tpu.vector_load %arg12[%get3A_412, %get3A_413] {strides = array<i32>} : memref<40x384xf32, #tpu.memory_space<vmem>>, vector<1x16xf32>,
      %get3A_415 = vector.shape_cast %get3A_414 : vector<1x16xf32> to vector<16xf32>
      %sub3A_416 = arith.subf %get3A_411, %get3A_415 : vector<16xf32>
      %swap3A_417 = arith.index_cast %add3A_144 : i32 to index
      %swap3A_418 = arith.constant 304 : index
      %swap3A_419 = tpu.vector_load %arg14[%swap3A_417, %swap3A_418] {strides = array<i32>} : memref<40x384xf32, #tpu.memory_space<vmem>>, vector<1x16xf32>,
      %swap3A_420 = vector.shape_cast %swap3A_419 : vector<1x16xf32> to vector<16xf32>
      %swap3A_421 = vector.shape_cast %sub3A_416 : vector<16xf32> to vector<1x16xf32>
      tpu.vector_store %arg14[%swap3A_417, %swap3A_418], %swap3A_421 {strides = array<i32>} : memref<40x384xf32, #tpu.memory_space<vmem>>, vector<1x16xf32>,
      %get3A_422 = arith.index_cast %add3A_144 : i32 to index
      %get3A_423 = arith.constant 320 : index
      %get3A_424 = tpu.vector_load %arg11[%get3A_422, %get3A_423] {strides = array<i32>} : memref<40x384xf32, #tpu.memory_space<vmem>>, vector<1x16xf32>,
      %get3A_425 = vector.shape_cast %get3A_424 : vector<1x16xf32> to vector<16xf32>
      %get3A_426 = arith.index_cast %add3A_144 : i32 to index
      %get3A_427 = arith.constant 320 : index
      %get3A_428 = tpu.vector_load %arg12[%get3A_426, %get3A_427] {strides = array<i32>} : memref<40x384xf32, #tpu.memory_space<vmem>>, vector<1x16xf32>,
      %get3A_429 = vector.shape_cast %get3A_428 : vector<1x16xf32> to vector<16xf32>
      %sub3A_430 = arith.subf %get3A_425, %get3A_429 : vector<16xf32>
      %swap3A_431 = arith.index_cast %add3A_144 : i32 to index
      %swap3A_432 = arith.constant 320 : index
      %swap3A_433 = tpu.vector_load %arg14[%swap3A_431, %swap3A_432] {strides = array<i32>} : memref<40x384xf32, #tpu.memory_space<vmem>>, vector<1x16xf32>,
      %swap3A_434 = vector.shape_cast %swap3A_433 : vector<1x16xf32> to vector<16xf32>
      %swap3A_435 = vector.shape_cast %sub3A_430 : vector<16xf32> to vector<1x16xf32>
      tpu.vector_store %arg14[%swap3A_431, %swap3A_432], %swap3A_435 {strides = array<i32>} : memref<40x384xf32, #tpu.memory_space<vmem>>, vector<1x16xf32>,
      %get3A_436 = arith.index_cast %add3A_144 : i32 to index
      %get3A_437 = arith.constant 336 : index
      %get3A_438 = tpu.vector_load %arg11[%get3A_436, %get3A_437] {strides = array<i32>} : memref<40x384xf32, #tpu.memory_space<vmem>>, vector<1x16xf32>,
      %get3A_439 = vector.shape_cast %get3A_438 : vector<1x16xf32> to vector<16xf32>
      %get3A_440 = arith.index_cast %add3A_144 : i32 to index
      %get3A_441 = arith.constant 336 : index
      %get3A_442 = tpu.vector_load %arg12[%get3A_440, %get3A_441] {strides = array<i32>} : memref<40x384xf32, #tpu.memory_space<vmem>>, vector<1x16xf32>,
      %get3A_443 = vector.shape_cast %get3A_442 : vector<1x16xf32> to vector<16xf32>
      %sub3A_444 = arith.subf %get3A_439, %get3A_443 : vector<16xf32>
      %swap3A_445 = arith.index_cast %add3A_144 : i32 to index
      %swap3A_446 = arith.constant 336 : index
      %swap3A_447 = tpu.vector_load %arg14[%swap3A_445, %swap3A_446] {strides = array<i32>} : memref<40x384xf32, #tpu.memory_space<vmem>>, vector<1x16xf32>,
      %swap3A_448 = vector.shape_cast %swap3A_447 : vector<1x16xf32> to vector<16xf32>
      %swap3A_449 = vector.shape_cast %sub3A_444 : vector<16xf32> to vector<1x16xf32>
      tpu.vector_store %arg14[%swap3A_445, %swap3A_446], %swap3A_449 {strides = array<i32>} : memref<40x384xf32, #tpu.memory_space<vmem>>, vector<1x16xf32>,
      %get3A_450 = arith.index_cast %add3A_144 : i32 to index
      %get3A_451 = arith.constant 352 : index
      %get3A_452 = tpu.vector_load %arg11[%get3A_450, %get3A_451] {strides = array<i32>} : memref<40x384xf32, #tpu.memory_space<vmem>>, vector<1x16xf32>,
      %get3A_453 = vector.shape_cast %get3A_452 : vector<1x16xf32> to vector<16xf32>
      %get3A_454 = arith.index_cast %add3A_144 : i32 to index
      %get3A_455 = arith.constant 352 : index
      %get3A_456 = tpu.vector_load %arg12[%get3A_454, %get3A_455] {strides = array<i32>} : memref<40x384xf32, #tpu.memory_space<vmem>>, vector<1x16xf32>,
      %get3A_457 = vector.shape_cast %get3A_456 : vector<1x16xf32> to vector<16xf32>
      %sub3A_458 = arith.subf %get3A_453, %get3A_457 : vector<16xf32>
      %swap3A_459 = arith.index_cast %add3A_144 : i32 to index
      %swap3A_460 = arith.constant 352 : index
      %swap3A_461 = tpu.vector_load %arg14[%swap3A_459, %swap3A_460] {strides = array<i32>} : memref<40x384xf32, #tpu.memory_space<vmem>>, vector<1x16xf32>,
      %swap3A_462 = vector.shape_cast %swap3A_461 : vector<1x16xf32> to vector<16xf32>
      %swap3A_463 = vector.shape_cast %sub3A_458 : vector<16xf32> to vector<1x16xf32>
      tpu.vector_store %arg14[%swap3A_459, %swap3A_460], %swap3A_463 {strides = array<i32>} : memref<40x384xf32, #tpu.memory_space<vmem>>, vector<1x16xf32>,
      %get3A_464 = arith.index_cast %add3A_144 : i32 to index
      %get3A_465 = arith.constant 368 : index
      %get3A_466 = tpu.vector_load %arg11[%get3A_464, %get3A_465] {strides = array<i32>} : memref<40x384xf32, #tpu.memory_space<vmem>>, vector<1x16xf32>,
      %get3A_467 = vector.shape_cast %get3A_466 : vector<1x16xf32> to vector<16xf32>
      %get3A_468 = arith.index_cast %add3A_144 : i32 to index
      %get3A_469 = arith.constant 368 : index
      %get3A_470 = tpu.vector_load %arg12[%get3A_468, %get3A_469] {strides = array<i32>} : memref<40x384xf32, #tpu.memory_space<vmem>>, vector<1x16xf32>,
      %get3A_471 = vector.shape_cast %get3A_470 : vector<1x16xf32> to vector<16xf32>
      %sub3A_472 = arith.subf %get3A_467, %get3A_471 : vector<16xf32>
      %swap3A_473 = arith.index_cast %add3A_144 : i32 to index
      %swap3A_474 = arith.constant 368 : index
      %swap3A_475 = tpu.vector_load %arg14[%swap3A_473, %swap3A_474] {strides = array<i32>} : memref<40x384xf32, #tpu.memory_space<vmem>>, vector<1x16xf32>,
      %swap3A_476 = vector.shape_cast %swap3A_475 : vector<1x16xf32> to vector<16xf32>
      %swap3A_477 = vector.shape_cast %sub3A_472 : vector<16xf32> to vector<1x16xf32>
      tpu.vector_store %arg14[%swap3A_473, %swap3A_474], %swap3A_477 {strides = array<i32>} : memref<40x384xf32, #tpu.memory_space<vmem>>, vector<1x16xf32>,
    }
    %scan3A_85 = arith.constant 40 : i32
    %add3A_86 = arith.constant 40 : i32
    %add3A_87 = arith.addi %mul3A_2, %add3A_86 : i32
    %dma_start3A_88 = arith.constant 0 : i32
    %dma_start3A_89 = tpu.memref_slice %arg6[%add3A_87, %dma_start3A_88] : memref<160000x384xf32, #tpu.memory_space<hbm>> -> memref<40x384xf32, #tpu.memory_space<hbm>>
    %dma_start3A_90 = arith.constant 0 : i32
    %dma_start3A_91 = tpu.memref_slice %arg6[%add3A_87, %dma_start3A_90] : memref<160000x384xf32, #tpu.memory_space<hbm>> -> memref<40x384xf32, #tpu.memory_space<hbm>>
    tpu.enqueue_dma source(%arg14 : memref<40x384xf32, #tpu.memory_space<vmem>>) target(%dma_start3A_91 : memref<40x384xf32, #tpu.memory_space<hbm>>) target_semaphore(%arg18 : memref<!tpu.dma_semaphore, #tpu.memory_space<semaphore_mem>>)
    %scan3A_92 = arith.constant 0 : i32
    %scan3A_93 = arith.constant 61 : i32
    %scan3A_94 = arith.addi %scan3A_92, %scan3A_93 : i32
    %scan3A_95 = arith.constant 1 : i32
    scf.for %scan3A_140 = %scan3A_92 to %scan3A_94 step %scan3A_95  : i32 {
      %mul3A_141 = arith.constant 2 : i32
      %mul3A_142 = arith.muli %scan3A_140, %mul3A_141 : i32
      %add3A_143 = arith.constant 2 : i32
      %add3A_144 = arith.addi %add3A_143, %mul3A_142 : i32
      %dma_wait3A_145 = arith.constant 0 : i32
      %dma_wait3A_146 = tpu.memref_slice %arg7[%add3A_144, %dma_wait3A_145] : memref<125x40xi32, #tpu.memory_space<vmem>> -> memref<1x40xi32, #tpu.memory_space<vmem>>
      %dma_wait3A_147 = tpu.memref_squeeze %dma_wait3A_146 : memref<1x40xi32, #tpu.memory_space<vmem>> -> memref<40xi32, #tpu.memory_space<vmem>>
      %dma_wait3A_148 = arith.constant 0 : i32
      %dma_wait3A_149 = arith.constant 0 : i32
      %dma_wait3A_150 = tpu.memref_slice %arg2[%dma_wait3A_148, %dma_wait3A_149] : memref<10000x384xf32, #tpu.memory_space<hbm>> -> memref<10000x384xf32, #tpu.memory_space<hbm>>
      tpu.wait_indirect_dma semaphore(%arg15 : memref<!tpu.dma_semaphore, #tpu.memory_space<semaphore_mem>>) src(%dma_wait3A_150 : memref<10000x384xf32, #tpu.memory_space<hbm>>) dst(%arg9 : memref<40x384xf32, #tpu.memory_space<vmem>>)
      %dma_wait3A_151 = arith.constant 0 : i32
      %dma_wait3A_152 = tpu.memref_slice %arg8[%add3A_144, %dma_wait3A_151] : memref<125x40xi32, #tpu.memory_space<vmem>> -> memref<1x40xi32, #tpu.memory_space<vmem>>
      %dma_wait3A_153 = tpu.memref_squeeze %dma_wait3A_152 : memref<1x40xi32, #tpu.memory_space<vmem>> -> memref<40xi32, #tpu.memory_space<vmem>>
      %dma_wait3A_154 = arith.constant 0 : i32
      %dma_wait3A_155 = arith.constant 0 : i32
      %dma_wait3A_156 = tpu.memref_slice %arg3[%dma_wait3A_154, %dma_wait3A_155] : memref<10000x384xf32, #tpu.memory_space<hbm>> -> memref<10000x384xf32, #tpu.memory_space<hbm>>
      tpu.wait_indirect_dma semaphore(%arg15 : memref<!tpu.dma_semaphore, #tpu.memory_space<semaphore_mem>>) src(%dma_wait3A_156 : memref<10000x384xf32, #tpu.memory_space<hbm>>) dst(%arg10 : memref<40x384xf32, #tpu.memory_space<vmem>>)
      %add3A_157 = arith.constant 1 : i32
      %add3A_158 = arith.addi %add3A_144, %add3A_157 : i32
      %dma_start3A_159 = arith.constant 0 : i32
      %dma_start3A_160 = tpu.memref_slice %arg7[%add3A_158, %dma_start3A_159] : memref<125x40xi32, #tpu.memory_space<vmem>> -> memref<1x40xi32, #tpu.memory_space<vmem>>
      %dma_start3A_161 = tpu.memref_squeeze %dma_start3A_160 : memref<1x40xi32, #tpu.memory_space<vmem>> -> memref<40xi32, #tpu.memory_space<vmem>>
      %dma_start3A_162 = arith.constant 0 : i32
      %dma_start3A_163 = arith.constant 0 : i32
      %dma_start3A_164 = tpu.memref_slice %arg2[%dma_start3A_162, %dma_start3A_163] : memref<10000x384xf32, #tpu.memory_space<hbm>> -> memref<10000x384xf32, #tpu.memory_space<hbm>>
      tpu.enqueue_indirect_dma source(%dma_start3A_164 : memref<10000x384xf32, #tpu.memory_space<hbm>>) target(%arg11 : memref<40x384xf32, #tpu.memory_space<vmem>>) offsets(%dma_start3A_161 : memref<40xi32, #tpu.memory_space<vmem>>) semaphore(%arg16 : memref<!tpu.dma_semaphore, #tpu.memory_space<semaphore_mem>>)
      %dma_start3A_165 = arith.constant 0 : i32
      %dma_start3A_166 = tpu.memref_slice %arg8[%add3A_158, %dma_start3A_165] : memref<125x40xi32, #tpu.memory_space<vmem>> -> memref<1x40xi32, #tpu.memory_space<vmem>>
      %dma_start3A_167 = tpu.memref_squeeze %dma_start3A_166 : memref<1x40xi32, #tpu.memory_space<vmem>> -> memref<40xi32, #tpu.memory_space<vmem>>
      %dma_start3A_168 = arith.constant 0 : i32
      %dma_start3A_169 = arith.constant 0 : i32
      %dma_start3A_170 = tpu.memref_slice %arg3[%dma_start3A_168, %dma_start3A_169] : memref<10000x384xf32, #tpu.memory_space<hbm>> -> memref<10000x384xf32, #tpu.memory_space<hbm>>
      tpu.enqueue_indirect_dma source(%dma_start3A_170 : memref<10000x384xf32, #tpu.memory_space<hbm>>) target(%arg12 : memref<40x384xf32, #tpu.memory_space<vmem>>) offsets(%dma_start3A_167 : memref<40xi32, #tpu.memory_space<vmem>>) semaphore(%arg16 : memref<!tpu.dma_semaphore, #tpu.memory_space<semaphore_mem>>)
      %sub3A = arith.constant 2 : i32
      %sub3A_171 = arith.subi %add3A_144, %sub3A : i32
      %mul3A_172 = arith.constant 40 : i32
      %mul3A_173 = arith.muli %sub3A_171, %mul3A_172 : i32
      %add3A_174 = arith.addi %mul3A_2, %mul3A_173 : i32
      %dma_wait3A_175 = arith.constant 0 : i32
      %dma_wait3A_176 = tpu.memref_slice %arg6[%add3A_174, %dma_wait3A_175] : memref<160000x384xf32, #tpu.memory_space<hbm>> -> memref<40x384xf32, #tpu.memory_space<hbm>>
      %dma_wait3A_177 = arith.constant 0 : i32
      %dma_wait3A_178 = tpu.memref_slice %arg6[%add3A_174, %dma_wait3A_177] : memref<160000x384xf32, #tpu.memory_space<hbm>> -> memref<40x384xf32, #tpu.memory_space<hbm>>
      tpu.wait_dma2 semaphore(%arg17 : memref<!tpu.dma_semaphore, #tpu.memory_space<semaphore_mem>>) src(%arg13 : memref<40x384xf32, #tpu.memory_space<vmem>>) dst(%dma_wait3A_178 : memref<40x384xf32, #tpu.memory_space<hbm>>)
      %scan3A_179 = arith.constant 0 : i32
      %scan3A_180 = arith.constant 40 : i32
      %scan3A_181 = arith.addi %scan3A_179, %scan3A_180 : i32
      %scan3A_182 = arith.constant 1 : i32
      scf.for %scan3A_242 = %scan3A_179 to %scan3A_181 step %scan3A_182  : i32 {
        %mul3A_243 = arith.constant 1 : i32
        %mul3A_244 = arith.muli %scan3A_242, %mul3A_243 : i32
        %add3A_245 = arith.constant 0 : i32
        %add3A_246 = arith.addi %add3A_245, %mul3A_244 : i32
        %get3A = arith.index_cast %add3A_246 : i32 to index
        %get3A_247 = arith.constant 0 : index
        %get3A_248 = tpu.vector_load %arg9[%get3A, %get3A_247] {strides = array<i32>} : memref<40x384xf32, #tpu.memory_space<vmem>>, vector<1x16xf32>,
        %get3A_249 = vector.shape_cast %get3A_248 : vector<1x16xf32> to vector<16xf32>
        %get3A_250 = arith.index_cast %add3A_246 : i32 to index
        %get3A_251 = arith.constant 0 : index
        %get3A_252 = tpu.vector_load %arg10[%get3A_250, %get3A_251] {strides = array<i32>} : memref<40x384xf32, #tpu.memory_space<vmem>>, vector<1x16xf32>,
        %get3A_253 = vector.shape_cast %get3A_252 : vector<1x16xf32> to vector<16xf32>
        %add3A_254 = arith.addf %get3A_249, %get3A_253 : vector<16xf32>
        %swap3A = arith.index_cast %add3A_246 : i32 to index
        %swap3A_255 = arith.constant 0 : index
        %swap3A_256 = tpu.vector_load %arg13[%swap3A, %swap3A_255] {strides = array<i32>} : memref<40x384xf32, #tpu.memory_space<vmem>>, vector<1x16xf32>,
        %swap3A_257 = vector.shape_cast %swap3A_256 : vector<1x16xf32> to vector<16xf32>
        %swap3A_258 = vector.shape_cast %add3A_254 : vector<16xf32> to vector<1x16xf32>
        tpu.vector_store %arg13[%swap3A, %swap3A_255], %swap3A_258 {strides = array<i32>} : memref<40x384xf32, #tpu.memory_space<vmem>>, vector<1x16xf32>,
        %get3A_259 = arith.index_cast %add3A_246 : i32 to index
        %get3A_260 = arith.constant 16 : index
        %get3A_261 = tpu.vector_load %arg9[%get3A_259, %get3A_260] {strides = array<i32>} : memref<40x384xf32, #tpu.memory_space<vmem>>, vector<1x16xf32>,
        %get3A_262 = vector.shape_cast %get3A_261 : vector<1x16xf32> to vector<16xf32>
        %get3A_263 = arith.index_cast %add3A_246 : i32 to index
        %get3A_264 = arith.constant 16 : index
        %get3A_265 = tpu.vector_load %arg10[%get3A_263, %get3A_264] {strides = array<i32>} : memref<40x384xf32, #tpu.memory_space<vmem>>, vector<1x16xf32>,
        %get3A_266 = vector.shape_cast %get3A_265 : vector<1x16xf32> to vector<16xf32>
        %add3A_267 = arith.addf %get3A_262, %get3A_266 : vector<16xf32>
        %swap3A_268 = arith.index_cast %add3A_246 : i32 to index
        %swap3A_269 = arith.constant 16 : index
        %swap3A_270 = tpu.vector_load %arg13[%swap3A_268, %swap3A_269] {strides = array<i32>} : memref<40x384xf32, #tpu.memory_space<vmem>>, vector<1x16xf32>,
        %swap3A_271 = vector.shape_cast %swap3A_270 : vector<1x16xf32> to vector<16xf32>
        %swap3A_272 = vector.shape_cast %add3A_267 : vector<16xf32> to vector<1x16xf32>
        tpu.vector_store %arg13[%swap3A_268, %swap3A_269], %swap3A_272 {strides = array<i32>} : memref<40x384xf32, #tpu.memory_space<vmem>>, vector<1x16xf32>,
        %get3A_273 = arith.index_cast %add3A_246 : i32 to index
        %get3A_274 = arith.constant 32 : index
        %get3A_275 = tpu.vector_load %arg9[%get3A_273, %get3A_274] {strides = array<i32>} : memref<40x384xf32, #tpu.memory_space<vmem>>, vector<1x16xf32>,
        %get3A_276 = vector.shape_cast %get3A_275 : vector<1x16xf32> to vector<16xf32>
        %get3A_277 = arith.index_cast %add3A_246 : i32 to index
        %get3A_278 = arith.constant 32 : index
        %get3A_279 = tpu.vector_load %arg10[%get3A_277, %get3A_278] {strides = array<i32>} : memref<40x384xf32, #tpu.memory_space<vmem>>, vector<1x16xf32>,
        %get3A_280 = vector.shape_cast %get3A_279 : vector<1x16xf32> to vector<16xf32>
        %add3A_281 = arith.addf %get3A_276, %get3A_280 : vector<16xf32>
        %swap3A_282 = arith.index_cast %add3A_246 : i32 to index
        %swap3A_283 = arith.constant 32 : index
        %swap3A_284 = tpu.vector_load %arg13[%swap3A_282, %swap3A_283] {strides = array<i32>} : memref<40x384xf32, #tpu.memory_space<vmem>>, vector<1x16xf32>,
        %swap3A_285 = vector.shape_cast %swap3A_284 : vector<1x16xf32> to vector<16xf32>
        %swap3A_286 = vector.shape_cast %add3A_281 : vector<16xf32> to vector<1x16xf32>
        tpu.vector_store %arg13[%swap3A_282, %swap3A_283], %swap3A_286 {strides = array<i32>} : memref<40x384xf32, #tpu.memory_space<vmem>>, vector<1x16xf32>,
        %get3A_287 = arith.index_cast %add3A_246 : i32 to index
        %get3A_288 = arith.constant 48 : index
        %get3A_289 = tpu.vector_load %arg9[%get3A_287, %get3A_288] {strides = array<i32>} : memref<40x384xf32, #tpu.memory_space<vmem>>, vector<1x16xf32>,
        %get3A_290 = vector.shape_cast %get3A_289 : vector<1x16xf32> to vector<16xf32>
        %get3A_291 = arith.index_cast %add3A_246 : i32 to index
        %get3A_292 = arith.constant 48 : index
        %get3A_293 = tpu.vector_load %arg10[%get3A_291, %get3A_292] {strides = array<i32>} : memref<40x384xf32, #tpu.memory_space<vmem>>, vector<1x16xf32>,
        %get3A_294 = vector.shape_cast %get3A_293 : vector<1x16xf32> to vector<16xf32>
        %add3A_295 = arith.addf %get3A_290, %get3A_294 : vector<16xf32>
        %swap3A_296 = arith.index_cast %add3A_246 : i32 to index
        %swap3A_297 = arith.constant 48 : index
        %swap3A_298 = tpu.vector_load %arg13[%swap3A_296, %swap3A_297] {strides = array<i32>} : memref<40x384xf32, #tpu.memory_space<vmem>>, vector<1x16xf32>,
        %swap3A_299 = vector.shape_cast %swap3A_298 : vector<1x16xf32> to vector<16xf32>
        %swap3A_300 = vector.shape_cast %add3A_295 : vector<16xf32> to vector<1x16xf32>
        tpu.vector_store %arg13[%swap3A_296, %swap3A_297], %swap3A_300 {strides = array<i32>} : memref<40x384xf32, #tpu.memory_space<vmem>>, vector<1x16xf32>,
        %get3A_301 = arith.index_cast %add3A_246 : i32 to index
        %get3A_302 = arith.constant 64 : index
        %get3A_303 = tpu.vector_load %arg9[%get3A_301, %get3A_302] {strides = array<i32>} : memref<40x384xf32, #tpu.memory_space<vmem>>, vector<1x16xf32>,
        %get3A_304 = vector.shape_cast %get3A_303 : vector<1x16xf32> to vector<16xf32>
        %get3A_305 = arith.index_cast %add3A_246 : i32 to index
        %get3A_306 = arith.constant 64 : index
        %get3A_307 = tpu.vector_load %arg10[%get3A_305, %get3A_306] {strides = array<i32>} : memref<40x384xf32, #tpu.memory_space<vmem>>, vector<1x16xf32>,
        %get3A_308 = vector.shape_cast %get3A_307 : vector<1x16xf32> to vector<16xf32>
        %add3A_309 = arith.addf %get3A_304, %get3A_308 : vector<16xf32>
        %swap3A_310 = arith.index_cast %add3A_246 : i32 to index
        %swap3A_311 = arith.constant 64 : index
        %swap3A_312 = tpu.vector_load %arg13[%swap3A_310, %swap3A_311] {strides = array<i32>} : memref<40x384xf32, #tpu.memory_space<vmem>>, vector<1x16xf32>,
        %swap3A_313 = vector.shape_cast %swap3A_312 : vector<1x16xf32> to vector<16xf32>
        %swap3A_314 = vector.shape_cast %add3A_309 : vector<16xf32> to vector<1x16xf32>
        tpu.vector_store %arg13[%swap3A_310, %swap3A_311], %swap3A_314 {strides = array<i32>} : memref<40x384xf32, #tpu.memory_space<vmem>>, vector<1x16xf32>,
        %get3A_315 = arith.index_cast %add3A_246 : i32 to index
        %get3A_316 = arith.constant 80 : index
        %get3A_317 = tpu.vector_load %arg9[%get3A_315, %get3A_316] {strides = array<i32>} : memref<40x384xf32, #tpu.memory_space<vmem>>, vector<1x16xf32>,
        %get3A_318 = vector.shape_cast %get3A_317 : vector<1x16xf32> to vector<16xf32>
        %get3A_319 = arith.index_cast %add3A_246 : i32 to index
        %get3A_320 = arith.constant 80 : index
        %get3A_321 = tpu.vector_load %arg10[%get3A_319, %get3A_320] {strides = array<i32>} : memref<40x384xf32, #tpu.memory_space<vmem>>, vector<1x16xf32>,
        %get3A_322 = vector.shape_cast %get3A_321 : vector<1x16xf32> to vector<16xf32>
        %add3A_323 = arith.addf %get3A_318, %get3A_322 : vector<16xf32>
        %swap3A_324 = arith.index_cast %add3A_246 : i32 to index
        %swap3A_325 = arith.constant 80 : index
        %swap3A_326 = tpu.vector_load %arg13[%swap3A_324, %swap3A_325] {strides = array<i32>} : memref<40x384xf32, #tpu.memory_space<vmem>>, vector<1x16xf32>,
        %swap3A_327 = vector.shape_cast %swap3A_326 : vector<1x16xf32> to vector<16xf32>
        %swap3A_328 = vector.shape_cast %add3A_323 : vector<16xf32> to vector<1x16xf32>
        tpu.vector_store %arg13[%swap3A_324, %swap3A_325], %swap3A_328 {strides = array<i32>} : memref<40x384xf32, #tpu.memory_space<vmem>>, vector<1x16xf32>,
        %get3A_329 = arith.index_cast %add3A_246 : i32 to index
        %get3A_330 = arith.constant 96 : index
        %get3A_331 = tpu.vector_load %arg9[%get3A_329, %get3A_330] {strides = array<i32>} : memref<40x384xf32, #tpu.memory_space<vmem>>, vector<1x16xf32>,
        %get3A_332 = vector.shape_cast %get3A_331 : vector<1x16xf32> to vector<16xf32>
        %get3A_333 = arith.index_cast %add3A_246 : i32 to index
        %get3A_334 = arith.constant 96 : index
        %get3A_335 = tpu.vector_load %arg10[%get3A_333, %get3A_334] {strides = array<i32>} : memref<40x384xf32, #tpu.memory_space<vmem>>, vector<1x16xf32>,
        %get3A_336 = vector.shape_cast %get3A_335 : vector<1x16xf32> to vector<16xf32>
        %add3A_337 = arith.addf %get3A_332, %get3A_336 : vector<16xf32>
        %swap3A_338 = arith.index_cast %add3A_246 : i32 to index
        %swap3A_339 = arith.constant 96 : index
        %swap3A_340 = tpu.vector_load %arg13[%swap3A_338, %swap3A_339] {strides = array<i32>} : memref<40x384xf32, #tpu.memory_space<vmem>>, vector<1x16xf32>,
        %swap3A_341 = vector.shape_cast %swap3A_340 : vector<1x16xf32> to vector<16xf32>
        %swap3A_342 = vector.shape_cast %add3A_337 : vector<16xf32> to vector<1x16xf32>
        tpu.vector_store %arg13[%swap3A_338, %swap3A_339], %swap3A_342 {strides = array<i32>} : memref<40x384xf32, #tpu.memory_space<vmem>>, vector<1x16xf32>,
        %get3A_343 = arith.index_cast %add3A_246 : i32 to index
        %get3A_344 = arith.constant 112 : index
        %get3A_345 = tpu.vector_load %arg9[%get3A_343, %get3A_344] {strides = array<i32>} : memref<40x384xf32, #tpu.memory_space<vmem>>, vector<1x16xf32>,
        %get3A_346 = vector.shape_cast %get3A_345 : vector<1x16xf32> to vector<16xf32>
        %get3A_347 = arith.index_cast %add3A_246 : i32 to index
        %get3A_348 = arith.constant 112 : index
        %get3A_349 = tpu.vector_load %arg10[%get3A_347, %get3A_348] {strides = array<i32>} : memref<40x384xf32, #tpu.memory_space<vmem>>, vector<1x16xf32>,
        %get3A_350 = vector.shape_cast %get3A_349 : vector<1x16xf32> to vector<16xf32>
        %add3A_351 = arith.addf %get3A_346, %get3A_350 : vector<16xf32>
        %swap3A_352 = arith.index_cast %add3A_246 : i32 to index
        %swap3A_353 = arith.constant 112 : index
        %swap3A_354 = tpu.vector_load %arg13[%swap3A_352, %swap3A_353] {strides = array<i32>} : memref<40x384xf32, #tpu.memory_space<vmem>>, vector<1x16xf32>,
        %swap3A_355 = vector.shape_cast %swap3A_354 : vector<1x16xf32> to vector<16xf32>
        %swap3A_356 = vector.shape_cast %add3A_351 : vector<16xf32> to vector<1x16xf32>
        tpu.vector_store %arg13[%swap3A_352, %swap3A_353], %swap3A_356 {strides = array<i32>} : memref<40x384xf32, #tpu.memory_space<vmem>>, vector<1x16xf32>,
        %get3A_357 = arith.index_cast %add3A_246 : i32 to index
        %get3A_358 = arith.constant 128 : index
        %get3A_359 = tpu.vector_load %arg9[%get3A_357, %get3A_358] {strides = array<i32>} : memref<40x384xf32, #tpu.memory_space<vmem>>, vector<1x16xf32>,
        %get3A_360 = vector.shape_cast %get3A_359 : vector<1x16xf32> to vector<16xf32>
        %get3A_361 = arith.index_cast %add3A_246 : i32 to index
        %get3A_362 = arith.constant 128 : index
        %get3A_363 = tpu.vector_load %arg10[%get3A_361, %get3A_362] {strides = array<i32>} : memref<40x384xf32, #tpu.memory_space<vmem>>, vector<1x16xf32>,
        %get3A_364 = vector.shape_cast %get3A_363 : vector<1x16xf32> to vector<16xf32>
        %add3A_365 = arith.addf %get3A_360, %get3A_364 : vector<16xf32>
        %swap3A_366 = arith.index_cast %add3A_246 : i32 to index
        %swap3A_367 = arith.constant 128 : index
        %swap3A_368 = tpu.vector_load %arg13[%swap3A_366, %swap3A_367] {strides = array<i32>} : memref<40x384xf32, #tpu.memory_space<vmem>>, vector<1x16xf32>,
        %swap3A_369 = vector.shape_cast %swap3A_368 : vector<1x16xf32> to vector<16xf32>
        %swap3A_370 = vector.shape_cast %add3A_365 : vector<16xf32> to vector<1x16xf32>
        tpu.vector_store %arg13[%swap3A_366, %swap3A_367], %swap3A_370 {strides = array<i32>} : memref<40x384xf32, #tpu.memory_space<vmem>>, vector<1x16xf32>,
        %get3A_371 = arith.index_cast %add3A_246 : i32 to index
        %get3A_372 = arith.constant 144 : index
        %get3A_373 = tpu.vector_load %arg9[%get3A_371, %get3A_372] {strides = array<i32>} : memref<40x384xf32, #tpu.memory_space<vmem>>, vector<1x16xf32>,
        %get3A_374 = vector.shape_cast %get3A_373 : vector<1x16xf32> to vector<16xf32>
        %get3A_375 = arith.index_cast %add3A_246 : i32 to index
        %get3A_376 = arith.constant 144 : index
        %get3A_377 = tpu.vector_load %arg10[%get3A_375, %get3A_376] {strides = array<i32>} : memref<40x384xf32, #tpu.memory_space<vmem>>, vector<1x16xf32>,
        %get3A_378 = vector.shape_cast %get3A_377 : vector<1x16xf32> to vector<16xf32>
        %add3A_379 = arith.addf %get3A_374, %get3A_378 : vector<16xf32>
        %swap3A_380 = arith.index_cast %add3A_246 : i32 to index
        %swap3A_381 = arith.constant 144 : index
        %swap3A_382 = tpu.vector_load %arg13[%swap3A_380, %swap3A_381] {strides = array<i32>} : memref<40x384xf32, #tpu.memory_space<vmem>>, vector<1x16xf32>,
        %swap3A_383 = vector.shape_cast %swap3A_382 : vector<1x16xf32> to vector<16xf32>
        %swap3A_384 = vector.shape_cast %add3A_379 : vector<16xf32> to vector<1x16xf32>
        tpu.vector_store %arg13[%swap3A_380, %swap3A_381], %swap3A_384 {strides = array<i32>} : memref<40x384xf32, #tpu.memory_space<vmem>>, vector<1x16xf32>,
        %get3A_385 = arith.index_cast %add3A_246 : i32 to index
        %get3A_386 = arith.constant 160 : index
        %get3A_387 = tpu.vector_load %arg9[%get3A_385, %get3A_386] {strides = array<i32>} : memref<40x384xf32, #tpu.memory_space<vmem>>, vector<1x16xf32>,
        %get3A_388 = vector.shape_cast %get3A_387 : vector<1x16xf32> to vector<16xf32>
        %get3A_389 = arith.index_cast %add3A_246 : i32 to index
        %get3A_390 = arith.constant 160 : index
        %get3A_391 = tpu.vector_load %arg10[%get3A_389, %get3A_390] {strides = array<i32>} : memref<40x384xf32, #tpu.memory_space<vmem>>, vector<1x16xf32>,
        %get3A_392 = vector.shape_cast %get3A_391 : vector<1x16xf32> to vector<16xf32>
        %add3A_393 = arith.addf %get3A_388, %get3A_392 : vector<16xf32>
        %swap3A_394 = arith.index_cast %add3A_246 : i32 to index
        %swap3A_395 = arith.constant 160 : index
        %swap3A_396 = tpu.vector_load %arg13[%swap3A_394, %swap3A_395] {strides = array<i32>} : memref<40x384xf32, #tpu.memory_space<vmem>>, vector<1x16xf32>,
        %swap3A_397 = vector.shape_cast %swap3A_396 : vector<1x16xf32> to vector<16xf32>
        %swap3A_398 = vector.shape_cast %add3A_393 : vector<16xf32> to vector<1x16xf32>
        tpu.vector_store %arg13[%swap3A_394, %swap3A_395], %swap3A_398 {strides = array<i32>} : memref<40x384xf32, #tpu.memory_space<vmem>>, vector<1x16xf32>,
        %get3A_399 = arith.index_cast %add3A_246 : i32 to index
        %get3A_400 = arith.constant 176 : index
        %get3A_401 = tpu.vector_load %arg9[%get3A_399, %get3A_400] {strides = array<i32>} : memref<40x384xf32, #tpu.memory_space<vmem>>, vector<1x16xf32>,
        %get3A_402 = vector.shape_cast %get3A_401 : vector<1x16xf32> to vector<16xf32>
        %get3A_403 = arith.index_cast %add3A_246 : i32 to index
        %get3A_404 = arith.constant 176 : index
        %get3A_405 = tpu.vector_load %arg10[%get3A_403, %get3A_404] {strides = array<i32>} : memref<40x384xf32, #tpu.memory_space<vmem>>, vector<1x16xf32>,
        %get3A_406 = vector.shape_cast %get3A_405 : vector<1x16xf32> to vector<16xf32>
        %add3A_407 = arith.addf %get3A_402, %get3A_406 : vector<16xf32>
        %swap3A_408 = arith.index_cast %add3A_246 : i32 to index
        %swap3A_409 = arith.constant 176 : index
        %swap3A_410 = tpu.vector_load %arg13[%swap3A_408, %swap3A_409] {strides = array<i32>} : memref<40x384xf32, #tpu.memory_space<vmem>>, vector<1x16xf32>,
        %swap3A_411 = vector.shape_cast %swap3A_410 : vector<1x16xf32> to vector<16xf32>
        %swap3A_412 = vector.shape_cast %add3A_407 : vector<16xf32> to vector<1x16xf32>
        tpu.vector_store %arg13[%swap3A_408, %swap3A_409], %swap3A_412 {strides = array<i32>} : memref<40x384xf32, #tpu.memory_space<vmem>>, vector<1x16xf32>,
        %get3A_413 = arith.index_cast %add3A_246 : i32 to index
        %get3A_414 = arith.constant 192 : index
        %get3A_415 = tpu.vector_load %arg9[%get3A_413, %get3A_414] {strides = array<i32>} : memref<40x384xf32, #tpu.memory_space<vmem>>, vector<1x16xf32>,
        %get3A_416 = vector.shape_cast %get3A_415 : vector<1x16xf32> to vector<16xf32>
        %get3A_417 = arith.index_cast %add3A_246 : i32 to index
        %get3A_418 = arith.constant 192 : index
        %get3A_419 = tpu.vector_load %arg10[%get3A_417, %get3A_418] {strides = array<i32>} : memref<40x384xf32, #tpu.memory_space<vmem>>, vector<1x16xf32>,
        %get3A_420 = vector.shape_cast %get3A_419 : vector<1x16xf32> to vector<16xf32>
        %add3A_421 = arith.addf %get3A_416, %get3A_420 : vector<16xf32>
        %swap3A_422 = arith.index_cast %add3A_246 : i32 to index
        %swap3A_423 = arith.constant 192 : index
        %swap3A_424 = tpu.vector_load %arg13[%swap3A_422, %swap3A_423] {strides = array<i32>} : memref<40x384xf32, #tpu.memory_space<vmem>>, vector<1x16xf32>,
        %swap3A_425 = vector.shape_cast %swap3A_424 : vector<1x16xf32> to vector<16xf32>
        %swap3A_426 = vector.shape_cast %add3A_421 : vector<16xf32> to vector<1x16xf32>
        tpu.vector_store %arg13[%swap3A_422, %swap3A_423], %swap3A_426 {strides = array<i32>} : memref<40x384xf32, #tpu.memory_space<vmem>>, vector<1x16xf32>,
        %get3A_427 = arith.index_cast %add3A_246 : i32 to index
        %get3A_428 = arith.constant 208 : index
        %get3A_429 = tpu.vector_load %arg9[%get3A_427, %get3A_428] {strides = array<i32>} : memref<40x384xf32, #tpu.memory_space<vmem>>, vector<1x16xf32>,
        %get3A_430 = vector.shape_cast %get3A_429 : vector<1x16xf32> to vector<16xf32>
        %get3A_431 = arith.index_cast %add3A_246 : i32 to index
        %get3A_432 = arith.constant 208 : index
        %get3A_433 = tpu.vector_load %arg10[%get3A_431, %get3A_432] {strides = array<i32>} : memref<40x384xf32, #tpu.memory_space<vmem>>, vector<1x16xf32>,
        %get3A_434 = vector.shape_cast %get3A_433 : vector<1x16xf32> to vector<16xf32>
        %add3A_435 = arith.addf %get3A_430, %get3A_434 : vector<16xf32>
        %swap3A_436 = arith.index_cast %add3A_246 : i32 to index
        %swap3A_437 = arith.constant 208 : index
        %swap3A_438 = tpu.vector_load %arg13[%swap3A_436, %swap3A_437] {strides = array<i32>} : memref<40x384xf32, #tpu.memory_space<vmem>>, vector<1x16xf32>,
        %swap3A_439 = vector.shape_cast %swap3A_438 : vector<1x16xf32> to vector<16xf32>
        %swap3A_440 = vector.shape_cast %add3A_435 : vector<16xf32> to vector<1x16xf32>
        tpu.vector_store %arg13[%swap3A_436, %swap3A_437], %swap3A_440 {strides = array<i32>} : memref<40x384xf32, #tpu.memory_space<vmem>>, vector<1x16xf32>,
        %get3A_441 = arith.index_cast %add3A_246 : i32 to index
        %get3A_442 = arith.constant 224 : index
        %get3A_443 = tpu.vector_load %arg9[%get3A_441, %get3A_442] {strides = array<i32>} : memref<40x384xf32, #tpu.memory_space<vmem>>, vector<1x16xf32>,
        %get3A_444 = vector.shape_cast %get3A_443 : vector<1x16xf32> to vector<16xf32>
        %get3A_445 = arith.index_cast %add3A_246 : i32 to index
        %get3A_446 = arith.constant 224 : index
        %get3A_447 = tpu.vector_load %arg10[%get3A_445, %get3A_446] {strides = array<i32>} : memref<40x384xf32, #tpu.memory_space<vmem>>, vector<1x16xf32>,
        %get3A_448 = vector.shape_cast %get3A_447 : vector<1x16xf32> to vector<16xf32>
        %add3A_449 = arith.addf %get3A_444, %get3A_448 : vector<16xf32>
        %swap3A_450 = arith.index_cast %add3A_246 : i32 to index
        %swap3A_451 = arith.constant 224 : index
        %swap3A_452 = tpu.vector_load %arg13[%swap3A_450, %swap3A_451] {strides = array<i32>} : memref<40x384xf32, #tpu.memory_space<vmem>>, vector<1x16xf32>,
        %swap3A_453 = vector.shape_cast %swap3A_452 : vector<1x16xf32> to vector<16xf32>
        %swap3A_454 = vector.shape_cast %add3A_449 : vector<16xf32> to vector<1x16xf32>
        tpu.vector_store %arg13[%swap3A_450, %swap3A_451], %swap3A_454 {strides = array<i32>} : memref<40x384xf32, #tpu.memory_space<vmem>>, vector<1x16xf32>,
        %get3A_455 = arith.index_cast %add3A_246 : i32 to index
        %get3A_456 = arith.constant 240 : index
        %get3A_457 = tpu.vector_load %arg9[%get3A_455, %get3A_456] {strides = array<i32>} : memref<40x384xf32, #tpu.memory_space<vmem>>, vector<1x16xf32>,
        %get3A_458 = vector.shape_cast %get3A_457 : vector<1x16xf32> to vector<16xf32>
        %get3A_459 = arith.index_cast %add3A_246 : i32 to index
        %get3A_460 = arith.constant 240 : index
        %get3A_461 = tpu.vector_load %arg10[%get3A_459, %get3A_460] {strides = array<i32>} : memref<40x384xf32, #tpu.memory_space<vmem>>, vector<1x16xf32>,
        %get3A_462 = vector.shape_cast %get3A_461 : vector<1x16xf32> to vector<16xf32>
        %add3A_463 = arith.addf %get3A_458, %get3A_462 : vector<16xf32>
        %swap3A_464 = arith.index_cast %add3A_246 : i32 to index
        %swap3A_465 = arith.constant 240 : index
        %swap3A_466 = tpu.vector_load %arg13[%swap3A_464, %swap3A_465] {strides = array<i32>} : memref<40x384xf32, #tpu.memory_space<vmem>>, vector<1x16xf32>,
        %swap3A_467 = vector.shape_cast %swap3A_466 : vector<1x16xf32> to vector<16xf32>
        %swap3A_468 = vector.shape_cast %add3A_463 : vector<16xf32> to vector<1x16xf32>
        tpu.vector_store %arg13[%swap3A_464, %swap3A_465], %swap3A_468 {strides = array<i32>} : memref<40x384xf32, #tpu.memory_space<vmem>>, vector<1x16xf32>,
        %get3A_469 = arith.index_cast %add3A_246 : i32 to index
        %get3A_470 = arith.constant 256 : index
        %get3A_471 = tpu.vector_load %arg9[%get3A_469, %get3A_470] {strides = array<i32>} : memref<40x384xf32, #tpu.memory_space<vmem>>, vector<1x16xf32>,
        %get3A_472 = vector.shape_cast %get3A_471 : vector<1x16xf32> to vector<16xf32>
        %get3A_473 = arith.index_cast %add3A_246 : i32 to index
        %get3A_474 = arith.constant 256 : index
        %get3A_475 = tpu.vector_load %arg10[%get3A_473, %get3A_474] {strides = array<i32>} : memref<40x384xf32, #tpu.memory_space<vmem>>, vector<1x16xf32>,
        %get3A_476 = vector.shape_cast %get3A_475 : vector<1x16xf32> to vector<16xf32>
        %sub3A_477 = arith.subf %get3A_472, %get3A_476 : vector<16xf32>
        %swap3A_478 = arith.index_cast %add3A_246 : i32 to index
        %swap3A_479 = arith.constant 256 : index
        %swap3A_480 = tpu.vector_load %arg13[%swap3A_478, %swap3A_479] {strides = array<i32>} : memref<40x384xf32, #tpu.memory_space<vmem>>, vector<1x16xf32>,
        %swap3A_481 = vector.shape_cast %swap3A_480 : vector<1x16xf32> to vector<16xf32>
        %swap3A_482 = vector.shape_cast %sub3A_477 : vector<16xf32> to vector<1x16xf32>
        tpu.vector_store %arg13[%swap3A_478, %swap3A_479], %swap3A_482 {strides = array<i32>} : memref<40x384xf32, #tpu.memory_space<vmem>>, vector<1x16xf32>,
        %get3A_483 = arith.index_cast %add3A_246 : i32 to index
        %get3A_484 = arith.constant 272 : index
        %get3A_485 = tpu.vector_load %arg9[%get3A_483, %get3A_484] {strides = array<i32>} : memref<40x384xf32, #tpu.memory_space<vmem>>, vector<1x16xf32>,
        %get3A_486 = vector.shape_cast %get3A_485 : vector<1x16xf32> to vector<16xf32>
        %get3A_487 = arith.index_cast %add3A_246 : i32 to index
        %get3A_488 = arith.constant 272 : index
        %get3A_489 = tpu.vector_load %arg10[%get3A_487, %get3A_488] {strides = array<i32>} : memref<40x384xf32, #tpu.memory_space<vmem>>, vector<1x16xf32>,
        %get3A_490 = vector.shape_cast %get3A_489 : vector<1x16xf32> to vector<16xf32>
        %sub3A_491 = arith.subf %get3A_486, %get3A_490 : vector<16xf32>
        %swap3A_492 = arith.index_cast %add3A_246 : i32 to index
        %swap3A_493 = arith.constant 272 : index
        %swap3A_494 = tpu.vector_load %arg13[%swap3A_492, %swap3A_493] {strides = array<i32>} : memref<40x384xf32, #tpu.memory_space<vmem>>, vector<1x16xf32>,
        %swap3A_495 = vector.shape_cast %swap3A_494 : vector<1x16xf32> to vector<16xf32>
        %swap3A_496 = vector.shape_cast %sub3A_491 : vector<16xf32> to vector<1x16xf32>
        tpu.vector_store %arg13[%swap3A_492, %swap3A_493], %swap3A_496 {strides = array<i32>} : memref<40x384xf32, #tpu.memory_space<vmem>>, vector<1x16xf32>,
        %get3A_497 = arith.index_cast %add3A_246 : i32 to index
        %get3A_498 = arith.constant 288 : index
        %get3A_499 = tpu.vector_load %arg9[%get3A_497, %get3A_498] {strides = array<i32>} : memref<40x384xf32, #tpu.memory_space<vmem>>, vector<1x16xf32>,
        %get3A_500 = vector.shape_cast %get3A_499 : vector<1x16xf32> to vector<16xf32>
        %get3A_501 = arith.index_cast %add3A_246 : i32 to index
        %get3A_502 = arith.constant 288 : index
        %get3A_503 = tpu.vector_load %arg10[%get3A_501, %get3A_502] {strides = array<i32>} : memref<40x384xf32, #tpu.memory_space<vmem>>, vector<1x16xf32>,
        %get3A_504 = vector.shape_cast %get3A_503 : vector<1x16xf32> to vector<16xf32>
        %sub3A_505 = arith.subf %get3A_500, %get3A_504 : vector<16xf32>
        %swap3A_506 = arith.index_cast %add3A_246 : i32 to index
        %swap3A_507 = arith.constant 288 : index
        %swap3A_508 = tpu.vector_load %arg13[%swap3A_506, %swap3A_507] {strides = array<i32>} : memref<40x384xf32, #tpu.memory_space<vmem>>, vector<1x16xf32>,
        %swap3A_509 = vector.shape_cast %swap3A_508 : vector<1x16xf32> to vector<16xf32>
        %swap3A_510 = vector.shape_cast %sub3A_505 : vector<16xf32> to vector<1x16xf32>
        tpu.vector_store %arg13[%swap3A_506, %swap3A_507], %swap3A_510 {strides = array<i32>} : memref<40x384xf32, #tpu.memory_space<vmem>>, vector<1x16xf32>,
        %get3A_511 = arith.index_cast %add3A_246 : i32 to index
        %get3A_512 = arith.constant 304 : index
        %get3A_513 = tpu.vector_load %arg9[%get3A_511, %get3A_512] {strides = array<i32>} : memref<40x384xf32, #tpu.memory_space<vmem>>, vector<1x16xf32>,
        %get3A_514 = vector.shape_cast %get3A_513 : vector<1x16xf32> to vector<16xf32>
        %get3A_515 = arith.index_cast %add3A_246 : i32 to index
        %get3A_516 = arith.constant 304 : index
        %get3A_517 = tpu.vector_load %arg10[%get3A_515, %get3A_516] {strides = array<i32>} : memref<40x384xf32, #tpu.memory_space<vmem>>, vector<1x16xf32>,
        %get3A_518 = vector.shape_cast %get3A_517 : vector<1x16xf32> to vector<16xf32>
        %sub3A_519 = arith.subf %get3A_514, %get3A_518 : vector<16xf32>
        %swap3A_520 = arith.index_cast %add3A_246 : i32 to index
        %swap3A_521 = arith.constant 304 : index
        %swap3A_522 = tpu.vector_load %arg13[%swap3A_520, %swap3A_521] {strides = array<i32>} : memref<40x384xf32, #tpu.memory_space<vmem>>, vector<1x16xf32>,
        %swap3A_523 = vector.shape_cast %swap3A_522 : vector<1x16xf32> to vector<16xf32>
        %swap3A_524 = vector.shape_cast %sub3A_519 : vector<16xf32> to vector<1x16xf32>
        tpu.vector_store %arg13[%swap3A_520, %swap3A_521], %swap3A_524 {strides = array<i32>} : memref<40x384xf32, #tpu.memory_space<vmem>>, vector<1x16xf32>,
        %get3A_525 = arith.index_cast %add3A_246 : i32 to index
        %get3A_526 = arith.constant 320 : index
        %get3A_527 = tpu.vector_load %arg9[%get3A_525, %get3A_526] {strides = array<i32>} : memref<40x384xf32, #tpu.memory_space<vmem>>, vector<1x16xf32>,
        %get3A_528 = vector.shape_cast %get3A_527 : vector<1x16xf32> to vector<16xf32>
        %get3A_529 = arith.index_cast %add3A_246 : i32 to index
        %get3A_530 = arith.constant 320 : index
        %get3A_531 = tpu.vector_load %arg10[%get3A_529, %get3A_530] {strides = array<i32>} : memref<40x384xf32, #tpu.memory_space<vmem>>, vector<1x16xf32>,
        %get3A_532 = vector.shape_cast %get3A_531 : vector<1x16xf32> to vector<16xf32>
        %sub3A_533 = arith.subf %get3A_528, %get3A_532 : vector<16xf32>
        %swap3A_534 = arith.index_cast %add3A_246 : i32 to index
        %swap3A_535 = arith.constant 320 : index
        %swap3A_536 = tpu.vector_load %arg13[%swap3A_534, %swap3A_535] {strides = array<i32>} : memref<40x384xf32, #tpu.memory_space<vmem>>, vector<1x16xf32>,
        %swap3A_537 = vector.shape_cast %swap3A_536 : vector<1x16xf32> to vector<16xf32>
        %swap3A_538 = vector.shape_cast %sub3A_533 : vector<16xf32> to vector<1x16xf32>
        tpu.vector_store %arg13[%swap3A_534, %swap3A_535], %swap3A_538 {strides = array<i32>} : memref<40x384xf32, #tpu.memory_space<vmem>>, vector<1x16xf32>,
        %get3A_539 = arith.index_cast %add3A_246 : i32 to index
        %get3A_540 = arith.constant 336 : index
        %get3A_541 = tpu.vector_load %arg9[%get3A_539, %get3A_540] {strides = array<i32>} : memref<40x384xf32, #tpu.memory_space<vmem>>, vector<1x16xf32>,
        %get3A_542 = vector.shape_cast %get3A_541 : vector<1x16xf32> to vector<16xf32>
        %get3A_543 = arith.index_cast %add3A_246 : i32 to index
        %get3A_544 = arith.constant 336 : index
        %get3A_545 = tpu.vector_load %arg10[%get3A_543, %get3A_544] {strides = array<i32>} : memref<40x384xf32, #tpu.memory_space<vmem>>, vector<1x16xf32>,
        %get3A_546 = vector.shape_cast %get3A_545 : vector<1x16xf32> to vector<16xf32>
        %sub3A_547 = arith.subf %get3A_542, %get3A_546 : vector<16xf32>
        %swap3A_548 = arith.index_cast %add3A_246 : i32 to index
        %swap3A_549 = arith.constant 336 : index
        %swap3A_550 = tpu.vector_load %arg13[%swap3A_548, %swap3A_549] {strides = array<i32>} : memref<40x384xf32, #tpu.memory_space<vmem>>, vector<1x16xf32>,
        %swap3A_551 = vector.shape_cast %swap3A_550 : vector<1x16xf32> to vector<16xf32>
        %swap3A_552 = vector.shape_cast %sub3A_547 : vector<16xf32> to vector<1x16xf32>
        tpu.vector_store %arg13[%swap3A_548, %swap3A_549], %swap3A_552 {strides = array<i32>} : memref<40x384xf32, #tpu.memory_space<vmem>>, vector<1x16xf32>,
        %get3A_553 = arith.index_cast %add3A_246 : i32 to index
        %get3A_554 = arith.constant 352 : index
        %get3A_555 = tpu.vector_load %arg9[%get3A_553, %get3A_554] {strides = array<i32>} : memref<40x384xf32, #tpu.memory_space<vmem>>, vector<1x16xf32>,
        %get3A_556 = vector.shape_cast %get3A_555 : vector<1x16xf32> to vector<16xf32>
        %get3A_557 = arith.index_cast %add3A_246 : i32 to index
        %get3A_558 = arith.constant 352 : index
        %get3A_559 = tpu.vector_load %arg10[%get3A_557, %get3A_558] {strides = array<i32>} : memref<40x384xf32, #tpu.memory_space<vmem>>, vector<1x16xf32>,
        %get3A_560 = vector.shape_cast %get3A_559 : vector<1x16xf32> to vector<16xf32>
        %sub3A_561 = arith.subf %get3A_556, %get3A_560 : vector<16xf32>
        %swap3A_562 = arith.index_cast %add3A_246 : i32 to index
        %swap3A_563 = arith.constant 352 : index
        %swap3A_564 = tpu.vector_load %arg13[%swap3A_562, %swap3A_563] {strides = array<i32>} : memref<40x384xf32, #tpu.memory_space<vmem>>, vector<1x16xf32>,
        %swap3A_565 = vector.shape_cast %swap3A_564 : vector<1x16xf32> to vector<16xf32>
        %swap3A_566 = vector.shape_cast %sub3A_561 : vector<16xf32> to vector<1x16xf32>
        tpu.vector_store %arg13[%swap3A_562, %swap3A_563], %swap3A_566 {strides = array<i32>} : memref<40x384xf32, #tpu.memory_space<vmem>>, vector<1x16xf32>,
        %get3A_567 = arith.index_cast %add3A_246 : i32 to index
        %get3A_568 = arith.constant 368 : index
        %get3A_569 = tpu.vector_load %arg9[%get3A_567, %get3A_568] {strides = array<i32>} : memref<40x384xf32, #tpu.memory_space<vmem>>, vector<1x16xf32>,
        %get3A_570 = vector.shape_cast %get3A_569 : vector<1x16xf32> to vector<16xf32>
        %get3A_571 = arith.index_cast %add3A_246 : i32 to index
        %get3A_572 = arith.constant 368 : index
        %get3A_573 = tpu.vector_load %arg10[%get3A_571, %get3A_572] {strides = array<i32>} : memref<40x384xf32, #tpu.memory_space<vmem>>, vector<1x16xf32>,
        %get3A_574 = vector.shape_cast %get3A_573 : vector<1x16xf32> to vector<16xf32>
        %sub3A_575 = arith.subf %get3A_570, %get3A_574 : vector<16xf32>
        %swap3A_576 = arith.index_cast %add3A_246 : i32 to index
        %swap3A_577 = arith.constant 368 : index
        %swap3A_578 = tpu.vector_load %arg13[%swap3A_576, %swap3A_577] {strides = array<i32>} : memref<40x384xf32, #tpu.memory_space<vmem>>, vector<1x16xf32>,
        %swap3A_579 = vector.shape_cast %swap3A_578 : vector<1x16xf32> to vector<16xf32>
        %swap3A_580 = vector.shape_cast %sub3A_575 : vector<16xf32> to vector<1x16xf32>
        tpu.vector_store %arg13[%swap3A_576, %swap3A_577], %swap3A_580 {strides = array<i32>} : memref<40x384xf32, #tpu.memory_space<vmem>>, vector<1x16xf32>,
      }
      %scan3A_183 = arith.constant 40 : i32
      %mul3A_184 = arith.constant 40 : i32
      %mul3A_185 = arith.muli %add3A_144, %mul3A_184 : i32
      %add3A_186 = arith.addi %mul3A_2, %mul3A_185 : i32
      %dma_start3A_187 = arith.constant 0 : i32
      %dma_start3A_188 = tpu.memref_slice %arg6[%add3A_186, %dma_start3A_187] : memref<160000x384xf32, #tpu.memory_space<hbm>> -> memref<40x384xf32, #tpu.memory_space<hbm>>
      %dma_start3A_189 = arith.constant 0 : i32
      %dma_start3A_190 = tpu.memref_slice %arg6[%add3A_186, %dma_start3A_189] : memref<160000x384xf32, #tpu.memory_space<hbm>> -> memref<40x384xf32, #tpu.memory_space<hbm>>
      tpu.enqueue_dma source(%arg13 : memref<40x384xf32, #tpu.memory_space<vmem>>) target(%dma_start3A_190 : memref<40x384xf32, #tpu.memory_space<hbm>>) target_semaphore(%arg17 : memref<!tpu.dma_semaphore, #tpu.memory_space<semaphore_mem>>)
      %add3A_191 = arith.constant 1 : i32
      %add3A_192 = arith.addi %add3A_144, %add3A_191 : i32
      %dma_wait3A_193 = arith.constant 0 : i32
      %dma_wait3A_194 = tpu.memref_slice %arg7[%add3A_192, %dma_wait3A_193] : memref<125x40xi32, #tpu.memory_space<vmem>> -> memref<1x40xi32, #tpu.memory_space<vmem>>
      %dma_wait3A_195 = tpu.memref_squeeze %dma_wait3A_194 : memref<1x40xi32, #tpu.memory_space<vmem>> -> memref<40xi32, #tpu.memory_space<vmem>>
      %dma_wait3A_196 = arith.constant 0 : i32
      %dma_wait3A_197 = arith.constant 0 : i32
      %dma_wait3A_198 = tpu.memref_slice %arg2[%dma_wait3A_196, %dma_wait3A_197] : memref<10000x384xf32, #tpu.memory_space<hbm>> -> memref<10000x384xf32, #tpu.memory_space<hbm>>
      tpu.wait_indirect_dma semaphore(%arg16 : memref<!tpu.dma_semaphore, #tpu.memory_space<semaphore_mem>>) src(%dma_wait3A_198 : memref<10000x384xf32, #tpu.memory_space<hbm>>) dst(%arg11 : memref<40x384xf32, #tpu.memory_space<vmem>>)
      %dma_wait3A_199 = arith.constant 0 : i32
      %dma_wait3A_200 = tpu.memref_slice %arg8[%add3A_192, %dma_wait3A_199] : memref<125x40xi32, #tpu.memory_space<vmem>> -> memref<1x40xi32, #tpu.memory_space<vmem>>
      %dma_wait3A_201 = tpu.memref_squeeze %dma_wait3A_200 : memref<1x40xi32, #tpu.memory_space<vmem>> -> memref<40xi32, #tpu.memory_space<vmem>>
      %dma_wait3A_202 = arith.constant 0 : i32
      %dma_wait3A_203 = arith.constant 0 : i32
      %dma_wait3A_204 = tpu.memref_slice %arg3[%dma_wait3A_202, %dma_wait3A_203] : memref<10000x384xf32, #tpu.memory_space<hbm>> -> memref<10000x384xf32, #tpu.memory_space<hbm>>
      tpu.wait_indirect_dma semaphore(%arg16 : memref<!tpu.dma_semaphore, #tpu.memory_space<semaphore_mem>>) src(%dma_wait3A_204 : memref<10000x384xf32, #tpu.memory_space<hbm>>) dst(%arg12 : memref<40x384xf32, #tpu.memory_space<vmem>>)
      %add3A_205 = arith.constant 2 : i32
      %add3A_206 = arith.addi %add3A_144, %add3A_205 : i32
      %dma_start3A_207 = arith.constant 0 : i32
      %dma_start3A_208 = tpu.memref_slice %arg7[%add3A_206, %dma_start3A_207] : memref<125x40xi32, #tpu.memory_space<vmem>> -> memref<1x40xi32, #tpu.memory_space<vmem>>
      %dma_start3A_209 = tpu.memref_squeeze %dma_start3A_208 : memref<1x40xi32, #tpu.memory_space<vmem>> -> memref<40xi32, #tpu.memory_space<vmem>>
      %dma_start3A_210 = arith.constant 0 : i32
      %dma_start3A_211 = arith.constant 0 : i32
      %dma_start3A_212 = tpu.memref_slice %arg2[%dma_start3A_210, %dma_start3A_211] : memref<10000x384xf32, #tpu.memory_space<hbm>> -> memref<10000x384xf32, #tpu.memory_space<hbm>>
      tpu.enqueue_indirect_dma source(%dma_start3A_212 : memref<10000x384xf32, #tpu.memory_space<hbm>>) target(%arg9 : memref<40x384xf32, #tpu.memory_space<vmem>>) offsets(%dma_start3A_209 : memref<40xi32, #tpu.memory_space<vmem>>) semaphore(%arg15 : memref<!tpu.dma_semaphore, #tpu.memory_space<semaphore_mem>>)
      %dma_start3A_213 = arith.constant 0 : i32
      %dma_start3A_214 = tpu.memref_slice %arg8[%add3A_206, %dma_start3A_213] : memref<125x40xi32, #tpu.memory_space<vmem>> -> memref<1x40xi32, #tpu.memory_space<vmem>>
      %dma_start3A_215 = tpu.memref_squeeze %dma_start3A_214 : memref<1x40xi32, #tpu.memory_space<vmem>> -> memref<40xi32, #tpu.memory_space<vmem>>
      %dma_start3A_216 = arith.constant 0 : i32
      %dma_start3A_217 = arith.constant 0 : i32
      %dma_start3A_218 = tpu.memref_slice %arg3[%dma_start3A_216, %dma_start3A_217] : memref<10000x384xf32, #tpu.memory_space<hbm>> -> memref<10000x384xf32, #tpu.memory_space<hbm>>
      tpu.enqueue_indirect_dma source(%dma_start3A_218 : memref<10000x384xf32, #tpu.memory_space<hbm>>) target(%arg10 : memref<40x384xf32, #tpu.memory_space<vmem>>) offsets(%dma_start3A_215 : memref<40xi32, #tpu.memory_space<vmem>>) semaphore(%arg15 : memref<!tpu.dma_semaphore, #tpu.memory_space<semaphore_mem>>)
      %sub3A_219 = arith.constant 1 : i32
      %sub3A_220 = arith.subi %add3A_144, %sub3A_219 : i32
      %mul3A_221 = arith.constant 40 : i32
      %mul3A_222 = arith.muli %sub3A_220, %mul3A_221 : i32
      %add3A_223 = arith.addi %mul3A_2, %mul3A_222 : i32
      %dma_wait3A_224 = arith.constant 0 : i32
      %dma_wait3A_225 = tpu.memref_slice %arg6[%add3A_223, %dma_wait3A_224] : memref<160000x384xf32, #tpu.memory_space<hbm>> -> memref<40x384xf32, #tpu.memory_space<hbm>>
      %dma_wait3A_226 = arith.constant 0 : i32
      %dma_wait3A_227 = tpu.memref_slice %arg6[%add3A_223, %dma_wait3A_226] : memref<160000x384xf32, #tpu.memory_space<hbm>> -> memref<40x384xf32, #tpu.memory_space<hbm>>
      tpu.wait_dma2 semaphore(%arg18 : memref<!tpu.dma_semaphore, #tpu.memory_space<semaphore_mem>>) src(%arg14 : memref<40x384xf32, #tpu.memory_space<vmem>>) dst(%dma_wait3A_227 : memref<40x384xf32, #tpu.memory_space<hbm>>)
      %scan3A_228 = arith.constant 0 : i32
      %scan3A_229 = arith.constant 40 : i32
      %scan3A_230 = arith.addi %scan3A_228, %scan3A_229 : i32
      %scan3A_231 = arith.constant 1 : i32
      scf.for %scan3A_242 = %scan3A_228 to %scan3A_230 step %scan3A_231  : i32 {
        %mul3A_243 = arith.constant 1 : i32
        %mul3A_244 = arith.muli %scan3A_242, %mul3A_243 : i32
        %add3A_245 = arith.constant 0 : i32
        %add3A_246 = arith.addi %add3A_245, %mul3A_244 : i32
        %get3A = arith.index_cast %add3A_246 : i32 to index
        %get3A_247 = arith.constant 0 : index
        %get3A_248 = tpu.vector_load %arg11[%get3A, %get3A_247] {strides = array<i32>} : memref<40x384xf32, #tpu.memory_space<vmem>>, vector<1x16xf32>,
        %get3A_249 = vector.shape_cast %get3A_248 : vector<1x16xf32> to vector<16xf32>
        %get3A_250 = arith.index_cast %add3A_246 : i32 to index
        %get3A_251 = arith.constant 0 : index
        %get3A_252 = tpu.vector_load %arg12[%get3A_250, %get3A_251] {strides = array<i32>} : memref<40x384xf32, #tpu.memory_space<vmem>>, vector<1x16xf32>,
        %get3A_253 = vector.shape_cast %get3A_252 : vector<1x16xf32> to vector<16xf32>
        %add3A_254 = arith.addf %get3A_249, %get3A_253 : vector<16xf32>
        %swap3A = arith.index_cast %add3A_246 : i32 to index
        %swap3A_255 = arith.constant 0 : index
        %swap3A_256 = tpu.vector_load %arg14[%swap3A, %swap3A_255] {strides = array<i32>} : memref<40x384xf32, #tpu.memory_space<vmem>>, vector<1x16xf32>,
        %swap3A_257 = vector.shape_cast %swap3A_256 : vector<1x16xf32> to vector<16xf32>
        %swap3A_258 = vector.shape_cast %add3A_254 : vector<16xf32> to vector<1x16xf32>
        tpu.vector_store %arg14[%swap3A, %swap3A_255], %swap3A_258 {strides = array<i32>} : memref<40x384xf32, #tpu.memory_space<vmem>>, vector<1x16xf32>,
        %get3A_259 = arith.index_cast %add3A_246 : i32 to index
        %get3A_260 = arith.constant 16 : index
        %get3A_261 = tpu.vector_load %arg11[%get3A_259, %get3A_260] {strides = array<i32>} : memref<40x384xf32, #tpu.memory_space<vmem>>, vector<1x16xf32>,
        %get3A_262 = vector.shape_cast %get3A_261 : vector<1x16xf32> to vector<16xf32>
        %get3A_263 = arith.index_cast %add3A_246 : i32 to index
        %get3A_264 = arith.constant 16 : index
        %get3A_265 = tpu.vector_load %arg12[%get3A_263, %get3A_264] {strides = array<i32>} : memref<40x384xf32, #tpu.memory_space<vmem>>, vector<1x16xf32>,
        %get3A_266 = vector.shape_cast %get3A_265 : vector<1x16xf32> to vector<16xf32>
        %add3A_267 = arith.addf %get3A_262, %get3A_266 : vector<16xf32>
        %swap3A_268 = arith.index_cast %add3A_246 : i32 to index
        %swap3A_269 = arith.constant 16 : index
        %swap3A_270 = tpu.vector_load %arg14[%swap3A_268, %swap3A_269] {strides = array<i32>} : memref<40x384xf32, #tpu.memory_space<vmem>>, vector<1x16xf32>,
        %swap3A_271 = vector.shape_cast %swap3A_270 : vector<1x16xf32> to vector<16xf32>
        %swap3A_272 = vector.shape_cast %add3A_267 : vector<16xf32> to vector<1x16xf32>
        tpu.vector_store %arg14[%swap3A_268, %swap3A_269], %swap3A_272 {strides = array<i32>} : memref<40x384xf32, #tpu.memory_space<vmem>>, vector<1x16xf32>,
        %get3A_273 = arith.index_cast %add3A_246 : i32 to index
        %get3A_274 = arith.constant 32 : index
        %get3A_275 = tpu.vector_load %arg11[%get3A_273, %get3A_274] {strides = array<i32>} : memref<40x384xf32, #tpu.memory_space<vmem>>, vector<1x16xf32>,
        %get3A_276 = vector.shape_cast %get3A_275 : vector<1x16xf32> to vector<16xf32>
        %get3A_277 = arith.index_cast %add3A_246 : i32 to index
        %get3A_278 = arith.constant 32 : index
        %get3A_279 = tpu.vector_load %arg12[%get3A_277, %get3A_278] {strides = array<i32>} : memref<40x384xf32, #tpu.memory_space<vmem>>, vector<1x16xf32>,
        %get3A_280 = vector.shape_cast %get3A_279 : vector<1x16xf32> to vector<16xf32>
        %add3A_281 = arith.addf %get3A_276, %get3A_280 : vector<16xf32>
        %swap3A_282 = arith.index_cast %add3A_246 : i32 to index
        %swap3A_283 = arith.constant 32 : index
        %swap3A_284 = tpu.vector_load %arg14[%swap3A_282, %swap3A_283] {strides = array<i32>} : memref<40x384xf32, #tpu.memory_space<vmem>>, vector<1x16xf32>,
        %swap3A_285 = vector.shape_cast %swap3A_284 : vector<1x16xf32> to vector<16xf32>
        %swap3A_286 = vector.shape_cast %add3A_281 : vector<16xf32> to vector<1x16xf32>
        tpu.vector_store %arg14[%swap3A_282, %swap3A_283], %swap3A_286 {strides = array<i32>} : memref<40x384xf32, #tpu.memory_space<vmem>>, vector<1x16xf32>,
        %get3A_287 = arith.index_cast %add3A_246 : i32 to index
        %get3A_288 = arith.constant 48 : index
        %get3A_289 = tpu.vector_load %arg11[%get3A_287, %get3A_288] {strides = array<i32>} : memref<40x384xf32, #tpu.memory_space<vmem>>, vector<1x16xf32>,
        %get3A_290 = vector.shape_cast %get3A_289 : vector<1x16xf32> to vector<16xf32>
        %get3A_291 = arith.index_cast %add3A_246 : i32 to index
        %get3A_292 = arith.constant 48 : index
        %get3A_293 = tpu.vector_load %arg12[%get3A_291, %get3A_292] {strides = array<i32>} : memref<40x384xf32, #tpu.memory_space<vmem>>, vector<1x16xf32>,
        %get3A_294 = vector.shape_cast %get3A_293 : vector<1x16xf32> to vector<16xf32>
        %add3A_295 = arith.addf %get3A_290, %get3A_294 : vector<16xf32>
        %swap3A_296 = arith.index_cast %add3A_246 : i32 to index
        %swap3A_297 = arith.constant 48 : index
        %swap3A_298 = tpu.vector_load %arg14[%swap3A_296, %swap3A_297] {strides = array<i32>} : memref<40x384xf32, #tpu.memory_space<vmem>>, vector<1x16xf32>,
        %swap3A_299 = vector.shape_cast %swap3A_298 : vector<1x16xf32> to vector<16xf32>
        %swap3A_300 = vector.shape_cast %add3A_295 : vector<16xf32> to vector<1x16xf32>
        tpu.vector_store %arg14[%swap3A_296, %swap3A_297], %swap3A_300 {strides = array<i32>} : memref<40x384xf32, #tpu.memory_space<vmem>>, vector<1x16xf32>,
        %get3A_301 = arith.index_cast %add3A_246 : i32 to index
        %get3A_302 = arith.constant 64 : index
        %get3A_303 = tpu.vector_load %arg11[%get3A_301, %get3A_302] {strides = array<i32>} : memref<40x384xf32, #tpu.memory_space<vmem>>, vector<1x16xf32>,
        %get3A_304 = vector.shape_cast %get3A_303 : vector<1x16xf32> to vector<16xf32>
        %get3A_305 = arith.index_cast %add3A_246 : i32 to index
        %get3A_306 = arith.constant 64 : index
        %get3A_307 = tpu.vector_load %arg12[%get3A_305, %get3A_306] {strides = array<i32>} : memref<40x384xf32, #tpu.memory_space<vmem>>, vector<1x16xf32>,
        %get3A_308 = vector.shape_cast %get3A_307 : vector<1x16xf32> to vector<16xf32>
        %add3A_309 = arith.addf %get3A_304, %get3A_308 : vector<16xf32>
        %swap3A_310 = arith.index_cast %add3A_246 : i32 to index
        %swap3A_311 = arith.constant 64 : index
        %swap3A_312 = tpu.vector_load %arg14[%swap3A_310, %swap3A_311] {strides = array<i32>} : memref<40x384xf32, #tpu.memory_space<vmem>>, vector<1x16xf32>,
        %swap3A_313 = vector.shape_cast %swap3A_312 : vector<1x16xf32> to vector<16xf32>
        %swap3A_314 = vector.shape_cast %add3A_309 : vector<16xf32> to vector<1x16xf32>
        tpu.vector_store %arg14[%swap3A_310, %swap3A_311], %swap3A_314 {strides = array<i32>} : memref<40x384xf32, #tpu.memory_space<vmem>>, vector<1x16xf32>,
        %get3A_315 = arith.index_cast %add3A_246 : i32 to index
        %get3A_316 = arith.constant 80 : index
        %get3A_317 = tpu.vector_load %arg11[%get3A_315, %get3A_316] {strides = array<i32>} : memref<40x384xf32, #tpu.memory_space<vmem>>, vector<1x16xf32>,
        %get3A_318 = vector.shape_cast %get3A_317 : vector<1x16xf32> to vector<16xf32>
        %get3A_319 = arith.index_cast %add3A_246 : i32 to index
        %get3A_320 = arith.constant 80 : index
        %get3A_321 = tpu.vector_load %arg12[%get3A_319, %get3A_320] {strides = array<i32>} : memref<40x384xf32, #tpu.memory_space<vmem>>, vector<1x16xf32>,
        %get3A_322 = vector.shape_cast %get3A_321 : vector<1x16xf32> to vector<16xf32>
        %add3A_323 = arith.addf %get3A_318, %get3A_322 : vector<16xf32>
        %swap3A_324 = arith.index_cast %add3A_246 : i32 to index
        %swap3A_325 = arith.constant 80 : index
        %swap3A_326 = tpu.vector_load %arg14[%swap3A_324, %swap3A_325] {strides = array<i32>} : memref<40x384xf32, #tpu.memory_space<vmem>>, vector<1x16xf32>,
        %swap3A_327 = vector.shape_cast %swap3A_326 : vector<1x16xf32> to vector<16xf32>
        %swap3A_328 = vector.shape_cast %add3A_323 : vector<16xf32> to vector<1x16xf32>
        tpu.vector_store %arg14[%swap3A_324, %swap3A_325], %swap3A_328 {strides = array<i32>} : memref<40x384xf32, #tpu.memory_space<vmem>>, vector<1x16xf32>,
        %get3A_329 = arith.index_cast %add3A_246 : i32 to index
        %get3A_330 = arith.constant 96 : index
        %get3A_331 = tpu.vector_load %arg11[%get3A_329, %get3A_330] {strides = array<i32>} : memref<40x384xf32, #tpu.memory_space<vmem>>, vector<1x16xf32>,
        %get3A_332 = vector.shape_cast %get3A_331 : vector<1x16xf32> to vector<16xf32>
        %get3A_333 = arith.index_cast %add3A_246 : i32 to index
        %get3A_334 = arith.constant 96 : index
        %get3A_335 = tpu.vector_load %arg12[%get3A_333, %get3A_334] {strides = array<i32>} : memref<40x384xf32, #tpu.memory_space<vmem>>, vector<1x16xf32>,
        %get3A_336 = vector.shape_cast %get3A_335 : vector<1x16xf32> to vector<16xf32>
        %add3A_337 = arith.addf %get3A_332, %get3A_336 : vector<16xf32>
        %swap3A_338 = arith.index_cast %add3A_246 : i32 to index
        %swap3A_339 = arith.constant 96 : index
        %swap3A_340 = tpu.vector_load %arg14[%swap3A_338, %swap3A_339] {strides = array<i32>} : memref<40x384xf32, #tpu.memory_space<vmem>>, vector<1x16xf32>,
        %swap3A_341 = vector.shape_cast %swap3A_340 : vector<1x16xf32> to vector<16xf32>
        %swap3A_342 = vector.shape_cast %add3A_337 : vector<16xf32> to vector<1x16xf32>
        tpu.vector_store %arg14[%swap3A_338, %swap3A_339], %swap3A_342 {strides = array<i32>} : memref<40x384xf32, #tpu.memory_space<vmem>>, vector<1x16xf32>,
        %get3A_343 = arith.index_cast %add3A_246 : i32 to index
        %get3A_344 = arith.constant 112 : index
        %get3A_345 = tpu.vector_load %arg11[%get3A_343, %get3A_344] {strides = array<i32>} : memref<40x384xf32, #tpu.memory_space<vmem>>, vector<1x16xf32>,
        %get3A_346 = vector.shape_cast %get3A_345 : vector<1x16xf32> to vector<16xf32>
        %get3A_347 = arith.index_cast %add3A_246 : i32 to index
        %get3A_348 = arith.constant 112 : index
        %get3A_349 = tpu.vector_load %arg12[%get3A_347, %get3A_348] {strides = array<i32>} : memref<40x384xf32, #tpu.memory_space<vmem>>, vector<1x16xf32>,
        %get3A_350 = vector.shape_cast %get3A_349 : vector<1x16xf32> to vector<16xf32>
        %add3A_351 = arith.addf %get3A_346, %get3A_350 : vector<16xf32>
        %swap3A_352 = arith.index_cast %add3A_246 : i32 to index
        %swap3A_353 = arith.constant 112 : index
        %swap3A_354 = tpu.vector_load %arg14[%swap3A_352, %swap3A_353] {strides = array<i32>} : memref<40x384xf32, #tpu.memory_space<vmem>>, vector<1x16xf32>,
        %swap3A_355 = vector.shape_cast %swap3A_354 : vector<1x16xf32> to vector<16xf32>
        %swap3A_356 = vector.shape_cast %add3A_351 : vector<16xf32> to vector<1x16xf32>
        tpu.vector_store %arg14[%swap3A_352, %swap3A_353], %swap3A_356 {strides = array<i32>} : memref<40x384xf32, #tpu.memory_space<vmem>>, vector<1x16xf32>,
        %get3A_357 = arith.index_cast %add3A_246 : i32 to index
        %get3A_358 = arith.constant 128 : index
        %get3A_359 = tpu.vector_load %arg11[%get3A_357, %get3A_358] {strides = array<i32>} : memref<40x384xf32, #tpu.memory_space<vmem>>, vector<1x16xf32>,
        %get3A_360 = vector.shape_cast %get3A_359 : vector<1x16xf32> to vector<16xf32>
        %get3A_361 = arith.index_cast %add3A_246 : i32 to index
        %get3A_362 = arith.constant 128 : index
        %get3A_363 = tpu.vector_load %arg12[%get3A_361, %get3A_362] {strides = array<i32>} : memref<40x384xf32, #tpu.memory_space<vmem>>, vector<1x16xf32>,
        %get3A_364 = vector.shape_cast %get3A_363 : vector<1x16xf32> to vector<16xf32>
        %add3A_365 = arith.addf %get3A_360, %get3A_364 : vector<16xf32>
        %swap3A_366 = arith.index_cast %add3A_246 : i32 to index
        %swap3A_367 = arith.constant 128 : index
        %swap3A_368 = tpu.vector_load %arg14[%swap3A_366, %swap3A_367] {strides = array<i32>} : memref<40x384xf32, #tpu.memory_space<vmem>>, vector<1x16xf32>,
        %swap3A_369 = vector.shape_cast %swap3A_368 : vector<1x16xf32> to vector<16xf32>
        %swap3A_370 = vector.shape_cast %add3A_365 : vector<16xf32> to vector<1x16xf32>
        tpu.vector_store %arg14[%swap3A_366, %swap3A_367], %swap3A_370 {strides = array<i32>} : memref<40x384xf32, #tpu.memory_space<vmem>>, vector<1x16xf32>,
        %get3A_371 = arith.index_cast %add3A_246 : i32 to index
        %get3A_372 = arith.constant 144 : index
        %get3A_373 = tpu.vector_load %arg11[%get3A_371, %get3A_372] {strides = array<i32>} : memref<40x384xf32, #tpu.memory_space<vmem>>, vector<1x16xf32>,
        %get3A_374 = vector.shape_cast %get3A_373 : vector<1x16xf32> to vector<16xf32>
        %get3A_375 = arith.index_cast %add3A_246 : i32 to index
        %get3A_376 = arith.constant 144 : index
        %get3A_377 = tpu.vector_load %arg12[%get3A_375, %get3A_376] {strides = array<i32>} : memref<40x384xf32, #tpu.memory_space<vmem>>, vector<1x16xf32>,
        %get3A_378 = vector.shape_cast %get3A_377 : vector<1x16xf32> to vector<16xf32>
        %add3A_379 = arith.addf %get3A_374, %get3A_378 : vector<16xf32>
        %swap3A_380 = arith.index_cast %add3A_246 : i32 to index
        %swap3A_381 = arith.constant 144 : index
        %swap3A_382 = tpu.vector_load %arg14[%swap3A_380, %swap3A_381] {strides = array<i32>} : memref<40x384xf32, #tpu.memory_space<vmem>>, vector<1x16xf32>,
        %swap3A_383 = vector.shape_cast %swap3A_382 : vector<1x16xf32> to vector<16xf32>
        %swap3A_384 = vector.shape_cast %add3A_379 : vector<16xf32> to vector<1x16xf32>
        tpu.vector_store %arg14[%swap3A_380, %swap3A_381], %swap3A_384 {strides = array<i32>} : memref<40x384xf32, #tpu.memory_space<vmem>>, vector<1x16xf32>,
        %get3A_385 = arith.index_cast %add3A_246 : i32 to index
        %get3A_386 = arith.constant 160 : index
        %get3A_387 = tpu.vector_load %arg11[%get3A_385, %get3A_386] {strides = array<i32>} : memref<40x384xf32, #tpu.memory_space<vmem>>, vector<1x16xf32>,
        %get3A_388 = vector.shape_cast %get3A_387 : vector<1x16xf32> to vector<16xf32>
        %get3A_389 = arith.index_cast %add3A_246 : i32 to index
        %get3A_390 = arith.constant 160 : index
        %get3A_391 = tpu.vector_load %arg12[%get3A_389, %get3A_390] {strides = array<i32>} : memref<40x384xf32, #tpu.memory_space<vmem>>, vector<1x16xf32>,
        %get3A_392 = vector.shape_cast %get3A_391 : vector<1x16xf32> to vector<16xf32>
        %add3A_393 = arith.addf %get3A_388, %get3A_392 : vector<16xf32>
        %swap3A_394 = arith.index_cast %add3A_246 : i32 to index
        %swap3A_395 = arith.constant 160 : index
        %swap3A_396 = tpu.vector_load %arg14[%swap3A_394, %swap3A_395] {strides = array<i32>} : memref<40x384xf32, #tpu.memory_space<vmem>>, vector<1x16xf32>,
        %swap3A_397 = vector.shape_cast %swap3A_396 : vector<1x16xf32> to vector<16xf32>
        %swap3A_398 = vector.shape_cast %add3A_393 : vector<16xf32> to vector<1x16xf32>
        tpu.vector_store %arg14[%swap3A_394, %swap3A_395], %swap3A_398 {strides = array<i32>} : memref<40x384xf32, #tpu.memory_space<vmem>>, vector<1x16xf32>,
        %get3A_399 = arith.index_cast %add3A_246 : i32 to index
        %get3A_400 = arith.constant 176 : index
        %get3A_401 = tpu.vector_load %arg11[%get3A_399, %get3A_400] {strides = array<i32>} : memref<40x384xf32, #tpu.memory_space<vmem>>, vector<1x16xf32>,
        %get3A_402 = vector.shape_cast %get3A_401 : vector<1x16xf32> to vector<16xf32>
        %get3A_403 = arith.index_cast %add3A_246 : i32 to index
        %get3A_404 = arith.constant 176 : index
        %get3A_405 = tpu.vector_load %arg12[%get3A_403, %get3A_404] {strides = array<i32>} : memref<40x384xf32, #tpu.memory_space<vmem>>, vector<1x16xf32>,
        %get3A_406 = vector.shape_cast %get3A_405 : vector<1x16xf32> to vector<16xf32>
        %add3A_407 = arith.addf %get3A_402, %get3A_406 : vector<16xf32>
        %swap3A_408 = arith.index_cast %add3A_246 : i32 to index
        %swap3A_409 = arith.constant 176 : index
        %swap3A_410 = tpu.vector_load %arg14[%swap3A_408, %swap3A_409] {strides = array<i32>} : memref<40x384xf32, #tpu.memory_space<vmem>>, vector<1x16xf32>,
        %swap3A_411 = vector.shape_cast %swap3A_410 : vector<1x16xf32> to vector<16xf32>
        %swap3A_412 = vector.shape_cast %add3A_407 : vector<16xf32> to vector<1x16xf32>
        tpu.vector_store %arg14[%swap3A_408, %swap3A_409], %swap3A_412 {strides = array<i32>} : memref<40x384xf32, #tpu.memory_space<vmem>>, vector<1x16xf32>,
        %get3A_413 = arith.index_cast %add3A_246 : i32 to index
        %get3A_414 = arith.constant 192 : index
        %get3A_415 = tpu.vector_load %arg11[%get3A_413, %get3A_414] {strides = array<i32>} : memref<40x384xf32, #tpu.memory_space<vmem>>, vector<1x16xf32>,
        %get3A_416 = vector.shape_cast %get3A_415 : vector<1x16xf32> to vector<16xf32>
        %get3A_417 = arith.index_cast %add3A_246 : i32 to index
        %get3A_418 = arith.constant 192 : index
        %get3A_419 = tpu.vector_load %arg12[%get3A_417, %get3A_418] {strides = array<i32>} : memref<40x384xf32, #tpu.memory_space<vmem>>, vector<1x16xf32>,
        %get3A_420 = vector.shape_cast %get3A_419 : vector<1x16xf32> to vector<16xf32>
        %add3A_421 = arith.addf %get3A_416, %get3A_420 : vector<16xf32>
        %swap3A_422 = arith.index_cast %add3A_246 : i32 to index
        %swap3A_423 = arith.constant 192 : index
        %swap3A_424 = tpu.vector_load %arg14[%swap3A_422, %swap3A_423] {strides = array<i32>} : memref<40x384xf32, #tpu.memory_space<vmem>>, vector<1x16xf32>,
        %swap3A_425 = vector.shape_cast %swap3A_424 : vector<1x16xf32> to vector<16xf32>
        %swap3A_426 = vector.shape_cast %add3A_421 : vector<16xf32> to vector<1x16xf32>
        tpu.vector_store %arg14[%swap3A_422, %swap3A_423], %swap3A_426 {strides = array<i32>} : memref<40x384xf32, #tpu.memory_space<vmem>>, vector<1x16xf32>,
        %get3A_427 = arith.index_cast %add3A_246 : i32 to index
        %get3A_428 = arith.constant 208 : index
        %get3A_429 = tpu.vector_load %arg11[%get3A_427, %get3A_428] {strides = array<i32>} : memref<40x384xf32, #tpu.memory_space<vmem>>, vector<1x16xf32>,
        %get3A_430 = vector.shape_cast %get3A_429 : vector<1x16xf32> to vector<16xf32>
        %get3A_431 = arith.index_cast %add3A_246 : i32 to index
        %get3A_432 = arith.constant 208 : index
        %get3A_433 = tpu.vector_load %arg12[%get3A_431, %get3A_432] {strides = array<i32>} : memref<40x384xf32, #tpu.memory_space<vmem>>, vector<1x16xf32>,
        %get3A_434 = vector.shape_cast %get3A_433 : vector<1x16xf32> to vector<16xf32>
        %add3A_435 = arith.addf %get3A_430, %get3A_434 : vector<16xf32>
        %swap3A_436 = arith.index_cast %add3A_246 : i32 to index
        %swap3A_437 = arith.constant 208 : index
        %swap3A_438 = tpu.vector_load %arg14[%swap3A_436, %swap3A_437] {strides = array<i32>} : memref<40x384xf32, #tpu.memory_space<vmem>>, vector<1x16xf32>,
        %swap3A_439 = vector.shape_cast %swap3A_438 : vector<1x16xf32> to vector<16xf32>
        %swap3A_440 = vector.shape_cast %add3A_435 : vector<16xf32> to vector<1x16xf32>
        tpu.vector_store %arg14[%swap3A_436, %swap3A_437], %swap3A_440 {strides = array<i32>} : memref<40x384xf32, #tpu.memory_space<vmem>>, vector<1x16xf32>,
        %get3A_441 = arith.index_cast %add3A_246 : i32 to index
        %get3A_442 = arith.constant 224 : index
        %get3A_443 = tpu.vector_load %arg11[%get3A_441, %get3A_442] {strides = array<i32>} : memref<40x384xf32, #tpu.memory_space<vmem>>, vector<1x16xf32>,
        %get3A_444 = vector.shape_cast %get3A_443 : vector<1x16xf32> to vector<16xf32>
        %get3A_445 = arith.index_cast %add3A_246 : i32 to index
        %get3A_446 = arith.constant 224 : index
        %get3A_447 = tpu.vector_load %arg12[%get3A_445, %get3A_446] {strides = array<i32>} : memref<40x384xf32, #tpu.memory_space<vmem>>, vector<1x16xf32>,
        %get3A_448 = vector.shape_cast %get3A_447 : vector<1x16xf32> to vector<16xf32>
        %add3A_449 = arith.addf %get3A_444, %get3A_448 : vector<16xf32>
        %swap3A_450 = arith.index_cast %add3A_246 : i32 to index
        %swap3A_451 = arith.constant 224 : index
        %swap3A_452 = tpu.vector_load %arg14[%swap3A_450, %swap3A_451] {strides = array<i32>} : memref<40x384xf32, #tpu.memory_space<vmem>>, vector<1x16xf32>,
        %swap3A_453 = vector.shape_cast %swap3A_452 : vector<1x16xf32> to vector<16xf32>
        %swap3A_454 = vector.shape_cast %add3A_449 : vector<16xf32> to vector<1x16xf32>
        tpu.vector_store %arg14[%swap3A_450, %swap3A_451], %swap3A_454 {strides = array<i32>} : memref<40x384xf32, #tpu.memory_space<vmem>>, vector<1x16xf32>,
        %get3A_455 = arith.index_cast %add3A_246 : i32 to index
        %get3A_456 = arith.constant 240 : index
        %get3A_457 = tpu.vector_load %arg11[%get3A_455, %get3A_456] {strides = array<i32>} : memref<40x384xf32, #tpu.memory_space<vmem>>, vector<1x16xf32>,
        %get3A_458 = vector.shape_cast %get3A_457 : vector<1x16xf32> to vector<16xf32>
        %get3A_459 = arith.index_cast %add3A_246 : i32 to index
        %get3A_460 = arith.constant 240 : index
        %get3A_461 = tpu.vector_load %arg12[%get3A_459, %get3A_460] {strides = array<i32>} : memref<40x384xf32, #tpu.memory_space<vmem>>, vector<1x16xf32>,
        %get3A_462 = vector.shape_cast %get3A_461 : vector<1x16xf32> to vector<16xf32>
        %add3A_463 = arith.addf %get3A_458, %get3A_462 : vector<16xf32>
        %swap3A_464 = arith.index_cast %add3A_246 : i32 to index
        %swap3A_465 = arith.constant 240 : index
        %swap3A_466 = tpu.vector_load %arg14[%swap3A_464, %swap3A_465] {strides = array<i32>} : memref<40x384xf32, #tpu.memory_space<vmem>>, vector<1x16xf32>,
        %swap3A_467 = vector.shape_cast %swap3A_466 : vector<1x16xf32> to vector<16xf32>
        %swap3A_468 = vector.shape_cast %add3A_463 : vector<16xf32> to vector<1x16xf32>
        tpu.vector_store %arg14[%swap3A_464, %swap3A_465], %swap3A_468 {strides = array<i32>} : memref<40x384xf32, #tpu.memory_space<vmem>>, vector<1x16xf32>,
        %get3A_469 = arith.index_cast %add3A_246 : i32 to index
        %get3A_470 = arith.constant 256 : index
        %get3A_471 = tpu.vector_load %arg11[%get3A_469, %get3A_470] {strides = array<i32>} : memref<40x384xf32, #tpu.memory_space<vmem>>, vector<1x16xf32>,
        %get3A_472 = vector.shape_cast %get3A_471 : vector<1x16xf32> to vector<16xf32>
        %get3A_473 = arith.index_cast %add3A_246 : i32 to index
        %get3A_474 = arith.constant 256 : index
        %get3A_475 = tpu.vector_load %arg12[%get3A_473, %get3A_474] {strides = array<i32>} : memref<40x384xf32, #tpu.memory_space<vmem>>, vector<1x16xf32>,
        %get3A_476 = vector.shape_cast %get3A_475 : vector<1x16xf32> to vector<16xf32>
        %sub3A_477 = arith.subf %get3A_472, %get3A_476 : vector<16xf32>
        %swap3A_478 = arith.index_cast %add3A_246 : i32 to index
        %swap3A_479 = arith.constant 256 : index
        %swap3A_480 = tpu.vector_load %arg14[%swap3A_478, %swap3A_479] {strides = array<i32>} : memref<40x384xf32, #tpu.memory_space<vmem>>, vector<1x16xf32>,
        %swap3A_481 = vector.shape_cast %swap3A_480 : vector<1x16xf32> to vector<16xf32>
        %swap3A_482 = vector.shape_cast %sub3A_477 : vector<16xf32> to vector<1x16xf32>
        tpu.vector_store %arg14[%swap3A_478, %swap3A_479], %swap3A_482 {strides = array<i32>} : memref<40x384xf32, #tpu.memory_space<vmem>>, vector<1x16xf32>,
        %get3A_483 = arith.index_cast %add3A_246 : i32 to index
        %get3A_484 = arith.constant 272 : index
        %get3A_485 = tpu.vector_load %arg11[%get3A_483, %get3A_484] {strides = array<i32>} : memref<40x384xf32, #tpu.memory_space<vmem>>, vector<1x16xf32>,
        %get3A_486 = vector.shape_cast %get3A_485 : vector<1x16xf32> to vector<16xf32>
        %get3A_487 = arith.index_cast %add3A_246 : i32 to index
        %get3A_488 = arith.constant 272 : index
        %get3A_489 = tpu.vector_load %arg12[%get3A_487, %get3A_488] {strides = array<i32>} : memref<40x384xf32, #tpu.memory_space<vmem>>, vector<1x16xf32>,
        %get3A_490 = vector.shape_cast %get3A_489 : vector<1x16xf32> to vector<16xf32>
        %sub3A_491 = arith.subf %get3A_486, %get3A_490 : vector<16xf32>
        %swap3A_492 = arith.index_cast %add3A_246 : i32 to index
        %swap3A_493 = arith.constant 272 : index
        %swap3A_494 = tpu.vector_load %arg14[%swap3A_492, %swap3A_493] {strides = array<i32>} : memref<40x384xf32, #tpu.memory_space<vmem>>, vector<1x16xf32>,
        %swap3A_495 = vector.shape_cast %swap3A_494 : vector<1x16xf32> to vector<16xf32>
        %swap3A_496 = vector.shape_cast %sub3A_491 : vector<16xf32> to vector<1x16xf32>
        tpu.vector_store %arg14[%swap3A_492, %swap3A_493], %swap3A_496 {strides = array<i32>} : memref<40x384xf32, #tpu.memory_space<vmem>>, vector<1x16xf32>,
        %get3A_497 = arith.index_cast %add3A_246 : i32 to index
        %get3A_498 = arith.constant 288 : index
        %get3A_499 = tpu.vector_load %arg11[%get3A_497, %get3A_498] {strides = array<i32>} : memref<40x384xf32, #tpu.memory_space<vmem>>, vector<1x16xf32>,
        %get3A_500 = vector.shape_cast %get3A_499 : vector<1x16xf32> to vector<16xf32>
        %get3A_501 = arith.index_cast %add3A_246 : i32 to index
        %get3A_502 = arith.constant 288 : index
        %get3A_503 = tpu.vector_load %arg12[%get3A_501, %get3A_502] {strides = array<i32>} : memref<40x384xf32, #tpu.memory_space<vmem>>, vector<1x16xf32>,
        %get3A_504 = vector.shape_cast %get3A_503 : vector<1x16xf32> to vector<16xf32>
        %sub3A_505 = arith.subf %get3A_500, %get3A_504 : vector<16xf32>
        %swap3A_506 = arith.index_cast %add3A_246 : i32 to index
        %swap3A_507 = arith.constant 288 : index
        %swap3A_508 = tpu.vector_load %arg14[%swap3A_506, %swap3A_507] {strides = array<i32>} : memref<40x384xf32, #tpu.memory_space<vmem>>, vector<1x16xf32>,
        %swap3A_509 = vector.shape_cast %swap3A_508 : vector<1x16xf32> to vector<16xf32>
        %swap3A_510 = vector.shape_cast %sub3A_505 : vector<16xf32> to vector<1x16xf32>
        tpu.vector_store %arg14[%swap3A_506, %swap3A_507], %swap3A_510 {strides = array<i32>} : memref<40x384xf32, #tpu.memory_space<vmem>>, vector<1x16xf32>,
        %get3A_511 = arith.index_cast %add3A_246 : i32 to index
        %get3A_512 = arith.constant 304 : index
        %get3A_513 = tpu.vector_load %arg11[%get3A_511, %get3A_512] {strides = array<i32>} : memref<40x384xf32, #tpu.memory_space<vmem>>, vector<1x16xf32>,
        %get3A_514 = vector.shape_cast %get3A_513 : vector<1x16xf32> to vector<16xf32>
        %get3A_515 = arith.index_cast %add3A_246 : i32 to index
        %get3A_516 = arith.constant 304 : index
        %get3A_517 = tpu.vector_load %arg12[%get3A_515, %get3A_516] {strides = array<i32>} : memref<40x384xf32, #tpu.memory_space<vmem>>, vector<1x16xf32>,
        %get3A_518 = vector.shape_cast %get3A_517 : vector<1x16xf32> to vector<16xf32>
        %sub3A_519 = arith.subf %get3A_514, %get3A_518 : vector<16xf32>
        %swap3A_520 = arith.index_cast %add3A_246 : i32 to index
        %swap3A_521 = arith.constant 304 : index
        %swap3A_522 = tpu.vector_load %arg14[%swap3A_520, %swap3A_521] {strides = array<i32>} : memref<40x384xf32, #tpu.memory_space<vmem>>, vector<1x16xf32>,
        %swap3A_523 = vector.shape_cast %swap3A_522 : vector<1x16xf32> to vector<16xf32>
        %swap3A_524 = vector.shape_cast %sub3A_519 : vector<16xf32> to vector<1x16xf32>
        tpu.vector_store %arg14[%swap3A_520, %swap3A_521], %swap3A_524 {strides = array<i32>} : memref<40x384xf32, #tpu.memory_space<vmem>>, vector<1x16xf32>,
        %get3A_525 = arith.index_cast %add3A_246 : i32 to index
        %get3A_526 = arith.constant 320 : index
        %get3A_527 = tpu.vector_load %arg11[%get3A_525, %get3A_526] {strides = array<i32>} : memref<40x384xf32, #tpu.memory_space<vmem>>, vector<1x16xf32>,
        %get3A_528 = vector.shape_cast %get3A_527 : vector<1x16xf32> to vector<16xf32>
        %get3A_529 = arith.index_cast %add3A_246 : i32 to index
        %get3A_530 = arith.constant 320 : index
        %get3A_531 = tpu.vector_load %arg12[%get3A_529, %get3A_530] {strides = array<i32>} : memref<40x384xf32, #tpu.memory_space<vmem>>, vector<1x16xf32>,
        %get3A_532 = vector.shape_cast %get3A_531 : vector<1x16xf32> to vector<16xf32>
        %sub3A_533 = arith.subf %get3A_528, %get3A_532 : vector<16xf32>
        %swap3A_534 = arith.index_cast %add3A_246 : i32 to index
        %swap3A_535 = arith.constant 320 : index
        %swap3A_536 = tpu.vector_load %arg14[%swap3A_534, %swap3A_535] {strides = array<i32>} : memref<40x384xf32, #tpu.memory_space<vmem>>, vector<1x16xf32>,
        %swap3A_537 = vector.shape_cast %swap3A_536 : vector<1x16xf32> to vector<16xf32>
        %swap3A_538 = vector.shape_cast %sub3A_533 : vector<16xf32> to vector<1x16xf32>
        tpu.vector_store %arg14[%swap3A_534, %swap3A_535], %swap3A_538 {strides = array<i32>} : memref<40x384xf32, #tpu.memory_space<vmem>>, vector<1x16xf32>,
        %get3A_539 = arith.index_cast %add3A_246 : i32 to index
        %get3A_540 = arith.constant 336 : index
        %get3A_541 = tpu.vector_load %arg11[%get3A_539, %get3A_540] {strides = array<i32>} : memref<40x384xf32, #tpu.memory_space<vmem>>, vector<1x16xf32>,
        %get3A_542 = vector.shape_cast %get3A_541 : vector<1x16xf32> to vector<16xf32>
        %get3A_543 = arith.index_cast %add3A_246 : i32 to index
        %get3A_544 = arith.constant 336 : index
        %get3A_545 = tpu.vector_load %arg12[%get3A_543, %get3A_544] {strides = array<i32>} : memref<40x384xf32, #tpu.memory_space<vmem>>, vector<1x16xf32>,
        %get3A_546 = vector.shape_cast %get3A_545 : vector<1x16xf32> to vector<16xf32>
        %sub3A_547 = arith.subf %get3A_542, %get3A_546 : vector<16xf32>
        %swap3A_548 = arith.index_cast %add3A_246 : i32 to index
        %swap3A_549 = arith.constant 336 : index
        %swap3A_550 = tpu.vector_load %arg14[%swap3A_548, %swap3A_549] {strides = array<i32>} : memref<40x384xf32, #tpu.memory_space<vmem>>, vector<1x16xf32>,
        %swap3A_551 = vector.shape_cast %swap3A_550 : vector<1x16xf32> to vector<16xf32>
        %swap3A_552 = vector.shape_cast %sub3A_547 : vector<16xf32> to vector<1x16xf32>
        tpu.vector_store %arg14[%swap3A_548, %swap3A_549], %swap3A_552 {strides = array<i32>} : memref<40x384xf32, #tpu.memory_space<vmem>>, vector<1x16xf32>,
        %get3A_553 = arith.index_cast %add3A_246 : i32 to index
        %get3A_554 = arith.constant 352 : index
        %get3A_555 = tpu.vector_load %arg11[%get3A_553, %get3A_554] {strides = array<i32>} : memref<40x384xf32, #tpu.memory_space<vmem>>, vector<1x16xf32>,
        %get3A_556 = vector.shape_cast %get3A_555 : vector<1x16xf32> to vector<16xf32>
        %get3A_557 = arith.index_cast %add3A_246 : i32 to index
        %get3A_558 = arith.constant 352 : index
        %get3A_559 = tpu.vector_load %arg12[%get3A_557, %get3A_558] {strides = array<i32>} : memref<40x384xf32, #tpu.memory_space<vmem>>, vector<1x16xf32>,
        %get3A_560 = vector.shape_cast %get3A_559 : vector<1x16xf32> to vector<16xf32>
        %sub3A_561 = arith.subf %get3A_556, %get3A_560 : vector<16xf32>
        %swap3A_562 = arith.index_cast %add3A_246 : i32 to index
        %swap3A_563 = arith.constant 352 : index
        %swap3A_564 = tpu.vector_load %arg14[%swap3A_562, %swap3A_563] {strides = array<i32>} : memref<40x384xf32, #tpu.memory_space<vmem>>, vector<1x16xf32>,
        %swap3A_565 = vector.shape_cast %swap3A_564 : vector<1x16xf32> to vector<16xf32>
        %swap3A_566 = vector.shape_cast %sub3A_561 : vector<16xf32> to vector<1x16xf32>
        tpu.vector_store %arg14[%swap3A_562, %swap3A_563], %swap3A_566 {strides = array<i32>} : memref<40x384xf32, #tpu.memory_space<vmem>>, vector<1x16xf32>,
        %get3A_567 = arith.index_cast %add3A_246 : i32 to index
        %get3A_568 = arith.constant 368 : index
        %get3A_569 = tpu.vector_load %arg11[%get3A_567, %get3A_568] {strides = array<i32>} : memref<40x384xf32, #tpu.memory_space<vmem>>, vector<1x16xf32>,
        %get3A_570 = vector.shape_cast %get3A_569 : vector<1x16xf32> to vector<16xf32>
        %get3A_571 = arith.index_cast %add3A_246 : i32 to index
        %get3A_572 = arith.constant 368 : index
        %get3A_573 = tpu.vector_load %arg12[%get3A_571, %get3A_572] {strides = array<i32>} : memref<40x384xf32, #tpu.memory_space<vmem>>, vector<1x16xf32>,
        %get3A_574 = vector.shape_cast %get3A_573 : vector<1x16xf32> to vector<16xf32>
        %sub3A_575 = arith.subf %get3A_570, %get3A_574 : vector<16xf32>
        %swap3A_576 = arith.index_cast %add3A_246 : i32 to index
        %swap3A_577 = arith.constant 368 : index
        %swap3A_578 = tpu.vector_load %arg14[%swap3A_576, %swap3A_577] {strides = array<i32>} : memref<40x384xf32, #tpu.memory_space<vmem>>, vector<1x16xf32>,
        %swap3A_579 = vector.shape_cast %swap3A_578 : vector<1x16xf32> to vector<16xf32>
        %swap3A_580 = vector.shape_cast %sub3A_575 : vector<16xf32> to vector<1x16xf32>
        tpu.vector_store %arg14[%swap3A_576, %swap3A_577], %swap3A_580 {strides = array<i32>} : memref<40x384xf32, #tpu.memory_space<vmem>>, vector<1x16xf32>,
      }
      %scan3A_232 = arith.constant 40 : i32
      %add3A_233 = arith.constant 1 : i32
      %add3A_234 = arith.addi %add3A_144, %add3A_233 : i32
      %mul3A_235 = arith.constant 40 : i32
      %mul3A_236 = arith.muli %add3A_234, %mul3A_235 : i32
      %add3A_237 = arith.addi %mul3A_2, %mul3A_236 : i32
      %dma_start3A_238 = arith.constant 0 : i32
      %dma_start3A_239 = tpu.memref_slice %arg6[%add3A_237, %dma_start3A_238] : memref<160000x384xf32, #tpu.memory_space<hbm>> -> memref<40x384xf32, #tpu.memory_space<hbm>>
      %dma_start3A_240 = arith.constant 0 : i32
      %dma_start3A_241 = tpu.memref_slice %arg6[%add3A_237, %dma_start3A_240] : memref<160000x384xf32, #tpu.memory_space<hbm>> -> memref<40x384xf32, #tpu.memory_space<hbm>>
      tpu.enqueue_dma source(%arg14 : memref<40x384xf32, #tpu.memory_space<vmem>>) target(%dma_start3A_241 : memref<40x384xf32, #tpu.memory_space<hbm>>) target_semaphore(%arg18 : memref<!tpu.dma_semaphore, #tpu.memory_space<semaphore_mem>>)
    }
    %scan3A_96 = arith.constant 61 : i32
    %dma_wait3A_97 = arith.constant 124 : i32
    %dma_wait3A_98 = arith.constant 0 : i32
    %dma_wait3A_99 = tpu.memref_slice %arg7[%dma_wait3A_97, %dma_wait3A_98] : memref<125x40xi32, #tpu.memory_space<vmem>> -> memref<1x40xi32, #tpu.memory_space<vmem>>
    %dma_wait3A_100 = tpu.memref_squeeze %dma_wait3A_99 : memref<1x40xi32, #tpu.memory_space<vmem>> -> memref<40xi32, #tpu.memory_space<vmem>>
    %dma_wait3A_101 = arith.constant 0 : i32
    %dma_wait3A_102 = arith.constant 0 : i32
    %dma_wait3A_103 = tpu.memref_slice %arg2[%dma_wait3A_101, %dma_wait3A_102] : memref<10000x384xf32, #tpu.memory_space<hbm>> -> memref<10000x384xf32, #tpu.memory_space<hbm>>
    tpu.wait_indirect_dma semaphore(%arg15 : memref<!tpu.dma_semaphore, #tpu.memory_space<semaphore_mem>>) src(%dma_wait3A_103 : memref<10000x384xf32, #tpu.memory_space<hbm>>) dst(%arg9 : memref<40x384xf32, #tpu.memory_space<vmem>>)
    %dma_wait3A_104 = arith.constant 124 : i32
    %dma_wait3A_105 = arith.constant 0 : i32
    %dma_wait3A_106 = tpu.memref_slice %arg8[%dma_wait3A_104, %dma_wait3A_105] : memref<125x40xi32, #tpu.memory_space<vmem>> -> memref<1x40xi32, #tpu.memory_space<vmem>>
    %dma_wait3A_107 = tpu.memref_squeeze %dma_wait3A_106 : memref<1x40xi32, #tpu.memory_space<vmem>> -> memref<40xi32, #tpu.memory_space<vmem>>
    %dma_wait3A_108 = arith.constant 0 : i32
    %dma_wait3A_109 = arith.constant 0 : i32
    %dma_wait3A_110 = tpu.memref_slice %arg3[%dma_wait3A_108, %dma_wait3A_109] : memref<10000x384xf32, #tpu.memory_space<hbm>> -> memref<10000x384xf32, #tpu.memory_space<hbm>>
    tpu.wait_indirect_dma semaphore(%arg15 : memref<!tpu.dma_semaphore, #tpu.memory_space<semaphore_mem>>) src(%dma_wait3A_110 : memref<10000x384xf32, #tpu.memory_space<hbm>>) dst(%arg10 : memref<40x384xf32, #tpu.memory_space<vmem>>)
    %add3A_111 = arith.constant 4880 : i32
    %add3A_112 = arith.addi %mul3A_2, %add3A_111 : i32
    %dma_wait3A_113 = arith.constant 0 : i32
    %dma_wait3A_114 = tpu.memref_slice %arg6[%add3A_112, %dma_wait3A_113] : memref<160000x384xf32, #tpu.memory_space<hbm>> -> memref<40x384xf32, #tpu.memory_space<hbm>>
    %dma_wait3A_115 = arith.constant 0 : i32
    %dma_wait3A_116 = tpu.memref_slice %arg6[%add3A_112, %dma_wait3A_115] : memref<160000x384xf32, #tpu.memory_space<hbm>> -> memref<40x384xf32, #tpu.memory_space<hbm>>
    tpu.wait_dma2 semaphore(%arg17 : memref<!tpu.dma_semaphore, #tpu.memory_space<semaphore_mem>>) src(%arg13 : memref<40x384xf32, #tpu.memory_space<vmem>>) dst(%dma_wait3A_116 : memref<40x384xf32, #tpu.memory_space<hbm>>)
    %scan3A_117 = arith.constant 0 : i32
    %scan3A_118 = arith.constant 40 : i32
    %scan3A_119 = arith.addi %scan3A_117, %scan3A_118 : i32
    %scan3A_120 = arith.constant 1 : i32
    scf.for %scan3A_140 = %scan3A_117 to %scan3A_119 step %scan3A_120  : i32 {
      %mul3A_141 = arith.constant 1 : i32
      %mul3A_142 = arith.muli %scan3A_140, %mul3A_141 : i32
      %add3A_143 = arith.constant 0 : i32
      %add3A_144 = arith.addi %add3A_143, %mul3A_142 : i32
      %get3A = arith.index_cast %add3A_144 : i32 to index
      %get3A_145 = arith.constant 0 : index
      %get3A_146 = tpu.vector_load %arg9[%get3A, %get3A_145] {strides = array<i32>} : memref<40x384xf32, #tpu.memory_space<vmem>>, vector<1x16xf32>,
      %get3A_147 = vector.shape_cast %get3A_146 : vector<1x16xf32> to vector<16xf32>
      %get3A_148 = arith.index_cast %add3A_144 : i32 to index
      %get3A_149 = arith.constant 0 : index
      %get3A_150 = tpu.vector_load %arg10[%get3A_148, %get3A_149] {strides = array<i32>} : memref<40x384xf32, #tpu.memory_space<vmem>>, vector<1x16xf32>,
      %get3A_151 = vector.shape_cast %get3A_150 : vector<1x16xf32> to vector<16xf32>
      %add3A_152 = arith.addf %get3A_147, %get3A_151 : vector<16xf32>
      %swap3A = arith.index_cast %add3A_144 : i32 to index
      %swap3A_153 = arith.constant 0 : index
      %swap3A_154 = tpu.vector_load %arg13[%swap3A, %swap3A_153] {strides = array<i32>} : memref<40x384xf32, #tpu.memory_space<vmem>>, vector<1x16xf32>,
      %swap3A_155 = vector.shape_cast %swap3A_154 : vector<1x16xf32> to vector<16xf32>
      %swap3A_156 = vector.shape_cast %add3A_152 : vector<16xf32> to vector<1x16xf32>
      tpu.vector_store %arg13[%swap3A, %swap3A_153], %swap3A_156 {strides = array<i32>} : memref<40x384xf32, #tpu.memory_space<vmem>>, vector<1x16xf32>,
      %get3A_157 = arith.index_cast %add3A_144 : i32 to index
      %get3A_158 = arith.constant 16 : index
      %get3A_159 = tpu.vector_load %arg9[%get3A_157, %get3A_158] {strides = array<i32>} : memref<40x384xf32, #tpu.memory_space<vmem>>, vector<1x16xf32>,
      %get3A_160 = vector.shape_cast %get3A_159 : vector<1x16xf32> to vector<16xf32>
      %get3A_161 = arith.index_cast %add3A_144 : i32 to index
      %get3A_162 = arith.constant 16 : index
      %get3A_163 = tpu.vector_load %arg10[%get3A_161, %get3A_162] {strides = array<i32>} : memref<40x384xf32, #tpu.memory_space<vmem>>, vector<1x16xf32>,
      %get3A_164 = vector.shape_cast %get3A_163 : vector<1x16xf32> to vector<16xf32>
      %add3A_165 = arith.addf %get3A_160, %get3A_164 : vector<16xf32>
      %swap3A_166 = arith.index_cast %add3A_144 : i32 to index
      %swap3A_167 = arith.constant 16 : index
      %swap3A_168 = tpu.vector_load %arg13[%swap3A_166, %swap3A_167] {strides = array<i32>} : memref<40x384xf32, #tpu.memory_space<vmem>>, vector<1x16xf32>,
      %swap3A_169 = vector.shape_cast %swap3A_168 : vector<1x16xf32> to vector<16xf32>
      %swap3A_170 = vector.shape_cast %add3A_165 : vector<16xf32> to vector<1x16xf32>
      tpu.vector_store %arg13[%swap3A_166, %swap3A_167], %swap3A_170 {strides = array<i32>} : memref<40x384xf32, #tpu.memory_space<vmem>>, vector<1x16xf32>,
      %get3A_171 = arith.index_cast %add3A_144 : i32 to index
      %get3A_172 = arith.constant 32 : index
      %get3A_173 = tpu.vector_load %arg9[%get3A_171, %get3A_172] {strides = array<i32>} : memref<40x384xf32, #tpu.memory_space<vmem>>, vector<1x16xf32>,
      %get3A_174 = vector.shape_cast %get3A_173 : vector<1x16xf32> to vector<16xf32>
      %get3A_175 = arith.index_cast %add3A_144 : i32 to index
      %get3A_176 = arith.constant 32 : index
      %get3A_177 = tpu.vector_load %arg10[%get3A_175, %get3A_176] {strides = array<i32>} : memref<40x384xf32, #tpu.memory_space<vmem>>, vector<1x16xf32>,
      %get3A_178 = vector.shape_cast %get3A_177 : vector<1x16xf32> to vector<16xf32>
      %add3A_179 = arith.addf %get3A_174, %get3A_178 : vector<16xf32>
      %swap3A_180 = arith.index_cast %add3A_144 : i32 to index
      %swap3A_181 = arith.constant 32 : index
      %swap3A_182 = tpu.vector_load %arg13[%swap3A_180, %swap3A_181] {strides = array<i32>} : memref<40x384xf32, #tpu.memory_space<vmem>>, vector<1x16xf32>,
      %swap3A_183 = vector.shape_cast %swap3A_182 : vector<1x16xf32> to vector<16xf32>
      %swap3A_184 = vector.shape_cast %add3A_179 : vector<16xf32> to vector<1x16xf32>
      tpu.vector_store %arg13[%swap3A_180, %swap3A_181], %swap3A_184 {strides = array<i32>} : memref<40x384xf32, #tpu.memory_space<vmem>>, vector<1x16xf32>,
      %get3A_185 = arith.index_cast %add3A_144 : i32 to index
      %get3A_186 = arith.constant 48 : index
      %get3A_187 = tpu.vector_load %arg9[%get3A_185, %get3A_186] {strides = array<i32>} : memref<40x384xf32, #tpu.memory_space<vmem>>, vector<1x16xf32>,
      %get3A_188 = vector.shape_cast %get3A_187 : vector<1x16xf32> to vector<16xf32>
      %get3A_189 = arith.index_cast %add3A_144 : i32 to index
      %get3A_190 = arith.constant 48 : index
      %get3A_191 = tpu.vector_load %arg10[%get3A_189, %get3A_190] {strides = array<i32>} : memref<40x384xf32, #tpu.memory_space<vmem>>, vector<1x16xf32>,
      %get3A_192 = vector.shape_cast %get3A_191 : vector<1x16xf32> to vector<16xf32>
      %add3A_193 = arith.addf %get3A_188, %get3A_192 : vector<16xf32>
      %swap3A_194 = arith.index_cast %add3A_144 : i32 to index
      %swap3A_195 = arith.constant 48 : index
      %swap3A_196 = tpu.vector_load %arg13[%swap3A_194, %swap3A_195] {strides = array<i32>} : memref<40x384xf32, #tpu.memory_space<vmem>>, vector<1x16xf32>,
      %swap3A_197 = vector.shape_cast %swap3A_196 : vector<1x16xf32> to vector<16xf32>
      %swap3A_198 = vector.shape_cast %add3A_193 : vector<16xf32> to vector<1x16xf32>
      tpu.vector_store %arg13[%swap3A_194, %swap3A_195], %swap3A_198 {strides = array<i32>} : memref<40x384xf32, #tpu.memory_space<vmem>>, vector<1x16xf32>,
      %get3A_199 = arith.index_cast %add3A_144 : i32 to index
      %get3A_200 = arith.constant 64 : index
      %get3A_201 = tpu.vector_load %arg9[%get3A_199, %get3A_200] {strides = array<i32>} : memref<40x384xf32, #tpu.memory_space<vmem>>, vector<1x16xf32>,
      %get3A_202 = vector.shape_cast %get3A_201 : vector<1x16xf32> to vector<16xf32>
      %get3A_203 = arith.index_cast %add3A_144 : i32 to index
      %get3A_204 = arith.constant 64 : index
      %get3A_205 = tpu.vector_load %arg10[%get3A_203, %get3A_204] {strides = array<i32>} : memref<40x384xf32, #tpu.memory_space<vmem>>, vector<1x16xf32>,
      %get3A_206 = vector.shape_cast %get3A_205 : vector<1x16xf32> to vector<16xf32>
      %add3A_207 = arith.addf %get3A_202, %get3A_206 : vector<16xf32>
      %swap3A_208 = arith.index_cast %add3A_144 : i32 to index
      %swap3A_209 = arith.constant 64 : index
      %swap3A_210 = tpu.vector_load %arg13[%swap3A_208, %swap3A_209] {strides = array<i32>} : memref<40x384xf32, #tpu.memory_space<vmem>>, vector<1x16xf32>,
      %swap3A_211 = vector.shape_cast %swap3A_210 : vector<1x16xf32> to vector<16xf32>
      %swap3A_212 = vector.shape_cast %add3A_207 : vector<16xf32> to vector<1x16xf32>
      tpu.vector_store %arg13[%swap3A_208, %swap3A_209], %swap3A_212 {strides = array<i32>} : memref<40x384xf32, #tpu.memory_space<vmem>>, vector<1x16xf32>,
      %get3A_213 = arith.index_cast %add3A_144 : i32 to index
      %get3A_214 = arith.constant 80 : index
      %get3A_215 = tpu.vector_load %arg9[%get3A_213, %get3A_214] {strides = array<i32>} : memref<40x384xf32, #tpu.memory_space<vmem>>, vector<1x16xf32>,
      %get3A_216 = vector.shape_cast %get3A_215 : vector<1x16xf32> to vector<16xf32>
      %get3A_217 = arith.index_cast %add3A_144 : i32 to index
      %get3A_218 = arith.constant 80 : index
      %get3A_219 = tpu.vector_load %arg10[%get3A_217, %get3A_218] {strides = array<i32>} : memref<40x384xf32, #tpu.memory_space<vmem>>, vector<1x16xf32>,
      %get3A_220 = vector.shape_cast %get3A_219 : vector<1x16xf32> to vector<16xf32>
      %add3A_221 = arith.addf %get3A_216, %get3A_220 : vector<16xf32>
      %swap3A_222 = arith.index_cast %add3A_144 : i32 to index
      %swap3A_223 = arith.constant 80 : index
      %swap3A_224 = tpu.vector_load %arg13[%swap3A_222, %swap3A_223] {strides = array<i32>} : memref<40x384xf32, #tpu.memory_space<vmem>>, vector<1x16xf32>,
      %swap3A_225 = vector.shape_cast %swap3A_224 : vector<1x16xf32> to vector<16xf32>
      %swap3A_226 = vector.shape_cast %add3A_221 : vector<16xf32> to vector<1x16xf32>
      tpu.vector_store %arg13[%swap3A_222, %swap3A_223], %swap3A_226 {strides = array<i32>} : memref<40x384xf32, #tpu.memory_space<vmem>>, vector<1x16xf32>,
      %get3A_227 = arith.index_cast %add3A_144 : i32 to index
      %get3A_228 = arith.constant 96 : index
      %get3A_229 = tpu.vector_load %arg9[%get3A_227, %get3A_228] {strides = array<i32>} : memref<40x384xf32, #tpu.memory_space<vmem>>, vector<1x16xf32>,
      %get3A_230 = vector.shape_cast %get3A_229 : vector<1x16xf32> to vector<16xf32>
      %get3A_231 = arith.index_cast %add3A_144 : i32 to index
      %get3A_232 = arith.constant 96 : index
      %get3A_233 = tpu.vector_load %arg10[%get3A_231, %get3A_232] {strides = array<i32>} : memref<40x384xf32, #tpu.memory_space<vmem>>, vector<1x16xf32>,
      %get3A_234 = vector.shape_cast %get3A_233 : vector<1x16xf32> to vector<16xf32>
      %add3A_235 = arith.addf %get3A_230, %get3A_234 : vector<16xf32>
      %swap3A_236 = arith.index_cast %add3A_144 : i32 to index
      %swap3A_237 = arith.constant 96 : index
      %swap3A_238 = tpu.vector_load %arg13[%swap3A_236, %swap3A_237] {strides = array<i32>} : memref<40x384xf32, #tpu.memory_space<vmem>>, vector<1x16xf32>,
      %swap3A_239 = vector.shape_cast %swap3A_238 : vector<1x16xf32> to vector<16xf32>
      %swap3A_240 = vector.shape_cast %add3A_235 : vector<16xf32> to vector<1x16xf32>
      tpu.vector_store %arg13[%swap3A_236, %swap3A_237], %swap3A_240 {strides = array<i32>} : memref<40x384xf32, #tpu.memory_space<vmem>>, vector<1x16xf32>,
      %get3A_241 = arith.index_cast %add3A_144 : i32 to index
      %get3A_242 = arith.constant 112 : index
      %get3A_243 = tpu.vector_load %arg9[%get3A_241, %get3A_242] {strides = array<i32>} : memref<40x384xf32, #tpu.memory_space<vmem>>, vector<1x16xf32>,
      %get3A_244 = vector.shape_cast %get3A_243 : vector<1x16xf32> to vector<16xf32>
      %get3A_245 = arith.index_cast %add3A_144 : i32 to index
      %get3A_246 = arith.constant 112 : index
      %get3A_247 = tpu.vector_load %arg10[%get3A_245, %get3A_246] {strides = array<i32>} : memref<40x384xf32, #tpu.memory_space<vmem>>, vector<1x16xf32>,
      %get3A_248 = vector.shape_cast %get3A_247 : vector<1x16xf32> to vector<16xf32>
      %add3A_249 = arith.addf %get3A_244, %get3A_248 : vector<16xf32>
      %swap3A_250 = arith.index_cast %add3A_144 : i32 to index
      %swap3A_251 = arith.constant 112 : index
      %swap3A_252 = tpu.vector_load %arg13[%swap3A_250, %swap3A_251] {strides = array<i32>} : memref<40x384xf32, #tpu.memory_space<vmem>>, vector<1x16xf32>,
      %swap3A_253 = vector.shape_cast %swap3A_252 : vector<1x16xf32> to vector<16xf32>
      %swap3A_254 = vector.shape_cast %add3A_249 : vector<16xf32> to vector<1x16xf32>
      tpu.vector_store %arg13[%swap3A_250, %swap3A_251], %swap3A_254 {strides = array<i32>} : memref<40x384xf32, #tpu.memory_space<vmem>>, vector<1x16xf32>,
      %get3A_255 = arith.index_cast %add3A_144 : i32 to index
      %get3A_256 = arith.constant 128 : index
      %get3A_257 = tpu.vector_load %arg9[%get3A_255, %get3A_256] {strides = array<i32>} : memref<40x384xf32, #tpu.memory_space<vmem>>, vector<1x16xf32>,
      %get3A_258 = vector.shape_cast %get3A_257 : vector<1x16xf32> to vector<16xf32>
      %get3A_259 = arith.index_cast %add3A_144 : i32 to index
      %get3A_260 = arith.constant 128 : index
      %get3A_261 = tpu.vector_load %arg10[%get3A_259, %get3A_260] {strides = array<i32>} : memref<40x384xf32, #tpu.memory_space<vmem>>, vector<1x16xf32>,
      %get3A_262 = vector.shape_cast %get3A_261 : vector<1x16xf32> to vector<16xf32>
      %add3A_263 = arith.addf %get3A_258, %get3A_262 : vector<16xf32>
      %swap3A_264 = arith.index_cast %add3A_144 : i32 to index
      %swap3A_265 = arith.constant 128 : index
      %swap3A_266 = tpu.vector_load %arg13[%swap3A_264, %swap3A_265] {strides = array<i32>} : memref<40x384xf32, #tpu.memory_space<vmem>>, vector<1x16xf32>,
      %swap3A_267 = vector.shape_cast %swap3A_266 : vector<1x16xf32> to vector<16xf32>
      %swap3A_268 = vector.shape_cast %add3A_263 : vector<16xf32> to vector<1x16xf32>
      tpu.vector_store %arg13[%swap3A_264, %swap3A_265], %swap3A_268 {strides = array<i32>} : memref<40x384xf32, #tpu.memory_space<vmem>>, vector<1x16xf32>,
      %get3A_269 = arith.index_cast %add3A_144 : i32 to index
      %get3A_270 = arith.constant 144 : index
      %get3A_271 = tpu.vector_load %arg9[%get3A_269, %get3A_270] {strides = array<i32>} : memref<40x384xf32, #tpu.memory_space<vmem>>, vector<1x16xf32>,
      %get3A_272 = vector.shape_cast %get3A_271 : vector<1x16xf32> to vector<16xf32>
      %get3A_273 = arith.index_cast %add3A_144 : i32 to index
      %get3A_274 = arith.constant 144 : index
      %get3A_275 = tpu.vector_load %arg10[%get3A_273, %get3A_274] {strides = array<i32>} : memref<40x384xf32, #tpu.memory_space<vmem>>, vector<1x16xf32>,
      %get3A_276 = vector.shape_cast %get3A_275 : vector<1x16xf32> to vector<16xf32>
      %add3A_277 = arith.addf %get3A_272, %get3A_276 : vector<16xf32>
      %swap3A_278 = arith.index_cast %add3A_144 : i32 to index
      %swap3A_279 = arith.constant 144 : index
      %swap3A_280 = tpu.vector_load %arg13[%swap3A_278, %swap3A_279] {strides = array<i32>} : memref<40x384xf32, #tpu.memory_space<vmem>>, vector<1x16xf32>,
      %swap3A_281 = vector.shape_cast %swap3A_280 : vector<1x16xf32> to vector<16xf32>
      %swap3A_282 = vector.shape_cast %add3A_277 : vector<16xf32> to vector<1x16xf32>
      tpu.vector_store %arg13[%swap3A_278, %swap3A_279], %swap3A_282 {strides = array<i32>} : memref<40x384xf32, #tpu.memory_space<vmem>>, vector<1x16xf32>,
      %get3A_283 = arith.index_cast %add3A_144 : i32 to index
      %get3A_284 = arith.constant 160 : index
      %get3A_285 = tpu.vector_load %arg9[%get3A_283, %get3A_284] {strides = array<i32>} : memref<40x384xf32, #tpu.memory_space<vmem>>, vector<1x16xf32>,
      %get3A_286 = vector.shape_cast %get3A_285 : vector<1x16xf32> to vector<16xf32>
      %get3A_287 = arith.index_cast %add3A_144 : i32 to index
      %get3A_288 = arith.constant 160 : index
      %get3A_289 = tpu.vector_load %arg10[%get3A_287, %get3A_288] {strides = array<i32>} : memref<40x384xf32, #tpu.memory_space<vmem>>, vector<1x16xf32>,
      %get3A_290 = vector.shape_cast %get3A_289 : vector<1x16xf32> to vector<16xf32>
      %add3A_291 = arith.addf %get3A_286, %get3A_290 : vector<16xf32>
      %swap3A_292 = arith.index_cast %add3A_144 : i32 to index
      %swap3A_293 = arith.constant 160 : index
      %swap3A_294 = tpu.vector_load %arg13[%swap3A_292, %swap3A_293] {strides = array<i32>} : memref<40x384xf32, #tpu.memory_space<vmem>>, vector<1x16xf32>,
      %swap3A_295 = vector.shape_cast %swap3A_294 : vector<1x16xf32> to vector<16xf32>
      %swap3A_296 = vector.shape_cast %add3A_291 : vector<16xf32> to vector<1x16xf32>
      tpu.vector_store %arg13[%swap3A_292, %swap3A_293], %swap3A_296 {strides = array<i32>} : memref<40x384xf32, #tpu.memory_space<vmem>>, vector<1x16xf32>,
      %get3A_297 = arith.index_cast %add3A_144 : i32 to index
      %get3A_298 = arith.constant 176 : index
      %get3A_299 = tpu.vector_load %arg9[%get3A_297, %get3A_298] {strides = array<i32>} : memref<40x384xf32, #tpu.memory_space<vmem>>, vector<1x16xf32>,
      %get3A_300 = vector.shape_cast %get3A_299 : vector<1x16xf32> to vector<16xf32>
      %get3A_301 = arith.index_cast %add3A_144 : i32 to index
      %get3A_302 = arith.constant 176 : index
      %get3A_303 = tpu.vector_load %arg10[%get3A_301, %get3A_302] {strides = array<i32>} : memref<40x384xf32, #tpu.memory_space<vmem>>, vector<1x16xf32>,
      %get3A_304 = vector.shape_cast %get3A_303 : vector<1x16xf32> to vector<16xf32>
      %add3A_305 = arith.addf %get3A_300, %get3A_304 : vector<16xf32>
      %swap3A_306 = arith.index_cast %add3A_144 : i32 to index
      %swap3A_307 = arith.constant 176 : index
      %swap3A_308 = tpu.vector_load %arg13[%swap3A_306, %swap3A_307] {strides = array<i32>} : memref<40x384xf32, #tpu.memory_space<vmem>>, vector<1x16xf32>,
      %swap3A_309 = vector.shape_cast %swap3A_308 : vector<1x16xf32> to vector<16xf32>
      %swap3A_310 = vector.shape_cast %add3A_305 : vector<16xf32> to vector<1x16xf32>
      tpu.vector_store %arg13[%swap3A_306, %swap3A_307], %swap3A_310 {strides = array<i32>} : memref<40x384xf32, #tpu.memory_space<vmem>>, vector<1x16xf32>,
      %get3A_311 = arith.index_cast %add3A_144 : i32 to index
      %get3A_312 = arith.constant 192 : index
      %get3A_313 = tpu.vector_load %arg9[%get3A_311, %get3A_312] {strides = array<i32>} : memref<40x384xf32, #tpu.memory_space<vmem>>, vector<1x16xf32>,
      %get3A_314 = vector.shape_cast %get3A_313 : vector<1x16xf32> to vector<16xf32>
      %get3A_315 = arith.index_cast %add3A_144 : i32 to index
      %get3A_316 = arith.constant 192 : index
      %get3A_317 = tpu.vector_load %arg10[%get3A_315, %get3A_316] {strides = array<i32>} : memref<40x384xf32, #tpu.memory_space<vmem>>, vector<1x16xf32>,
      %get3A_318 = vector.shape_cast %get3A_317 : vector<1x16xf32> to vector<16xf32>
      %add3A_319 = arith.addf %get3A_314, %get3A_318 : vector<16xf32>
      %swap3A_320 = arith.index_cast %add3A_144 : i32 to index
      %swap3A_321 = arith.constant 192 : index
      %swap3A_322 = tpu.vector_load %arg13[%swap3A_320, %swap3A_321] {strides = array<i32>} : memref<40x384xf32, #tpu.memory_space<vmem>>, vector<1x16xf32>,
      %swap3A_323 = vector.shape_cast %swap3A_322 : vector<1x16xf32> to vector<16xf32>
      %swap3A_324 = vector.shape_cast %add3A_319 : vector<16xf32> to vector<1x16xf32>
      tpu.vector_store %arg13[%swap3A_320, %swap3A_321], %swap3A_324 {strides = array<i32>} : memref<40x384xf32, #tpu.memory_space<vmem>>, vector<1x16xf32>,
      %get3A_325 = arith.index_cast %add3A_144 : i32 to index
      %get3A_326 = arith.constant 208 : index
      %get3A_327 = tpu.vector_load %arg9[%get3A_325, %get3A_326] {strides = array<i32>} : memref<40x384xf32, #tpu.memory_space<vmem>>, vector<1x16xf32>,
      %get3A_328 = vector.shape_cast %get3A_327 : vector<1x16xf32> to vector<16xf32>
      %get3A_329 = arith.index_cast %add3A_144 : i32 to index
      %get3A_330 = arith.constant 208 : index
      %get3A_331 = tpu.vector_load %arg10[%get3A_329, %get3A_330] {strides = array<i32>} : memref<40x384xf32, #tpu.memory_space<vmem>>, vector<1x16xf32>,
      %get3A_332 = vector.shape_cast %get3A_331 : vector<1x16xf32> to vector<16xf32>
      %add3A_333 = arith.addf %get3A_328, %get3A_332 : vector<16xf32>
      %swap3A_334 = arith.index_cast %add3A_144 : i32 to index
      %swap3A_335 = arith.constant 208 : index
      %swap3A_336 = tpu.vector_load %arg13[%swap3A_334, %swap3A_335] {strides = array<i32>} : memref<40x384xf32, #tpu.memory_space<vmem>>, vector<1x16xf32>,
      %swap3A_337 = vector.shape_cast %swap3A_336 : vector<1x16xf32> to vector<16xf32>
      %swap3A_338 = vector.shape_cast %add3A_333 : vector<16xf32> to vector<1x16xf32>
      tpu.vector_store %arg13[%swap3A_334, %swap3A_335], %swap3A_338 {strides = array<i32>} : memref<40x384xf32, #tpu.memory_space<vmem>>, vector<1x16xf32>,
      %get3A_339 = arith.index_cast %add3A_144 : i32 to index
      %get3A_340 = arith.constant 224 : index
      %get3A_341 = tpu.vector_load %arg9[%get3A_339, %get3A_340] {strides = array<i32>} : memref<40x384xf32, #tpu.memory_space<vmem>>, vector<1x16xf32>,
      %get3A_342 = vector.shape_cast %get3A_341 : vector<1x16xf32> to vector<16xf32>
      %get3A_343 = arith.index_cast %add3A_144 : i32 to index
      %get3A_344 = arith.constant 224 : index
      %get3A_345 = tpu.vector_load %arg10[%get3A_343, %get3A_344] {strides = array<i32>} : memref<40x384xf32, #tpu.memory_space<vmem>>, vector<1x16xf32>,
      %get3A_346 = vector.shape_cast %get3A_345 : vector<1x16xf32> to vector<16xf32>
      %add3A_347 = arith.addf %get3A_342, %get3A_346 : vector<16xf32>
      %swap3A_348 = arith.index_cast %add3A_144 : i32 to index
      %swap3A_349 = arith.constant 224 : index
      %swap3A_350 = tpu.vector_load %arg13[%swap3A_348, %swap3A_349] {strides = array<i32>} : memref<40x384xf32, #tpu.memory_space<vmem>>, vector<1x16xf32>,
      %swap3A_351 = vector.shape_cast %swap3A_350 : vector<1x16xf32> to vector<16xf32>
      %swap3A_352 = vector.shape_cast %add3A_347 : vector<16xf32> to vector<1x16xf32>
      tpu.vector_store %arg13[%swap3A_348, %swap3A_349], %swap3A_352 {strides = array<i32>} : memref<40x384xf32, #tpu.memory_space<vmem>>, vector<1x16xf32>,
      %get3A_353 = arith.index_cast %add3A_144 : i32 to index
      %get3A_354 = arith.constant 240 : index
      %get3A_355 = tpu.vector_load %arg9[%get3A_353, %get3A_354] {strides = array<i32>} : memref<40x384xf32, #tpu.memory_space<vmem>>, vector<1x16xf32>,
      %get3A_356 = vector.shape_cast %get3A_355 : vector<1x16xf32> to vector<16xf32>
      %get3A_357 = arith.index_cast %add3A_144 : i32 to index
      %get3A_358 = arith.constant 240 : index
      %get3A_359 = tpu.vector_load %arg10[%get3A_357, %get3A_358] {strides = array<i32>} : memref<40x384xf32, #tpu.memory_space<vmem>>, vector<1x16xf32>,
      %get3A_360 = vector.shape_cast %get3A_359 : vector<1x16xf32> to vector<16xf32>
      %add3A_361 = arith.addf %get3A_356, %get3A_360 : vector<16xf32>
      %swap3A_362 = arith.index_cast %add3A_144 : i32 to index
      %swap3A_363 = arith.constant 240 : index
      %swap3A_364 = tpu.vector_load %arg13[%swap3A_362, %swap3A_363] {strides = array<i32>} : memref<40x384xf32, #tpu.memory_space<vmem>>, vector<1x16xf32>,
      %swap3A_365 = vector.shape_cast %swap3A_364 : vector<1x16xf32> to vector<16xf32>
      %swap3A_366 = vector.shape_cast %add3A_361 : vector<16xf32> to vector<1x16xf32>
      tpu.vector_store %arg13[%swap3A_362, %swap3A_363], %swap3A_366 {strides = array<i32>} : memref<40x384xf32, #tpu.memory_space<vmem>>, vector<1x16xf32>,
      %get3A_367 = arith.index_cast %add3A_144 : i32 to index
      %get3A_368 = arith.constant 256 : index
      %get3A_369 = tpu.vector_load %arg9[%get3A_367, %get3A_368] {strides = array<i32>} : memref<40x384xf32, #tpu.memory_space<vmem>>, vector<1x16xf32>,
      %get3A_370 = vector.shape_cast %get3A_369 : vector<1x16xf32> to vector<16xf32>
      %get3A_371 = arith.index_cast %add3A_144 : i32 to index
      %get3A_372 = arith.constant 256 : index
      %get3A_373 = tpu.vector_load %arg10[%get3A_371, %get3A_372] {strides = array<i32>} : memref<40x384xf32, #tpu.memory_space<vmem>>, vector<1x16xf32>,
      %get3A_374 = vector.shape_cast %get3A_373 : vector<1x16xf32> to vector<16xf32>
      %sub3A = arith.subf %get3A_370, %get3A_374 : vector<16xf32>
      %swap3A_375 = arith.index_cast %add3A_144 : i32 to index
      %swap3A_376 = arith.constant 256 : index
      %swap3A_377 = tpu.vector_load %arg13[%swap3A_375, %swap3A_376] {strides = array<i32>} : memref<40x384xf32, #tpu.memory_space<vmem>>, vector<1x16xf32>,
      %swap3A_378 = vector.shape_cast %swap3A_377 : vector<1x16xf32> to vector<16xf32>
      %swap3A_379 = vector.shape_cast %sub3A : vector<16xf32> to vector<1x16xf32>
      tpu.vector_store %arg13[%swap3A_375, %swap3A_376], %swap3A_379 {strides = array<i32>} : memref<40x384xf32, #tpu.memory_space<vmem>>, vector<1x16xf32>,
      %get3A_380 = arith.index_cast %add3A_144 : i32 to index
      %get3A_381 = arith.constant 272 : index
      %get3A_382 = tpu.vector_load %arg9[%get3A_380, %get3A_381] {strides = array<i32>} : memref<40x384xf32, #tpu.memory_space<vmem>>, vector<1x16xf32>,
      %get3A_383 = vector.shape_cast %get3A_382 : vector<1x16xf32> to vector<16xf32>
      %get3A_384 = arith.index_cast %add3A_144 : i32 to index
      %get3A_385 = arith.constant 272 : index
      %get3A_386 = tpu.vector_load %arg10[%get3A_384, %get3A_385] {strides = array<i32>} : memref<40x384xf32, #tpu.memory_space<vmem>>, vector<1x16xf32>,
      %get3A_387 = vector.shape_cast %get3A_386 : vector<1x16xf32> to vector<16xf32>
      %sub3A_388 = arith.subf %get3A_383, %get3A_387 : vector<16xf32>
      %swap3A_389 = arith.index_cast %add3A_144 : i32 to index
      %swap3A_390 = arith.constant 272 : index
      %swap3A_391 = tpu.vector_load %arg13[%swap3A_389, %swap3A_390] {strides = array<i32>} : memref<40x384xf32, #tpu.memory_space<vmem>>, vector<1x16xf32>,
      %swap3A_392 = vector.shape_cast %swap3A_391 : vector<1x16xf32> to vector<16xf32>
      %swap3A_393 = vector.shape_cast %sub3A_388 : vector<16xf32> to vector<1x16xf32>
      tpu.vector_store %arg13[%swap3A_389, %swap3A_390], %swap3A_393 {strides = array<i32>} : memref<40x384xf32, #tpu.memory_space<vmem>>, vector<1x16xf32>,
      %get3A_394 = arith.index_cast %add3A_144 : i32 to index
      %get3A_395 = arith.constant 288 : index
      %get3A_396 = tpu.vector_load %arg9[%get3A_394, %get3A_395] {strides = array<i32>} : memref<40x384xf32, #tpu.memory_space<vmem>>, vector<1x16xf32>,
      %get3A_397 = vector.shape_cast %get3A_396 : vector<1x16xf32> to vector<16xf32>
      %get3A_398 = arith.index_cast %add3A_144 : i32 to index
      %get3A_399 = arith.constant 288 : index
      %get3A_400 = tpu.vector_load %arg10[%get3A_398, %get3A_399] {strides = array<i32>} : memref<40x384xf32, #tpu.memory_space<vmem>>, vector<1x16xf32>,
      %get3A_401 = vector.shape_cast %get3A_400 : vector<1x16xf32> to vector<16xf32>
      %sub3A_402 = arith.subf %get3A_397, %get3A_401 : vector<16xf32>
      %swap3A_403 = arith.index_cast %add3A_144 : i32 to index
      %swap3A_404 = arith.constant 288 : index
      %swap3A_405 = tpu.vector_load %arg13[%swap3A_403, %swap3A_404] {strides = array<i32>} : memref<40x384xf32, #tpu.memory_space<vmem>>, vector<1x16xf32>,
      %swap3A_406 = vector.shape_cast %swap3A_405 : vector<1x16xf32> to vector<16xf32>
      %swap3A_407 = vector.shape_cast %sub3A_402 : vector<16xf32> to vector<1x16xf32>
      tpu.vector_store %arg13[%swap3A_403, %swap3A_404], %swap3A_407 {strides = array<i32>} : memref<40x384xf32, #tpu.memory_space<vmem>>, vector<1x16xf32>,
      %get3A_408 = arith.index_cast %add3A_144 : i32 to index
      %get3A_409 = arith.constant 304 : index
      %get3A_410 = tpu.vector_load %arg9[%get3A_408, %get3A_409] {strides = array<i32>} : memref<40x384xf32, #tpu.memory_space<vmem>>, vector<1x16xf32>,
      %get3A_411 = vector.shape_cast %get3A_410 : vector<1x16xf32> to vector<16xf32>
      %get3A_412 = arith.index_cast %add3A_144 : i32 to index
      %get3A_413 = arith.constant 304 : index
      %get3A_414 = tpu.vector_load %arg10[%get3A_412, %get3A_413] {strides = array<i32>} : memref<40x384xf32, #tpu.memory_space<vmem>>, vector<1x16xf32>,
      %get3A_415 = vector.shape_cast %get3A_414 : vector<1x16xf32> to vector<16xf32>
      %sub3A_416 = arith.subf %get3A_411, %get3A_415 : vector<16xf32>
      %swap3A_417 = arith.index_cast %add3A_144 : i32 to index
      %swap3A_418 = arith.constant 304 : index
      %swap3A_419 = tpu.vector_load %arg13[%swap3A_417, %swap3A_418] {strides = array<i32>} : memref<40x384xf32, #tpu.memory_space<vmem>>, vector<1x16xf32>,
      %swap3A_420 = vector.shape_cast %swap3A_419 : vector<1x16xf32> to vector<16xf32>
      %swap3A_421 = vector.shape_cast %sub3A_416 : vector<16xf32> to vector<1x16xf32>
      tpu.vector_store %arg13[%swap3A_417, %swap3A_418], %swap3A_421 {strides = array<i32>} : memref<40x384xf32, #tpu.memory_space<vmem>>, vector<1x16xf32>,
      %get3A_422 = arith.index_cast %add3A_144 : i32 to index
      %get3A_423 = arith.constant 320 : index
      %get3A_424 = tpu.vector_load %arg9[%get3A_422, %get3A_423] {strides = array<i32>} : memref<40x384xf32, #tpu.memory_space<vmem>>, vector<1x16xf32>,
      %get3A_425 = vector.shape_cast %get3A_424 : vector<1x16xf32> to vector<16xf32>
      %get3A_426 = arith.index_cast %add3A_144 : i32 to index
      %get3A_427 = arith.constant 320 : index
      %get3A_428 = tpu.vector_load %arg10[%get3A_426, %get3A_427] {strides = array<i32>} : memref<40x384xf32, #tpu.memory_space<vmem>>, vector<1x16xf32>,
      %get3A_429 = vector.shape_cast %get3A_428 : vector<1x16xf32> to vector<16xf32>
      %sub3A_430 = arith.subf %get3A_425, %get3A_429 : vector<16xf32>
      %swap3A_431 = arith.index_cast %add3A_144 : i32 to index
      %swap3A_432 = arith.constant 320 : index
      %swap3A_433 = tpu.vector_load %arg13[%swap3A_431, %swap3A_432] {strides = array<i32>} : memref<40x384xf32, #tpu.memory_space<vmem>>, vector<1x16xf32>,
      %swap3A_434 = vector.shape_cast %swap3A_433 : vector<1x16xf32> to vector<16xf32>
      %swap3A_435 = vector.shape_cast %sub3A_430 : vector<16xf32> to vector<1x16xf32>
      tpu.vector_store %arg13[%swap3A_431, %swap3A_432], %swap3A_435 {strides = array<i32>} : memref<40x384xf32, #tpu.memory_space<vmem>>, vector<1x16xf32>,
      %get3A_436 = arith.index_cast %add3A_144 : i32 to index
      %get3A_437 = arith.constant 336 : index
      %get3A_438 = tpu.vector_load %arg9[%get3A_436, %get3A_437] {strides = array<i32>} : memref<40x384xf32, #tpu.memory_space<vmem>>, vector<1x16xf32>,
      %get3A_439 = vector.shape_cast %get3A_438 : vector<1x16xf32> to vector<16xf32>
      %get3A_440 = arith.index_cast %add3A_144 : i32 to index
      %get3A_441 = arith.constant 336 : index
      %get3A_442 = tpu.vector_load %arg10[%get3A_440, %get3A_441] {strides = array<i32>} : memref<40x384xf32, #tpu.memory_space<vmem>>, vector<1x16xf32>,
      %get3A_443 = vector.shape_cast %get3A_442 : vector<1x16xf32> to vector<16xf32>
      %sub3A_444 = arith.subf %get3A_439, %get3A_443 : vector<16xf32>
      %swap3A_445 = arith.index_cast %add3A_144 : i32 to index
      %swap3A_446 = arith.constant 336 : index
      %swap3A_447 = tpu.vector_load %arg13[%swap3A_445, %swap3A_446] {strides = array<i32>} : memref<40x384xf32, #tpu.memory_space<vmem>>, vector<1x16xf32>,
      %swap3A_448 = vector.shape_cast %swap3A_447 : vector<1x16xf32> to vector<16xf32>
      %swap3A_449 = vector.shape_cast %sub3A_444 : vector<16xf32> to vector<1x16xf32>
      tpu.vector_store %arg13[%swap3A_445, %swap3A_446], %swap3A_449 {strides = array<i32>} : memref<40x384xf32, #tpu.memory_space<vmem>>, vector<1x16xf32>,
      %get3A_450 = arith.index_cast %add3A_144 : i32 to index
      %get3A_451 = arith.constant 352 : index
      %get3A_452 = tpu.vector_load %arg9[%get3A_450, %get3A_451] {strides = array<i32>} : memref<40x384xf32, #tpu.memory_space<vmem>>, vector<1x16xf32>,
      %get3A_453 = vector.shape_cast %get3A_452 : vector<1x16xf32> to vector<16xf32>
      %get3A_454 = arith.index_cast %add3A_144 : i32 to index
      %get3A_455 = arith.constant 352 : index
      %get3A_456 = tpu.vector_load %arg10[%get3A_454, %get3A_455] {strides = array<i32>} : memref<40x384xf32, #tpu.memory_space<vmem>>, vector<1x16xf32>,
      %get3A_457 = vector.shape_cast %get3A_456 : vector<1x16xf32> to vector<16xf32>
      %sub3A_458 = arith.subf %get3A_453, %get3A_457 : vector<16xf32>
      %swap3A_459 = arith.index_cast %add3A_144 : i32 to index
      %swap3A_460 = arith.constant 352 : index
      %swap3A_461 = tpu.vector_load %arg13[%swap3A_459, %swap3A_460] {strides = array<i32>} : memref<40x384xf32, #tpu.memory_space<vmem>>, vector<1x16xf32>,
      %swap3A_462 = vector.shape_cast %swap3A_461 : vector<1x16xf32> to vector<16xf32>
      %swap3A_463 = vector.shape_cast %sub3A_458 : vector<16xf32> to vector<1x16xf32>
      tpu.vector_store %arg13[%swap3A_459, %swap3A_460], %swap3A_463 {strides = array<i32>} : memref<40x384xf32, #tpu.memory_space<vmem>>, vector<1x16xf32>,
      %get3A_464 = arith.index_cast %add3A_144 : i32 to index
      %get3A_465 = arith.constant 368 : index
      %get3A_466 = tpu.vector_load %arg9[%get3A_464, %get3A_465] {strides = array<i32>} : memref<40x384xf32, #tpu.memory_space<vmem>>, vector<1x16xf32>,
      %get3A_467 = vector.shape_cast %get3A_466 : vector<1x16xf32> to vector<16xf32>
      %get3A_468 = arith.index_cast %add3A_144 : i32 to index
      %get3A_469 = arith.constant 368 : index
      %get3A_470 = tpu.vector_load %arg10[%get3A_468, %get3A_469] {strides = array<i32>} : memref<40x384xf32, #tpu.memory_space<vmem>>, vector<1x16xf32>,
      %get3A_471 = vector.shape_cast %get3A_470 : vector<1x16xf32> to vector<16xf32>
      %sub3A_472 = arith.subf %get3A_467, %get3A_471 : vector<16xf32>
      %swap3A_473 = arith.index_cast %add3A_144 : i32 to index
      %swap3A_474 = arith.constant 368 : index
      %swap3A_475 = tpu.vector_load %arg13[%swap3A_473, %swap3A_474] {strides = array<i32>} : memref<40x384xf32, #tpu.memory_space<vmem>>, vector<1x16xf32>,
      %swap3A_476 = vector.shape_cast %swap3A_475 : vector<1x16xf32> to vector<16xf32>
      %swap3A_477 = vector.shape_cast %sub3A_472 : vector<16xf32> to vector<1x16xf32>
      tpu.vector_store %arg13[%swap3A_473, %swap3A_474], %swap3A_477 {strides = array<i32>} : memref<40x384xf32, #tpu.memory_space<vmem>>, vector<1x16xf32>,
    }
    %scan3A_121 = arith.constant 40 : i32
    %add3A_122 = arith.constant 4960 : i32
    %add3A_123 = arith.addi %mul3A_2, %add3A_122 : i32
    %dma_start3A_124 = arith.constant 0 : i32
    %dma_start3A_125 = tpu.memref_slice %arg6[%add3A_123, %dma_start3A_124] : memref<160000x384xf32, #tpu.memory_space<hbm>> -> memref<40x384xf32, #tpu.memory_space<hbm>>
    %dma_start3A_126 = arith.constant 0 : i32
    %dma_start3A_127 = tpu.memref_slice %arg6[%add3A_123, %dma_start3A_126] : memref<160000x384xf32, #tpu.memory_space<hbm>> -> memref<40x384xf32, #tpu.memory_space<hbm>>
    tpu.enqueue_dma source(%arg13 : memref<40x384xf32, #tpu.memory_space<vmem>>) target(%dma_start3A_127 : memref<40x384xf32, #tpu.memory_space<hbm>>) target_semaphore(%arg17 : memref<!tpu.dma_semaphore, #tpu.memory_space<semaphore_mem>>)
    %add3A_128 = arith.constant 4920 : i32
    %add3A_129 = arith.addi %mul3A_2, %add3A_128 : i32
    %dma_wait3A_130 = arith.constant 0 : i32
    %dma_wait3A_131 = tpu.memref_slice %arg6[%add3A_129, %dma_wait3A_130] : memref<160000x384xf32, #tpu.memory_space<hbm>> -> memref<40x384xf32, #tpu.memory_space<hbm>>
    %dma_wait3A_132 = arith.constant 0 : i32
    %dma_wait3A_133 = tpu.memref_slice %arg6[%add3A_129, %dma_wait3A_132] : memref<160000x384xf32, #tpu.memory_space<hbm>> -> memref<40x384xf32, #tpu.memory_space<hbm>>
    tpu.wait_dma2 semaphore(%arg18 : memref<!tpu.dma_semaphore, #tpu.memory_space<semaphore_mem>>) src(%arg14 : memref<40x384xf32, #tpu.memory_space<vmem>>) dst(%dma_wait3A_133 : memref<40x384xf32, #tpu.memory_space<hbm>>)
    %add3A_134 = arith.constant 4960 : i32
    %add3A_135 = arith.addi %mul3A_2, %add3A_134 : i32
    %dma_wait3A_136 = arith.constant 0 : i32
    %dma_wait3A_137 = tpu.memref_slice %arg6[%add3A_135, %dma_wait3A_136] : memref<160000x384xf32, #tpu.memory_space<hbm>> -> memref<40x384xf32, #tpu.memory_space<hbm>>
    %dma_wait3A_138 = arith.constant 0 : i32
    %dma_wait3A_139 = tpu.memref_slice %arg6[%add3A_135, %dma_wait3A_138] : memref<160000x384xf32, #tpu.memory_space<hbm>> -> memref<40x384xf32, #tpu.memory_space<hbm>>
    tpu.wait_dma2 semaphore(%arg17 : memref<!tpu.dma_semaphore, #tpu.memory_space<semaphore_mem>>) src(%arg13 : memref<40x384xf32, #tpu.memory_space<vmem>>) dst(%dma_wait3A_139 : memref<40x384xf32, #tpu.memory_space<hbm>>)
    return
  }
}

#map = affine_map<(d0, d1) -> (0, 0)>
#map1 = affine_map<(d0, d1) -> (0, 0, 0)>
module attributes {stable_mosaic.version = 14 : i64} {
  func.func @sk(%arg0: i32, %arg1: i32, %arg2: memref<160000x256xf32, #tpu.memory_space<hbm>>, %arg3: memref<16x125x80xi32, #tpu.memory_space<hbm>>, %arg4: memref<10000x128xf32, #tpu.memory_space<hbm>>, %arg5: memref<10000x256xf32, #tpu.memory_space<hbm>>, %arg6: memref<125x80xi32, #tpu.memory_space<vmem>>, %arg7: memref<80x128xf32, #tpu.memory_space<vmem>>, %arg8: memref<80x128xf32, #tpu.memory_space<vmem>>, %arg9: memref<10000x128xf32, #tpu.memory_space<vmem_shared>>, %arg10: memref<!tpu.dma_semaphore, #tpu.memory_space<semaphore_mem>>, %arg11: memref<!tpu.dma_semaphore, #tpu.memory_space<semaphore_mem>>) attributes {dimension_semantics = [#tpu.dimension_semantics<core_parallel>, #tpu.dimension_semantics<subcore_parallel>], iteration_bounds = array<i64: 2, 16>, scalar_prefetch = 0 : i64, scratch_operands = 6 : i64, tpu.core_type = #tpu.core_type<sc_vector_subcore>, window_params = [{transform_indices = #map}, {transform_indices = #map1}, {transform_indices = #map}, {transform_indices = #map}]} {
    %mul3A = arith.constant 128 : i32
    %mul3A_0 = arith.muli %arg0, %mul3A : i32
    %lt3A = arith.constant 10 : i32
    %lt3A_1 = arith.cmpi slt, %arg1, %lt3A : i32
    %convert_element_type3A = arith.extui %lt3A_1 : i1 to i32
    %cond3A = arith.constant 0 : i32
    %cond3A_2 = arith.cmpi ne, %convert_element_type3A, %cond3A : i32
    scf.if %cond3A_2 {
      %mul3A_22 = arith.constant 1000 : i32
      %mul3A_23 = arith.muli %arg1, %mul3A_22 : i32
      %mul3A_24 = arith.constant 1000 : i32
      %mul3A_25 = arith.muli %arg1, %mul3A_24 : i32
      "tpu.region"() ({
        %run_scoped3A_26 = tpu.sem_alloc : memref<!tpu.dma_semaphore, #tpu.memory_space<semaphore_mem>>
        %dma_start3A_27 = arith.constant 0 : i32
        %dma_start3A_28 = tpu.memref_slice %arg9[%mul3A_25, %dma_start3A_27] : memref<10000x128xf32, #tpu.memory_space<vmem_shared>> -> memref<1000x128xf32, #tpu.memory_space<vmem_shared>>
        %dma_start3A_29 = arith.constant 0 : i32
        %dma_start3A_30 = tpu.memref_slice %arg4[%mul3A_23, %dma_start3A_29] : memref<10000x128xf32, #tpu.memory_space<hbm>> -> memref<1000x128xf32, #tpu.memory_space<hbm>>
        tpu.enqueue_dma source(%dma_start3A_30 : memref<1000x128xf32, #tpu.memory_space<hbm>>) target(%dma_start3A_28 : memref<1000x128xf32, #tpu.memory_space<vmem_shared>>) target_semaphore(%run_scoped3A_26 : memref<!tpu.dma_semaphore, #tpu.memory_space<semaphore_mem>>)
        %dma_wait3A_31 = arith.constant 0 : i32
        %dma_wait3A_32 = tpu.memref_slice %arg9[%mul3A_25, %dma_wait3A_31] : memref<10000x128xf32, #tpu.memory_space<vmem_shared>> -> memref<1000x128xf32, #tpu.memory_space<vmem_shared>>
        %dma_wait3A_33 = arith.constant 0 : i32
        %dma_wait3A_34 = tpu.memref_slice %arg4[%mul3A_23, %dma_wait3A_33] : memref<10000x128xf32, #tpu.memory_space<hbm>> -> memref<1000x128xf32, #tpu.memory_space<hbm>>
        tpu.wait_dma2 semaphore(%run_scoped3A_26 : memref<!tpu.dma_semaphore, #tpu.memory_space<semaphore_mem>>) src(%dma_wait3A_34 : memref<1000x128xf32, #tpu.memory_space<hbm>>) dst(%dma_wait3A_32 : memref<1000x128xf32, #tpu.memory_space<vmem_shared>>)
        tpu.yield
      }) : () -> ()
    } else {
    }
    "tpu.region"() ({
      %run_scoped3A_22 = tpu.sem_alloc : memref<!tpu.dma_semaphore, #tpu.memory_space<semaphore_mem>>
      %dma_start3A_23 = arith.constant 0 : i32
      %dma_start3A_24 = arith.constant 0 : i32
      %dma_start3A_25 = tpu.memref_slice %arg3[%arg1, %dma_start3A_23, %dma_start3A_24] : memref<16x125x80xi32, #tpu.memory_space<hbm>> -> memref<1x125x80xi32, #tpu.memory_space<hbm>>
      %dma_start3A_26 = tpu.memref_squeeze %dma_start3A_25 : memref<1x125x80xi32, #tpu.memory_space<hbm>> -> memref<125x80xi32, #tpu.memory_space<hbm>>
      %dma_start3A_27 = arith.constant 0 : i32
      %dma_start3A_28 = arith.constant 0 : i32
      %dma_start3A_29 = tpu.memref_slice %arg3[%arg1, %dma_start3A_27, %dma_start3A_28] : memref<16x125x80xi32, #tpu.memory_space<hbm>> -> memref<1x125x80xi32, #tpu.memory_space<hbm>>
      %dma_start3A_30 = tpu.memref_squeeze %dma_start3A_29 : memref<1x125x80xi32, #tpu.memory_space<hbm>> -> memref<125x80xi32, #tpu.memory_space<hbm>>
      tpu.enqueue_dma source(%dma_start3A_30 : memref<125x80xi32, #tpu.memory_space<hbm>>) target(%arg6 : memref<125x80xi32, #tpu.memory_space<vmem>>) target_semaphore(%run_scoped3A_22 : memref<!tpu.dma_semaphore, #tpu.memory_space<semaphore_mem>>)
      %dma_wait3A_31 = arith.constant 0 : i32
      %dma_wait3A_32 = arith.constant 0 : i32
      %dma_wait3A_33 = tpu.memref_slice %arg3[%arg1, %dma_wait3A_31, %dma_wait3A_32] : memref<16x125x80xi32, #tpu.memory_space<hbm>> -> memref<1x125x80xi32, #tpu.memory_space<hbm>>
      %dma_wait3A_34 = tpu.memref_squeeze %dma_wait3A_33 : memref<1x125x80xi32, #tpu.memory_space<hbm>> -> memref<125x80xi32, #tpu.memory_space<hbm>>
      %dma_wait3A_35 = arith.constant 0 : i32
      %dma_wait3A_36 = arith.constant 0 : i32
      %dma_wait3A_37 = tpu.memref_slice %arg3[%arg1, %dma_wait3A_35, %dma_wait3A_36] : memref<16x125x80xi32, #tpu.memory_space<hbm>> -> memref<1x125x80xi32, #tpu.memory_space<hbm>>
      %dma_wait3A_38 = tpu.memref_squeeze %dma_wait3A_37 : memref<1x125x80xi32, #tpu.memory_space<hbm>> -> memref<125x80xi32, #tpu.memory_space<hbm>>
      tpu.wait_dma2 semaphore(%run_scoped3A_22 : memref<!tpu.dma_semaphore, #tpu.memory_space<semaphore_mem>>) src(%dma_wait3A_38 : memref<125x80xi32, #tpu.memory_space<hbm>>) dst(%arg6 : memref<125x80xi32, #tpu.memory_space<vmem>>)
      tpu.yield
    }) : () -> ()
    %barrier3A = arith.constant 0 : index
    tpu.barrier barrier_id(%barrier3A)
    %mul3A_3 = arith.constant 10000 : i32
    %mul3A_4 = arith.muli %arg1, %mul3A_3 : i32
    %add3A = arith.constant 0 : i32
    %add3A_5 = arith.addi %mul3A_4, %add3A : i32
    %dma_start3A = tpu.memref_slice %arg2[%add3A_5, %mul3A_0] : memref<160000x256xf32, #tpu.memory_space<hbm>> -> memref<80x128xf32, #tpu.memory_space<hbm>>
    %dma_start3A_6 = tpu.memref_slice %arg2[%add3A_5, %mul3A_0] : memref<160000x256xf32, #tpu.memory_space<hbm>> -> memref<80x128xf32, #tpu.memory_space<hbm>>
    tpu.enqueue_dma source(%dma_start3A_6 : memref<80x128xf32, #tpu.memory_space<hbm>>) target(%arg7 : memref<80x128xf32, #tpu.memory_space<vmem>>) target_semaphore(%arg10 : memref<!tpu.dma_semaphore, #tpu.memory_space<semaphore_mem>>)
    %scan3A = arith.constant 0 : i32
    %scan3A_7 = arith.constant 62 : i32
    %scan3A_8 = arith.addi %scan3A, %scan3A_7 : i32
    %scan3A_9 = arith.constant 1 : i32
    scf.for %scan3A_22 = %scan3A to %scan3A_8 step %scan3A_9  : i32 {
      %mul3A_23 = arith.constant 2 : i32
      %mul3A_24 = arith.muli %scan3A_22, %mul3A_23 : i32
      %add3A_25 = arith.constant 0 : i32
      %add3A_26 = arith.addi %add3A_25, %mul3A_24 : i32
      %add3A_27 = arith.constant 1 : i32
      %add3A_28 = arith.addi %add3A_26, %add3A_27 : i32
      %mul3A_29 = arith.constant 10000 : i32
      %mul3A_30 = arith.muli %arg1, %mul3A_29 : i32
      %mul3A_31 = arith.constant 80 : i32
      %mul3A_32 = arith.muli %add3A_28, %mul3A_31 : i32
      %add3A_33 = arith.addi %mul3A_30, %mul3A_32 : i32
      %dma_start3A_34 = tpu.memref_slice %arg2[%add3A_33, %mul3A_0] : memref<160000x256xf32, #tpu.memory_space<hbm>> -> memref<80x128xf32, #tpu.memory_space<hbm>>
      %dma_start3A_35 = tpu.memref_slice %arg2[%add3A_33, %mul3A_0] : memref<160000x256xf32, #tpu.memory_space<hbm>> -> memref<80x128xf32, #tpu.memory_space<hbm>>
      tpu.enqueue_dma source(%dma_start3A_35 : memref<80x128xf32, #tpu.memory_space<hbm>>) target(%arg8 : memref<80x128xf32, #tpu.memory_space<vmem>>) target_semaphore(%arg11 : memref<!tpu.dma_semaphore, #tpu.memory_space<semaphore_mem>>)
      %mul3A_36 = arith.constant 10000 : i32
      %mul3A_37 = arith.muli %arg1, %mul3A_36 : i32
      %mul3A_38 = arith.constant 80 : i32
      %mul3A_39 = arith.muli %add3A_26, %mul3A_38 : i32
      %add3A_40 = arith.addi %mul3A_37, %mul3A_39 : i32
      %dma_wait3A_41 = tpu.memref_slice %arg2[%add3A_40, %mul3A_0] : memref<160000x256xf32, #tpu.memory_space<hbm>> -> memref<80x128xf32, #tpu.memory_space<hbm>>
      %dma_wait3A_42 = tpu.memref_slice %arg2[%add3A_40, %mul3A_0] : memref<160000x256xf32, #tpu.memory_space<hbm>> -> memref<80x128xf32, #tpu.memory_space<hbm>>
      tpu.wait_dma2 semaphore(%arg10 : memref<!tpu.dma_semaphore, #tpu.memory_space<semaphore_mem>>) src(%dma_wait3A_42 : memref<80x128xf32, #tpu.memory_space<hbm>>) dst(%arg7 : memref<80x128xf32, #tpu.memory_space<vmem>>)
      "tpu.region"() ({
        %run_scoped3A_63 = tpu.sem_alloc : memref<!tpu.dma_semaphore, #tpu.memory_space<semaphore_mem>>
        %dma_start3A_64 = arith.constant 0 : i32
        %dma_start3A_65 = tpu.memref_slice %arg6[%add3A_26, %dma_start3A_64] : memref<125x80xi32, #tpu.memory_space<vmem>> -> memref<1x80xi32, #tpu.memory_space<vmem>>
        %dma_start3A_66 = tpu.memref_squeeze %dma_start3A_65 : memref<1x80xi32, #tpu.memory_space<vmem>> -> memref<80xi32, #tpu.memory_space<vmem>>
        %dma_start3A_67 = arith.constant 0 : i32
        %dma_start3A_68 = arith.constant 0 : i32
        %dma_start3A_69 = tpu.memref_slice %arg9[%dma_start3A_67, %dma_start3A_68] : memref<10000x128xf32, #tpu.memory_space<vmem_shared>> -> memref<10000x128xf32, #tpu.memory_space<vmem_shared>>
        tpu.enqueue_indirect_dma source(%arg7 : memref<80x128xf32, #tpu.memory_space<vmem>>) target(%dma_start3A_69 : memref<10000x128xf32, #tpu.memory_space<vmem_shared>>) offsets(%dma_start3A_66 : memref<80xi32, #tpu.memory_space<vmem>>) semaphore(%run_scoped3A_63 : memref<!tpu.dma_semaphore, #tpu.memory_space<semaphore_mem>>) {add = true}
        %dma_wait3A_70 = arith.constant 0 : i32
        %dma_wait3A_71 = tpu.memref_slice %arg6[%add3A_26, %dma_wait3A_70] : memref<125x80xi32, #tpu.memory_space<vmem>> -> memref<1x80xi32, #tpu.memory_space<vmem>>
        %dma_wait3A_72 = tpu.memref_squeeze %dma_wait3A_71 : memref<1x80xi32, #tpu.memory_space<vmem>> -> memref<80xi32, #tpu.memory_space<vmem>>
        %dma_wait3A_73 = arith.constant 0 : i32
        %dma_wait3A_74 = arith.constant 0 : i32
        %dma_wait3A_75 = tpu.memref_slice %arg9[%dma_wait3A_73, %dma_wait3A_74] : memref<10000x128xf32, #tpu.memory_space<vmem_shared>> -> memref<10000x128xf32, #tpu.memory_space<vmem_shared>>
        tpu.wait_indirect_dma semaphore(%run_scoped3A_63 : memref<!tpu.dma_semaphore, #tpu.memory_space<semaphore_mem>>) src(%arg7 : memref<80x128xf32, #tpu.memory_space<vmem>>) dst(%dma_wait3A_75 : memref<10000x128xf32, #tpu.memory_space<vmem_shared>>)
        tpu.yield
      }) : () -> ()
      %add3A_43 = arith.constant 2 : i32
      %add3A_44 = arith.addi %add3A_26, %add3A_43 : i32
      %mul3A_45 = arith.constant 10000 : i32
      %mul3A_46 = arith.muli %arg1, %mul3A_45 : i32
      %mul3A_47 = arith.constant 80 : i32
      %mul3A_48 = arith.muli %add3A_44, %mul3A_47 : i32
      %add3A_49 = arith.addi %mul3A_46, %mul3A_48 : i32
      %dma_start3A_50 = tpu.memref_slice %arg2[%add3A_49, %mul3A_0] : memref<160000x256xf32, #tpu.memory_space<hbm>> -> memref<80x128xf32, #tpu.memory_space<hbm>>
      %dma_start3A_51 = tpu.memref_slice %arg2[%add3A_49, %mul3A_0] : memref<160000x256xf32, #tpu.memory_space<hbm>> -> memref<80x128xf32, #tpu.memory_space<hbm>>
      tpu.enqueue_dma source(%dma_start3A_51 : memref<80x128xf32, #tpu.memory_space<hbm>>) target(%arg7 : memref<80x128xf32, #tpu.memory_space<vmem>>) target_semaphore(%arg10 : memref<!tpu.dma_semaphore, #tpu.memory_space<semaphore_mem>>)
      %add3A_52 = arith.constant 1 : i32
      %add3A_53 = arith.addi %add3A_26, %add3A_52 : i32
      %mul3A_54 = arith.constant 10000 : i32
      %mul3A_55 = arith.muli %arg1, %mul3A_54 : i32
      %mul3A_56 = arith.constant 80 : i32
      %mul3A_57 = arith.muli %add3A_53, %mul3A_56 : i32
      %add3A_58 = arith.addi %mul3A_55, %mul3A_57 : i32
      %dma_wait3A_59 = tpu.memref_slice %arg2[%add3A_58, %mul3A_0] : memref<160000x256xf32, #tpu.memory_space<hbm>> -> memref<80x128xf32, #tpu.memory_space<hbm>>
      %dma_wait3A_60 = tpu.memref_slice %arg2[%add3A_58, %mul3A_0] : memref<160000x256xf32, #tpu.memory_space<hbm>> -> memref<80x128xf32, #tpu.memory_space<hbm>>
      tpu.wait_dma2 semaphore(%arg11 : memref<!tpu.dma_semaphore, #tpu.memory_space<semaphore_mem>>) src(%dma_wait3A_60 : memref<80x128xf32, #tpu.memory_space<hbm>>) dst(%arg8 : memref<80x128xf32, #tpu.memory_space<vmem>>)
      %add3A_61 = arith.constant 1 : i32
      %add3A_62 = arith.addi %add3A_26, %add3A_61 : i32
      "tpu.region"() ({
        %run_scoped3A_63 = tpu.sem_alloc : memref<!tpu.dma_semaphore, #tpu.memory_space<semaphore_mem>>
        %dma_start3A_64 = arith.constant 0 : i32
        %dma_start3A_65 = tpu.memref_slice %arg6[%add3A_62, %dma_start3A_64] : memref<125x80xi32, #tpu.memory_space<vmem>> -> memref<1x80xi32, #tpu.memory_space<vmem>>
        %dma_start3A_66 = tpu.memref_squeeze %dma_start3A_65 : memref<1x80xi32, #tpu.memory_space<vmem>> -> memref<80xi32, #tpu.memory_space<vmem>>
        %dma_start3A_67 = arith.constant 0 : i32
        %dma_start3A_68 = arith.constant 0 : i32
        %dma_start3A_69 = tpu.memref_slice %arg9[%dma_start3A_67, %dma_start3A_68] : memref<10000x128xf32, #tpu.memory_space<vmem_shared>> -> memref<10000x128xf32, #tpu.memory_space<vmem_shared>>
        tpu.enqueue_indirect_dma source(%arg8 : memref<80x128xf32, #tpu.memory_space<vmem>>) target(%dma_start3A_69 : memref<10000x128xf32, #tpu.memory_space<vmem_shared>>) offsets(%dma_start3A_66 : memref<80xi32, #tpu.memory_space<vmem>>) semaphore(%run_scoped3A_63 : memref<!tpu.dma_semaphore, #tpu.memory_space<semaphore_mem>>) {add = true}
        %dma_wait3A_70 = arith.constant 0 : i32
        %dma_wait3A_71 = tpu.memref_slice %arg6[%add3A_62, %dma_wait3A_70] : memref<125x80xi32, #tpu.memory_space<vmem>> -> memref<1x80xi32, #tpu.memory_space<vmem>>
        %dma_wait3A_72 = tpu.memref_squeeze %dma_wait3A_71 : memref<1x80xi32, #tpu.memory_space<vmem>> -> memref<80xi32, #tpu.memory_space<vmem>>
        %dma_wait3A_73 = arith.constant 0 : i32
        %dma_wait3A_74 = arith.constant 0 : i32
        %dma_wait3A_75 = tpu.memref_slice %arg9[%dma_wait3A_73, %dma_wait3A_74] : memref<10000x128xf32, #tpu.memory_space<vmem_shared>> -> memref<10000x128xf32, #tpu.memory_space<vmem_shared>>
        tpu.wait_indirect_dma semaphore(%run_scoped3A_63 : memref<!tpu.dma_semaphore, #tpu.memory_space<semaphore_mem>>) src(%arg8 : memref<80x128xf32, #tpu.memory_space<vmem>>) dst(%dma_wait3A_75 : memref<10000x128xf32, #tpu.memory_space<vmem_shared>>)
        tpu.yield
      }) : () -> ()
    }
    %scan3A_10 = arith.constant 62 : i32
    %mul3A_11 = arith.constant 10000 : i32
    %mul3A_12 = arith.muli %arg1, %mul3A_11 : i32
    %add3A_13 = arith.constant 9920 : i32
    %add3A_14 = arith.addi %mul3A_12, %add3A_13 : i32
    %dma_wait3A = tpu.memref_slice %arg2[%add3A_14, %mul3A_0] : memref<160000x256xf32, #tpu.memory_space<hbm>> -> memref<80x128xf32, #tpu.memory_space<hbm>>
    %dma_wait3A_15 = tpu.memref_slice %arg2[%add3A_14, %mul3A_0] : memref<160000x256xf32, #tpu.memory_space<hbm>> -> memref<80x128xf32, #tpu.memory_space<hbm>>
    tpu.wait_dma2 semaphore(%arg10 : memref<!tpu.dma_semaphore, #tpu.memory_space<semaphore_mem>>) src(%dma_wait3A_15 : memref<80x128xf32, #tpu.memory_space<hbm>>) dst(%arg7 : memref<80x128xf32, #tpu.memory_space<vmem>>)
    %run_scoped3A = arith.constant 124 : i32
    "tpu.region"() ({
      %run_scoped3A_22 = tpu.sem_alloc : memref<!tpu.dma_semaphore, #tpu.memory_space<semaphore_mem>>
      %dma_start3A_23 = arith.constant 0 : i32
      %dma_start3A_24 = tpu.memref_slice %arg6[%run_scoped3A, %dma_start3A_23] : memref<125x80xi32, #tpu.memory_space<vmem>> -> memref<1x80xi32, #tpu.memory_space<vmem>>
      %dma_start3A_25 = tpu.memref_squeeze %dma_start3A_24 : memref<1x80xi32, #tpu.memory_space<vmem>> -> memref<80xi32, #tpu.memory_space<vmem>>
      %dma_start3A_26 = arith.constant 0 : i32
      %dma_start3A_27 = arith.constant 0 : i32
      %dma_start3A_28 = tpu.memref_slice %arg9[%dma_start3A_26, %dma_start3A_27] : memref<10000x128xf32, #tpu.memory_space<vmem_shared>> -> memref<10000x128xf32, #tpu.memory_space<vmem_shared>>
      tpu.enqueue_indirect_dma source(%arg7 : memref<80x128xf32, #tpu.memory_space<vmem>>) target(%dma_start3A_28 : memref<10000x128xf32, #tpu.memory_space<vmem_shared>>) offsets(%dma_start3A_25 : memref<80xi32, #tpu.memory_space<vmem>>) semaphore(%run_scoped3A_22 : memref<!tpu.dma_semaphore, #tpu.memory_space<semaphore_mem>>) {add = true}
      %dma_wait3A_29 = arith.constant 0 : i32
      %dma_wait3A_30 = tpu.memref_slice %arg6[%run_scoped3A, %dma_wait3A_29] : memref<125x80xi32, #tpu.memory_space<vmem>> -> memref<1x80xi32, #tpu.memory_space<vmem>>
      %dma_wait3A_31 = tpu.memref_squeeze %dma_wait3A_30 : memref<1x80xi32, #tpu.memory_space<vmem>> -> memref<80xi32, #tpu.memory_space<vmem>>
      %dma_wait3A_32 = arith.constant 0 : i32
      %dma_wait3A_33 = arith.constant 0 : i32
      %dma_wait3A_34 = tpu.memref_slice %arg9[%dma_wait3A_32, %dma_wait3A_33] : memref<10000x128xf32, #tpu.memory_space<vmem_shared>> -> memref<10000x128xf32, #tpu.memory_space<vmem_shared>>
      tpu.wait_indirect_dma semaphore(%run_scoped3A_22 : memref<!tpu.dma_semaphore, #tpu.memory_space<semaphore_mem>>) src(%arg7 : memref<80x128xf32, #tpu.memory_space<vmem>>) dst(%dma_wait3A_34 : memref<10000x128xf32, #tpu.memory_space<vmem_shared>>)
      tpu.yield
    }) : () -> ()
    %barrier3A_16 = arith.constant 0 : index
    tpu.barrier barrier_id(%barrier3A_16)
    %lt3A_17 = arith.constant 10 : i32
    %lt3A_18 = arith.cmpi slt, %arg1, %lt3A_17 : i32
    %convert_element_type3A_19 = arith.extui %lt3A_18 : i1 to i32
    %cond3A_20 = arith.constant 0 : i32
    %cond3A_21 = arith.cmpi ne, %convert_element_type3A_19, %cond3A_20 : i32
    scf.if %cond3A_21 {
      %mul3A_22 = arith.constant 1000 : i32
      %mul3A_23 = arith.muli %arg1, %mul3A_22 : i32
      %mul3A_24 = arith.constant 1000 : i32
      %mul3A_25 = arith.muli %arg1, %mul3A_24 : i32
      "tpu.region"() ({
        %run_scoped3A_26 = tpu.sem_alloc : memref<!tpu.dma_semaphore, #tpu.memory_space<semaphore_mem>>
        %dma_start3A_27 = tpu.memref_slice %arg5[%mul3A_25, %mul3A_0] : memref<10000x256xf32, #tpu.memory_space<hbm>> -> memref<1000x128xf32, #tpu.memory_space<hbm>>
        %dma_start3A_28 = arith.constant 0 : i32
        %dma_start3A_29 = tpu.memref_slice %arg9[%mul3A_23, %dma_start3A_28] : memref<10000x128xf32, #tpu.memory_space<vmem_shared>> -> memref<1000x128xf32, #tpu.memory_space<vmem_shared>>
        tpu.enqueue_dma source(%dma_start3A_29 : memref<1000x128xf32, #tpu.memory_space<vmem_shared>>) target(%dma_start3A_27 : memref<1000x128xf32, #tpu.memory_space<hbm>>) target_semaphore(%run_scoped3A_26 : memref<!tpu.dma_semaphore, #tpu.memory_space<semaphore_mem>>)
        %dma_wait3A_30 = tpu.memref_slice %arg5[%mul3A_25, %mul3A_0] : memref<10000x256xf32, #tpu.memory_space<hbm>> -> memref<1000x128xf32, #tpu.memory_space<hbm>>
        %dma_wait3A_31 = arith.constant 0 : i32
        %dma_wait3A_32 = tpu.memref_slice %arg9[%mul3A_23, %dma_wait3A_31] : memref<10000x128xf32, #tpu.memory_space<vmem_shared>> -> memref<1000x128xf32, #tpu.memory_space<vmem_shared>>
        tpu.wait_dma2 semaphore(%run_scoped3A_26 : memref<!tpu.dma_semaphore, #tpu.memory_space<semaphore_mem>>) src(%dma_wait3A_32 : memref<1000x128xf32, #tpu.memory_space<vmem_shared>>) dst(%dma_wait3A_30 : memref<1000x128xf32, #tpu.memory_space<hbm>>)
        tpu.yield
      }) : () -> ()
    } else {
    }
    return
  }
}

module attributes {stable_mosaic.version = 14 : i64} {
  func.func @body(%arg0: i32, %arg1: memref<2000x256xf32, #tpu.memory_space<vmem>>, %arg2: memref<2000x3xf32, #tpu.memory_space<vmem>>, %arg3: memref<256x256xf32, #tpu.memory_space<vmem>>, %arg4: memref<256x256xf32, #tpu.memory_space<vmem>>, %arg5: memref<2000x384xf32, #tpu.memory_space<vmem>>, %arg6: memref<2000x384xf32, #tpu.memory_space<vmem>>) attributes {dimension_semantics = [#tpu.dimension_semantics<arbitrary>], iteration_bounds = array<i64: 5>, scalar_prefetch = 0 : i64, scratch_operands = 0 : i64, tpu.core_type = #tpu.core_type<tc>, window_params = [{transform_indices = @transform_0, window_bounds = array<i64: 2000, 256>}, {transform_indices = @transform_1, window_bounds = array<i64: 2000, 3>}, {pipeline_mode = #tpu.pipeline_mode<synchronous>, transform_indices = @transform_2, window_bounds = array<i64: 256, 256>}, {pipeline_mode = #tpu.pipeline_mode<synchronous>, transform_indices = @transform_3, window_bounds = array<i64: 256, 256>}, {transform_indices = @transform_4, window_bounds = array<i64: 2000, 384>}, {transform_indices = @transform_5, window_bounds = array<i64: 2000, 384>}]} {
    %get3A = arith.constant 0 : index
    %get3A_0 = arith.constant 0 : index
    %get3A_1 = vector.load %arg1[%get3A, %get3A_0] : memref<2000x256xf32, #tpu.memory_space<vmem>>, vector<2000x256xf32>
    %get3A_2 = arith.constant 0 : index
    %get3A_3 = arith.constant 0 : index
    %get3A_4 = vector.load %arg2[%get3A_2, %get3A_3] : memref<2000x3xf32, #tpu.memory_space<vmem>>, vector<2000x3xf32>
    %broadcast_in_dim3A = arith.constant 0.000000e+00 : f32
    %broadcast_in_dim3A_5 = vector.broadcast %broadcast_in_dim3A : f32 to vector<2000x125xf32>
    %concatenate3A = tpu.concatenate %get3A_4, %broadcast_in_dim3A_5 in 1 : vector<2000x3xf32>, vector<2000x125xf32> -> vector<2000x128xf32>
    %get3A_6 = arith.constant 0 : index
    %get3A_7 = arith.constant 0 : index
    %get3A_8 = vector.load %arg3[%get3A_6, %get3A_7] : memref<256x256xf32, #tpu.memory_space<vmem>>, vector<256x256xf32>
    %dot_general3A = arith.constant dense<0.000000e+00> : vector<2000x256xf32>
    %dot_general3A_9 = tpu.matmul %get3A_1, %get3A_8, %dot_general3A {dimension_numbers = #tpu.dot_dimension_numbers<[1], [0], [0], [1], [0, 0, 1, 1], [], []>, transpose_lhs_hint = false} : vector<2000x256xf32>, vector<256x256xf32>, vector<2000x256xf32> -> vector<2000x256xf32>
    %get3A_10 = arith.constant 0 : index
    %get3A_11 = arith.constant 0 : index
    %get3A_12 = vector.load %arg4[%get3A_10, %get3A_11] : memref<256x256xf32, #tpu.memory_space<vmem>>, vector<256x256xf32>
    %dot_general3A_13 = arith.constant dense<0.000000e+00> : vector<2000x256xf32>
    %dot_general3A_14 = tpu.matmul %get3A_1, %get3A_12, %dot_general3A_13 {dimension_numbers = #tpu.dot_dimension_numbers<[1], [0], [0], [1], [0, 0, 1, 1], [], []>, transpose_lhs_hint = false} : vector<2000x256xf32>, vector<256x256xf32>, vector<2000x256xf32> -> vector<2000x256xf32>
    %concatenate3A_15 = tpu.concatenate %dot_general3A_9, %concatenate3A in 1 : vector<2000x256xf32>, vector<2000x128xf32> -> vector<2000x384xf32>
    %swap3A = arith.constant 0 : index
    %swap3A_16 = arith.constant 0 : index
    %swap3A_17 = vector.load %arg5[%swap3A, %swap3A_16] : memref<2000x384xf32, #tpu.memory_space<vmem>>, vector<2000x384xf32>
    tpu.vector_store %arg5[%swap3A, %swap3A_16], %concatenate3A_15 {strides = array<i32>} : memref<2000x384xf32, #tpu.memory_space<vmem>>, vector<2000x384xf32>,
    %concatenate3A_18 = tpu.concatenate %dot_general3A_14, %concatenate3A in 1 : vector<2000x256xf32>, vector<2000x128xf32> -> vector<2000x384xf32>
    %swap3A_19 = arith.constant 0 : index
    %swap3A_20 = arith.constant 0 : index
    %swap3A_21 = vector.load %arg6[%swap3A_19, %swap3A_20] : memref<2000x384xf32, #tpu.memory_space<vmem>>, vector<2000x384xf32>
    tpu.vector_store %arg6[%swap3A_19, %swap3A_20], %concatenate3A_18 {strides = array<i32>} : memref<2000x384xf32, #tpu.memory_space<vmem>>, vector<2000x384xf32>,
    return
  }
  func.func @transform_0(%arg0: i32) -> (i32, i32) {
    %c0_i32 = arith.constant 0 : i32
    %c0_i32_0 = arith.constant 0 : i32
    return %arg0, %c0_i32 : i32, i32
  }
  func.func @transform_1(%arg0: i32) -> (i32, i32) {
    %c0_i32 = arith.constant 0 : i32
    %c0_i32_0 = arith.constant 0 : i32
    return %arg0, %c0_i32 : i32, i32
  }
  func.func @transform_2(%arg0: i32) -> (i32, i32) {
    %c0_i32 = arith.constant 0 : i32
    %c0_i32_0 = arith.constant 0 : i32
    %c0_i32_1 = arith.constant 0 : i32
    return %c0_i32, %c0_i32_0 : i32, i32
  }
  func.func @transform_3(%arg0: i32) -> (i32, i32) {
    %c0_i32 = arith.constant 0 : i32
    %c0_i32_0 = arith.constant 0 : i32
    %c0_i32_1 = arith.constant 0 : i32
    return %c0_i32, %c0_i32_0 : i32, i32
  }
  func.func @transform_4(%arg0: i32) -> (i32, i32) {
    %c0_i32 = arith.constant 0 : i32
    %c0_i32_0 = arith.constant 0 : i32
    return %arg0, %c0_i32 : i32, i32
  }
  func.func @transform_5(%arg0: i32) -> (i32, i32) {
    %c0_i32 = arith.constant 0 : i32
    %c0_i32_0 = arith.constant 0 : i32
    return %arg0, %c0_i32 : i32, i32
  }
}

module attributes {stable_mosaic.version = 14 : i64} {
  func.func @body(%arg0: i32, %arg1: memref<2000x384xf32, #tpu.memory_space<vmem>>, %arg2: memref<2000x16xf32, #tpu.memory_space<vmem>>, %arg3: memref<1x256xf32, #tpu.memory_space<vmem>>, %arg4: memref<16x256xf32, #tpu.memory_space<vmem>>, %arg5: memref<1x256xf32, #tpu.memory_space<vmem>>, %arg6: memref<256x256xf32, #tpu.memory_space<vmem>>, %arg7: memref<1x256xf32, #tpu.memory_space<vmem>>, %arg8: memref<2000x256xf32, #tpu.memory_space<vmem>>) attributes {dimension_semantics = [#tpu.dimension_semantics<arbitrary>], iteration_bounds = array<i64: 80>, scalar_prefetch = 0 : i64, scratch_operands = 0 : i64, tpu.core_type = #tpu.core_type<tc>, window_params = [{transform_indices = @transform_0, window_bounds = array<i64: 2000, 384>}, {transform_indices = @transform_1, window_bounds = array<i64: 2000, 16>}, {pipeline_mode = #tpu.pipeline_mode<synchronous>, transform_indices = @transform_2, window_bounds = array<i64: 1, 256>}, {pipeline_mode = #tpu.pipeline_mode<synchronous>, transform_indices = @transform_3, window_bounds = array<i64: 16, 256>}, {pipeline_mode = #tpu.pipeline_mode<synchronous>, transform_indices = @transform_4, window_bounds = array<i64: 1, 256>}, {pipeline_mode = #tpu.pipeline_mode<synchronous>, transform_indices = @transform_5, window_bounds = array<i64: 256, 256>}, {pipeline_mode = #tpu.pipeline_mode<synchronous>, transform_indices = @transform_6, window_bounds = array<i64: 1, 256>}, {transform_indices = @transform_7, window_bounds = array<i64: 2000, 256>}]} {
    %get3A = arith.constant 0 : index
    %get3A_0 = arith.constant 0 : index
    %get3A_1 = vector.load %arg1[%get3A, %get3A_0] : memref<2000x384xf32, #tpu.memory_space<vmem>>, vector<2000x384xf32>
    %slice3A = vector.extract_strided_slice %get3A_1 {offsets = [0, 256], sizes = [2000, 128], strides = [1, 1]} : vector<2000x384xf32> to vector<2000x128xf32>
    %mul3A = arith.mulf %slice3A, %slice3A : vector<2000x128xf32>
    %reduce_sum3A = arith.constant dense<0.000000e+00> : vector<2000xf32>
    %reduce_sum3A_2 = vector.multi_reduction <add>, %mul3A, %reduce_sum3A [1] : vector<2000x128xf32> to vector<2000xf32>
    %broadcast_in_dim3A = vector.shape_cast %reduce_sum3A_2 : vector<2000xf32> to vector<2000x1xf32>
    %slice3A_3 = vector.extract_strided_slice %get3A_1 {offsets = [0, 0], sizes = [2000, 256], strides = [1, 1]} : vector<2000x384xf32> to vector<2000x256xf32>
    %get3A_4 = arith.constant 0 : index
    %get3A_5 = arith.constant 0 : index
    %get3A_6 = vector.load %arg3[%get3A_4, %get3A_5] : memref<1x256xf32, #tpu.memory_space<vmem>>, vector<1x256xf32>
    %mul3A_7 = vector.broadcast %broadcast_in_dim3A : vector<2000x1xf32> to vector<2000x256xf32>
    %mul3A_8 = vector.broadcast %get3A_6 : vector<1x256xf32> to vector<2000x256xf32>
    %mul3A_9 = arith.mulf %mul3A_7, %mul3A_8 : vector<2000x256xf32>
    %add3A = arith.addf %slice3A_3, %mul3A_9 : vector<2000x256xf32>
    %get3A_10 = arith.constant 0 : index
    %get3A_11 = arith.constant 0 : index
    %get3A_12 = vector.load %arg2[%get3A_10, %get3A_11] : memref<2000x16xf32, #tpu.memory_space<vmem>>, vector<2000x16xf32>
    %get3A_13 = arith.constant 0 : index
    %get3A_14 = arith.constant 0 : index
    %get3A_15 = vector.load %arg4[%get3A_13, %get3A_14] : memref<16x256xf32, #tpu.memory_space<vmem>>, vector<16x256xf32>
    %dot_general3A = arith.constant dense<0.000000e+00> : vector<2000x256xf32>
    %dot_general3A_16 = tpu.matmul %get3A_12, %get3A_15, %dot_general3A {dimension_numbers = #tpu.dot_dimension_numbers<[1], [0], [0], [1], [0, 0, 1, 1], [], []>, transpose_lhs_hint = false} : vector<2000x16xf32>, vector<16x256xf32>, vector<2000x256xf32> -> vector<2000x256xf32>
    %add3A_17 = arith.addf %add3A, %dot_general3A_16 : vector<2000x256xf32>
    %get3A_18 = arith.constant 0 : index
    %get3A_19 = arith.constant 0 : index
    %get3A_20 = vector.load %arg5[%get3A_18, %get3A_19] : memref<1x256xf32, #tpu.memory_space<vmem>>, vector<1x256xf32>
    %add3A_21 = vector.broadcast %get3A_20 : vector<1x256xf32> to vector<2000x256xf32>
    %add3A_22 = arith.addf %add3A_17, %add3A_21 : vector<2000x256xf32>
    %logistic3A = arith.negf %add3A_22 : vector<2000x256xf32>
    %logistic3A_23 = math.exp %logistic3A : vector<2000x256xf32>
    %logistic3A_24 = arith.constant 1.000000e+00 : f32
    %logistic3A_25 = vector.broadcast %logistic3A_24 : f32 to vector<2000x256xf32>
    %logistic3A_26 = arith.addf %logistic3A_25, %logistic3A_23 : vector<2000x256xf32>
    %logistic3A_27 = arith.divf %logistic3A_25, %logistic3A_26 : vector<2000x256xf32>
    %mul3A_28 = arith.mulf %add3A_22, %logistic3A_27 : vector<2000x256xf32>
    %get3A_29 = arith.constant 0 : index
    %get3A_30 = arith.constant 0 : index
    %get3A_31 = vector.load %arg6[%get3A_29, %get3A_30] : memref<256x256xf32, #tpu.memory_space<vmem>>, vector<256x256xf32>
    %dot_general3A_32 = arith.constant dense<0.000000e+00> : vector<2000x256xf32>
    %dot_general3A_33 = tpu.matmul %mul3A_28, %get3A_31, %dot_general3A_32 {dimension_numbers = #tpu.dot_dimension_numbers<[1], [0], [0], [1], [0, 0, 1, 1], [], []>, transpose_lhs_hint = false} : vector<2000x256xf32>, vector<256x256xf32>, vector<2000x256xf32> -> vector<2000x256xf32>
    %get3A_34 = arith.constant 0 : index
    %get3A_35 = arith.constant 0 : index
    %get3A_36 = vector.load %arg7[%get3A_34, %get3A_35] : memref<1x256xf32, #tpu.memory_space<vmem>>, vector<1x256xf32>
    %add3A_37 = vector.broadcast %get3A_36 : vector<1x256xf32> to vector<2000x256xf32>
    %add3A_38 = arith.addf %dot_general3A_33, %add3A_37 : vector<2000x256xf32>
    %logistic3A_39 = arith.negf %add3A_38 : vector<2000x256xf32>
    %logistic3A_40 = math.exp %logistic3A_39 : vector<2000x256xf32>
    %logistic3A_41 = arith.constant 1.000000e+00 : f32
    %logistic3A_42 = vector.broadcast %logistic3A_41 : f32 to vector<2000x256xf32>
    %logistic3A_43 = arith.addf %logistic3A_42, %logistic3A_40 : vector<2000x256xf32>
    %logistic3A_44 = arith.divf %logistic3A_42, %logistic3A_43 : vector<2000x256xf32>
    %mul3A_45 = arith.mulf %add3A_38, %logistic3A_44 : vector<2000x256xf32>
    %swap3A = arith.constant 0 : index
    %swap3A_46 = arith.constant 0 : index
    %swap3A_47 = vector.load %arg8[%swap3A, %swap3A_46] : memref<2000x256xf32, #tpu.memory_space<vmem>>, vector<2000x256xf32>
    tpu.vector_store %arg8[%swap3A, %swap3A_46], %mul3A_45 {strides = array<i32>} : memref<2000x256xf32, #tpu.memory_space<vmem>>, vector<2000x256xf32>,
    return
  }
  func.func @transform_0(%arg0: i32) -> (i32, i32) {
    %c0_i32 = arith.constant 0 : i32
    %c0_i32_0 = arith.constant 0 : i32
    return %arg0, %c0_i32 : i32, i32
  }
  func.func @transform_1(%arg0: i32) -> (i32, i32) {
    %c0_i32 = arith.constant 0 : i32
    %c0_i32_0 = arith.constant 0 : i32
    return %arg0, %c0_i32 : i32, i32
  }
  func.func @transform_2(%arg0: i32) -> (i32, i32) {
    %c0_i32 = arith.constant 0 : i32
    %c0_i32_0 = arith.constant 0 : i32
    %c0_i32_1 = arith.constant 0 : i32
    return %c0_i32, %c0_i32_0 : i32, i32
  }
  func.func @transform_3(%arg0: i32) -> (i32, i32) {
    %c0_i32 = arith.constant 0 : i32
    %c0_i32_0 = arith.constant 0 : i32
    %c0_i32_1 = arith.constant 0 : i32
    return %c0_i32, %c0_i32_0 : i32, i32
  }
  func.func @transform_4(%arg0: i32) -> (i32, i32) {
    %c0_i32 = arith.constant 0 : i32
    %c0_i32_0 = arith.constant 0 : i32
    %c0_i32_1 = arith.constant 0 : i32
    return %c0_i32, %c0_i32_0 : i32, i32
  }
  func.func @transform_5(%arg0: i32) -> (i32, i32) {
    %c0_i32 = arith.constant 0 : i32
    %c0_i32_0 = arith.constant 0 : i32
    %c0_i32_1 = arith.constant 0 : i32
    return %c0_i32, %c0_i32_0 : i32, i32
  }
  func.func @transform_6(%arg0: i32) -> (i32, i32) {
    %c0_i32 = arith.constant 0 : i32
    %c0_i32_0 = arith.constant 0 : i32
    %c0_i32_1 = arith.constant 0 : i32
    return %c0_i32, %c0_i32_0 : i32, i32
  }
  func.func @transform_7(%arg0: i32) -> (i32, i32) {
    %c0_i32 = arith.constant 0 : i32
    %c0_i32_0 = arith.constant 0 : i32
    return %arg0, %c0_i32 : i32, i32
  }
}

module attributes {stable_mosaic.version = 14 : i64} {
  func.func @body(%arg0: i32, %arg1: memref<2000x256xf32, #tpu.memory_space<vmem>>, %arg2: memref<2000x256xf32, #tpu.memory_space<vmem>>, %arg3: memref<256x256xf32, #tpu.memory_space<vmem>>, %arg4: memref<256x256xf32, #tpu.memory_space<vmem>>, %arg5: memref<1x256xf32, #tpu.memory_space<vmem>>, %arg6: memref<256x256xf32, #tpu.memory_space<vmem>>, %arg7: memref<1x256xf32, #tpu.memory_space<vmem>>, %arg8: memref<2000x256xf32, #tpu.memory_space<vmem>>) attributes {dimension_semantics = [#tpu.dimension_semantics<arbitrary>], iteration_bounds = array<i64: 5>, scalar_prefetch = 0 : i64, scratch_operands = 0 : i64, tpu.core_type = #tpu.core_type<tc>, window_params = [{transform_indices = @transform_0, window_bounds = array<i64: 2000, 256>}, {transform_indices = @transform_1, window_bounds = array<i64: 2000, 256>}, {pipeline_mode = #tpu.pipeline_mode<synchronous>, transform_indices = @transform_2, window_bounds = array<i64: 256, 256>}, {pipeline_mode = #tpu.pipeline_mode<synchronous>, transform_indices = @transform_3, window_bounds = array<i64: 256, 256>}, {pipeline_mode = #tpu.pipeline_mode<synchronous>, transform_indices = @transform_4, window_bounds = array<i64: 1, 256>}, {pipeline_mode = #tpu.pipeline_mode<synchronous>, transform_indices = @transform_5, window_bounds = array<i64: 256, 256>}, {pipeline_mode = #tpu.pipeline_mode<synchronous>, transform_indices = @transform_6, window_bounds = array<i64: 1, 256>}, {transform_indices = @transform_7, window_bounds = array<i64: 2000, 256>}]} {
    %get3A = arith.constant 0 : index
    %get3A_0 = arith.constant 0 : index
    %get3A_1 = vector.load %arg1[%get3A, %get3A_0] : memref<2000x256xf32, #tpu.memory_space<vmem>>, vector<2000x256xf32>
    %get3A_2 = arith.constant 0 : index
    %get3A_3 = arith.constant 0 : index
    %get3A_4 = vector.load %arg2[%get3A_2, %get3A_3] : memref<2000x256xf32, #tpu.memory_space<vmem>>, vector<2000x256xf32>
    %get3A_5 = arith.constant 0 : index
    %get3A_6 = arith.constant 0 : index
    %get3A_7 = vector.load %arg3[%get3A_5, %get3A_6] : memref<256x256xf32, #tpu.memory_space<vmem>>, vector<256x256xf32>
    %dot_general3A = arith.constant dense<0.000000e+00> : vector<2000x256xf32>
    %dot_general3A_8 = tpu.matmul %get3A_1, %get3A_7, %dot_general3A {dimension_numbers = #tpu.dot_dimension_numbers<[1], [0], [0], [1], [0, 0, 1, 1], [], []>, transpose_lhs_hint = false} : vector<2000x256xf32>, vector<256x256xf32>, vector<2000x256xf32> -> vector<2000x256xf32>
    %get3A_9 = arith.constant 0 : index
    %get3A_10 = arith.constant 0 : index
    %get3A_11 = vector.load %arg4[%get3A_9, %get3A_10] : memref<256x256xf32, #tpu.memory_space<vmem>>, vector<256x256xf32>
    %dot_general3A_12 = arith.constant dense<0.000000e+00> : vector<2000x256xf32>
    %dot_general3A_13 = tpu.matmul %get3A_4, %get3A_11, %dot_general3A_12 {dimension_numbers = #tpu.dot_dimension_numbers<[1], [0], [0], [1], [0, 0, 1, 1], [], []>, transpose_lhs_hint = false} : vector<2000x256xf32>, vector<256x256xf32>, vector<2000x256xf32> -> vector<2000x256xf32>
    %add3A = arith.addf %dot_general3A_8, %dot_general3A_13 : vector<2000x256xf32>
    %get3A_14 = arith.constant 0 : index
    %get3A_15 = arith.constant 0 : index
    %get3A_16 = vector.load %arg5[%get3A_14, %get3A_15] : memref<1x256xf32, #tpu.memory_space<vmem>>, vector<1x256xf32>
    %add3A_17 = vector.broadcast %get3A_16 : vector<1x256xf32> to vector<2000x256xf32>
    %add3A_18 = arith.addf %add3A, %add3A_17 : vector<2000x256xf32>
    %logistic3A = arith.negf %add3A_18 : vector<2000x256xf32>
    %logistic3A_19 = math.exp %logistic3A : vector<2000x256xf32>
    %logistic3A_20 = arith.constant 1.000000e+00 : f32
    %logistic3A_21 = vector.broadcast %logistic3A_20 : f32 to vector<2000x256xf32>
    %logistic3A_22 = arith.addf %logistic3A_21, %logistic3A_19 : vector<2000x256xf32>
    %logistic3A_23 = arith.divf %logistic3A_21, %logistic3A_22 : vector<2000x256xf32>
    %mul3A = arith.mulf %add3A_18, %logistic3A_23 : vector<2000x256xf32>
    %get3A_24 = arith.constant 0 : index
    %get3A_25 = arith.constant 0 : index
    %get3A_26 = vector.load %arg6[%get3A_24, %get3A_25] : memref<256x256xf32, #tpu.memory_space<vmem>>, vector<256x256xf32>
    %dot_general3A_27 = arith.constant dense<0.000000e+00> : vector<2000x256xf32>
    %dot_general3A_28 = tpu.matmul %mul3A, %get3A_26, %dot_general3A_27 {dimension_numbers = #tpu.dot_dimension_numbers<[1], [0], [0], [1], [0, 0, 1, 1], [], []>, transpose_lhs_hint = false} : vector<2000x256xf32>, vector<256x256xf32>, vector<2000x256xf32> -> vector<2000x256xf32>
    %get3A_29 = arith.constant 0 : index
    %get3A_30 = arith.constant 0 : index
    %get3A_31 = vector.load %arg7[%get3A_29, %get3A_30] : memref<1x256xf32, #tpu.memory_space<vmem>>, vector<1x256xf32>
    %add3A_32 = vector.broadcast %get3A_31 : vector<1x256xf32> to vector<2000x256xf32>
    %add3A_33 = arith.addf %dot_general3A_28, %add3A_32 : vector<2000x256xf32>
    %add3A_34 = arith.addf %add3A_33, %get3A_1 : vector<2000x256xf32>
    %swap3A = arith.constant 0 : index
    %swap3A_35 = arith.constant 0 : index
    %swap3A_36 = vector.load %arg8[%swap3A, %swap3A_35] : memref<2000x256xf32, #tpu.memory_space<vmem>>, vector<2000x256xf32>
    tpu.vector_store %arg8[%swap3A, %swap3A_35], %add3A_34 {strides = array<i32>} : memref<2000x256xf32, #tpu.memory_space<vmem>>, vector<2000x256xf32>,
    return
  }
  func.func @transform_0(%arg0: i32) -> (i32, i32) {
    %c0_i32 = arith.constant 0 : i32
    %c0_i32_0 = arith.constant 0 : i32
    return %arg0, %c0_i32 : i32, i32
  }
  func.func @transform_1(%arg0: i32) -> (i32, i32) {
    %c0_i32 = arith.constant 0 : i32
    %c0_i32_0 = arith.constant 0 : i32
    return %arg0, %c0_i32 : i32, i32
  }
  func.func @transform_2(%arg0: i32) -> (i32, i32) {
    %c0_i32 = arith.constant 0 : i32
    %c0_i32_0 = arith.constant 0 : i32
    %c0_i32_1 = arith.constant 0 : i32
    return %c0_i32, %c0_i32_0 : i32, i32
  }
  func.func @transform_3(%arg0: i32) -> (i32, i32) {
    %c0_i32 = arith.constant 0 : i32
    %c0_i32_0 = arith.constant 0 : i32
    %c0_i32_1 = arith.constant 0 : i32
    return %c0_i32, %c0_i32_0 : i32, i32
  }
  func.func @transform_4(%arg0: i32) -> (i32, i32) {
    %c0_i32 = arith.constant 0 : i32
    %c0_i32_0 = arith.constant 0 : i32
    %c0_i32_1 = arith.constant 0 : i32
    return %c0_i32, %c0_i32_0 : i32, i32
  }
  func.func @transform_5(%arg0: i32) -> (i32, i32) {
    %c0_i32 = arith.constant 0 : i32
    %c0_i32_0 = arith.constant 0 : i32
    %c0_i32_1 = arith.constant 0 : i32
    return %c0_i32, %c0_i32_0 : i32, i32
  }
  func.func @transform_6(%arg0: i32) -> (i32, i32) {
    %c0_i32 = arith.constant 0 : i32
    %c0_i32_0 = arith.constant 0 : i32
    %c0_i32_1 = arith.constant 0 : i32
    return %c0_i32, %c0_i32_0 : i32, i32
  }
  func.func @transform_7(%arg0: i32) -> (i32, i32) {
    %c0_i32 = arith.constant 0 : i32
    %c0_i32_0 = arith.constant 0 : i32
    return %arg0, %c0_i32 : i32, i32
  }
}

</mosaic_0001>

<sc_bundles>
// kernel: kernel.10.cloned.1.call-start
scs
__scs_entry_jumppad:
0x0: {  	(pc) =	sbr.rel $0x88, $3  }
0x1: {  	(tag) =	ssettag $0x0;
	lr =	simm.s32 $0x1  }
0x2: {  	[smem:$0x3F95] =	sst lr;
	_ =	strace $0xD0000000  }
0x3: {  	_ = 	snop  }
0x4: {  	_ = 	snop  }
0x5: {  	_ = 	snop  }
0x6: {  	_ = 	snop  }
0x7: {  	_ = 	snop  }
__scs_overlays_trampoline_lowered:
0x8: {  	[smem:$0x3FA4] =	sst s0  }
0x9: {  	[smem:$0x3FA5] =	sst s1  }
0xa: {  	[smem:$0x3FA6] =	sst s2  }
0xb: {  	[smem:$0x3FA7] =	sst s3  }
0xc: {  	[smem:$0x3FA8] =	sst s4  }
0xd: {  	[smem:$0x3FA9] =	sst s5  }
0xe: {  	[smem:$0x3FAA] =	sst s6  }
0xf: {  	[smem:$0x3FAB] =	sst s7  }
0x10: {  	[smem:$0x3FAC] =	sst s8  }
0x11: {  	[smem:$0x3FAD] =	sst s9;
	s0 =	simm.s32 @!p0 $0x0  }
0x12: {  	s1 =	sld [smem:$0x3F93];
	s0 =	simm.s32 @p0 $0x1  }
0x13: {  	[smem:$0x3FAE] =	sst s0;
	s0 =	simm.s32 @!p1 $0x0  }
0x14: {  	s2 =	sld [smem:$0x3F92];
	s0 =	simm.s32 @p1 $0x1  }
0x15: {  	[smem:$0x3FAF] =	sst s0;
	s0 =	simm.s32 @!p2 $0x0  }
0x16: {  	s3 =	sld [smem:$0x3FDB];
	s0 =	simm.s32 @p2 $0x1  }
0x17: {  	s4 =	simm.s32 $0x1BF5;
	[smem:$0x3FB1] =	sst s0  }
0x18: {  	s0 =	sld [smem:$0x3F94];
	_ =	swait.ge [sflag:s4], $0x0  }
0x19: {  	s7 =	sld [smem:$0x3F95]  }
0x1a: {  	s8 =	sadd.s32 $0xFFFFE003, lr  }
0x1b: {  	s9 =	sadd.s32 $0xFFFFFEF7, lr;
	s5 =	simm.s32 $0xFFFFFFFF;
	p2 =	slt.u32 s8, $0xFFFFF086  }
0x1c: {  	p1 =	slt.u32 s9, $0xF7A;
	s5 =	simm.s32 @!p2 $0x0  }
0x1d: {  	s5 =	simm.s32 @p1 $0x1;
	p0 =	seq.s32 s7, s2  }
0x1e: {  	s7 =	smul.u32 @!p0 $0xF7A, s2;
	p2 =	seq.s32 @!p0 s5, $0x0  }
0x1f: {  	s9 =	smul.u32 $0xF7A, s1;
	s8 =	simm.s32 @!p0 $0x1BF5;
	p2 =	por !p2, p0  }
0x20: {  	[sflag:s8] =	ssyncset.s32 @!p0 $0xFFFFF086;
	s6 =	sadd.s32 @!p0 s3, s7;
	s7 =	simm.s32 @!p0 $0x108  }
0x21: {  	s3 =	sadd.s32 s3, s9;
	s6 =	sadd.s32 @!p0 $0x88, s6;
	s7 =	simm.s32 @p2 $0x1082  }
0x22: {  	[simem:s7], [sflag:s8] =	dma.local @!p0 [hbm:s6], $0xF7A  }
0x23: {  	s9 =	sor.u32 $0xD0000000, s2;
	s6 =	simm.s32 $0x108;
	_ =	swait.ge @!p0 [sflag:s8], $0x0  }
0x24: {  	s3 =	sadd.s32 $0x88, s3;
	s6 =	simm.s32 @!p1 $0x1082;
	[sflag:s4] =	ssyncset.s32 $0xFFFFF086  }
0x25: {  	[simem:s6], [sflag:s4] =	dma.local [hbm:s3], $0xF7A  }
0x26: {  	[smem:$0x3F95] =	sst s1;
	(tag) =	ssettag s2;
	_ =	strace s9  }
0x27: {  	s1 =	sld [smem:$0x3FA5]  }
0x28: {  	s2 =	sld [smem:$0x3FA6]  }
0x29: {  	s4 =	sld [smem:$0x3FA8]  }
0x2a: {  	p0 =	seq.s32 s5, $0x0;
	s5 =	sld [smem:$0x3FA9]  }
0x2b: {  	s6 =	sld [smem:$0x3FAA]  }
0x2c: {  	s7 =	sld [smem:$0x3FAB]  }
0x2d: {  	s3 =	simm.s32 $0x108;
	s8 =	sld [smem:$0x3FAC]  }
0x2e: {  	s3 =	simm.s32 @!p0 $0x1082;
	s9 =	sld [smem:$0x3FAD]  }
0x2f: {  	lr =	sadd.s32 s0, s3;
	s0 =	sld [smem:$0x3FA4]  }
0x30: {  	s3 =	sld [smem:$0x3FA7]  }
0x31: {  	[smem:$0x3FB0] =	sst s10  }
0x32: {  	s10 =	sld [smem:$0x3FAE];
	_ =	sdelay $0x3  }
0x33: {  	p0 =	seq.s32 s10, $0x1;
	s10 =	sld [smem:$0x3FB0];
	_ =	sdelay $0x3  }
0x34: {  	[smem:$0x3FB0] =	sst s10  }
0x35: {  	s10 =	sld [smem:$0x3FAF];
	_ =	sdelay $0x3  }
0x36: {  	p1 =	seq.s32 s10, $0x1;
	s10 =	sld [smem:$0x3FB0];
	_ =	sdelay $0x3  }
0x37: {  	[smem:$0x3FB0] =	sst s10  }
0x38: {  	s10 =	sld [smem:$0x3FB1]  }
0x39: {  	_ = 	snop;
	(pc) =	sbr.ind lr, $3  }
0x3a: {  	_ = 	snop  }
0x3b: {  	_ = 	snop  }
0x3c: {  	p2 =	seq.s32 s10, $0x1;
	s10 =	sld [smem:$0x3FB0]  }
0x3d: {  	_ =	shalt  }
0x3e: {  	_ =	shalt  }
0x3f: {  	_ =	shalt  }
0x40: {  	_ =	shalt  }
0x41: {  	_ =	shalt  }
0x42: {  	_ =	shalt  }
0x43: {  	_ =	shalt  }
0x44: {  	_ =	shalt  }
0x45: {  	_ =	shalt  }
0x46: {  	_ =	shalt  }
0x47: {  	_ =	shalt  }
0x48: {  	_ =	shalt  }
0x49: {  	_ =	shalt  }
0x4a: {  	_ =	shalt  }
0x4b: {  	_ =	shalt  }
0x4c: {  	_ =	shalt  }
0x4d: {  	_ =	shalt  }
0x4e: {  	_ =	shalt  }
0x4f: {  	_ =	shalt  }
0x50: {  	_ =	shalt  }
0x51: {  	_ =	shalt  }
0x52: {  	_ =	shalt  }
0x53: {  	_ =	shalt  }
0x54: {  	_ =	shalt  }
0x55: {  	_ =	shalt  }
0x56: {  	_ =	shalt  }
0x57: {  	_ =	shalt  }
0x58: {  	_ =	shalt  }
0x59: {  	_ =	shalt  }
0x5a: {  	_ =	shalt  }
0x5b: {  	_ =	shalt  }
0x5c: {  	_ =	shalt  }
0x5d: {  	_ =	shalt  }
0x5e: {  	_ =	shalt  }
0x5f: {  	_ =	shalt  }
0x60: {  	_ =	shalt  }
0x61: {  	_ =	shalt  }
0x62: {  	_ =	shalt  }
0x63: {  	_ =	shalt  }
0x64: {  	_ =	shalt  }
0x65: {  	_ =	shalt  }
0x66: {  	_ =	shalt  }
0x67: {  	_ =	shalt  }
0x68: {  	_ =	shalt  }
0x69: {  	_ =	shalt  }
0x6a: {  	_ =	shalt  }
0x6b: {  	_ =	shalt  }
0x6c: {  	_ =	shalt  }
0x6d: {  	_ =	shalt  }
0x6e: {  	_ =	shalt  }
0x6f: {  	_ =	shalt  }
0x70: {  	_ =	shalt  }
0x71: {  	_ =	shalt  }
0x72: {  	_ =	shalt  }
0x73: {  	_ =	shalt  }
0x74: {  	_ =	shalt  }
0x75: {  	_ =	shalt  }
0x76: {  	_ =	shalt  }
0x77: {  	_ =	shalt  }
0x78: {  	_ =	shalt  }
0x79: {  	_ =	shalt  }
0x7a: {  	_ =	shalt  }
0x7b: {  	_ =	shalt  }
0x7c: {  	_ =	shalt  }
0x7d: {  	_ =	shalt  }
0x7e: {  	_ =	shalt  }
0x7f: {  	_ =	shalt  }
0x80: {  	_ =	shalt  }
0x81: {  	_ =	shalt  }
0x82: {  	_ =	shalt  }
0x83: {  	_ =	shalt  }
0x84: {  	_ =	shalt  }
0x85: {  	_ =	shalt  }
0x86: {  	_ =	shalt  }
0x87: {  	_ =	shalt  }
.Lfunc_end0:
.L_simem_size_0:
called_computation.1_lowered:
.L_overlay_start_0:
0x88: {  	s2 =	sld [smem:$0x3FD9]  }
0x89: {  	s3 =	sld [smem:$0x3FFE];
	_ =	sdelay $0x1  }
0x8a: {  	s1 =	srdreg.scid  }
0x8b: {  	s0 =	sand.u32 $0x1, s1  }
0x8c: {  	s14 =	sshll.u32 s0, $0xA;
	s2 =	sadd.s32 s3, s2  }
0x8d: {  	s2 =	sadd.s32 s2, s14  }
0x8e: {  	[smem:$0x3FBC] =	sst s2  }
0x8f: {  	_ = 	snop  }
0x90: {  	s2 =	sld [smem:$0x3FD0];
	_ =	sdelay $0x2  }
0x91: {  	s15 =	simm.s32 $0xA;
	s4 =	simm.s32 $0x10  }
0x92: {  	[smem:s4], [sflag:s15] =	dma.local [hbm:s2], $0x1  }
0x93: {  	_ =	swait.eq [sflag:s15], $0x1  }
0x94: {  	[sflag:s15] =	ssyncset.done $0x0  }
0x95: {  	[sflag:s15] =	ssyncadd.s32 $0xFFFFFFFF  }
0x96: {  	s16 =	sld [smem:$0x10];
	(tm) =	ssettm $0x1  }
0x97: {  	s17 =	sld [smem:$0x3FFB];
	_ =	sdelay $0x3  }
0x98: {  	_ =	strace s17  }
0x99: {  	s3 =	sld [smem:$0x3FFC];
	_ =	sdelay $0x3  }
0x9a: {  	_ =	strace s3  }
0x9b: {  	s3 =	sld [smem:$0x3FFD];
	_ =	sdelay $0x3  }
0x9c: {  	_ =	strace s3  }
0x9d: {  	_ =	strace $0x8FFFFFFF  }
0x9e: {  	s18 =	sld [smem:$0x3FDB];
	_ =	sdelay $0x1  }
0x9f: {  	s19 =	simm.s32 $_scs_section_size  }
0xa0: {  	s5 =	simm.s32 $_size__tile_overlayer_lowered;
	s6 =	simm.s32 $_tile_overlayer_lowered  }
0xa1: {  	s22 =	simm.s32 $0x1BFF;
	s21 =	sshll.u32 s6, $0x1;
	s3 =	sadd.s32 s19, s18  }
0xa2: {  	s7 =	simm.s32 $0x0;
	s20 =	sshll.u32 s5, $0x1;
	s5 =	sadd.s32 s21, s3  }
0xa3: {  	[timem:s7], [sflag:s22] =	dma.local [hbm:s5], s20  }
0xa4: {  	_ =	swait.ge [sflag:s22], s20  }
0xa5: {  	s4 =	ssub.s32 $0x0, s20;
	[sflag:s22] =	ssyncset.done $0x0  }
0xa6: {  	[sflag:s22] =	ssyncadd.s32 s4;
	_ =	sdelay $0x1  }
0xa7: {  	s23 =	simm.s32 $0x1B8B  }
0xa8: {  	_ =	swait.ge [sflag:s23], $0x1  }
0xa9: {  	[sflag:s23] =	ssyncset.done $0x0  }
0xaa: {  	s25 =	simm.s32 $0x1B8E;
	s24 =	sld [smem:$0x3FFE];
	[sflag:s23] =	ssyncadd.s32 $0xFFFFFFFF  }
0xab: {  	s26 =	simm.s32 $execute0_lowered;
	[smem:$0x3FD2] =	sst s25  }
0xac: {  	s5 =	sshll.u32 s26, $0x1;
	_ =	strace $0x80000049;
	[dreg:$0x1] =	wrdreg $0xFFFFFFFF  }
0xad: {  	s28 =	simm.s32 $_size_execute0_lowered;
	s3 =	sadd.s32 s3, s5;
	[dreg:$0x0] =	wrdreg $0x0  }
0xae: {  	s5 =	sshll.u32 s28, $0x1;
	[dreg:$0x2] =	wrdreg s3  }
0xaf: {  	[dreg:$0x3] =	wrdreg s5  }
0xb0: {  	[dreg:$0x4] =	wrdreg $0xC0  }
0xb1: {  	_ =	task [dreg:s7], $0x5FFFF  }
0xb2: {  	[dreg:$0x1] =	wrdreg $0xFFFFFFFF  }
0xb3: {  	[dreg:$0x0] =	wrdreg $0x60  }
0xb4: {  	[dreg:$0x2] =	wrdreg s24  }
0xb5: {  	[dreg:$0x3] =	wrdreg s16  }
0xb6: {  	[dreg:$0x4] =	wrdreg $0x90000  }
0xb7: {  	[dreg:$0x5] =	wrdreg $0x9  }
0xb8: {  	_ =	task.clear_ibuf [dreg:s7], $0x6FFFF;
	_ =	strace $0x90000049  }
0xb9: {  	s29 =	simm.s32 $0x9;
	_ =	strace $0x8000004B  }
0xba: {  	_ =	swait.ge [sflag:s29], $0x1  }
0xbb: {  	[sflag:s29] =	ssyncadd.s32 $0xFFFFFFFF  }
0xbc: {  	_ =	strace $0x9000004B  }
0xbd: {  	_ =	sfence  }
0xbe: {  	s30 =	sld [smem:$0x0];
	_ =	sdelay $0x2  }
0xbf: {  	s31 =	sshll.u32 s1, $0xD;
	s1 =	sshrl.u32 s1, $0x2  }
0xc0: {  	s3 =	sand.u32 $0x4000, s31;
	s1 =	sadd.s32 s1, s30  }
0xc1: {  	s0 =	sor.u32 s3, s0;
	s1 =	sshll.u32 s1, $0x11  }
0xc2: {  	s0 =	sor.u32 s1, s0  }
0xc3: {  	s0 =	sadd.s32 $0x8F2B, s0  }
0xc4: {  	[sflag:s0] =	ssyncadd.remote.s32 $0x1  }
0xc5: {  	_ =	sfence.sel $0xFFFF  }
0xc6: {  	[dreg:$0x0] =	wrdreg $0xFFFFFFFF;
	(pc) =	sbr.abs _section_cstart, $3  }
0xc7: {  	[dreg:$0x1] =	wrdreg $0xFFFFFFFF  }
0xc8: {  	_ =	task.clear_ibuf [dreg:s7], $0x2FFFF;
	_ =	strace $0x9FFFFFFF  }
0xc9: {  	(tm) =	ssettm $0x7FFFFFFF  }
tec
execute0_lowered:
.L_overlay_start_1:
0x0: {  	(tag) =	ssettag $0x1  }
0x1: {  	s5 =	rddreg [dreg:$0x0]  }
0x2: {  	s8 =	rddreg [dreg:$0x1]  }
0x3: {  	s1 =	rddreg [dreg:$0x2]  }
0x4: {  	s0 =	rddreg [dreg:$0x3];
	s3 =	simm.s32 $0x0;
	s2 =	stileid.u32  }
0x5: {  	s9 =	srdreg.scid;
	s15 =	simm.s32 $0x400;
	s16 =	simm.s32 $0x800  }
0x6: {  	s17 =	simm.s32 $0x4000;
	s18 =	simm.s32 $0x6800;
	s19 =	simm.s32 $0x1  }
0x7: {  	s20 =	simm.s32 $0x50;
	s21 =	simm.s32 $0x2;
	s7 =	smul.u32 $0x3E80, s2  }
0x8: {  	s22 =	simm.s32 $0x3E00;
	s23 =	simm.s32 $0x0;
	s10 =	smul.u32 $0x7D000, s2  }
0x9: {  	[smem:$0x7FF] =	sst s3;
	s4 =	sadd.s32 $0xACDA00, s5;
	s11 =	smul.u32 $0x271000, s2  }
0xa: {  	s6 =	sshll.u32 s2, $0xB;
	s9 =	sand.u32 $0x1, s9;
	s13 =	smul.u32 $0x3E800, s2  }
0xb: {  	p0 =	sgt.u32 s2, $0x9;
	_ =	strace $0x8000004A;
	s6 =	sadd.s32 s6, s5  }
0xc: {  	s25 =	ssub.s32 $0x2, s9;
	s26 =	sshll.u32 s9, $0xA;
	s5 =	sadd.s32 s7, s5  }
0xd: {  	s12 =	sshrl.u32 s25, $0x1;
	s10 =	sshrl.u32 s10, $0x2;
	s28 =	sor.u32 s26, s11  }
0xe: {  	s7 =	sor.u32 s26, s13;
	s6 =	sadd.s32 $0x854A00, s6;
	s12 =	ssub.s32 s25, s12  }
0xf: {  	s14 =	sadd.s32 s10, s1;
	s5 =	sadd.s32 $0x85CA00, s5;
	s29 =	sshrl.u32 s28, $0x3  }
0x10: {  	s30 =	sshrl.u32 s7, $0x3;
	s31 =	sadd.s32 $0x5000, s28;
	s10 =	sadd.s32 $0xA000, s28  }
0x11: {  	s7 =	sadd.s32 s4, s29;
	s8 =	sadd.s32 s8, s30;
	s9 =	smax.u32 s12, $0x1  }
0x12: {  	s11 =	sshrl.u32 s31, $0x3;
	s12 =	sshll.u32 @!p0 s2, $0x6;
	s13 =	sshrl.u32 @!p0 s14, $0x3  }
0x13: {  	s14 =	simm.s32 $0x3;
	s11 =	sadd.s32 s11, s4;
	s12 =	sor.u32 @!p0 $0x1C03, s12  }
.LBB2_1:
0x14: {  	[spmem:s13], [sflag:s12] =	dma.local @!p0 [hbm:s5], $0x3E80  }
0x15: {  	s24 =	simm.s32 @!p0 $0x3  }
0x16: {  	_ =	swait.ge @!p0 [sflag:s24], $0x3E80  }
0x17: {  	[sflag:s24] =	ssyncset.done @!p0 $0x0  }
0x18: {  	[sflag:s24] =	ssyncadd.s32 @!p0 $0xFFFFC180  }
0x19: {  	[tilespmem:s3], [sflag:$0x3] =	stream.linear.gather [hbm4b:s6+s3], $0x3E80, $0x38;
	[tilespmem:$0x1C880] =	vst v63  }
0x1a: {  	_ =	swait.ge [sflag:s14], $0x3E80  }
0x1b: {  	[sflag:s14] =	ssyncset.done $0x0  }
0x1c: {  	[sflag:s14] =	ssyncadd.s32 $0xFFFFC180  }
0x1d: {  	[bflag:$0x0] =	sbarrier.arrive $0xFFFF  }
0x1e: {  	[tilespmem:s17], [sflag:$0x1] =	stream.strided.gather [hbm4b:s7+s15], $0x2800, s16, s15, $0x38;
	[tilespmem:$0x1C880] =	vst v63  }
0x1f: {  	s29 =	sadd.s32 $0x0, s11  }
0x20: {  	[tilespmem:s18], [sflag:$0x2] =	stream.strided.gather [hbm4b:s29+s15], $0x2800, s16, s15, $0x38;
	[tilespmem:$0x1C880] =	vst v63  }
0x21: {  	_ =	swait.ge [sflag:s19], $0x2800  }
0x22: {  	[sflag:s19] =	ssyncset.done $0x0  }
0x23: {  	[sflag:s19] =	ssyncadd.s32 $0xFFFFD800  }
0x24: {  	[spmem:s1] =	stream.indirect.scatter.add.f32 [tilespmem:s17], [sflag:$0x3], $0x80, s3, s20, $0xb8;
	[tilespmem:$0x1C880] =	vst v63  }
0x25: {  	_ =	swait.ge [sflag:s14], $0x2800  }
0x26: {  	s30 =	sshrl.u32 s10, $0x3;
	[sflag:s14] =	ssyncset.done $0x0  }
0x27: {  	s24 =	sadd.s32 s4, s30;
	[sflag:s14] =	ssyncadd.s32 $0xFFFFD800  }
0x28: {  	[tilespmem:s17], [sflag:$0x1] =	stream.strided.gather [hbm4b:s24+s15], $0x2800, s16, s15, $0x38;
	[tilespmem:$0x1C880] =	vst v63  }
0x29: {  	_ =	swait.ge [sflag:s21], $0x2800  }
0x2a: {  	[sflag:s21] =	ssyncset.done $0x0  }
0x2b: {  	s31 =	simm.s32 $0x80;
	[sflag:s21] =	ssyncadd.s32 $0xFFFFD800  }
0x2c: {  	[spmem:s1] =	stream.indirect.scatter.add.f32 [tilespmem:s18], [sflag:$0x3], $0x80, s31, s20, $0xb8;
	[tilespmem:$0x1C880] =	vst v63  }
0x2d: {  	s26 =	simm.s32 $0x1400;
	s28 =	simm.s32 $0x2800;
	_ =	swait.ge [sflag:s14], $0x2800  }
0x2e: {  	s25 =	sadd.s32 $0xA000, s10;
	s24 =	simm.s32 $0x100;
	[sflag:s14] =	ssyncset.done $0x0  }
.LBB2_2:
0x2f: {  	s29 =	sadd.s32 s26, s11  }
0x30: {  	[sflag:s14] =	ssyncadd.s32 $0xFFFFD800;
	s26 =	smov.u32 s28;
	s30 =	sadd.s32 $0x1400, s28  }
0x31: {  	[tilespmem:s18], [sflag:$0x2] =	stream.strided.gather [hbm4b:s29+s15], $0x2800, s16, s15, $0x38;
	[tilespmem:$0x1C880] =	vst v63  }
0x32: {  	p1 =	sne.s32 s28, $0x4C400;
	_ =	swait.ge [sflag:s19], $0x2800  }
0x33: {  	[sflag:s19] =	ssyncset.done $0x0  }
0x34: {  	[sflag:s19] =	ssyncadd.s32 $0xFFFFD800  }
0x35: {  	[spmem:s1] =	stream.indirect.scatter.add.f32 [tilespmem:s17], [sflag:$0x3], $0x80, s24, s20, $0xb8;
	[tilespmem:$0x1C880] =	vst v63  }
0x36: {  	_ =	swait.ge [sflag:s14], $0x2800  }
0x37: {  	s28 =	sshrl.u32 s25, $0x3;
	[sflag:s14] =	ssyncset.done $0x0  }
0x38: {  	s28 =	sadd.s32 s4, s28;
	[sflag:s14] =	ssyncadd.s32 $0xFFFFD800  }
0x39: {  	[tilespmem:s17], [sflag:$0x1] =	stream.strided.gather [hbm4b:s28+s15], $0x2800, s16, s15, $0x38;
	[tilespmem:$0x1C880] =	vst v63  }
0x3a: {  	_ =	swait.ge [sflag:s21], $0x2800  }
.Ltmp0:
0x3b: {  	[sflag:s21] =	ssyncset.done $0x0;
	(pc) =	sbr.rel @p1 .LBB2_2-.Ltmp0, $4  }
0x3c: {  	s28 =	sadd.s32 $0x80, s24;
	[sflag:s21] =	ssyncadd.s32 $0xFFFFD800  }
0x3d: {  	[spmem:s1] =	stream.indirect.scatter.add.f32 [tilespmem:s18], [sflag:$0x3], $0x80, s28, s20, $0xb8;
	[tilespmem:$0x1C880] =	vst v63  }
0x3e: {  	s25 =	sadd.s32 $0xA000, s25;
	_ =	swait.ge [sflag:s14], $0x2800  }
0x3f: {  	s24 =	sadd.s32 $0x100, s24;
	s28 =	smov.u32 s30;
	[sflag:s14] =	ssyncset.done $0x0  }
0x40: {  	s26 =	sadd.s32 s26, s11;
	[sflag:s14] =	ssyncadd.s32 $0xFFFFD800  }
0x41: {  	[tilespmem:s18], [sflag:$0x2] =	stream.strided.gather [hbm4b:s26+s15], $0x2800, s16, s15, $0x38;
	[tilespmem:$0x1C880] =	vst v63  }
0x42: {  	_ =	swait.ge [sflag:s19], $0x2800  }
0x43: {  	[sflag:s19] =	ssyncset.done $0x0  }
0x44: {  	[sflag:s19] =	ssyncadd.s32 $0xFFFFD800  }
0x45: {  	[spmem:s1] =	stream.indirect.scatter.add.f32 [tilespmem:s17], [sflag:$0x3], $0x80, s24, s20, $0xb8;
	[tilespmem:$0x1C880] =	vst v63  }
0x46: {  	_ =	swait.ge [sflag:s14], $0x2800  }
0x47: {  	s25 =	sshrl.u32 s25, $0x3;
	[sflag:s14] =	ssyncset.done $0x0  }
0x48: {  	s25 =	sadd.s32 s4, s25;
	[sflag:s14] =	ssyncadd.s32 $0xFFFFD800  }
0x49: {  	[tilespmem:s17], [sflag:$0x1] =	stream.strided.gather [hbm4b:s25+s15], $0x2800, s16, s15, $0x38;
	[tilespmem:$0x1C880] =	vst v63  }
0x4a: {  	_ =	swait.ge [sflag:s21], $0x2800  }
0x4b: {  	[sflag:s21] =	ssyncset.done $0x0  }
0x4c: {  	s31 =	sadd.s32 $0x80, s24;
	[sflag:s21] =	ssyncadd.s32 $0xFFFFD800  }
0x4d: {  	[spmem:s1] =	stream.indirect.scatter.add.f32 [tilespmem:s18], [sflag:$0x3], $0x80, s31, s20, $0xb8;
	[tilespmem:$0x1C880] =	vst v63  }
0x4e: {  	_ =	swait.ge [sflag:s14], $0x2800  }
0x4f: {  	[sflag:s14] =	ssyncset.done $0x0  }
0x50: {  	[sflag:s14] =	ssyncadd.s32 $0xFFFFD800  }
0x51: {  	_ =	swait.ge [sflag:s19], $0x2800  }
0x52: {  	[sflag:s19] =	ssyncset.done $0x0  }
0x53: {  	[sflag:s19] =	ssyncadd.s32 $0xFFFFD800  }
0x54: {  	[spmem:s1] =	stream.indirect.scatter.add.f32 [tilespmem:s17], [sflag:$0x3], $0x80, s22, s20, $0xb8;
	[tilespmem:$0x1C880] =	vst v63  }
0x55: {  	_ =	swait.ge [sflag:s14], $0x2800  }
0x56: {  	s23 =	sadd.s32 $0x1, s23;
	[sflag:s14] =	ssyncset.done $0x0  }
0x57: {  	s26 =	simm.s32 @!p0 $0x80;
	p1 =	sne.s32 s23, s9;
	[sflag:s14] =	ssyncadd.s32 $0xFFFFD800  }
0x58: {  	s24 =	simm.s32 @!p0 $0x8;
	s25 =	simm.s32 @!p0 $0x100;
	[bflag:$0x0] =	sbarrier.arrive $0xFFFF  }
0x59: {  	[hbm:s8@s25], [sflag:s12] =	dma.strided @!p0 [spmem:s13@s26], $0x3E80, s24, $0x10   }
.Ltmp1:
0x5a: {  	_ = 	snop;
	(pc) =	sbr.rel @p1 .LBB2_1-.Ltmp1, $4  }
0x5b: {  	s24 =	simm.s32 @!p0 $0x3  }
0x5c: {  	_ =	swait.ge @!p0 [sflag:s24], $0x3E80  }
0x5d: {  	[sflag:s24] =	ssyncset.done @!p0 $0x0  }
0x5e: {  	[sflag:s24] =	ssyncadd.s32 @!p0 $0xFFFFC180  }
0x5f: {  	_ =	sfence.sel $0x180000  }
0x60: {  	[bflag:$0x0] =	sbarrier.arrive $0xFFFF  }
0x61: {  	p0 =	sne.s32 s2, $0x0;
	_ =	strace $0x9000004A  }
0x62: {  	s0 =	sadd.s32 @!p0 $0x100000, s0;
	[bflag:$0x2] =	sbarrier.arrive $0xFFFF  }
0x63: {  	[sflag:s0] =	ssyncadd.tile.s32 @!p0 $0x1;
	_ =	shalt  }
.Lfunc_end2:
_tile_overlayer_lowered:
.L_overlay_start_2:
0x64: {  	(tag) =	ssettag $0x2  }
0x65: {  	s0 =	rddreg [dreg:$0x0];
	s2 =	stileid.u32  }
0x66: {  	s1 =	rddreg [dreg:$0x1];
	p0 =	sne.s32 s2, $0x0  }
0x67: {  	s3 =	rddreg [dreg:$0x2];
	[bflag:$0x3] =	sbarrier.arrive $0xFFFF;
	s2 =	simm.s32 @!p0 $0x1C03  }
0x68: {  	[timem:s3], [sflag:s2] =	dma.local @!p0 [hbm:s0], s1  }
0x69: {  	s0 =	simm.s32 @!p0 $0x3  }
0x6a: {  	_ =	swait.ge @!p0 [sflag:s0], s1  }
0x6b: {  	s1 =	ssub.s32 @!p0 $0x0, s1;
	[sflag:s0] =	ssyncset.done @!p0 $0x0  }
0x6c: {  	[sflag:s0] =	ssyncadd.s32 @!p0 s1  }
0x6d: {  	[bflag:$0x3] =	sbarrier.arrive $0xFFFF  }
0x6e: {  	_ =	shalt  }

// kernel: kernel.7.cloned.1.call-start
scs
__scs_entry_jumppad:
0x0: {  	(pc) =	sbr.rel $0x88, $3  }
0x1: {  	(tag) =	ssettag $0x0;
	lr =	simm.s32 $0x1  }
0x2: {  	[smem:$0x3F95] =	sst lr;
	_ =	strace $0xD0000000  }
0x3: {  	_ = 	snop  }
0x4: {  	_ = 	snop  }
0x5: {  	_ = 	snop  }
0x6: {  	_ = 	snop  }
0x7: {  	_ = 	snop  }
__scs_overlays_trampoline_lowered:
0x8: {  	[smem:$0x3FA4] =	sst s0  }
0x9: {  	[smem:$0x3FA5] =	sst s1  }
0xa: {  	[smem:$0x3FA6] =	sst s2  }
0xb: {  	[smem:$0x3FA7] =	sst s3  }
0xc: {  	[smem:$0x3FA8] =	sst s4  }
0xd: {  	[smem:$0x3FA9] =	sst s5  }
0xe: {  	[smem:$0x3FAA] =	sst s6  }
0xf: {  	[smem:$0x3FAB] =	sst s7  }
0x10: {  	[smem:$0x3FAC] =	sst s8  }
0x11: {  	[smem:$0x3FAD] =	sst s9;
	s0 =	simm.s32 @!p0 $0x0  }
0x12: {  	s1 =	sld [smem:$0x3F93];
	s0 =	simm.s32 @p0 $0x1  }
0x13: {  	[smem:$0x3FAE] =	sst s0;
	s0 =	simm.s32 @!p1 $0x0  }
0x14: {  	s2 =	sld [smem:$0x3F92];
	s0 =	simm.s32 @p1 $0x1  }
0x15: {  	[smem:$0x3FAF] =	sst s0;
	s0 =	simm.s32 @!p2 $0x0  }
0x16: {  	s3 =	sld [smem:$0x3FDB];
	s0 =	simm.s32 @p2 $0x1  }
0x17: {  	s4 =	simm.s32 $0x1BF5;
	[smem:$0x3FB1] =	sst s0  }
0x18: {  	s0 =	sld [smem:$0x3F94];
	_ =	swait.ge [sflag:s4], $0x0  }
0x19: {  	s7 =	sld [smem:$0x3F95]  }
0x1a: {  	s8 =	sadd.s32 $0xFFFFE003, lr  }
0x1b: {  	s9 =	sadd.s32 $0xFFFFFEF7, lr;
	s5 =	simm.s32 $0xFFFFFFFF;
	p2 =	slt.u32 s8, $0xFFFFF086  }
0x1c: {  	p1 =	slt.u32 s9, $0xF7A;
	s5 =	simm.s32 @!p2 $0x0  }
0x1d: {  	s5 =	simm.s32 @p1 $0x1;
	p0 =	seq.s32 s7, s2  }
0x1e: {  	s7 =	smul.u32 @!p0 $0xF7A, s2;
	p2 =	seq.s32 @!p0 s5, $0x0  }
0x1f: {  	s9 =	smul.u32 $0xF7A, s1;
	s8 =	simm.s32 @!p0 $0x1BF5;
	p2 =	por !p2, p0  }
0x20: {  	[sflag:s8] =	ssyncset.s32 @!p0 $0xFFFFF086;
	s6 =	sadd.s32 @!p0 s3, s7;
	s7 =	simm.s32 @!p0 $0x108  }
0x21: {  	s3 =	sadd.s32 s3, s9;
	s6 =	sadd.s32 @!p0 $0x88, s6;
	s7 =	simm.s32 @p2 $0x1082  }
0x22: {  	[simem:s7], [sflag:s8] =	dma.local @!p0 [hbm:s6], $0xF7A  }
0x23: {  	s9 =	sor.u32 $0xD0000000, s2;
	s6 =	simm.s32 $0x108;
	_ =	swait.ge @!p0 [sflag:s8], $0x0  }
0x24: {  	s3 =	sadd.s32 $0x88, s3;
	s6 =	simm.s32 @!p1 $0x1082;
	[sflag:s4] =	ssyncset.s32 $0xFFFFF086  }
0x25: {  	[simem:s6], [sflag:s4] =	dma.local [hbm:s3], $0xF7A  }
0x26: {  	[smem:$0x3F95] =	sst s1;
	(tag) =	ssettag s2;
	_ =	strace s9  }
0x27: {  	s1 =	sld [smem:$0x3FA5]  }
0x28: {  	s2 =	sld [smem:$0x3FA6]  }
0x29: {  	s4 =	sld [smem:$0x3FA8]  }
0x2a: {  	p0 =	seq.s32 s5, $0x0;
	s5 =	sld [smem:$0x3FA9]  }
0x2b: {  	s6 =	sld [smem:$0x3FAA]  }
0x2c: {  	s7 =	sld [smem:$0x3FAB]  }
0x2d: {  	s3 =	simm.s32 $0x108;
	s8 =	sld [smem:$0x3FAC]  }
0x2e: {  	s3 =	simm.s32 @!p0 $0x1082;
	s9 =	sld [smem:$0x3FAD]  }
0x2f: {  	lr =	sadd.s32 s0, s3;
	s0 =	sld [smem:$0x3FA4]  }
0x30: {  	s3 =	sld [smem:$0x3FA7]  }
0x31: {  	[smem:$0x3FB0] =	sst s10  }
0x32: {  	s10 =	sld [smem:$0x3FAE];
	_ =	sdelay $0x3  }
0x33: {  	p0 =	seq.s32 s10, $0x1;
	s10 =	sld [smem:$0x3FB0];
	_ =	sdelay $0x3  }
0x34: {  	[smem:$0x3FB0] =	sst s10  }
0x35: {  	s10 =	sld [smem:$0x3FAF];
	_ =	sdelay $0x3  }
0x36: {  	p1 =	seq.s32 s10, $0x1;
	s10 =	sld [smem:$0x3FB0];
	_ =	sdelay $0x3  }
0x37: {  	[smem:$0x3FB0] =	sst s10  }
0x38: {  	s10 =	sld [smem:$0x3FB1]  }
0x39: {  	_ = 	snop;
	(pc) =	sbr.ind lr, $3  }
0x3a: {  	_ = 	snop  }
0x3b: {  	_ = 	snop  }
0x3c: {  	p2 =	seq.s32 s10, $0x1;
	s10 =	sld [smem:$0x3FB0]  }
0x3d: {  	_ =	shalt  }
0x3e: {  	_ =	shalt  }
0x3f: {  	_ =	shalt  }
0x40: {  	_ =	shalt  }
0x41: {  	_ =	shalt  }
0x42: {  	_ =	shalt  }
0x43: {  	_ =	shalt  }
0x44: {  	_ =	shalt  }
0x45: {  	_ =	shalt  }
0x46: {  	_ =	shalt  }
0x47: {  	_ =	shalt  }
0x48: {  	_ =	shalt  }
0x49: {  	_ =	shalt  }
0x4a: {  	_ =	shalt  }
0x4b: {  	_ =	shalt  }
0x4c: {  	_ =	shalt  }
0x4d: {  	_ =	shalt  }
0x4e: {  	_ =	shalt  }
0x4f: {  	_ =	shalt  }
0x50: {  	_ =	shalt  }
0x51: {  	_ =	shalt  }
0x52: {  	_ =	shalt  }
0x53: {  	_ =	shalt  }
0x54: {  	_ =	shalt  }
0x55: {  	_ =	shalt  }
0x56: {  	_ =	shalt  }
0x57: {  	_ =	shalt  }
0x58: {  	_ =	shalt  }
0x59: {  	_ =	shalt  }
0x5a: {  	_ =	shalt  }
0x5b: {  	_ =	shalt  }
0x5c: {  	_ =	shalt  }
0x5d: {  	_ =	shalt  }
0x5e: {  	_ =	shalt  }
0x5f: {  	_ =	shalt  }
0x60: {  	_ =	shalt  }
0x61: {  	_ =	shalt  }
0x62: {  	_ =	shalt  }
0x63: {  	_ =	shalt  }
0x64: {  	_ =	shalt  }
0x65: {  	_ =	shalt  }
0x66: {  	_ =	shalt  }
0x67: {  	_ =	shalt  }
0x68: {  	_ =	shalt  }
0x69: {  	_ =	shalt  }
0x6a: {  	_ =	shalt  }
0x6b: {  	_ =	shalt  }
0x6c: {  	_ =	shalt  }
0x6d: {  	_ =	shalt  }
0x6e: {  	_ =	shalt  }
0x6f: {  	_ =	shalt  }
0x70: {  	_ =	shalt  }
0x71: {  	_ =	shalt  }
0x72: {  	_ =	shalt  }
0x73: {  	_ =	shalt  }
0x74: {  	_ =	shalt  }
0x75: {  	_ =	shalt  }
0x76: {  	_ =	shalt  }
0x77: {  	_ =	shalt  }
0x78: {  	_ =	shalt  }
0x79: {  	_ =	shalt  }
0x7a: {  	_ =	shalt  }
0x7b: {  	_ =	shalt  }
0x7c: {  	_ =	shalt  }
0x7d: {  	_ =	shalt  }
0x7e: {  	_ =	shalt  }
0x7f: {  	_ =	shalt  }
0x80: {  	_ =	shalt  }
0x81: {  	_ =	shalt  }
0x82: {  	_ =	shalt  }
0x83: {  	_ =	shalt  }
0x84: {  	_ =	shalt  }
0x85: {  	_ =	shalt  }
0x86: {  	_ =	shalt  }
0x87: {  	_ =	shalt  }
.Lfunc_end0:
.L_simem_size_0:
called_computation_lowered:
.L_overlay_start_0:
0x88: {  	s2 =	sld [smem:$0x3FD9]  }
0x89: {  	s3 =	sld [smem:$0x3FFE];
	_ =	sdelay $0x1  }
0x8a: {  	s1 =	srdreg.scid  }
0x8b: {  	s0 =	sand.u32 $0x1, s1  }
0x8c: {  	s14 =	sshll.u32 s0, $0xA;
	s2 =	sadd.s32 s3, s2  }
0x8d: {  	s2 =	sadd.s32 s2, s14  }
0x8e: {  	[smem:$0x3FBC] =	sst s2  }
0x8f: {  	_ = 	snop  }
0x90: {  	s2 =	sld [smem:$0x3FD0];
	_ =	sdelay $0x2  }
0x91: {  	s15 =	simm.s32 $0xA;
	s4 =	simm.s32 $0x10  }
0x92: {  	[smem:s4], [sflag:s15] =	dma.local [hbm:s2], $0x1  }
0x93: {  	_ =	swait.eq [sflag:s15], $0x1  }
0x94: {  	[sflag:s15] =	ssyncset.done $0x0  }
0x95: {  	[sflag:s15] =	ssyncadd.s32 $0xFFFFFFFF  }
0x96: {  	s16 =	sld [smem:$0x10];
	(tm) =	ssettm $0x1  }
0x97: {  	s17 =	sld [smem:$0x3FFB];
	_ =	sdelay $0x3  }
0x98: {  	_ =	strace s17  }
0x99: {  	s3 =	sld [smem:$0x3FFC];
	_ =	sdelay $0x3  }
0x9a: {  	_ =	strace s3  }
0x9b: {  	s3 =	sld [smem:$0x3FFD];
	_ =	sdelay $0x3  }
0x9c: {  	_ =	strace s3  }
0x9d: {  	_ =	strace $0x8FFFFFFF  }
0x9e: {  	s18 =	sld [smem:$0x3FDB];
	_ =	sdelay $0x1  }
0x9f: {  	s19 =	simm.s32 $_scs_section_size  }
0xa0: {  	s5 =	simm.s32 $_size__tile_overlayer_lowered;
	s6 =	simm.s32 $_tile_overlayer_lowered  }
0xa1: {  	s22 =	simm.s32 $0x1BFF;
	s21 =	sshll.u32 s6, $0x1;
	s3 =	sadd.s32 s19, s18  }
0xa2: {  	s7 =	simm.s32 $0x0;
	s20 =	sshll.u32 s5, $0x1;
	s5 =	sadd.s32 s21, s3  }
0xa3: {  	[timem:s7], [sflag:s22] =	dma.local [hbm:s5], s20  }
0xa4: {  	_ =	swait.ge [sflag:s22], s20  }
0xa5: {  	s4 =	ssub.s32 $0x0, s20;
	[sflag:s22] =	ssyncset.done $0x0  }
0xa6: {  	[sflag:s22] =	ssyncadd.s32 s4;
	_ =	sdelay $0x1  }
0xa7: {  	s23 =	simm.s32 $0x1B8B  }
0xa8: {  	_ =	swait.ge [sflag:s23], $0x1  }
0xa9: {  	[sflag:s23] =	ssyncset.done $0x0  }
0xaa: {  	s25 =	simm.s32 $0x1B8E;
	s24 =	sld [smem:$0x3FFE];
	[sflag:s23] =	ssyncadd.s32 $0xFFFFFFFF  }
0xab: {  	s26 =	simm.s32 $execute0_lowered;
	[smem:$0x3FD2] =	sst s25  }
0xac: {  	s5 =	sshll.u32 s26, $0x1;
	_ =	strace $0x80000046;
	[dreg:$0x1] =	wrdreg $0xFFFFFFFF  }
0xad: {  	s28 =	simm.s32 $_size_execute0_lowered;
	s3 =	sadd.s32 s3, s5;
	[dreg:$0x0] =	wrdreg $0x0  }
0xae: {  	s5 =	sshll.u32 s28, $0x1;
	[dreg:$0x2] =	wrdreg s3  }
0xaf: {  	[dreg:$0x3] =	wrdreg s5  }
0xb0: {  	[dreg:$0x4] =	wrdreg $0xC0  }
0xb1: {  	_ =	task [dreg:s7], $0x5FFFF  }
0xb2: {  	[dreg:$0x1] =	wrdreg $0xFFFFFFFF  }
0xb3: {  	[dreg:$0x0] =	wrdreg $0x60  }
0xb4: {  	[dreg:$0x2] =	wrdreg s24  }
0xb5: {  	[dreg:$0x3] =	wrdreg s16  }
0xb6: {  	[dreg:$0x4] =	wrdreg $0x9  }
0xb7: {  	_ =	task.clear_ibuf [dreg:s7], $0x5FFFF;
	_ =	strace $0x90000046  }
0xb8: {  	s29 =	simm.s32 $0x9;
	_ =	strace $0x80000048  }
0xb9: {  	_ =	swait.ge [sflag:s29], $0x1  }
0xba: {  	[sflag:s29] =	ssyncadd.s32 $0xFFFFFFFF  }
0xbb: {  	_ =	strace $0x90000048  }
0xbc: {  	_ =	sfence  }
0xbd: {  	s30 =	sld [smem:$0x0];
	_ =	sdelay $0x2  }
0xbe: {  	s31 =	sshll.u32 s1, $0xD;
	s1 =	sshrl.u32 s1, $0x2  }
0xbf: {  	s3 =	sand.u32 $0x4000, s31;
	s1 =	sadd.s32 s1, s30  }
0xc0: {  	s0 =	sor.u32 s3, s0;
	s1 =	sshll.u32 s1, $0x11  }
0xc1: {  	s0 =	sor.u32 s1, s0  }
0xc2: {  	s0 =	sadd.s32 $0x8F2B, s0  }
0xc3: {  	[sflag:s0] =	ssyncadd.remote.s32 $0x1  }
0xc4: {  	_ =	sfence.sel $0xFFFF  }
0xc5: {  	[dreg:$0x0] =	wrdreg $0xFFFFFFFF;
	(pc) =	sbr.abs _section_cstart, $3  }
0xc6: {  	[dreg:$0x1] =	wrdreg $0xFFFFFFFF  }
0xc7: {  	_ =	task.clear_ibuf [dreg:s7], $0x2FFFF;
	_ =	strace $0x9FFFFFFF  }
0xc8: {  	(tm) =	ssettm $0x7FFFFFFF  }
0xc9: {  	_ =	shalt  }
tec
execute0_lowered:
.L_overlay_start_1:
0x0: {  	(tag) =	ssettag $0x1  }
0x1: {  	s0 =	rddreg [dreg:$0x0]  }
0x2: {  	s1 =	rddreg [dreg:$0x1]  }
0x3: {  	s2 =	simm.s32 $0x0;
	s3 =	srdreg.scid;
	s4 =	stileid.u32  }
0x4: {  	s31 =	simm.s32 $0xC800;
	s17 =	simm.s32 $0xDC00;
	s14 =	simm.s32 $0xF400  }
0x5: {  	s15 =	simm.s32 $0x1;
	s16 =	simm.s32 $0x2;
	s18 =	simm.s32 $0x3  }
0x6: {  	s19 =	simm.s32 $0x4;
	s21 =	simm.s32 $0x0;
	[smem:$0x7FF] =	sst s2  }
0x7: {  	s7 =	sand.u32 $0x1, s3;
	s24 =	sshll.u32 s4, $0x1;
	s3 =	sadd.s32 $0x17200, s0  }
0x8: {  	s5 =	sadd.s32 $0x8C600, s0;
	s6 =	sadd.s32 $0x101A00, s0;
	s4 =	sor.u32 s7, s24  }
0x9: {  	_ =	strace $0x80000047;
	s7 =	ssub.s32 $0x2, s7;
	s8 =	sshll.u32 s4, $0xB  }
0xa: {  	s4 =	smul.u32 $0x1388, s4;
	s12 =	sshrl.u32 s7, $0x1;
	s9 =	sadd.s32 s8, s0  }
0xb: {  	s7 =	ssub.s32 s7, s12;
	s1 =	sadd.s32 s1, s8;
	s8 =	simm.s32 $0xE800  }
0xc: {  	s12 =	simm.s32 $0xEC00;
	s10 =	sshrl.u32 s4, $0x3;
	s11 =	sadd.s32 $0x28, s4  }
0xd: {  	[dreg:$0x3] =	wrdreg s1;
	s28 =	sadd.s32 $0x7200, s9;
	s9 =	sadd.s32 $0x17300, s0  }
0xe: {  	s30 =	smax.u32 s7, $0x1;
	s13 =	smul.u32 $0x180, s10;
	s25 =	sshrl.u32 s11, $0x3  }
0xf: {  	s7 =	simm.s32 $0xE000;
	[dreg:$0x4] =	wrdreg s28;
	s26 =	smul.u32 $0x180, s25  }
0x10: {  	s10 =	sadd.s32 $0x8C700, s0;
	[dreg:$0x8] =	wrdreg s30;
	s29 =	sadd.s32 s6, s13  }
0x11: {  	v2 =	vlaneseq.u32;
	s11 =	simm.s32 $0x17000;
	s1 =	sadd.s32 s6, s26;
	[dreg:$0x5] =	wrdreg s29  }
0x12: {  	vm0 =	vmmov $0xffff;
	vm1 =	vmmov $0xff;
	v1 =	vshrl.u32 v2, $0x3;
	s13 =	sadd.s32 $0x50, s4;
	s0 =	sadd.s32 $0x3A200, s29;
	[dreg:$0x6] =	wrdreg s1  }
0x13: {  	v0 =	vand.u32 $0x7, v2;
	v2 =	vor.u32 $0x8, v2;
	v1 =	vmul.u32 $0x8, v1;
	[dreg:$0x7] =	wrdreg s0;
	s0 =	simm.s32 $0xD000;
	s1 =	simm.s32 $0xD400  }
.LBB2_1:
0x14: {  	[dreg:$0x9] =	wrdreg s21  }
0x15: {  	s20 =	rddreg [dreg:$0x3];
	s29 =	simm.s32 $0x5  }
0x16: {  	[tilespmem:s2], [sflag:$0x5] =	stream.linear.gather [hbm4b:s20+s2], $0x3E80, $0x38;
	[tilespmem:$0x1E800] =	vst v63  }
0x17: {  	_ =	swait.ge [sflag:s29], $0x3E80  }
0x18: {  	[sflag:s29] =	ssyncset.done $0x0  }
0x19: {  	s22 =	simm.s32 $0x4000;
	s30 =	rddreg [dreg:$0x4];
	[sflag:s29] =	ssyncadd.s32 $0xFFFFC180  }
0x1a: {  	[tilespmem:s22], [sflag:$0x5] =	stream.linear.gather [hbm4b:s30+s2], $0x3E80, $0x38;
	[tilespmem:$0x1E800] =	vst v63  }
0x1b: {  	_ =	swait.ge [sflag:s29], $0x3E80  }
0x1c: {  	[sflag:s29] =	ssyncset.done $0x0  }
0x1d: {  	[sflag:s29] =	ssyncadd.s32 $0xFFFFC180  }
0x1e: {  	v3 =	vld [tilespmem:$0x0];
	_ =	sdelay $0x4  }
0x1f: {  	v4 =	vshrl.u32 v3, $0x3  }
0x20: {  	v4 =	vmul.u32 $0x18, v4  }
0x21: {  	v3 =	vand.u32 $0x7, v3  }
0x22: {  	v3 =	vor.u32 v3, v4  }
0x23: {  	v4 =	vperm.xlane v3, v0;
	_ =	sdelay $0x1  }
0x24: {  	v4 =	vadd.s32 v1, v4;
	_ =	sdelay $0x1  }
0x25: {  	v3 =	vperm.xlane v3, v2;
	_ =	sdelay $0x1  }
0x26: {  	s22 =	simm.s32 $0x8000;
	v3 =	vadd.s32 v1, v3  }
0x27: {  	[tilespmem:s22], [sflag:$0x1] =	stream.indirect_vreg.gather [hbm4b:s3+s2], $0x80, v4, vm0, $0xb8;
	[tilespmem:$0x1E800] =	vst v63  }
0x28: {  	s23 =	simm.s32 $0x8800  }
0x29: {  	[tilespmem:s23], [sflag:$0x1] =	stream.indirect_vreg.gather [hbm4b:s9+s2], $0x80, v4, vm1, $0xb8;
	[tilespmem:$0x1E800] =	vst v63  }
0x2a: {  	s24 =	simm.s32 $0x8C00  }
0x2b: {  	[tilespmem:s24], [sflag:$0x1] =	stream.indirect_vreg.gather [hbm4b:s3+s2], $0x80, v3, vm0, $0xb8;
	[tilespmem:$0x1E800] =	vst v63  }
0x2c: {  	s25 =	simm.s32 $0x9400  }
0x2d: {  	[tilespmem:s25], [sflag:$0x1] =	stream.indirect_vreg.gather [hbm4b:s9+s2], $0x80, v3, vm1, $0xb8;
	[tilespmem:$0x1E800] =	vst v63  }
0x2e: {  	v3 =	vld [tilespmem:$0x10];
	_ =	sdelay $0x4  }
0x2f: {  	v4 =	vshrl.u32 v3, $0x3  }
0x30: {  	v4 =	vmul.u32 $0x18, v4  }
0x31: {  	v3 =	vand.u32 $0x7, v3  }
0x32: {  	v3 =	vor.u32 v3, v4  }
0x33: {  	v4 =	vperm.xlane v3, v0;
	_ =	sdelay $0x1  }
0x34: {  	v4 =	vadd.s32 v1, v4;
	_ =	sdelay $0x1  }
0x35: {  	v3 =	vperm.xlane v3, v2;
	_ =	sdelay $0x1  }
0x36: {  	s26 =	simm.s32 $0x9800;
	v3 =	vadd.s32 v1, v3  }
0x37: {  	[tilespmem:s26], [sflag:$0x1] =	stream.indirect_vreg.gather [hbm4b:s3+s2], $0x80, v4, vm0, $0xb8;
	[tilespmem:$0x1E800] =	vst v63  }
0x38: {  	s28 =	simm.s32 $0xA000  }
0x39: {  	[tilespmem:s28], [sflag:$0x1] =	stream.indirect_vreg.gather [hbm4b:s9+s2], $0x80, v4, vm1, $0xb8;
	[tilespmem:$0x1E800] =	vst v63  }
0x3a: {  	s29 =	simm.s32 $0xA400  }
0x3b: {  	[tilespmem:s29], [sflag:$0x1] =	stream.indirect_vreg.gather [hbm4b:s3+s2], $0x80, v3, vm0, $0xb8;
	[tilespmem:$0x1E800] =	vst v63  }
0x3c: {  	s30 =	simm.s32 $0xAC00  }
0x3d: {  	[tilespmem:s30], [sflag:$0x1] =	stream.indirect_vreg.gather [hbm4b:s9+s2], $0x80, v3, vm1, $0xb8;
	[tilespmem:$0x1E800] =	vst v63  }
0x3e: {  	v3 =	vld.msk [tilespmem:$0x20], $0xff;
	_ =	sdelay $0x4  }
0x3f: {  	v4 =	vshrl.u32 v3, $0x3  }
0x40: {  	v4 =	vmul.u32 $0x18, v4  }
0x41: {  	v3 =	vand.u32 $0x7, v3  }
0x42: {  	v3 =	vor.u32 v3, v4  }
0x43: {  	v3 =	vperm.xlane v3, v0;
	_ =	sdelay $0x1  }
0x44: {  	v3 =	vadd.s32 v1, v3;
	_ =	sdelay $0x3  }
0x45: {  	s21 =	simm.s32 $0xB000  }
0x46: {  	[tilespmem:s21], [sflag:$0x1] =	stream.indirect_vreg.gather [hbm4b:s3+s2], $0x80, v3, vm0, $0xb8;
	[tilespmem:$0x1E800] =	vst v63  }
0x47: {  	s22 =	simm.s32 $0xB800  }
0x48: {  	[tilespmem:s22], [sflag:$0x1] =	stream.indirect_vreg.gather [hbm4b:s9+s2], $0x80, v3, vm1, $0xb8;
	[tilespmem:$0x1E800] =	vst v63  }
0x49: {  	v3 =	vld [tilespmem:$0x4000];
	_ =	sdelay $0x4  }
0x4a: {  	v4 =	vshrl.u32 v3, $0x3  }
0x4b: {  	v4 =	vmul.u32 $0x18, v4  }
0x4c: {  	v3 =	vand.u32 $0x7, v3  }
0x4d: {  	v3 =	vor.u32 v3, v4  }
0x4e: {  	v4 =	vperm.xlane v3, v0;
	_ =	sdelay $0x1  }
0x4f: {  	v4 =	vadd.s32 v1, v4;
	_ =	sdelay $0x1  }
0x50: {  	v3 =	vperm.xlane v3, v2;
	_ =	sdelay $0x1  }
0x51: {  	s23 =	simm.s32 $0xBC00;
	v3 =	vadd.s32 v1, v3  }
0x52: {  	[tilespmem:s23], [sflag:$0x1] =	stream.indirect_vreg.gather [hbm4b:s5+s2], $0x80, v4, vm0, $0xb8;
	[tilespmem:$0x1E800] =	vst v63  }
0x53: {  	s24 =	simm.s32 $0xC400  }
0x54: {  	[tilespmem:s24], [sflag:$0x1] =	stream.indirect_vreg.gather [hbm4b:s10+s2], $0x80, v4, vm1, $0xb8;
	[tilespmem:$0x1E800] =	vst v63  }
0x55: {  	_ = 	snop  }
0x56: {  	[tilespmem:s31], [sflag:$0x1] =	stream.indirect_vreg.gather [hbm4b:s5+s2], $0x80, v3, vm0, $0xb8;
	[tilespmem:$0x1E800] =	vst v63  }
0x57: {  	_ = 	snop  }
0x58: {  	[tilespmem:s0], [sflag:$0x1] =	stream.indirect_vreg.gather [hbm4b:s10+s2], $0x80, v3, vm1, $0xb8;
	[tilespmem:$0x1E800] =	vst v63  }
0x59: {  	v3 =	vld [tilespmem:$0x4010];
	_ =	sdelay $0x4  }
0x5a: {  	v4 =	vshrl.u32 v3, $0x3  }
0x5b: {  	v4 =	vmul.u32 $0x18, v4  }
0x5c: {  	v3 =	vand.u32 $0x7, v3  }
0x5d: {  	v3 =	vor.u32 v3, v4  }
0x5e: {  	v4 =	vperm.xlane v3, v0;
	_ =	sdelay $0x1  }
0x5f: {  	v4 =	vadd.s32 v1, v4;
	_ =	sdelay $0x1  }
0x60: {  	v3 =	vperm.xlane v3, v2;
	_ =	sdelay $0x1  }
0x61: {  	v3 =	vadd.s32 v1, v3  }
0x62: {  	[tilespmem:s1], [sflag:$0x1] =	stream.indirect_vreg.gather [hbm4b:s5+s2], $0x80, v4, vm0, $0xb8;
	[tilespmem:$0x1E800] =	vst v63  }
0x63: {  	_ = 	snop  }
0x64: {  	[tilespmem:s17], [sflag:$0x1] =	stream.indirect_vreg.gather [hbm4b:s10+s2], $0x80, v4, vm1, $0xb8;
	[tilespmem:$0x1E800] =	vst v63  }
0x65: {  	_ = 	snop  }
0x66: {  	[tilespmem:s7], [sflag:$0x1] =	stream.indirect_vreg.gather [hbm4b:s5+s2], $0x80, v3, vm0, $0xb8;
	[tilespmem:$0x1E800] =	vst v63  }
0x67: {  	_ = 	snop  }
0x68: {  	[tilespmem:s8], [sflag:$0x1] =	stream.indirect_vreg.gather [hbm4b:s10+s2], $0x80, v3, vm1, $0xb8;
	[tilespmem:$0x1E800] =	vst v63  }
0x69: {  	v3 =	vld.msk [tilespmem:$0x4020], $0xff;
	_ =	sdelay $0x4  }
0x6a: {  	v4 =	vshrl.u32 v3, $0x3  }
0x6b: {  	v4 =	vmul.u32 $0x18, v4  }
0x6c: {  	v3 =	vand.u32 $0x7, v3  }
0x6d: {  	v3 =	vor.u32 v3, v4  }
0x6e: {  	v3 =	vperm.xlane v3, v0;
	_ =	sdelay $0x1  }
0x6f: {  	v3 =	vadd.s32 v1, v3;
	_ =	sdelay $0x4  }
0x70: {  	[tilespmem:s12], [sflag:$0x1] =	stream.indirect_vreg.gather [hbm4b:s5+s2], $0x80, v3, vm0, $0xb8;
	[tilespmem:$0x1E800] =	vst v63  }
0x71: {  	_ = 	snop  }
0x72: {  	[tilespmem:s14], [sflag:$0x1] =	stream.indirect_vreg.gather [hbm4b:s10+s2], $0x80, v3, vm1, $0xb8;
	[tilespmem:$0x1E800] =	vst v63  }
0x73: {  	_ =	swait.ge [sflag:s15], $0x3C00  }
0x74: {  	[sflag:s15] =	ssyncset.done $0x0  }
0x75: {  	[sflag:s15] =	ssyncadd.s32 $0xFFFFC400  }
0x76: {  	_ =	swait.ge [sflag:s15], $0x3C00  }
0x77: {  	[sflag:s15] =	ssyncset.done $0x0  }
0x78: {  	[sflag:s15] =	ssyncadd.s32 $0xFFFFC400  }
0x79: {  	v3 =	vld [tilespmem:$0x80];
	_ =	sdelay $0x4  }
0x7a: {  	v4 =	vshrl.u32 v3, $0x3  }
0x7b: {  	v4 =	vmul.u32 $0x18, v4  }
0x7c: {  	v3 =	vand.u32 $0x7, v3  }
0x7d: {  	v3 =	vor.u32 v3, v4  }
0x7e: {  	v4 =	vperm.xlane v3, v0;
	_ =	sdelay $0x1  }
0x7f: {  	v4 =	vadd.s32 v1, v4;
	_ =	sdelay $0x1  }
0x80: {  	v3 =	vperm.xlane v3, v2;
	_ =	sdelay $0x1  }
0x81: {  	s25 =	simm.s32 $0xF800;
	v3 =	vadd.s32 v1, v3  }
0x82: {  	[tilespmem:s25], [sflag:$0x2] =	stream.indirect_vreg.gather [hbm4b:s3+s2], $0x80, v4, vm0, $0xb8;
	[tilespmem:$0x1E800] =	vst v63  }
0x83: {  	s26 =	simm.s32 $0x10000  }
0x84: {  	[tilespmem:s26], [sflag:$0x2] =	stream.indirect_vreg.gather [hbm4b:s9+s2], $0x80, v4, vm1, $0xb8;
	[tilespmem:$0x1E800] =	vst v63  }
0x85: {  	s28 =	simm.s32 $0x10400  }
0x86: {  	[tilespmem:s28], [sflag:$0x2] =	stream.indirect_vreg.gather [hbm4b:s3+s2], $0x80, v3, vm0, $0xb8;
	[tilespmem:$0x1E800] =	vst v63  }
0x87: {  	s29 =	simm.s32 $0x10C00  }
0x88: {  	[tilespmem:s29], [sflag:$0x2] =	stream.indirect_vreg.gather [hbm4b:s9+s2], $0x80, v3, vm1, $0xb8;
	[tilespmem:$0x1E800] =	vst v63  }
0x89: {  	v3 =	vld [tilespmem:$0x90];
	_ =	sdelay $0x4  }
0x8a: {  	v4 =	vshrl.u32 v3, $0x3  }
0x8b: {  	v4 =	vmul.u32 $0x18, v4  }
0x8c: {  	v3 =	vand.u32 $0x7, v3  }
0x8d: {  	v3 =	vor.u32 v3, v4  }
0x8e: {  	v4 =	vperm.xlane v3, v0;
	_ =	sdelay $0x1  }
0x8f: {  	v4 =	vadd.s32 v1, v4;
	_ =	sdelay $0x1  }
0x90: {  	v3 =	vperm.xlane v3, v2;
	_ =	sdelay $0x1  }
0x91: {  	s30 =	simm.s32 $0x11000;
	v3 =	vadd.s32 v1, v3  }
0x92: {  	[tilespmem:s30], [sflag:$0x2] =	stream.indirect_vreg.gather [hbm4b:s3+s2], $0x80, v4, vm0, $0xb8;
	[tilespmem:$0x1E800] =	vst v63  }
0x93: {  	s21 =	simm.s32 $0x11800  }
0x94: {  	[tilespmem:s21], [sflag:$0x2] =	stream.indirect_vreg.gather [hbm4b:s9+s2], $0x80, v4, vm1, $0xb8;
	[tilespmem:$0x1E800] =	vst v63  }
0x95: {  	s22 =	simm.s32 $0x11C00  }
0x96: {  	[tilespmem:s22], [sflag:$0x2] =	stream.indirect_vreg.gather [hbm4b:s3+s2], $0x80, v3, vm0, $0xb8;
	[tilespmem:$0x1E800] =	vst v63  }
0x97: {  	s23 =	simm.s32 $0x12400  }
0x98: {  	[tilespmem:s23], [sflag:$0x2] =	stream.indirect_vreg.gather [hbm4b:s9+s2], $0x80, v3, vm1, $0xb8;
	[tilespmem:$0x1E800] =	vst v63  }
0x99: {  	v3 =	vld.msk [tilespmem:$0xA0], $0xff;
	_ =	sdelay $0x4  }
0x9a: {  	v4 =	vshrl.u32 v3, $0x3  }
0x9b: {  	v4 =	vmul.u32 $0x18, v4  }
0x9c: {  	v3 =	vand.u32 $0x7, v3  }
0x9d: {  	v3 =	vor.u32 v3, v4  }
0x9e: {  	v3 =	vperm.xlane v3, v0;
	_ =	sdelay $0x1  }
0x9f: {  	v3 =	vadd.s32 v1, v3;
	_ =	sdelay $0x3  }
0xa0: {  	s24 =	simm.s32 $0x12800  }
0xa1: {  	[tilespmem:s24], [sflag:$0x2] =	stream.indirect_vreg.gather [hbm4b:s3+s2], $0x80, v3, vm0, $0xb8;
	[tilespmem:$0x1E800] =	vst v63  }
0xa2: {  	s25 =	simm.s32 $0x13000  }
0xa3: {  	[tilespmem:s25], [sflag:$0x2] =	stream.indirect_vreg.gather [hbm4b:s9+s2], $0x80, v3, vm1, $0xb8;
	[tilespmem:$0x1E800] =	vst v63  }
0xa4: {  	v3 =	vld [tilespmem:$0x4080];
	_ =	sdelay $0x4  }
0xa5: {  	v4 =	vshrl.u32 v3, $0x3  }
0xa6: {  	v4 =	vmul.u32 $0x18, v4  }
0xa7: {  	v3 =	vand.u32 $0x7, v3  }
0xa8: {  	v3 =	vor.u32 v3, v4  }
0xa9: {  	v4 =	vperm.xlane v3, v0;
	_ =	sdelay $0x1  }
0xaa: {  	v4 =	vadd.s32 v1, v4;
	_ =	sdelay $0x1  }
0xab: {  	v3 =	vperm.xlane v3, v2;
	_ =	sdelay $0x1  }
0xac: {  	s26 =	simm.s32 $0x13400;
	v3 =	vadd.s32 v1, v3  }
0xad: {  	[tilespmem:s26], [sflag:$0x2] =	stream.indirect_vreg.gather [hbm4b:s5+s2], $0x80, v4, vm0, $0xb8;
	[tilespmem:$0x1E800] =	vst v63  }
0xae: {  	s28 =	simm.s32 $0x13C00  }
0xaf: {  	[tilespmem:s28], [sflag:$0x2] =	stream.indirect_vreg.gather [hbm4b:s10+s2], $0x80, v4, vm1, $0xb8;
	[tilespmem:$0x1E800] =	vst v63  }
0xb0: {  	s29 =	simm.s32 $0x14000  }
0xb1: {  	[tilespmem:s29], [sflag:$0x2] =	stream.indirect_vreg.gather [hbm4b:s5+s2], $0x80, v3, vm0, $0xb8;
	[tilespmem:$0x1E800] =	vst v63  }
0xb2: {  	s30 =	simm.s32 $0x14800  }
0xb3: {  	[tilespmem:s30], [sflag:$0x2] =	stream.indirect_vreg.gather [hbm4b:s10+s2], $0x80, v3, vm1, $0xb8;
	[tilespmem:$0x1E800] =	vst v63  }
0xb4: {  	v3 =	vld [tilespmem:$0x4090];
	_ =	sdelay $0x4  }
0xb5: {  	v4 =	vshrl.u32 v3, $0x3  }
0xb6: {  	v4 =	vmul.u32 $0x18, v4  }
0xb7: {  	v3 =	vand.u32 $0x7, v3  }
0xb8: {  	v3 =	vor.u32 v3, v4  }
0xb9: {  	v4 =	vperm.xlane v3, v0;
	_ =	sdelay $0x1  }
0xba: {  	v4 =	vadd.s32 v1, v4;
	_ =	sdelay $0x1  }
0xbb: {  	v3 =	vperm.xlane v3, v2;
	_ =	sdelay $0x1  }
0xbc: {  	s21 =	simm.s32 $0x14C00;
	v3 =	vadd.s32 v1, v3  }
0xbd: {  	[tilespmem:s21], [sflag:$0x2] =	stream.indirect_vreg.gather [hbm4b:s5+s2], $0x80, v4, vm0, $0xb8;
	[tilespmem:$0x1E800] =	vst v63  }
0xbe: {  	s22 =	simm.s32 $0x15400  }
0xbf: {  	[tilespmem:s22], [sflag:$0x2] =	stream.indirect_vreg.gather [hbm4b:s10+s2], $0x80, v4, vm1, $0xb8;
	[tilespmem:$0x1E800] =	vst v63  }
0xc0: {  	s23 =	simm.s32 $0x15800  }
0xc1: {  	[tilespmem:s23], [sflag:$0x2] =	stream.indirect_vreg.gather [hbm4b:s5+s2], $0x80, v3, vm0, $0xb8;
	[tilespmem:$0x1E800] =	vst v63  }
0xc2: {  	s24 =	simm.s32 $0x16000  }
0xc3: {  	[tilespmem:s24], [sflag:$0x2] =	stream.indirect_vreg.gather [hbm4b:s10+s2], $0x80, v3, vm1, $0xb8;
	[tilespmem:$0x1E800] =	vst v63  }
0xc4: {  	v3 =	vld.msk [tilespmem:$0x40A0], $0xff;
	_ =	sdelay $0x4  }
0xc5: {  	v4 =	vshrl.u32 v3, $0x3  }
0xc6: {  	v4 =	vmul.u32 $0x18, v4  }
0xc7: {  	v3 =	vand.u32 $0x7, v3  }
0xc8: {  	v3 =	vor.u32 v3, v4  }
0xc9: {  	v3 =	vperm.xlane v3, v0;
	_ =	sdelay $0x1  }
0xca: {  	v3 =	vadd.s32 v1, v3;
	_ =	sdelay $0x2  }
0xcb: {  	s28 =	simm.s32 $0x0  }
0xcc: {  	s25 =	simm.s32 $0x16400;
	s20 =	smul.u32 $0xC00, s28;
	s29 =	sand.u32 $0x380, s2  }
0xcd: {  	[tilespmem:s25], [sflag:$0x2] =	stream.indirect_vreg.gather [hbm4b:s5+s2], $0x80, v3, vm0, $0xb8;
	[tilespmem:$0x1E800] =	vst v63  }
0xce: {  	s26 =	simm.s32 $0x16C00;
	s20 =	sor.u32 s29, s20  }
0xcf: {  	[tilespmem:s26], [sflag:$0x2] =	stream.indirect_vreg.gather [hbm4b:s10+s2], $0x80, v3, vm1, $0xb8;
	[tilespmem:$0x1E800] =	vst v63  }
0xd0: {  	v3 =	vld [tilespmem:s20+$0x8870]  }
0xd1: {  	v4 =	vld [tilespmem:s20+$0xC470]  }
0xd2: {  	v5 =	vld [tilespmem:s20+$0x8000]  }
0xd3: {  	v6 =	vld [tilespmem:s20+$0xBC00]  }
0xd4: {  	v7 =	vld [tilespmem:s20+$0x8010]  }
0xd5: {  	v8 =	vld [tilespmem:s20+$0xBC10]  }
0xd6: {  	v9 =	vld [tilespmem:s20+$0x8020]  }
0xd7: {  	v10 =	vld [tilespmem:s20+$0x8030]  }
0xd8: {  	v11 =	vld [tilespmem:s20+$0xC420];
	v3 =	vsub.f32 v3, v4  }
0xd9: {  	v4 =	vld [tilespmem:s20+$0xBC20]  }
0xda: {  	v5 =	vadd.f32 v6, v5;
	[tilespmem:s20+$0x17870] =	vst v3;
	v3 =	vld [tilespmem:s20+$0xBC30]  }
0xdb: {  	v6 =	vld [tilespmem:s20+$0x8040]  }
0xdc: {  	[tilespmem:s20+$0x17000] =	vst v5;
	v5 =	vadd.f32 v8, v7;
	v7 =	vld [tilespmem:s20+$0xBC40]  }
0xdd: {  	v8 =	vld [tilespmem:s20+$0xBC50]  }
0xde: {  	[tilespmem:s20+$0x17010] =	vst v5;
	v5 =	vld [tilespmem:s20+$0x8050];
	v4 =	vadd.f32 v4, v9  }
0xdf: {  	v9 =	vld [tilespmem:s20+$0xBC60];
	v3 =	vadd.f32 v3, v10  }
0xe0: {  	[tilespmem:s20+$0x17020] =	vst v4;
	v4 =	vld [tilespmem:s20+$0x8060]  }
0xe1: {  	[tilespmem:s20+$0x17030] =	vst v3;
	v3 =	vadd.f32 v7, v6;
	v6 =	vld [tilespmem:s20+$0x8070]  }
0xe2: {  	v7 =	vld [tilespmem:s20+$0xBC70]  }
0xe3: {  	[tilespmem:s20+$0x17040] =	vst v3;
	v3 =	vadd.f32 v8, v5;
	v5 =	vld [tilespmem:s20+$0x8400]  }
0xe4: {  	v8 =	vld [tilespmem:s20+$0xC000]  }
0xe5: {  	[tilespmem:s20+$0x17050] =	vst v3;
	v3 =	vadd.f32 v9, v4;
	v4 =	vld [tilespmem:s20+$0x8410]  }
0xe6: {  	v9 =	vld [tilespmem:s20+$0xC010]  }
0xe7: {  	[tilespmem:s20+$0x17060] =	vst v3;
	v3 =	vadd.f32 v7, v6;
	v6 =	vld [tilespmem:s20+$0x8420]  }
0xe8: {  	v7 =	vld [tilespmem:s20+$0xC020]  }
0xe9: {  	[tilespmem:s20+$0x17070] =	vst v3;
	v3 =	vadd.f32 v8, v5;
	v5 =	vld [tilespmem:s20+$0x8430]  }
0xea: {  	v8 =	vld [tilespmem:s20+$0xC030]  }
0xeb: {  	[tilespmem:s20+$0x17400] =	vst v3;
	v3 =	vadd.f32 v9, v4;
	v4 =	vld [tilespmem:s20+$0x8440]  }
0xec: {  	v9 =	vld [tilespmem:s20+$0xC040]  }
0xed: {  	[tilespmem:s20+$0x17410] =	vst v3;
	v3 =	vadd.f32 v7, v6;
	v6 =	vld [tilespmem:s20+$0x8450]  }
0xee: {  	v7 =	vld [tilespmem:s20+$0xC050]  }
0xef: {  	[tilespmem:s20+$0x17420] =	vst v3;
	v3 =	vadd.f32 v8, v5;
	v5 =	vld [tilespmem:s20+$0x8460]  }
0xf0: {  	v8 =	vld [tilespmem:s20+$0xC060]  }
0xf1: {  	[tilespmem:s20+$0x17430] =	vst v3;
	v3 =	vadd.f32 v9, v4;
	v4 =	vld [tilespmem:s20+$0x8470]  }
0xf2: {  	v9 =	vld [tilespmem:s20+$0xC070]  }
0xf3: {  	[tilespmem:s20+$0x17440] =	vst v3;
	v3 =	vadd.f32 v7, v6;
	v6 =	vld [tilespmem:s20+$0x8800]  }
0xf4: {  	v7 =	vld [tilespmem:s20+$0xC400]  }
0xf5: {  	v10 =	vld [tilespmem:s20+$0xC410];
	[tilespmem:s20+$0x17450] =	vst v3;
	v3 =	vadd.f32 v8, v5  }
0xf6: {  	v8 =	vld [tilespmem:s20+$0x8810]  }
0xf7: {  	[tilespmem:s20+$0x17460] =	vst v3;
	v3 =	vadd.f32 v9, v4;
	v9 =	vld [tilespmem:s20+$0x8820]  }
0xf8: {  	v5 =	vld [tilespmem:s20+$0x8830]  }
0xf9: {  	[tilespmem:s20+$0x17470] =	vst v3;
	v3 =	vsub.f32 v6, v7;
	v7 =	vld [tilespmem:s20+$0xC430]  }
0xfa: {  	v6 =	vld [tilespmem:s20+$0xC440]  }
0xfb: {  	v4 =	vsub.f32 v8, v10;
	[tilespmem:s20+$0x17800] =	vst v3;
	v3 =	vld [tilespmem:s20+$0x8840]  }
0xfc: {  	s30 =	simm.s32 $0x0;
	v8 =	vld [tilespmem:s20+$0xC450];
	v9 =	vsub.f32 v9, v11  }
0xfd: {  	s21 =	simm.s32 $0x80;
	s22 =	simm.s32 $0x2;
	s23 =	smul.u32 $0xC00, s30;
	[tilespmem:s20+$0x17810] =	vst v4;
	v4 =	vld [tilespmem:s20+$0x8850]  }
.LBB2_2:
0xfe: {  	p0 =	sne.s32 s22, $0x27;
	s24 =	sand.u32 $0x380, s21;
	[tilespmem:s20+$0x17820] =	vst v9;
	v5 =	vsub.f32 v5, v7;
	v7 =	vld [tilespmem:s20+$0x8860]  }
0xff: {  	s23 =	sor.u32 s24, s23;
	v9 =	vld [tilespmem:s20+$0xC460]  }
0x100: {  	v10 =	vld [tilespmem:s23+$0x8870];
	[tilespmem:s20+$0x17830] =	vst v5;
	v3 =	vsub.f32 v3, v6  }
0x101: {  	v5 =	vld [tilespmem:s23+$0xC470]  }
0x102: {  	v6 =	vld [tilespmem:s23+$0x8000];
	[tilespmem:s20+$0x17840] =	vst v3;
	v3 =	vsub.f32 v4, v8  }
0x103: {  	v4 =	vld [tilespmem:s23+$0xBC00]  }
0x104: {  	v8 =	vld [tilespmem:s23+$0x8010];
	[tilespmem:s20+$0x17850] =	vst v3;
	v3 =	vsub.f32 v7, v9  }
0x105: {  	v7 =	vld [tilespmem:s23+$0xBC10]  }
0x106: {  	v9 =	vld [tilespmem:s23+$0x8020];
	v5 =	vsub.f32 v10, v5;
	[tilespmem:s20+$0x17860] =	vst v3;
	s20 =	smov.u32 s23  }
0x107: {  	v3 =	vld [tilespmem:s20+$0xBC20]  }
0x108: {  	v4 =	vadd.f32 v4, v6;
	v6 =	vld [tilespmem:s20+$0x8030];
	[tilespmem:s20+$0x17870] =	vst v5  }
0x109: {  	v5 =	vld [tilespmem:s20+$0xBC30]  }
0x10a: {  	[tilespmem:s20+$0x17000] =	vst v4;
	v4 =	vadd.f32 v7, v8;
	v7 =	vld [tilespmem:s20+$0x8040]  }
0x10b: {  	v8 =	vld [tilespmem:s20+$0xBC40]  }
0x10c: {  	[tilespmem:s20+$0x17010] =	vst v4;
	v3 =	vadd.f32 v3, v9;
	v4 =	vld [tilespmem:s20+$0x8050]  }
0x10d: {  	v9 =	vld [tilespmem:s20+$0xBC50]  }
0x10e: {  	[tilespmem:s20+$0x17020] =	vst v3;
	v3 =	vadd.f32 v5, v6;
	v5 =	vld [tilespmem:s20+$0x8060]  }
0x10f: {  	v6 =	vld [tilespmem:s20+$0xBC60]  }
0x110: {  	[tilespmem:s20+$0x17030] =	vst v3;
	v3 =	vadd.f32 v8, v7;
	v7 =	vld [tilespmem:s20+$0x8070]  }
0x111: {  	v8 =	vld [tilespmem:s20+$0xBC70]  }
0x112: {  	[tilespmem:s20+$0x17040] =	vst v3;
	v3 =	vadd.f32 v9, v4;
	v4 =	vld [tilespmem:s20+$0x8400]  }
0x113: {  	v9 =	vld [tilespmem:s20+$0xC000]  }
0x114: {  	[tilespmem:s20+$0x17050] =	vst v3;
	v3 =	vadd.f32 v6, v5;
	v5 =	vld [tilespmem:s20+$0x8410]  }
0x115: {  	v6 =	vld [tilespmem:s20+$0xC010]  }
0x116: {  	[tilespmem:s20+$0x17060] =	vst v3;
	v3 =	vadd.f32 v8, v7;
	v7 =	vld [tilespmem:s20+$0x8420]  }
0x117: {  	v8 =	vld [tilespmem:s20+$0xC020]  }
0x118: {  	[tilespmem:s20+$0x17070] =	vst v3;
	v3 =	vadd.f32 v9, v4;
	v4 =	vld [tilespmem:s20+$0x8430]  }
0x119: {  	v9 =	vld [tilespmem:s20+$0xC030]  }
0x11a: {  	[tilespmem:s20+$0x17400] =	vst v3;
	v3 =	vadd.f32 v6, v5;
	v5 =	vld [tilespmem:s20+$0x8440]  }
0x11b: {  	v6 =	vld [tilespmem:s20+$0xC040]  }
0x11c: {  	[tilespmem:s20+$0x17410] =	vst v3;
	v3 =	vadd.f32 v8, v7;
	v7 =	vld [tilespmem:s20+$0x8450]  }
0x11d: {  	v8 =	vld [tilespmem:s20+$0xC050]  }
0x11e: {  	[tilespmem:s20+$0x17420] =	vst v3;
	v3 =	vadd.f32 v9, v4;
	v4 =	vld [tilespmem:s20+$0x8460]  }
0x11f: {  	v9 =	vld [tilespmem:s20+$0xC060]  }
0x120: {  	[tilespmem:s20+$0x17430] =	vst v3;
	v3 =	vadd.f32 v6, v5;
	v5 =	vld [tilespmem:s20+$0x8470]  }
0x121: {  	v6 =	vld [tilespmem:s20+$0xC070]  }
0x122: {  	[tilespmem:s20+$0x17440] =	vst v3;
	v3 =	vadd.f32 v8, v7;
	v7 =	vld [tilespmem:s20+$0x8800]  }
0x123: {  	v8 =	vld [tilespmem:s20+$0xC400]  }
0x124: {  	[tilespmem:s20+$0x17450] =	vst v3;
	v3 =	vadd.f32 v9, v4;
	v4 =	vld [tilespmem:s20+$0x8810]  }
0x125: {  	v9 =	vld [tilespmem:s20+$0xC410]  }
0x126: {  	[tilespmem:s20+$0x17460] =	vst v3;
	v3 =	vadd.f32 v6, v5;
	v10 =	vld [tilespmem:s20+$0x8820]  }
0x127: {  	v11 =	vld [tilespmem:s20+$0xC420]  }
0x128: {  	[tilespmem:s20+$0x17470] =	vst v3;
	v3 =	vsub.f32 v7, v8;
	v5 =	vld [tilespmem:s20+$0x8830]  }
.Ltmp0:
0x129: {  	v7 =	vld [tilespmem:s20+$0xC430];
	(pc) =	sbr.rel @p0 .LBB2_2-.Ltmp0, $4  }
0x12a: {  	[tilespmem:s20+$0x17800] =	vst v3;
	v4 =	vsub.f32 v4, v9;
	v3 =	vld [tilespmem:s20+$0x8840]  }
0x12b: {  	v6 =	vld [tilespmem:s20+$0xC440]  }
0x12c: {  	s23 =	sshrl.u32 s22, $0x3;
	[tilespmem:s20+$0x17810] =	vst v4;
	v9 =	vsub.f32 v10, v11;
	v4 =	vld [tilespmem:s20+$0x8850]  }
0x12d: {  	s21 =	sadd.s32 $0x80, s21;
	s22 =	sadd.s32 $0x1, s22;
	s23 =	smul.u32 $0xC00, s23;
	v8 =	vld [tilespmem:s20+$0xC450]  }
0x12e: {  	s21 =	sand.u32 $0x380, s21;
	v56 =	vld [tilespmem:s20+$0x8860];
	v5 =	vsub.f32 v5, v7  }
0x12f: {  	[tilespmem:s20+$0x17820] =	vst v9;
	v7 =	vld [tilespmem:s20+$0xC460];
	s21 =	sor.u32 s21, s23  }
0x130: {  	v10 =	vld [tilespmem:s21+$0x8870];
	[tilespmem:s20+$0x17830] =	vst v5;
	v3 =	vsub.f32 v3, v6  }
0x131: {  	v5 =	vld [tilespmem:s21+$0xC470]  }
0x132: {  	v6 =	vld [tilespmem:s21+$0x8000];
	[tilespmem:s20+$0x17840] =	vst v3;
	v3 =	vsub.f32 v4, v8  }
0x133: {  	v4 =	vld [tilespmem:s21+$0xBC00]  }
0x134: {  	v57 =	vld [tilespmem:s21+$0x8010];
	[tilespmem:s20+$0x17850] =	vst v3;
	v3 =	vsub.f32 v56, v7  }
0x135: {  	v7 =	vld [tilespmem:s21+$0xBC10]  }
0x136: {  	v58 =	vld [tilespmem:s21+$0x8020];
	[tilespmem:s20+$0x17860] =	vst v3  }
0x137: {  	v3 =	vld [tilespmem:s21+$0xBC20]  }
0x138: {  	v11 =	vld [tilespmem:s21+$0x8030]  }
0x139: {  	v12 =	vld [tilespmem:s21+$0xBC30]  }
0x13a: {  	v13 =	vld [tilespmem:s21+$0x8040]  }
0x13b: {  	v14 =	vld [tilespmem:s21+$0xBC40]  }
0x13c: {  	v15 =	vld [tilespmem:s21+$0x8050]  }
0x13d: {  	v16 =	vld [tilespmem:s21+$0xBC50]  }
0x13e: {  	v17 =	vld [tilespmem:s21+$0x8060]  }
0x13f: {  	v18 =	vld [tilespmem:s21+$0xBC60]  }
0x140: {  	v19 =	vld [tilespmem:s21+$0x8070]  }
0x141: {  	v20 =	vld [tilespmem:s21+$0xBC70]  }
0x142: {  	v21 =	vld [tilespmem:s21+$0x8400]  }
0x143: {  	v22 =	vld [tilespmem:s21+$0xC000]  }
0x144: {  	v23 =	vld [tilespmem:s21+$0x8410]  }
0x145: {  	v24 =	vld [tilespmem:s21+$0xC010]  }
0x146: {  	v25 =	vld [tilespmem:s21+$0x8420]  }
0x147: {  	v26 =	vld [tilespmem:s21+$0xC020]  }
0x148: {  	v27 =	vld [tilespmem:s21+$0x8430]  }
0x149: {  	v28 =	vld [tilespmem:s21+$0xC030]  }
0x14a: {  	v29 =	vld [tilespmem:s21+$0x8440]  }
0x14b: {  	v30 =	vld [tilespmem:s21+$0xC040]  }
0x14c: {  	v31 =	vld [tilespmem:s21+$0x8450]  }
0x14d: {  	v5 =	vsub.f32 v10, v5;
	v59 =	vld [tilespmem:s21+$0xC050]  }
0x14e: {  	v60 =	vld [tilespmem:s21+$0xC070];
	v4 =	vadd.f32 v4, v6  }
0x14f: {  	v61 =	vld [tilespmem:s21+$0x8800];
	[tilespmem:s21+$0x17870] =	vst v5;
	v5 =	vadd.f32 v7, v57  }
0x150: {  	v62 =	vld [tilespmem:s21+$0xC400];
	[tilespmem:s21+$0x17000] =	vst v4;
	v3 =	vadd.f32 v3, v58  }
0x151: {  	v63 =	vld [tilespmem:s21+$0x8810];
	[tilespmem:s21+$0x17010] =	vst v5;
	v5 =	vadd.f32 v12, v11  }
0x152: {  	v32 =	vld [tilespmem:s21+$0xC410];
	[tilespmem:s21+$0x17020] =	vst v3;
	v3 =	vadd.f32 v14, v13  }
0x153: {  	v33 =	vld [tilespmem:s21+$0x8820];
	[tilespmem:s21+$0x17030] =	vst v5;
	v5 =	vadd.f32 v16, v15  }
0x154: {  	v34 =	vld [tilespmem:s21+$0xC420];
	[tilespmem:s21+$0x17040] =	vst v3;
	v3 =	vadd.f32 v18, v17  }
0x155: {  	v35 =	vld [tilespmem:s21+$0x8830];
	[tilespmem:s21+$0x17050] =	vst v5;
	v5 =	vadd.f32 v20, v19  }
0x156: {  	v6 =	vld [tilespmem:s21+$0x8460];
	[tilespmem:s21+$0x17060] =	vst v3;
	v3 =	vadd.f32 v22, v21  }
0x157: {  	v7 =	vld [tilespmem:s21+$0xC060];
	[tilespmem:s21+$0x17070] =	vst v5;
	v5 =	vadd.f32 v24, v23  }
0x158: {  	v4 =	vld [tilespmem:s21+$0x8470];
	[tilespmem:s21+$0x17400] =	vst v3;
	v3 =	vadd.f32 v26, v25  }
0x159: {  	v36 =	vld [tilespmem:s21+$0xC430];
	[tilespmem:s21+$0x17410] =	vst v5;
	v5 =	vadd.f32 v28, v27  }
0x15a: {  	v37 =	vld [tilespmem:s21+$0x8840];
	[tilespmem:s21+$0x17420] =	vst v3;
	v3 =	vadd.f32 v30, v29  }
0x15b: {  	v38 =	vld [tilespmem:s21+$0xC440];
	[tilespmem:s21+$0x17430] =	vst v5;
	v5 =	vadd.f32 v59, v31  }
0x15c: {  	v39 =	vld [tilespmem:s21+$0xC460];
	[tilespmem:s21+$0x17440] =	vst v3;
	v3 =	vadd.f32 v7, v6  }
0x15d: {  	v4 =	vadd.f32 v60, v4;
	v6 =	vld [tilespmem:s21+$0x8850];
	[tilespmem:s21+$0x17450] =	vst v5  }
0x15e: {  	v5 =	vld [tilespmem:s21+$0xC450];
	[tilespmem:s21+$0x17460] =	vst v3;
	v3 =	vsub.f32 v61, v62  }
0x15f: {  	[tilespmem:s21+$0x17470] =	vst v4;
	v4 =	vsub.f32 v63, v32;
	v7 =	vld [tilespmem:s21+$0x8860]  }
0x160: {  	[tilespmem:s21+$0x17800] =	vst v3;
	v3 =	vsub.f32 v33, v34  }
0x161: {  	[tilespmem:s21+$0x17810] =	vst v4;
	v4 =	vsub.f32 v35, v36  }
0x162: {  	[tilespmem:s21+$0x17820] =	vst v3;
	v3 =	vsub.f32 v37, v38  }
0x163: {  	[tilespmem:s21+$0x17830] =	vst v4;
	v4 =	vsub.f32 v6, v5  }
0x164: {  	[tilespmem:s21+$0x17840] =	vst v3;
	v3 =	vsub.f32 v7, v39  }
0x165: {  	[tilespmem:s21+$0x17850] =	vst v4  }
0x166: {  	s24 =	rddreg [dreg:$0x5];
	s20 =	simm.s32 $0x0;
	[tilespmem:s21+$0x17860] =	vst v3  }
0x167: {  	[hbm4b:s24+s20] =	stream.linear.scatter [tilespmem:s11], [sflag:$0x3], $0x3C00, $0x38;
	[tilespmem:$0x1E800] =	vst v63  }
0x168: {  	_ =	swait.ge [sflag:s16], $0x3C00  }
0x169: {  	[sflag:s16] =	ssyncset.done $0x0  }
0x16a: {  	[sflag:s16] =	ssyncadd.s32 $0xFFFFC400  }
0x16b: {  	_ =	swait.ge [sflag:s16], $0x3C00  }
0x16c: {  	[sflag:s16] =	ssyncset.done $0x0  }
0x16d: {  	[sflag:s16] =	ssyncadd.s32 $0xFFFFC400  }
0x16e: {  	v3 =	vld [tilespmem:$0x100];
	_ =	sdelay $0x4  }
0x16f: {  	v4 =	vshrl.u32 v3, $0x3  }
0x170: {  	v4 =	vmul.u32 $0x18, v4  }
0x171: {  	v3 =	vand.u32 $0x7, v3  }
0x172: {  	v3 =	vor.u32 v3, v4  }
0x173: {  	v4 =	vperm.xlane v3, v0;
	_ =	sdelay $0x1  }
0x174: {  	v4 =	vadd.s32 v1, v4;
	_ =	sdelay $0x1  }
0x175: {  	v3 =	vperm.xlane v3, v2;
	_ =	sdelay $0x1  }
0x176: {  	s25 =	simm.s32 $0x8000;
	v3 =	vadd.s32 v1, v3  }
0x177: {  	[tilespmem:s25], [sflag:$0x1] =	stream.indirect_vreg.gather [hbm4b:s3+s20], $0x80, v4, vm0, $0xb8;
	[tilespmem:$0x1E800] =	vst v63  }
0x178: {  	s26 =	simm.s32 $0x8800  }
0x179: {  	[tilespmem:s26], [sflag:$0x1] =	stream.indirect_vreg.gather [hbm4b:s9+s20], $0x80, v4, vm1, $0xb8;
	[tilespmem:$0x1E800] =	vst v63  }
0x17a: {  	s28 =	simm.s32 $0x8C00  }
0x17b: {  	[tilespmem:s28], [sflag:$0x1] =	stream.indirect_vreg.gather [hbm4b:s3+s20], $0x80, v3, vm0, $0xb8;
	[tilespmem:$0x1E800] =	vst v63  }
0x17c: {  	s29 =	simm.s32 $0x9400  }
0x17d: {  	[tilespmem:s29], [sflag:$0x1] =	stream.indirect_vreg.gather [hbm4b:s9+s20], $0x80, v3, vm1, $0xb8;
	[tilespmem:$0x1E800] =	vst v63  }
0x17e: {  	v3 =	vld [tilespmem:$0x110];
	_ =	sdelay $0x4  }
0x17f: {  	v4 =	vshrl.u32 v3, $0x3  }
0x180: {  	v4 =	vmul.u32 $0x18, v4  }
0x181: {  	v3 =	vand.u32 $0x7, v3  }
0x182: {  	v3 =	vor.u32 v3, v4  }
0x183: {  	v4 =	vperm.xlane v3, v0;
	_ =	sdelay $0x1  }
0x184: {  	v4 =	vadd.s32 v1, v4;
	_ =	sdelay $0x1  }
0x185: {  	v3 =	vperm.xlane v3, v2;
	_ =	sdelay $0x1  }
0x186: {  	s30 =	simm.s32 $0x9800;
	v3 =	vadd.s32 v1, v3  }
0x187: {  	[tilespmem:s30], [sflag:$0x1] =	stream.indirect_vreg.gather [hbm4b:s3+s20], $0x80, v4, vm0, $0xb8;
	[tilespmem:$0x1E800] =	vst v63  }
0x188: {  	s22 =	simm.s32 $0xA000  }
0x189: {  	[tilespmem:s22], [sflag:$0x1] =	stream.indirect_vreg.gather [hbm4b:s9+s20], $0x80, v4, vm1, $0xb8;
	[tilespmem:$0x1E800] =	vst v63  }
0x18a: {  	s23 =	simm.s32 $0xA400  }
0x18b: {  	[tilespmem:s23], [sflag:$0x1] =	stream.indirect_vreg.gather [hbm4b:s3+s20], $0x80, v3, vm0, $0xb8;
	[tilespmem:$0x1E800] =	vst v63  }
0x18c: {  	s24 =	simm.s32 $0xAC00  }
0x18d: {  	[tilespmem:s24], [sflag:$0x1] =	stream.indirect_vreg.gather [hbm4b:s9+s20], $0x80, v3, vm1, $0xb8;
	[tilespmem:$0x1E800] =	vst v63  }
0x18e: {  	v3 =	vld.msk [tilespmem:$0x120], $0xff;
	_ =	sdelay $0x4  }
0x18f: {  	v4 =	vshrl.u32 v3, $0x3  }
0x190: {  	v4 =	vmul.u32 $0x18, v4  }
0x191: {  	v3 =	vand.u32 $0x7, v3  }
0x192: {  	v3 =	vor.u32 v3, v4  }
0x193: {  	v3 =	vperm.xlane v3, v0;
	_ =	sdelay $0x1  }
0x194: {  	v3 =	vadd.s32 v1, v3;
	_ =	sdelay $0x3  }
0x195: {  	s25 =	simm.s32 $0xB000  }
0x196: {  	[tilespmem:s25], [sflag:$0x1] =	stream.indirect_vreg.gather [hbm4b:s3+s20], $0x80, v3, vm0, $0xb8;
	[tilespmem:$0x1E800] =	vst v63  }
0x197: {  	s26 =	simm.s32 $0xB800  }
0x198: {  	[tilespmem:s26], [sflag:$0x1] =	stream.indirect_vreg.gather [hbm4b:s9+s20], $0x80, v3, vm1, $0xb8;
	[tilespmem:$0x1E800] =	vst v63  }
0x199: {  	v3 =	vld [tilespmem:$0x4100];
	_ =	sdelay $0x4  }
0x19a: {  	v4 =	vshrl.u32 v3, $0x3  }
0x19b: {  	v4 =	vmul.u32 $0x18, v4  }
0x19c: {  	v3 =	vand.u32 $0x7, v3  }
0x19d: {  	v3 =	vor.u32 v3, v4  }
0x19e: {  	v4 =	vperm.xlane v3, v0;
	_ =	sdelay $0x1  }
0x19f: {  	v4 =	vadd.s32 v1, v4;
	_ =	sdelay $0x1  }
0x1a0: {  	v3 =	vperm.xlane v3, v2;
	_ =	sdelay $0x1  }
0x1a1: {  	s28 =	simm.s32 $0xBC00;
	v3 =	vadd.s32 v1, v3  }
0x1a2: {  	[tilespmem:s28], [sflag:$0x1] =	stream.indirect_vreg.gather [hbm4b:s5+s20], $0x80, v4, vm0, $0xb8;
	[tilespmem:$0x1E800] =	vst v63  }
0x1a3: {  	s29 =	simm.s32 $0xC400  }
0x1a4: {  	[tilespmem:s29], [sflag:$0x1] =	stream.indirect_vreg.gather [hbm4b:s10+s20], $0x80, v4, vm1, $0xb8;
	[tilespmem:$0x1E800] =	vst v63  }
0x1a5: {  	_ = 	snop  }
0x1a6: {  	[tilespmem:s31], [sflag:$0x1] =	stream.indirect_vreg.gather [hbm4b:s5+s20], $0x80, v3, vm0, $0xb8;
	[tilespmem:$0x1E800] =	vst v63  }
0x1a7: {  	_ = 	snop  }
0x1a8: {  	[tilespmem:s0], [sflag:$0x1] =	stream.indirect_vreg.gather [hbm4b:s10+s20], $0x80, v3, vm1, $0xb8;
	[tilespmem:$0x1E800] =	vst v63  }
0x1a9: {  	v3 =	vld [tilespmem:$0x4110];
	_ =	sdelay $0x4  }
0x1aa: {  	v4 =	vshrl.u32 v3, $0x3  }
0x1ab: {  	v4 =	vmul.u32 $0x18, v4  }
0x1ac: {  	v3 =	vand.u32 $0x7, v3  }
0x1ad: {  	v3 =	vor.u32 v3, v4  }
0x1ae: {  	v4 =	vperm.xlane v3, v0;
	_ =	sdelay $0x1  }
0x1af: {  	v4 =	vadd.s32 v1, v4;
	_ =	sdelay $0x1  }
0x1b0: {  	v3 =	vperm.xlane v3, v2;
	_ =	sdelay $0x1  }
0x1b1: {  	v3 =	vadd.s32 v1, v3  }
0x1b2: {  	[tilespmem:s1], [sflag:$0x1] =	stream.indirect_vreg.gather [hbm4b:s5+s20], $0x80, v4, vm0, $0xb8;
	[tilespmem:$0x1E800] =	vst v63  }
0x1b3: {  	_ = 	snop  }
0x1b4: {  	[tilespmem:s17], [sflag:$0x1] =	stream.indirect_vreg.gather [hbm4b:s10+s20], $0x80, v4, vm1, $0xb8;
	[tilespmem:$0x1E800] =	vst v63  }
0x1b5: {  	_ = 	snop  }
0x1b6: {  	[tilespmem:s7], [sflag:$0x1] =	stream.indirect_vreg.gather [hbm4b:s5+s20], $0x80, v3, vm0, $0xb8;
	[tilespmem:$0x1E800] =	vst v63  }
0x1b7: {  	_ = 	snop  }
0x1b8: {  	[tilespmem:s8], [sflag:$0x1] =	stream.indirect_vreg.gather [hbm4b:s10+s20], $0x80, v3, vm1, $0xb8;
	[tilespmem:$0x1E800] =	vst v63  }
0x1b9: {  	v3 =	vld.msk [tilespmem:$0x4120], $0xff;
	_ =	sdelay $0x4  }
0x1ba: {  	v4 =	vshrl.u32 v3, $0x3  }
0x1bb: {  	v4 =	vmul.u32 $0x18, v4  }
0x1bc: {  	v3 =	vand.u32 $0x7, v3  }
0x1bd: {  	v3 =	vor.u32 v3, v4  }
0x1be: {  	v3 =	vperm.xlane v3, v0;
	_ =	sdelay $0x1  }
0x1bf: {  	v3 =	vadd.s32 v1, v3;
	_ =	sdelay $0x2  }
0x1c0: {  	s30 =	simm.s32 $0x0  }
0x1c1: {  	s21 =	smul.u32 $0xC00, s30;
	s22 =	sand.u32 $0x380, s20  }
0x1c2: {  	[tilespmem:s12], [sflag:$0x1] =	stream.indirect_vreg.gather [hbm4b:s5+s20], $0x80, v3, vm0, $0xb8;
	[tilespmem:$0x1E800] =	vst v63  }
0x1c3: {  	s21 =	sor.u32 s22, s21  }
0x1c4: {  	[tilespmem:s14], [sflag:$0x1] =	stream.indirect_vreg.gather [hbm4b:s10+s20], $0x80, v3, vm1, $0xb8;
	[tilespmem:$0x1E800] =	vst v63  }
0x1c5: {  	v3 =	vld [tilespmem:s21+$0xFC40]  }
0x1c6: {  	v4 =	vld [tilespmem:s21+$0xFC10]  }
0x1c7: {  	v5 =	vld [tilespmem:s21+$0x13850]  }
0x1c8: {  	v6 =	vld [tilespmem:s21+$0x13860]  }
0x1c9: {  	v7 =	vld [tilespmem:s21+$0x13810]  }
0x1ca: {  	v40 =	vld [tilespmem:s21+$0xFC00]  }
0x1cb: {  	v41 =	vld [tilespmem:s21+$0xFC50]  }
0x1cc: {  	v42 =	vld [tilespmem:s21+$0x13450]  }
0x1cd: {  	v43 =	vld [tilespmem:s21+$0xFC60]  }
0x1ce: {  	v44 =	vld [tilespmem:s21+$0xFC70]  }
0x1cf: {  	v45 =	vld [tilespmem:s21+$0x13460]  }
0x1d0: {  	v46 =	vld [tilespmem:s21+$0xF850]  }
0x1d1: {  	v47 =	vld [tilespmem:s21+$0x13470]  }
0x1d2: {  	v48 =	vld [tilespmem:s21+$0x13830]  }
0x1d3: {  	v49 =	vld [tilespmem:s21+$0x13840]  }
0x1d4: {  	v50 =	vld [tilespmem:s21+$0xFC30]  }
0x1d5: {  	v51 =	vld [tilespmem:s21+$0xF870]  }
0x1d6: {  	v52 =	vld [tilespmem:s21+$0x13800]  }
0x1d7: {  	v53 =	vld [tilespmem:s21+$0x13870]  }
0x1d8: {  	v54 =	vld [tilespmem:s21+$0x13420]  }
0x1d9: {  	v55 =	vld [tilespmem:s21+$0xF860]  }
0x1da: {  	v56 =	vld [tilespmem:s21+$0xF820];
	v5 =	vadd.f32 v5, v41  }
0x1db: {  	v57 =	vld [tilespmem:s21+$0xF840];
	v6 =	vadd.f32 v6, v43  }
0x1dc: {  	v58 =	vld [tilespmem:s21+$0xF830];
	v4 =	vadd.f32 v7, v4;
	[tilespmem:s21+$0x1B050] =	vst v5  }
0x1dd: {  	v61 =	vld [tilespmem:s21+$0x13820];
	v3 =	vadd.f32 v49, v3;
	[tilespmem:s21+$0x1B060] =	vst v6  }
0x1de: {  	v62 =	vld [tilespmem:s21+$0xFC20];
	v7 =	vadd.f32 v45, v55;
	[tilespmem:s21+$0x1B010] =	vst v4  }
0x1df: {  	v59 =	vld [tilespmem:s21+$0x13430];
	v5 =	vadd.f32 v47, v51;
	[tilespmem:s21+$0x1B040] =	vst v3  }
0x1e0: {  	v60 =	vld [tilespmem:s21+$0xF810];
	v3 =	vadd.f32 v52, v40;
	[tilespmem:s21+$0x1AC60] =	vst v7  }
0x1e1: {  	v4 =	vadd.f32 v54, v56;
	v6 =	vld [tilespmem:s21+$0xF800];
	[tilespmem:s21+$0x1AC70] =	vst v5  }
0x1e2: {  	v5 =	vld [tilespmem:s21+$0x13440];
	[tilespmem:s21+$0x1B000] =	vst v3;
	v3 =	vadd.f32 v53, v44  }
0x1e3: {  	v9 =	vadd.f32 v61, v62;
	[tilespmem:s21+$0x1AC20] =	vst v4;
	v4 =	vld [tilespmem:s21+$0x13400]  }
0x1e4: {  	v63 =	vld [tilespmem:s21+$0x13410];
	[tilespmem:s21+$0x1B070] =	vst v3;
	v3 =	vadd.f32 v48, v50  }
0x1e5: {  	[tilespmem:s21+$0x1B020] =	vst v9;
	v7 =	vadd.f32 v59, v58  }
0x1e6: {  	[tilespmem:s21+$0x1B030] =	vst v3;
	v3 =	vadd.f32 v42, v46  }
0x1e7: {  	[tilespmem:s21+$0x1AC30] =	vst v7;
	v5 =	vadd.f32 v5, v57  }
0x1e8: {  	v4 =	vadd.f32 v4, v6;
	[tilespmem:s21+$0x1AC50] =	vst v3  }
0x1e9: {  	v3 =	vadd.f32 v63, v60;
	[tilespmem:s21+$0x1AC40] =	vst v5  }
0x1ea: {  	[tilespmem:s21+$0x1AC00] =	vst v4  }
0x1eb: {  	s22 =	sadd.s32 $0x800, s21;
	[tilespmem:s21+$0x1AC10] =	vst v3;
	v3 =	vld [tilespmem:s21+$0x13C00]  }
0x1ec: {  	v4 =	vld [tilespmem:s22+$0xF800];
	_ =	sdelay $0x4  }
0x1ed: {  	v3 =	vsub.f32 v4, v3;
	_ =	sdelay $0x1  }
0x1ee: {  	[tilespmem:s21+$0x1B400] =	vst v3;
	v3 =	vld [tilespmem:s21+$0x13C10]  }
0x1ef: {  	v4 =	vld [tilespmem:s22+$0xF810];
	_ =	sdelay $0x4  }
0x1f0: {  	v3 =	vsub.f32 v4, v3;
	_ =	sdelay $0x1  }
0x1f1: {  	v4 =	vld [tilespmem:s21+$0x13C20];
	[tilespmem:s21+$0x1B410] =	vst v3  }
0x1f2: {  	v5 =	vld [tilespmem:s22+$0xF820];
	_ =	sdelay $0x1  }
0x1f3: {  	s24 =	simm.s32 $0x0;
	s25 =	simm.s32 $0x2;
	v3 =	vld [tilespmem:s21+$0x13C60]  }
.LBB2_4:
0x1f4: {  	s26 =	smul.u32 $0xC00, s24  }
0x1f5: {  	v6 =	vld [tilespmem:s21+$0x13C50];
	s20 =	sadd.s32 $0x80, s20;
	s24 =	smov.u32 s25;
	s23 =	sadd.s32 $0x1, s25  }
0x1f6: {  	p0 =	sne.s32 s25, $0x27;
	s25 =	sand.u32 $0x380, s20;
	v4 =	vsub.f32 v5, v4;
	v5 =	vld [tilespmem:s21+$0x13C40]  }
0x1f7: {  	s25 =	sor.u32 s25, s26;
	v7 =	vld [tilespmem:s21+$0x13C30]  }
0x1f8: {  	v8 =	vld [tilespmem:s25+$0xFC40];
	[tilespmem:s21+$0x1B420] =	vst v4  }
0x1f9: {  	v4 =	vld [tilespmem:s22+$0xF830]  }
0x1fa: {  	v9 =	vld [tilespmem:s25+$0xFC10]  }
0x1fb: {  	v10 =	vld [tilespmem:s25+$0x13850]  }
0x1fc: {  	v11 =	vld [tilespmem:s25+$0x13860]  }
0x1fd: {  	v12 =	vld [tilespmem:s25+$0x13810]  }
0x1fe: {  	v13 =	vld [tilespmem:s25+$0xFC00];
	v4 =	vsub.f32 v4, v7  }
0x1ff: {  	v7 =	vld [tilespmem:s25+$0xFC50]  }
0x200: {  	v14 =	vld [tilespmem:s25+$0x13450];
	[tilespmem:s21+$0x1B430] =	vst v4  }
0x201: {  	v4 =	vld [tilespmem:s22+$0xF840]  }
0x202: {  	v15 =	vld [tilespmem:s25+$0xFC60]  }
0x203: {  	v16 =	vld [tilespmem:s25+$0xFC70]  }
0x204: {  	v17 =	vld [tilespmem:s25+$0x13460]  }
0x205: {  	v18 =	vld [tilespmem:s25+$0xF850]  }
0x206: {  	v19 =	vld [tilespmem:s25+$0x13470];
	v4 =	vsub.f32 v4, v5  }
0x207: {  	v7 =	vadd.f32 v10, v7;
	v5 =	vld [tilespmem:s25+$0x13830];
	v10 =	vadd.f32 v11, v15  }
0x208: {  	v9 =	vadd.f32 v12, v9;
	v11 =	vld [tilespmem:s25+$0x13840];
	[tilespmem:s21+$0x1B440] =	vst v4  }
0x209: {  	v4 =	vld [tilespmem:s22+$0xF850]  }
0x20a: {  	v12 =	vld [tilespmem:s25+$0xFC30]  }
0x20b: {  	v14 =	vadd.f32 v14, v18;
	v15 =	vld [tilespmem:s25+$0xF870]  }
0x20c: {  	v18 =	vld [tilespmem:s25+$0x13800]  }
0x20d: {  	v20 =	vld [tilespmem:s25+$0x13870]  }
0x20e: {  	v21 =	vld [tilespmem:s25+$0x13420];
	v4 =	vsub.f32 v4, v6  }
0x20f: {  	v6 =	vld [tilespmem:s25+$0xF860];
	v5 =	vadd.f32 v5, v12  }
0x210: {  	v12 =	vld [tilespmem:s25+$0xF820];
	[tilespmem:s21+$0x1B450] =	vst v4  }
0x211: {  	v4 =	vld [tilespmem:s22+$0xF860]  }
0x212: {  	v22 =	vld [tilespmem:s25+$0xF840];
	v16 =	vadd.f32 v20, v16  }
0x213: {  	v15 =	vadd.f32 v19, v15;
	v20 =	vld [tilespmem:s25+$0xF830]  }
0x214: {  	v13 =	vadd.f32 v18, v13;
	v19 =	vld [tilespmem:s25+$0x13430];
	v6 =	vadd.f32 v17, v6  }
0x215: {  	v17 =	vld [tilespmem:s25+$0xF810];
	v12 =	vadd.f32 v21, v12  }
0x216: {  	v8 =	vadd.f32 v11, v8;
	v3 =	vsub.f32 v4, v3;
	v4 =	vld [tilespmem:s21+$0x13C70]  }
0x217: {  	v11 =	vld [tilespmem:s25+$0x13820]  }
0x218: {  	v18 =	vld [tilespmem:s25+$0xFC20];
	[tilespmem:s21+$0x1B460] =	vst v3  }
0x219: {  	v3 =	vadd.f32 v19, v20;
	v19 =	vld [tilespmem:s22+$0xF870]  }
0x21a: {  	[tilespmem:s25+$0x1B050] =	vst v7  }
0x21b: {  	[tilespmem:s25+$0x1B060] =	vst v10  }
0x21c: {  	[tilespmem:s25+$0x1B010] =	vst v9  }
0x21d: {  	v7 =	vadd.f32 v11, v18;
	[tilespmem:s25+$0x1B040] =	vst v8  }
0x21e: {  	[tilespmem:s25+$0x1AC70] =	vst v15;
	v4 =	vsub.f32 v19, v4  }
0x21f: {  	v8 =	vld [tilespmem:s25+$0x13440];
	[tilespmem:s25+$0x1B000] =	vst v13  }
0x220: {  	[tilespmem:s25+$0x1AC20] =	vst v12  }
0x221: {  	v9 =	vld [tilespmem:s25+$0x13400];
	[tilespmem:s21+$0x1B470] =	vst v4;
	s21 =	smov.u32 s25  }
0x222: {  	v4 =	vld [tilespmem:s21+$0xF800];
	[tilespmem:s21+$0x1B070] =	vst v16  }
0x223: {  	v10 =	vld [tilespmem:s21+$0x13410];
	[tilespmem:s21+$0x1AC60] =	vst v6  }
0x224: {  	v6 =	vadd.f32 v8, v22;
	[tilespmem:s21+$0x1B030] =	vst v5  }
0x225: {  	[tilespmem:s21+$0x1B020] =	vst v7  }
0x226: {  	[tilespmem:s21+$0x1AC40] =	vst v6  }
0x227: {  	v4 =	vadd.f32 v9, v4;
	[tilespmem:s21+$0x1AC50] =	vst v14  }
0x228: {  	v5 =	vadd.f32 v10, v17;
	[tilespmem:s21+$0x1AC30] =	vst v3  }
0x229: {  	[tilespmem:s21+$0x1AC00] =	vst v4  }
0x22a: {  	s22 =	sadd.s32 $0x800, s21;
	[tilespmem:s21+$0x1AC10] =	vst v5;
	v3 =	vld [tilespmem:s21+$0x13C00]  }
0x22b: {  	v4 =	vld [tilespmem:s22+$0xF800];
	_ =	sdelay $0x4  }
0x22c: {  	v3 =	vsub.f32 v4, v3;
	_ =	sdelay $0x1  }
0x22d: {  	[tilespmem:s21+$0x1B400] =	vst v3;
	v3 =	vld [tilespmem:s21+$0x13C10]  }
0x22e: {  	v4 =	vld [tilespmem:s22+$0xF810];
	_ =	sdelay $0x4  }
0x22f: {  	v3 =	vsub.f32 v4, v3;
	_ =	sdelay $0x1  }
.Ltmp1:
0x230: {  	[tilespmem:s21+$0x1B410] =	vst v3;
	v4 =	vld [tilespmem:s21+$0x13C20];
	(pc) =	sbr.rel @p0 .LBB2_4-.Ltmp1, $2  }
0x231: {  	v5 =	vld [tilespmem:s22+$0xF820];
	_ =	sdelay $0x2  }
0x232: {  	s24 =	sshrl.u32 s24, $0x3;
	s25 =	smov.u32 s23;
	v3 =	vld [tilespmem:s21+$0x13C60]  }
0x233: {  	s23 =	smul.u32 $0xC00, s24;
	v6 =	vld [tilespmem:s21+$0x13C50];
	s20 =	sadd.s32 $0x80, s20  }
0x234: {  	v7 =	vld [tilespmem:s21+$0x13C40];
	s20 =	sand.u32 $0x380, s20;
	v4 =	vsub.f32 v5, v4  }
0x235: {  	v41 =	vld [tilespmem:s21+$0x13C30];
	s20 =	sor.u32 s20, s23  }
0x236: {  	v8 =	vld [tilespmem:s20+$0xFC40];
	[tilespmem:s21+$0x1B420] =	vst v4  }
0x237: {  	v4 =	vld [tilespmem:s22+$0xF830]  }
0x238: {  	v9 =	vld [tilespmem:s20+$0xFC10]  }
0x239: {  	v10 =	vld [tilespmem:s20+$0x13850]  }
0x23a: {  	v11 =	vld [tilespmem:s20+$0x13860]  }
0x23b: {  	v12 =	vld [tilespmem:s20+$0x13810]  }
0x23c: {  	v13 =	vld [tilespmem:s20+$0xFC00];
	v4 =	vsub.f32 v4, v41  }
0x23d: {  	v42 =	vld [tilespmem:s20+$0xFC50]  }
0x23e: {  	v14 =	vld [tilespmem:s20+$0x13450];
	[tilespmem:s21+$0x1B430] =	vst v4  }
0x23f: {  	v4 =	vld [tilespmem:s22+$0xF840]  }
0x240: {  	v15 =	vld [tilespmem:s20+$0xFC60]  }
0x241: {  	v16 =	vld [tilespmem:s20+$0xFC70]  }
0x242: {  	v17 =	vld [tilespmem:s20+$0x13460]  }
0x243: {  	v18 =	vld [tilespmem:s20+$0xF850]  }
0x244: {  	v19 =	vld [tilespmem:s20+$0x13470];
	v4 =	vsub.f32 v4, v7  }
0x245: {  	v43 =	vld [tilespmem:s20+$0x13830]  }
0x246: {  	v20 =	vld [tilespmem:s20+$0x13840];
	[tilespmem:s21+$0x1B440] =	vst v4  }
0x247: {  	v4 =	vld [tilespmem:s22+$0xF850]  }
0x248: {  	v21 =	vld [tilespmem:s20+$0xFC30]  }
0x249: {  	v22 =	vld [tilespmem:s20+$0xF870]  }
0x24a: {  	v23 =	vld [tilespmem:s20+$0x13800]  }
0x24b: {  	v24 =	vld [tilespmem:s20+$0x13870]  }
0x24c: {  	v25 =	vld [tilespmem:s20+$0x13420];
	v4 =	vsub.f32 v4, v6  }
0x24d: {  	v44 =	vld [tilespmem:s20+$0xF860]  }
0x24e: {  	v26 =	vld [tilespmem:s20+$0xF820];
	[tilespmem:s21+$0x1B450] =	vst v4  }
0x24f: {  	v4 =	vld [tilespmem:s22+$0xF860]  }
0x250: {  	v31 =	vld [tilespmem:s21+$0x13C70]  }
0x251: {  	v27 =	vld [tilespmem:s20+$0xF840]  }
0x252: {  	v28 =	vld [tilespmem:s20+$0xF830]  }
0x253: {  	v29 =	vld [tilespmem:s20+$0x13430]  }
0x254: {  	v30 =	vld [tilespmem:s20+$0xF810];
	v3 =	vsub.f32 v4, v3  }
0x255: {  	v5 =	vadd.f32 v10, v42;
	v45 =	vld [tilespmem:s20+$0x13820]  }
0x256: {  	v9 =	vadd.f32 v12, v9;
	v32 =	vld [tilespmem:s20+$0xFC20];
	[tilespmem:s21+$0x1B460] =	vst v3  }
0x257: {  	v47 =	vadd.f32 v20, v8;
	v46 =	vld [tilespmem:s22+$0xF870];
	[tilespmem:s20+$0x1B050] =	vst v5  }
0x258: {  	v3 =	vadd.f32 v11, v15;
	[tilespmem:s20+$0x1B010] =	vst v9  }
0x259: {  	v48 =	vadd.f32 v23, v13;
	[tilespmem:s20+$0x1B040] =	vst v47  }
0x25a: {  	[tilespmem:s20+$0x1B060] =	vst v3;
	v3 =	vadd.f32 v19, v22  }
0x25b: {  	v49 =	vadd.f32 v25, v26;
	[tilespmem:s20+$0x1B000] =	vst v48  }
0x25c: {  	[tilespmem:s20+$0x1AC70] =	vst v3;
	v3 =	vsub.f32 v46, v31  }
0x25d: {  	v56 =	vadd.f32 v29, v28;
	v50 =	vld [tilespmem:s20+$0x13440];
	[tilespmem:s20+$0x1AC20] =	vst v49  }
0x25e: {  	v51 =	vadd.f32 v24, v16;
	v52 =	vld [tilespmem:s20+$0x13400];
	[tilespmem:s21+$0x1B470] =	vst v3  }
0x25f: {  	v6 =	vadd.f32 v17, v44;
	[tilespmem:s20+$0x1AC30] =	vst v56;
	v53 =	vld [tilespmem:s20+$0xF800]  }
0x260: {  	v4 =	vadd.f32 v45, v32;
	[tilespmem:s20+$0x1B070] =	vst v51;
	v54 =	vld [tilespmem:s20+$0x13410]  }
0x261: {  	v3 =	vadd.f32 v43, v21;
	[tilespmem:s20+$0x1AC60] =	vst v6  }
0x262: {  	v55 =	vadd.f32 v50, v27;
	[tilespmem:s20+$0x1B020] =	vst v4  }
0x263: {  	[tilespmem:s20+$0x1B030] =	vst v3;
	v3 =	vadd.f32 v14, v18  }
0x264: {  	[tilespmem:s20+$0x1AC40] =	vst v55;
	v5 =	vadd.f32 v52, v53  }
0x265: {  	[tilespmem:s20+$0x1AC50] =	vst v3;
	v3 =	vadd.f32 v54, v30  }
0x266: {  	[tilespmem:s20+$0x1AC00] =	vst v5  }
0x267: {  	s28 =	sadd.s32 $0x800, s20;
	[tilespmem:s20+$0x1AC10] =	vst v3;
	v3 =	vld [tilespmem:s20+$0x13C00]  }
0x268: {  	v4 =	vld [tilespmem:s28+$0xF800];
	_ =	sdelay $0x4  }
0x269: {  	v3 =	vsub.f32 v4, v3;
	_ =	sdelay $0x1  }
0x26a: {  	[tilespmem:s20+$0x1B400] =	vst v3;
	v3 =	vld [tilespmem:s20+$0x13C10]  }
0x26b: {  	v57 =	vld [tilespmem:s28+$0xF810];
	_ =	sdelay $0x4  }
0x26c: {  	v3 =	vsub.f32 v57, v3;
	_ =	sdelay $0x1  }
0x26d: {  	[tilespmem:s20+$0x1B410] =	vst v3;
	v3 =	vld [tilespmem:s20+$0x13C20]  }
0x26e: {  	v58 =	vld [tilespmem:s28+$0xF820];
	_ =	sdelay $0x4  }
0x26f: {  	v3 =	vsub.f32 v58, v3;
	_ =	sdelay $0x1  }
0x270: {  	v59 =	vld [tilespmem:s20+$0x13C30];
	[tilespmem:s20+$0x1B420] =	vst v3  }
0x271: {  	v3 =	vld [tilespmem:s28+$0xF830];
	_ =	sdelay $0x4  }
0x272: {  	v3 =	vsub.f32 v3, v59;
	_ =	sdelay $0x1  }
0x273: {  	v60 =	vld [tilespmem:s20+$0x13C40];
	[tilespmem:s20+$0x1B430] =	vst v3  }
0x274: {  	v3 =	vld [tilespmem:s28+$0xF840];
	_ =	sdelay $0x4  }
0x275: {  	v3 =	vsub.f32 v3, v60;
	_ =	sdelay $0x1  }
0x276: {  	v61 =	vld [tilespmem:s20+$0x13C50];
	[tilespmem:s20+$0x1B440] =	vst v3  }
0x277: {  	v3 =	vld [tilespmem:s28+$0xF850];
	_ =	sdelay $0x4  }
0x278: {  	v3 =	vsub.f32 v3, v61;
	_ =	sdelay $0x1  }
0x279: {  	v62 =	vld [tilespmem:s20+$0x13C60];
	[tilespmem:s20+$0x1B450] =	vst v3  }
0x27a: {  	v3 =	vld [tilespmem:s28+$0xF860];
	_ =	sdelay $0x4  }
0x27b: {  	v3 =	vsub.f32 v3, v62;
	_ =	sdelay $0x1  }
0x27c: {  	v63 =	vld [tilespmem:s20+$0x13C70];
	[tilespmem:s20+$0x1B460] =	vst v3  }
0x27d: {  	v3 =	vld [tilespmem:s28+$0xF870];
	_ =	sdelay $0x4  }
0x27e: {  	v3 =	vsub.f32 v3, v63  }
0x27f: {  	s29 =	rddreg [dreg:$0x6]  }
0x280: {  	s30 =	simm.s32 $0x1AC00;
	s21 =	simm.s32 $0x0;
	[tilespmem:s20+$0x1B470] =	vst v3;
	s20 =	simm.s32 $0x0  }
0x281: {  	[hbm4b:s29+s20] =	stream.linear.scatter [tilespmem:s30], [sflag:$0x4], $0x3C00, $0x38;
	[tilespmem:$0x1E800] =	vst v63  }
.LBB2_6:
0x282: {  	_ =	swait.ge [sflag:s15], $0x3C00  }
0x283: {  	[sflag:s15] =	ssyncset.done $0x0  }
0x284: {  	[sflag:s15] =	ssyncadd.s32 $0xFFFFC400  }
0x285: {  	s22 =	sshll.u32 s21, $0x1;
	_ =	swait.ge [sflag:s15], $0x3C00  }
0x286: {  	s22 =	sadd.s32 $0x3, s22;
	[sflag:s15] =	ssyncset.done $0x0  }
0x287: {  	s23 =	sshll.u32 s22, $0x7;
	[sflag:s15] =	ssyncadd.s32 $0xFFFFC400  }
0x288: {  	v3 =	vld [tilespmem:s23+$0x0];
	_ =	sdelay $0x4  }
0x289: {  	v4 =	vshrl.u32 v3, $0x3  }
0x28a: {  	v4 =	vmul.u32 $0x18, v4  }
0x28b: {  	v3 =	vand.u32 $0x7, v3  }
0x28c: {  	v3 =	vor.u32 v3, v4  }
0x28d: {  	v4 =	vperm.xlane v3, v0;
	_ =	sdelay $0x1  }
0x28e: {  	v4 =	vadd.s32 v1, v4;
	_ =	sdelay $0x1  }
0x28f: {  	v3 =	vperm.xlane v3, v2;
	_ =	sdelay $0x1  }
0x290: {  	s24 =	simm.s32 $0xF800;
	v3 =	vadd.s32 v1, v3  }
0x291: {  	[tilespmem:s24], [sflag:$0x2] =	stream.indirect_vreg.gather [hbm4b:s3+s20], $0x80, v4, vm0, $0xb8;
	[tilespmem:$0x1E800] =	vst v63  }
0x292: {  	s28 =	simm.s32 $0x10000  }
0x293: {  	[tilespmem:s28], [sflag:$0x2] =	stream.indirect_vreg.gather [hbm4b:s9+s20], $0x80, v4, vm1, $0xb8;
	[tilespmem:$0x1E800] =	vst v63  }
0x294: {  	s29 =	simm.s32 $0x10400  }
0x295: {  	[tilespmem:s29], [sflag:$0x2] =	stream.indirect_vreg.gather [hbm4b:s3+s20], $0x80, v3, vm0, $0xb8;
	[tilespmem:$0x1E800] =	vst v63  }
0x296: {  	s30 =	simm.s32 $0x10C00  }
0x297: {  	[tilespmem:s30], [sflag:$0x2] =	stream.indirect_vreg.gather [hbm4b:s9+s20], $0x80, v3, vm1, $0xb8;
	[tilespmem:$0x1E800] =	vst v63  }
0x298: {  	v3 =	vld [tilespmem:s23+$0x10];
	_ =	sdelay $0x4  }
0x299: {  	v4 =	vshrl.u32 v3, $0x3  }
0x29a: {  	v4 =	vmul.u32 $0x18, v4  }
0x29b: {  	v3 =	vand.u32 $0x7, v3  }
0x29c: {  	v3 =	vor.u32 v3, v4  }
0x29d: {  	v4 =	vperm.xlane v3, v0;
	_ =	sdelay $0x1  }
0x29e: {  	v4 =	vadd.s32 v1, v4;
	_ =	sdelay $0x1  }
0x29f: {  	v3 =	vperm.xlane v3, v2;
	_ =	sdelay $0x1  }
0x2a0: {  	s25 =	simm.s32 $0x11000;
	v3 =	vadd.s32 v1, v3  }
0x2a1: {  	[tilespmem:s25], [sflag:$0x2] =	stream.indirect_vreg.gather [hbm4b:s3+s20], $0x80, v4, vm0, $0xb8;
	[tilespmem:$0x1E800] =	vst v63  }
0x2a2: {  	s26 =	simm.s32 $0x11800  }
0x2a3: {  	[tilespmem:s26], [sflag:$0x2] =	stream.indirect_vreg.gather [hbm4b:s9+s20], $0x80, v4, vm1, $0xb8;
	[tilespmem:$0x1E800] =	vst v63  }
0x2a4: {  	s28 =	simm.s32 $0x11C00  }
0x2a5: {  	[tilespmem:s28], [sflag:$0x2] =	stream.indirect_vreg.gather [hbm4b:s3+s20], $0x80, v3, vm0, $0xb8;
	[tilespmem:$0x1E800] =	vst v63  }
0x2a6: {  	s29 =	simm.s32 $0x12400;
	s30 =	sor.u32 $0x20, s23  }
0x2a7: {  	[tilespmem:s29], [sflag:$0x2] =	stream.indirect_vreg.gather [hbm4b:s9+s20], $0x80, v3, vm1, $0xb8;
	[tilespmem:$0x1E800] =	vst v63  }
0x2a8: {  	v3 =	vld.msk [tilespmem:s30+$0x0], $0xff;
	_ =	sdelay $0x4  }
0x2a9: {  	v4 =	vshrl.u32 v3, $0x3  }
0x2aa: {  	v4 =	vmul.u32 $0x18, v4  }
0x2ab: {  	v3 =	vand.u32 $0x7, v3  }
0x2ac: {  	v3 =	vor.u32 v3, v4  }
0x2ad: {  	v3 =	vperm.xlane v3, v0;
	_ =	sdelay $0x1  }
0x2ae: {  	v3 =	vadd.s32 v1, v3;
	_ =	sdelay $0x3  }
0x2af: {  	s25 =	simm.s32 $0x12800  }
0x2b0: {  	[tilespmem:s25], [sflag:$0x2] =	stream.indirect_vreg.gather [hbm4b:s3+s20], $0x80, v3, vm0, $0xb8;
	[tilespmem:$0x1E800] =	vst v63  }
0x2b1: {  	s26 =	simm.s32 $0x13000  }
0x2b2: {  	[tilespmem:s26], [sflag:$0x2] =	stream.indirect_vreg.gather [hbm4b:s9+s20], $0x80, v3, vm1, $0xb8;
	[tilespmem:$0x1E800] =	vst v63  }
0x2b3: {  	v3 =	vld [tilespmem:s23+$0x4000];
	_ =	sdelay $0x4  }
0x2b4: {  	v4 =	vshrl.u32 v3, $0x3  }
0x2b5: {  	v4 =	vmul.u32 $0x18, v4  }
0x2b6: {  	v3 =	vand.u32 $0x7, v3  }
0x2b7: {  	v3 =	vor.u32 v3, v4  }
0x2b8: {  	v4 =	vperm.xlane v3, v0;
	_ =	sdelay $0x1  }
0x2b9: {  	v4 =	vadd.s32 v1, v4;
	_ =	sdelay $0x1  }
0x2ba: {  	v3 =	vperm.xlane v3, v2;
	_ =	sdelay $0x1  }
0x2bb: {  	s28 =	simm.s32 $0x13400;
	v3 =	vadd.s32 v1, v3  }
0x2bc: {  	[tilespmem:s28], [sflag:$0x2] =	stream.indirect_vreg.gather [hbm4b:s5+s20], $0x80, v4, vm0, $0xb8;
	[tilespmem:$0x1E800] =	vst v63  }
0x2bd: {  	s29 =	simm.s32 $0x13C00  }
0x2be: {  	[tilespmem:s29], [sflag:$0x2] =	stream.indirect_vreg.gather [hbm4b:s10+s20], $0x80, v4, vm1, $0xb8;
	[tilespmem:$0x1E800] =	vst v63  }
0x2bf: {  	s30 =	simm.s32 $0x14000  }
0x2c0: {  	[tilespmem:s30], [sflag:$0x2] =	stream.indirect_vreg.gather [hbm4b:s5+s20], $0x80, v3, vm0, $0xb8;
	[tilespmem:$0x1E800] =	vst v63  }
0x2c1: {  	s25 =	simm.s32 $0x14800  }
0x2c2: {  	[tilespmem:s25], [sflag:$0x2] =	stream.indirect_vreg.gather [hbm4b:s10+s20], $0x80, v3, vm1, $0xb8;
	[tilespmem:$0x1E800] =	vst v63  }
0x2c3: {  	v3 =	vld [tilespmem:s23+$0x4010];
	_ =	sdelay $0x4  }
0x2c4: {  	v4 =	vshrl.u32 v3, $0x3  }
0x2c5: {  	v4 =	vmul.u32 $0x18, v4  }
0x2c6: {  	v3 =	vand.u32 $0x7, v3  }
0x2c7: {  	v3 =	vor.u32 v3, v4  }
0x2c8: {  	v4 =	vperm.xlane v3, v0;
	_ =	sdelay $0x1  }
0x2c9: {  	v4 =	vadd.s32 v1, v4;
	_ =	sdelay $0x1  }
0x2ca: {  	v3 =	vperm.xlane v3, v2;
	_ =	sdelay $0x1  }
0x2cb: {  	s26 =	simm.s32 $0x14C00;
	v3 =	vadd.s32 v1, v3  }
0x2cc: {  	[tilespmem:s26], [sflag:$0x2] =	stream.indirect_vreg.gather [hbm4b:s5+s20], $0x80, v4, vm0, $0xb8;
	[tilespmem:$0x1E800] =	vst v63  }
0x2cd: {  	s28 =	simm.s32 $0x15400  }
0x2ce: {  	[tilespmem:s28], [sflag:$0x2] =	stream.indirect_vreg.gather [hbm4b:s10+s20], $0x80, v4, vm1, $0xb8;
	[tilespmem:$0x1E800] =	vst v63  }
0x2cf: {  	s29 =	simm.s32 $0x15800  }
0x2d0: {  	[tilespmem:s29], [sflag:$0x2] =	stream.indirect_vreg.gather [hbm4b:s5+s20], $0x80, v3, vm0, $0xb8;
	[tilespmem:$0x1E800] =	vst v63  }
0x2d1: {  	s30 =	simm.s32 $0x16000  }
0x2d2: {  	[tilespmem:s30], [sflag:$0x2] =	stream.indirect_vreg.gather [hbm4b:s10+s20], $0x80, v3, vm1, $0xb8;
	[tilespmem:$0x1E800] =	vst v63  }
0x2d3: {  	v3 =	vld.msk [tilespmem:s23+$0x4020], $0xff;
	_ =	sdelay $0x4  }
0x2d4: {  	v4 =	vshrl.u32 v3, $0x3  }
0x2d5: {  	v4 =	vmul.u32 $0x18, v4  }
0x2d6: {  	v3 =	vand.u32 $0x7, v3  }
0x2d7: {  	v3 =	vor.u32 v3, v4  }
0x2d8: {  	v3 =	vperm.xlane v3, v0;
	_ =	sdelay $0x1  }
0x2d9: {  	v3 =	vadd.s32 v1, v3;
	_ =	sdelay $0x3  }
0x2da: {  	s25 =	simm.s32 $0x16400  }
0x2db: {  	[tilespmem:s25], [sflag:$0x2] =	stream.indirect_vreg.gather [hbm4b:s5+s20], $0x80, v3, vm0, $0xb8;
	[tilespmem:$0x1E800] =	vst v63  }
0x2dc: {  	s26 =	simm.s32 $0x16C00;
	s28 =	simm.s32 $0x0  }
0x2dd: {  	[tilespmem:s26], [sflag:$0x2] =	stream.indirect_vreg.gather [hbm4b:s10+s20], $0x80, v3, vm1, $0xb8;
	[tilespmem:$0x1E800] =	vst v63  }
0x2de: {  	s23 =	smul.u32 $0xC00, s28;
	_ =	swait.ge [sflag:s18], $0x3C00  }
0x2df: {  	s29 =	sand.u32 $0x380, s20;
	[sflag:s18] =	ssyncset.done $0x0  }
0x2e0: {  	s23 =	sor.u32 s29, s23;
	[sflag:s18] =	ssyncadd.s32 $0xFFFFC400  }
0x2e1: {  	v3 =	vld [tilespmem:s23+$0x8870]  }
0x2e2: {  	v4 =	vld [tilespmem:s23+$0xC470]  }
0x2e3: {  	v5 =	vld [tilespmem:s23+$0x8000]  }
0x2e4: {  	v6 =	vld [tilespmem:s23+$0xBC00]  }
0x2e5: {  	v7 =	vld [tilespmem:s23+$0x8010]  }
0x2e6: {  	v8 =	vld [tilespmem:s23+$0xBC10]  }
0x2e7: {  	v9 =	vld [tilespmem:s23+$0x8020]  }
0x2e8: {  	v10 =	vld [tilespmem:s23+$0x8030]  }
0x2e9: {  	v11 =	vld [tilespmem:s23+$0xC420];
	v3 =	vsub.f32 v3, v4  }
0x2ea: {  	v4 =	vld [tilespmem:s23+$0xBC20]  }
0x2eb: {  	v5 =	vadd.f32 v6, v5;
	[tilespmem:s23+$0x17870] =	vst v3;
	v3 =	vld [tilespmem:s23+$0xBC30]  }
0x2ec: {  	v6 =	vld [tilespmem:s23+$0x8040]  }
0x2ed: {  	[tilespmem:s23+$0x17000] =	vst v5;
	v5 =	vadd.f32 v8, v7;
	v7 =	vld [tilespmem:s23+$0xBC40]  }
0x2ee: {  	v8 =	vld [tilespmem:s23+$0xBC50]  }
0x2ef: {  	[tilespmem:s23+$0x17010] =	vst v5;
	v5 =	vld [tilespmem:s23+$0x8050];
	v4 =	vadd.f32 v4, v9  }
0x2f0: {  	v9 =	vld [tilespmem:s23+$0xBC60];
	v3 =	vadd.f32 v3, v10  }
0x2f1: {  	[tilespmem:s23+$0x17020] =	vst v4;
	v4 =	vld [tilespmem:s23+$0x8060]  }
0x2f2: {  	[tilespmem:s23+$0x17030] =	vst v3;
	v3 =	vadd.f32 v7, v6;
	v6 =	vld [tilespmem:s23+$0x8070]  }
0x2f3: {  	v7 =	vld [tilespmem:s23+$0xBC70]  }
0x2f4: {  	[tilespmem:s23+$0x17040] =	vst v3;
	v3 =	vadd.f32 v8, v5;
	v5 =	vld [tilespmem:s23+$0x8400]  }
0x2f5: {  	v8 =	vld [tilespmem:s23+$0xC000]  }
0x2f6: {  	[tilespmem:s23+$0x17050] =	vst v3;
	v3 =	vadd.f32 v9, v4;
	v4 =	vld [tilespmem:s23+$0x8410]  }
0x2f7: {  	v9 =	vld [tilespmem:s23+$0xC010]  }
0x2f8: {  	[tilespmem:s23+$0x17060] =	vst v3;
	v3 =	vadd.f32 v7, v6;
	v6 =	vld [tilespmem:s23+$0x8420]  }
0x2f9: {  	v7 =	vld [tilespmem:s23+$0xC020]  }
0x2fa: {  	[tilespmem:s23+$0x17070] =	vst v3;
	v3 =	vadd.f32 v8, v5;
	v5 =	vld [tilespmem:s23+$0x8430]  }
0x2fb: {  	v8 =	vld [tilespmem:s23+$0xC030]  }
0x2fc: {  	[tilespmem:s23+$0x17400] =	vst v3;
	v3 =	vadd.f32 v9, v4;
	v4 =	vld [tilespmem:s23+$0x8440]  }
0x2fd: {  	v9 =	vld [tilespmem:s23+$0xC040]  }
0x2fe: {  	[tilespmem:s23+$0x17410] =	vst v3;
	v3 =	vadd.f32 v7, v6;
	v6 =	vld [tilespmem:s23+$0x8450]  }
0x2ff: {  	v7 =	vld [tilespmem:s23+$0xC050]  }
0x300: {  	[tilespmem:s23+$0x17420] =	vst v3;
	v3 =	vadd.f32 v8, v5;
	v5 =	vld [tilespmem:s23+$0x8460]  }
0x301: {  	v8 =	vld [tilespmem:s23+$0xC060]  }
0x302: {  	[tilespmem:s23+$0x17430] =	vst v3;
	v3 =	vadd.f32 v9, v4;
	v4 =	vld [tilespmem:s23+$0x8470]  }
0x303: {  	v9 =	vld [tilespmem:s23+$0xC070]  }
0x304: {  	[tilespmem:s23+$0x17440] =	vst v3;
	v3 =	vadd.f32 v7, v6;
	v6 =	vld [tilespmem:s23+$0x8800]  }
0x305: {  	v7 =	vld [tilespmem:s23+$0xC400]  }
0x306: {  	v10 =	vld [tilespmem:s23+$0xC410];
	[tilespmem:s23+$0x17450] =	vst v3;
	v3 =	vadd.f32 v8, v5  }
0x307: {  	v8 =	vld [tilespmem:s23+$0x8810]  }
0x308: {  	[tilespmem:s23+$0x17460] =	vst v3;
	v3 =	vadd.f32 v9, v4;
	v9 =	vld [tilespmem:s23+$0x8820]  }
0x309: {  	v5 =	vld [tilespmem:s23+$0x8830]  }
0x30a: {  	[tilespmem:s23+$0x17470] =	vst v3;
	v3 =	vsub.f32 v6, v7;
	v7 =	vld [tilespmem:s23+$0xC430]  }
0x30b: {  	v6 =	vld [tilespmem:s23+$0xC440]  }
0x30c: {  	v4 =	vsub.f32 v8, v10;
	[tilespmem:s23+$0x17800] =	vst v3;
	v3 =	vld [tilespmem:s23+$0x8840]  }
0x30d: {  	s30 =	simm.s32 $0x0;
	v8 =	vld [tilespmem:s23+$0xC450];
	v9 =	vsub.f32 v9, v11  }
0x30e: {  	s24 =	simm.s32 $0x80;
	s25 =	simm.s32 $0x2;
	s26 =	smul.u32 $0xC00, s30;
	[tilespmem:s23+$0x17810] =	vst v4;
	v4 =	vld [tilespmem:s23+$0x8850]  }
.LBB2_7:
0x30f: {  	p0 =	sne.s32 s25, $0x27;
	s28 =	sand.u32 $0x380, s24;
	[tilespmem:s23+$0x17820] =	vst v9;
	v5 =	vsub.f32 v5, v7;
	v7 =	vld [tilespmem:s23+$0x8860]  }
0x310: {  	s26 =	sor.u32 s28, s26;
	v9 =	vld [tilespmem:s23+$0xC460]  }
0x311: {  	v10 =	vld [tilespmem:s26+$0x8870];
	[tilespmem:s23+$0x17830] =	vst v5;
	v3 =	vsub.f32 v3, v6  }
0x312: {  	v5 =	vld [tilespmem:s26+$0xC470]  }
0x313: {  	v6 =	vld [tilespmem:s26+$0x8000];
	[tilespmem:s23+$0x17840] =	vst v3;
	v3 =	vsub.f32 v4, v8  }
0x314: {  	v4 =	vld [tilespmem:s26+$0xBC00]  }
0x315: {  	v8 =	vld [tilespmem:s26+$0x8010];
	[tilespmem:s23+$0x17850] =	vst v3;
	v3 =	vsub.f32 v7, v9  }
0x316: {  	v7 =	vld [tilespmem:s26+$0xBC10]  }
0x317: {  	v9 =	vld [tilespmem:s26+$0x8020];
	v5 =	vsub.f32 v10, v5;
	[tilespmem:s23+$0x17860] =	vst v3;
	s23 =	smov.u32 s26  }
0x318: {  	v3 =	vld [tilespmem:s23+$0xBC20]  }
0x319: {  	v4 =	vadd.f32 v4, v6;
	v6 =	vld [tilespmem:s23+$0x8030];
	[tilespmem:s23+$0x17870] =	vst v5  }
0x31a: {  	v5 =	vld [tilespmem:s23+$0xBC30]  }
0x31b: {  	[tilespmem:s23+$0x17000] =	vst v4;
	v4 =	vadd.f32 v7, v8;
	v7 =	vld [tilespmem:s23+$0x8040]  }
0x31c: {  	v8 =	vld [tilespmem:s23+$0xBC40]  }
0x31d: {  	[tilespmem:s23+$0x17010] =	vst v4;
	v3 =	vadd.f32 v3, v9;
	v4 =	vld [tilespmem:s23+$0x8050]  }
0x31e: {  	v9 =	vld [tilespmem:s23+$0xBC50]  }
0x31f: {  	[tilespmem:s23+$0x17020] =	vst v3;
	v3 =	vadd.f32 v5, v6;
	v5 =	vld [tilespmem:s23+$0x8060]  }
0x320: {  	v6 =	vld [tilespmem:s23+$0xBC60]  }
0x321: {  	[tilespmem:s23+$0x17030] =	vst v3;
	v3 =	vadd.f32 v8, v7;
	v7 =	vld [tilespmem:s23+$0x8070]  }
0x322: {  	v8 =	vld [tilespmem:s23+$0xBC70]  }
0x323: {  	[tilespmem:s23+$0x17040] =	vst v3;
	v3 =	vadd.f32 v9, v4;
	v4 =	vld [tilespmem:s23+$0x8400]  }
0x324: {  	v9 =	vld [tilespmem:s23+$0xC000]  }
0x325: {  	[tilespmem:s23+$0x17050] =	vst v3;
	v3 =	vadd.f32 v6, v5;
	v5 =	vld [tilespmem:s23+$0x8410]  }
0x326: {  	v6 =	vld [tilespmem:s23+$0xC010]  }
0x327: {  	[tilespmem:s23+$0x17060] =	vst v3;
	v3 =	vadd.f32 v8, v7;
	v7 =	vld [tilespmem:s23+$0x8420]  }
0x328: {  	v8 =	vld [tilespmem:s23+$0xC020]  }
0x329: {  	[tilespmem:s23+$0x17070] =	vst v3;
	v3 =	vadd.f32 v9, v4;
	v4 =	vld [tilespmem:s23+$0x8430]  }
0x32a: {  	v9 =	vld [tilespmem:s23+$0xC030]  }
0x32b: {  	[tilespmem:s23+$0x17400] =	vst v3;
	v3 =	vadd.f32 v6, v5;
	v5 =	vld [tilespmem:s23+$0x8440]  }
0x32c: {  	v6 =	vld [tilespmem:s23+$0xC040]  }
0x32d: {  	[tilespmem:s23+$0x17410] =	vst v3;
	v3 =	vadd.f32 v8, v7;
	v7 =	vld [tilespmem:s23+$0x8450]  }
0x32e: {  	v8 =	vld [tilespmem:s23+$0xC050]  }
0x32f: {  	[tilespmem:s23+$0x17420] =	vst v3;
	v3 =	vadd.f32 v9, v4;
	v4 =	vld [tilespmem:s23+$0x8460]  }
0x330: {  	v9 =	vld [tilespmem:s23+$0xC060]  }
0x331: {  	[tilespmem:s23+$0x17430] =	vst v3;
	v3 =	vadd.f32 v6, v5;
	v5 =	vld [tilespmem:s23+$0x8470]  }
0x332: {  	v6 =	vld [tilespmem:s23+$0xC070]  }
0x333: {  	[tilespmem:s23+$0x17440] =	vst v3;
	v3 =	vadd.f32 v8, v7;
	v7 =	vld [tilespmem:s23+$0x8800]  }
0x334: {  	v8 =	vld [tilespmem:s23+$0xC400]  }
0x335: {  	[tilespmem:s23+$0x17450] =	vst v3;
	v3 =	vadd.f32 v9, v4;
	v4 =	vld [tilespmem:s23+$0x8810]  }
0x336: {  	v9 =	vld [tilespmem:s23+$0xC410]  }
0x337: {  	[tilespmem:s23+$0x17460] =	vst v3;
	v3 =	vadd.f32 v6, v5;
	v10 =	vld [tilespmem:s23+$0x8820]  }
0x338: {  	v11 =	vld [tilespmem:s23+$0xC420]  }
0x339: {  	[tilespmem:s23+$0x17470] =	vst v3;
	v3 =	vsub.f32 v7, v8;
	v5 =	vld [tilespmem:s23+$0x8830]  }
.Ltmp2:
0x33a: {  	v7 =	vld [tilespmem:s23+$0xC430];
	(pc) =	sbr.rel @p0 .LBB2_7-.Ltmp2, $4  }
0x33b: {  	[tilespmem:s23+$0x17800] =	vst v3;
	v4 =	vsub.f32 v4, v9;
	v3 =	vld [tilespmem:s23+$0x8840]  }
0x33c: {  	v6 =	vld [tilespmem:s23+$0xC440]  }
0x33d: {  	s26 =	sshrl.u32 s25, $0x3;
	[tilespmem:s23+$0x17810] =	vst v4;
	v9 =	vsub.f32 v10, v11;
	v4 =	vld [tilespmem:s23+$0x8850]  }
0x33e: {  	s24 =	sadd.s32 $0x80, s24;
	s25 =	sadd.s32 $0x1, s25;
	s26 =	smul.u32 $0xC00, s26;
	v8 =	vld [tilespmem:s23+$0xC450]  }
0x33f: {  	s24 =	sand.u32 $0x380, s24;
	v56 =	vld [tilespmem:s23+$0x8860];
	v5 =	vsub.f32 v5, v7  }
0x340: {  	[tilespmem:s23+$0x17820] =	vst v9;
	v7 =	vld [tilespmem:s23+$0xC460];
	s24 =	sor.u32 s24, s26  }
0x341: {  	v10 =	vld [tilespmem:s24+$0x8870];
	[tilespmem:s23+$0x17830] =	vst v5;
	v3 =	vsub.f32 v3, v6  }
0x342: {  	v5 =	vld [tilespmem:s24+$0xC470]  }
0x343: {  	v6 =	vld [tilespmem:s24+$0x8000];
	[tilespmem:s23+$0x17840] =	vst v3;
	v3 =	vsub.f32 v4, v8  }
0x344: {  	v4 =	vld [tilespmem:s24+$0xBC00]  }
0x345: {  	v57 =	vld [tilespmem:s24+$0x8010];
	[tilespmem:s23+$0x17850] =	vst v3;
	v3 =	vsub.f32 v56, v7  }
0x346: {  	v7 =	vld [tilespmem:s24+$0xBC10]  }
0x347: {  	v58 =	vld [tilespmem:s24+$0x8020];
	[tilespmem:s23+$0x17860] =	vst v3  }
0x348: {  	v3 =	vld [tilespmem:s24+$0xBC20]  }
0x349: {  	v11 =	vld [tilespmem:s24+$0x8030]  }
0x34a: {  	v12 =	vld [tilespmem:s24+$0xBC30]  }
0x34b: {  	v13 =	vld [tilespmem:s24+$0x8040]  }
0x34c: {  	v14 =	vld [tilespmem:s24+$0xBC40]  }
0x34d: {  	v15 =	vld [tilespmem:s24+$0x8050]  }
0x34e: {  	v16 =	vld [tilespmem:s24+$0xBC50]  }
0x34f: {  	v17 =	vld [tilespmem:s24+$0x8060]  }
0x350: {  	v18 =	vld [tilespmem:s24+$0xBC60]  }
0x351: {  	v19 =	vld [tilespmem:s24+$0x8070]  }
0x352: {  	v20 =	vld [tilespmem:s24+$0xBC70]  }
0x353: {  	v21 =	vld [tilespmem:s24+$0x8400]  }
0x354: {  	v22 =	vld [tilespmem:s24+$0xC000]  }
0x355: {  	v23 =	vld [tilespmem:s24+$0x8410]  }
0x356: {  	v24 =	vld [tilespmem:s24+$0xC010]  }
0x357: {  	v25 =	vld [tilespmem:s24+$0x8420]  }
0x358: {  	v26 =	vld [tilespmem:s24+$0xC020]  }
0x359: {  	v27 =	vld [tilespmem:s24+$0x8430]  }
0x35a: {  	v28 =	vld [tilespmem:s24+$0xC030]  }
0x35b: {  	v29 =	vld [tilespmem:s24+$0x8440]  }
0x35c: {  	v30 =	vld [tilespmem:s24+$0xC040]  }
0x35d: {  	v31 =	vld [tilespmem:s24+$0x8450]  }
0x35e: {  	v5 =	vsub.f32 v10, v5;
	v59 =	vld [tilespmem:s24+$0xC050]  }
0x35f: {  	v60 =	vld [tilespmem:s24+$0xC070];
	v4 =	vadd.f32 v4, v6  }
0x360: {  	v61 =	vld [tilespmem:s24+$0x8800];
	[tilespmem:s24+$0x17870] =	vst v5;
	v5 =	vadd.f32 v7, v57  }
0x361: {  	v62 =	vld [tilespmem:s24+$0xC400];
	[tilespmem:s24+$0x17000] =	vst v4;
	v3 =	vadd.f32 v3, v58  }
0x362: {  	v63 =	vld [tilespmem:s24+$0x8810];
	[tilespmem:s24+$0x17010] =	vst v5;
	v5 =	vadd.f32 v12, v11  }
0x363: {  	v32 =	vld [tilespmem:s24+$0xC410];
	[tilespmem:s24+$0x17020] =	vst v3;
	v3 =	vadd.f32 v14, v13  }
0x364: {  	v33 =	vld [tilespmem:s24+$0x8820];
	[tilespmem:s24+$0x17030] =	vst v5;
	v5 =	vadd.f32 v16, v15  }
0x365: {  	v34 =	vld [tilespmem:s24+$0xC420];
	[tilespmem:s24+$0x17040] =	vst v3;
	v3 =	vadd.f32 v18, v17  }
0x366: {  	v35 =	vld [tilespmem:s24+$0x8830];
	[tilespmem:s24+$0x17050] =	vst v5;
	v5 =	vadd.f32 v20, v19  }
0x367: {  	v6 =	vld [tilespmem:s24+$0x8460];
	[tilespmem:s24+$0x17060] =	vst v3;
	v3 =	vadd.f32 v22, v21  }
0x368: {  	v7 =	vld [tilespmem:s24+$0xC060];
	[tilespmem:s24+$0x17070] =	vst v5;
	v5 =	vadd.f32 v24, v23  }
0x369: {  	v4 =	vld [tilespmem:s24+$0x8470];
	[tilespmem:s24+$0x17400] =	vst v3;
	v3 =	vadd.f32 v26, v25  }
0x36a: {  	v36 =	vld [tilespmem:s24+$0xC430];
	[tilespmem:s24+$0x17410] =	vst v5;
	v5 =	vadd.f32 v28, v27  }
0x36b: {  	v37 =	vld [tilespmem:s24+$0x8840];
	[tilespmem:s24+$0x17420] =	vst v3;
	v3 =	vadd.f32 v30, v29  }
0x36c: {  	v38 =	vld [tilespmem:s24+$0xC440];
	[tilespmem:s24+$0x17430] =	vst v5;
	v5 =	vadd.f32 v59, v31  }
0x36d: {  	v39 =	vld [tilespmem:s24+$0xC460];
	[tilespmem:s24+$0x17440] =	vst v3;
	v3 =	vadd.f32 v7, v6  }
0x36e: {  	v4 =	vadd.f32 v60, v4;
	v6 =	vld [tilespmem:s24+$0x8850];
	[tilespmem:s24+$0x17450] =	vst v5  }
0x36f: {  	v5 =	vld [tilespmem:s24+$0xC450];
	[tilespmem:s24+$0x17460] =	vst v3;
	v3 =	vsub.f32 v61, v62  }
0x370: {  	[tilespmem:s24+$0x17470] =	vst v4;
	v4 =	vsub.f32 v63, v32;
	v7 =	vld [tilespmem:s24+$0x8860]  }
0x371: {  	s25 =	smul.u32 $0x50, s21;
	[tilespmem:s24+$0x17800] =	vst v3;
	v3 =	vsub.f32 v33, v34  }
0x372: {  	[tilespmem:s24+$0x17810] =	vst v4;
	v4 =	vsub.f32 v35, v36  }
0x373: {  	s23 =	sadd.s32 s25, s13;
	[tilespmem:s24+$0x17820] =	vst v3;
	v3 =	vsub.f32 v37, v38  }
0x374: {  	s23 =	sshrl.u32 s23, $0x3;
	[tilespmem:s24+$0x17830] =	vst v4;
	v4 =	vsub.f32 v6, v5  }
0x375: {  	s23 =	smul.u32 $0x180, s23;
	[tilespmem:s24+$0x17840] =	vst v3;
	v3 =	vsub.f32 v7, v39  }
0x376: {  	[tilespmem:s24+$0x17850] =	vst v4  }
0x377: {  	s26 =	sadd.s32 s6, s23;
	s23 =	simm.s32 $0x0;
	[tilespmem:s24+$0x17860] =	vst v3  }
0x378: {  	[hbm4b:s26+s23] =	stream.linear.scatter [tilespmem:s11], [sflag:$0x3], $0x3C00, $0x38;
	[tilespmem:$0x1E800] =	vst v63  }
0x379: {  	_ =	swait.ge [sflag:s16], $0x3C00  }
0x37a: {  	[sflag:s16] =	ssyncset.done $0x0  }
0x37b: {  	[sflag:s16] =	ssyncadd.s32 $0xFFFFC400  }
0x37c: {  	_ =	swait.ge [sflag:s16], $0x3C00  }
0x37d: {  	[sflag:s16] =	ssyncset.done $0x0  }
0x37e: {  	s24 =	sshll.u32 s21, $0x8;
	[sflag:s16] =	ssyncadd.s32 $0xFFFFC400  }
0x37f: {  	v3 =	vld [tilespmem:s24+$0x200];
	_ =	sdelay $0x4  }
0x380: {  	v4 =	vshrl.u32 v3, $0x3  }
0x381: {  	v4 =	vmul.u32 $0x18, v4  }
0x382: {  	v3 =	vand.u32 $0x7, v3  }
0x383: {  	v3 =	vor.u32 v3, v4  }
0x384: {  	v4 =	vperm.xlane v3, v0;
	_ =	sdelay $0x1  }
0x385: {  	v4 =	vadd.s32 v1, v4;
	_ =	sdelay $0x1  }
0x386: {  	v3 =	vperm.xlane v3, v2;
	_ =	sdelay $0x1  }
0x387: {  	s25 =	simm.s32 $0x8000;
	v3 =	vadd.s32 v1, v3  }
0x388: {  	[tilespmem:s25], [sflag:$0x1] =	stream.indirect_vreg.gather [hbm4b:s3+s23], $0x80, v4, vm0, $0xb8;
	[tilespmem:$0x1E800] =	vst v63  }
0x389: {  	s30 =	simm.s32 $0x8800  }
0x38a: {  	[tilespmem:s30], [sflag:$0x1] =	stream.indirect_vreg.gather [hbm4b:s9+s23], $0x80, v4, vm1, $0xb8;
	[tilespmem:$0x1E800] =	vst v63  }
0x38b: {  	s26 =	simm.s32 $0x8C00  }
0x38c: {  	[tilespmem:s26], [sflag:$0x1] =	stream.indirect_vreg.gather [hbm4b:s3+s23], $0x80, v3, vm0, $0xb8;
	[tilespmem:$0x1E800] =	vst v63  }
0x38d: {  	s30 =	simm.s32 $0x9400  }
0x38e: {  	[tilespmem:s30], [sflag:$0x1] =	stream.indirect_vreg.gather [hbm4b:s9+s23], $0x80, v3, vm1, $0xb8;
	[tilespmem:$0x1E800] =	vst v63  }
0x38f: {  	v3 =	vld [tilespmem:s24+$0x210];
	_ =	sdelay $0x4  }
0x390: {  	v4 =	vshrl.u32 v3, $0x3  }
0x391: {  	v4 =	vmul.u32 $0x18, v4  }
0x392: {  	v3 =	vand.u32 $0x7, v3  }
0x393: {  	v3 =	vor.u32 v3, v4  }
0x394: {  	v4 =	vperm.xlane v3, v0;
	_ =	sdelay $0x1  }
0x395: {  	v4 =	vadd.s32 v1, v4;
	_ =	sdelay $0x1  }
0x396: {  	v3 =	vperm.xlane v3, v2;
	_ =	sdelay $0x1  }
0x397: {  	s26 =	simm.s32 $0x9800;
	v3 =	vadd.s32 v1, v3  }
0x398: {  	[tilespmem:s26], [sflag:$0x1] =	stream.indirect_vreg.gather [hbm4b:s3+s23], $0x80, v4, vm0, $0xb8;
	[tilespmem:$0x1E800] =	vst v63  }
0x399: {  	s30 =	simm.s32 $0xA000  }
0x39a: {  	[tilespmem:s30], [sflag:$0x1] =	stream.indirect_vreg.gather [hbm4b:s9+s23], $0x80, v4, vm1, $0xb8;
	[tilespmem:$0x1E800] =	vst v63  }
0x39b: {  	s26 =	simm.s32 $0xA400  }
0x39c: {  	[tilespmem:s26], [sflag:$0x1] =	stream.indirect_vreg.gather [hbm4b:s3+s23], $0x80, v3, vm0, $0xb8;
	[tilespmem:$0x1E800] =	vst v63  }
0x39d: {  	s30 =	simm.s32 $0xAC00  }
0x39e: {  	[tilespmem:s30], [sflag:$0x1] =	stream.indirect_vreg.gather [hbm4b:s9+s23], $0x80, v3, vm1, $0xb8;
	[tilespmem:$0x1E800] =	vst v63  }
0x39f: {  	v3 =	vld.msk [tilespmem:s24+$0x220], $0xff;
	_ =	sdelay $0x4  }
0x3a0: {  	v4 =	vshrl.u32 v3, $0x3  }
0x3a1: {  	v4 =	vmul.u32 $0x18, v4  }
0x3a2: {  	v3 =	vand.u32 $0x7, v3  }
0x3a3: {  	v3 =	vor.u32 v3, v4  }
0x3a4: {  	v3 =	vperm.xlane v3, v0;
	_ =	sdelay $0x1  }
0x3a5: {  	v3 =	vadd.s32 v1, v3;
	_ =	sdelay $0x3  }
0x3a6: {  	s26 =	simm.s32 $0xB000  }
0x3a7: {  	[tilespmem:s26], [sflag:$0x1] =	stream.indirect_vreg.gather [hbm4b:s3+s23], $0x80, v3, vm0, $0xb8;
	[tilespmem:$0x1E800] =	vst v63  }
0x3a8: {  	s30 =	simm.s32 $0xB800  }
0x3a9: {  	[tilespmem:s30], [sflag:$0x1] =	stream.indirect_vreg.gather [hbm4b:s9+s23], $0x80, v3, vm1, $0xb8;
	[tilespmem:$0x1E800] =	vst v63  }
0x3aa: {  	v3 =	vld [tilespmem:s24+$0x4200];
	_ =	sdelay $0x4  }
0x3ab: {  	v4 =	vshrl.u32 v3, $0x3  }
0x3ac: {  	v4 =	vmul.u32 $0x18, v4  }
0x3ad: {  	v3 =	vand.u32 $0x7, v3  }
0x3ae: {  	v3 =	vor.u32 v3, v4  }
0x3af: {  	v4 =	vperm.xlane v3, v0;
	_ =	sdelay $0x1  }
0x3b0: {  	v4 =	vadd.s32 v1, v4;
	_ =	sdelay $0x1  }
0x3b1: {  	v3 =	vperm.xlane v3, v2;
	_ =	sdelay $0x1  }
0x3b2: {  	s26 =	simm.s32 $0xBC00;
	v3 =	vadd.s32 v1, v3  }
0x3b3: {  	[tilespmem:s26], [sflag:$0x1] =	stream.indirect_vreg.gather [hbm4b:s5+s23], $0x80, v4, vm0, $0xb8;
	[tilespmem:$0x1E800] =	vst v63  }
0x3b4: {  	s30 =	simm.s32 $0xC400  }
0x3b5: {  	[tilespmem:s30], [sflag:$0x1] =	stream.indirect_vreg.gather [hbm4b:s10+s23], $0x80, v4, vm1, $0xb8;
	[tilespmem:$0x1E800] =	vst v63  }
0x3b6: {  	_ = 	snop  }
0x3b7: {  	[tilespmem:s31], [sflag:$0x1] =	stream.indirect_vreg.gather [hbm4b:s5+s23], $0x80, v3, vm0, $0xb8;
	[tilespmem:$0x1E800] =	vst v63  }
0x3b8: {  	_ = 	snop  }
0x3b9: {  	[tilespmem:s0], [sflag:$0x1] =	stream.indirect_vreg.gather [hbm4b:s10+s23], $0x80, v3, vm1, $0xb8;
	[tilespmem:$0x1E800] =	vst v63  }
0x3ba: {  	v3 =	vld [tilespmem:s24+$0x4210];
	_ =	sdelay $0x4  }
0x3bb: {  	v4 =	vshrl.u32 v3, $0x3  }
0x3bc: {  	v4 =	vmul.u32 $0x18, v4  }
0x3bd: {  	v3 =	vand.u32 $0x7, v3  }
0x3be: {  	v3 =	vor.u32 v3, v4  }
0x3bf: {  	v4 =	vperm.xlane v3, v0;
	_ =	sdelay $0x1  }
0x3c0: {  	v4 =	vadd.s32 v1, v4;
	_ =	sdelay $0x1  }
0x3c1: {  	v3 =	vperm.xlane v3, v2;
	_ =	sdelay $0x1  }
0x3c2: {  	v3 =	vadd.s32 v1, v3  }
0x3c3: {  	[tilespmem:s1], [sflag:$0x1] =	stream.indirect_vreg.gather [hbm4b:s5+s23], $0x80, v4, vm0, $0xb8;
	[tilespmem:$0x1E800] =	vst v63  }
0x3c4: {  	_ = 	snop  }
0x3c5: {  	[tilespmem:s17], [sflag:$0x1] =	stream.indirect_vreg.gather [hbm4b:s10+s23], $0x80, v4, vm1, $0xb8;
	[tilespmem:$0x1E800] =	vst v63  }
0x3c6: {  	_ = 	snop  }
0x3c7: {  	[tilespmem:s7], [sflag:$0x1] =	stream.indirect_vreg.gather [hbm4b:s5+s23], $0x80, v3, vm0, $0xb8;
	[tilespmem:$0x1E800] =	vst v63  }
0x3c8: {  	_ = 	snop  }
0x3c9: {  	[tilespmem:s8], [sflag:$0x1] =	stream.indirect_vreg.gather [hbm4b:s10+s23], $0x80, v3, vm1, $0xb8;
	[tilespmem:$0x1E800] =	vst v63  }
0x3ca: {  	v3 =	vld.msk [tilespmem:s24+$0x4220], $0xff;
	_ =	sdelay $0x4  }
0x3cb: {  	v4 =	vshrl.u32 v3, $0x3  }
0x3cc: {  	v4 =	vmul.u32 $0x18, v4  }
0x3cd: {  	v3 =	vand.u32 $0x7, v3  }
0x3ce: {  	v3 =	vor.u32 v3, v4  }
0x3cf: {  	v3 =	vperm.xlane v3, v0;
	_ =	sdelay $0x1  }
0x3d0: {  	v3 =	vadd.s32 v1, v3;
	_ =	sdelay $0x4  }
0x3d1: {  	[tilespmem:s12], [sflag:$0x1] =	stream.indirect_vreg.gather [hbm4b:s5+s23], $0x80, v3, vm0, $0xb8;
	[tilespmem:$0x1E800] =	vst v63  }
0x3d2: {  	s26 =	simm.s32 $0x0  }
0x3d3: {  	[tilespmem:s14], [sflag:$0x1] =	stream.indirect_vreg.gather [hbm4b:s10+s23], $0x80, v3, vm1, $0xb8;
	[tilespmem:$0x1E800] =	vst v63  }
0x3d4: {  	s24 =	smul.u32 $0xC00, s26;
	_ =	swait.ge [sflag:s19], $0x3C00  }
0x3d5: {  	s30 =	sand.u32 $0x380, s23;
	[sflag:s19] =	ssyncset.done $0x0  }
0x3d6: {  	s24 =	sor.u32 s30, s24;
	[sflag:s19] =	ssyncadd.s32 $0xFFFFC400  }
0x3d7: {  	v3 =	vld [tilespmem:s24+$0xFC40]  }
0x3d8: {  	v4 =	vld [tilespmem:s24+$0xFC10]  }
0x3d9: {  	v5 =	vld [tilespmem:s24+$0x13850]  }
0x3da: {  	v6 =	vld [tilespmem:s24+$0x13860]  }
0x3db: {  	v7 =	vld [tilespmem:s24+$0x13810]  }
0x3dc: {  	v40 =	vld [tilespmem:s24+$0xFC00]  }
0x3dd: {  	v41 =	vld [tilespmem:s24+$0xFC50]  }
0x3de: {  	v42 =	vld [tilespmem:s24+$0x13450]  }
0x3df: {  	v43 =	vld [tilespmem:s24+$0xFC60]  }
0x3e0: {  	v44 =	vld [tilespmem:s24+$0xFC70]  }
0x3e1: {  	v45 =	vld [tilespmem:s24+$0x13460]  }
0x3e2: {  	v46 =	vld [tilespmem:s24+$0xF850]  }
0x3e3: {  	v47 =	vld [tilespmem:s24+$0x13470]  }
0x3e4: {  	v48 =	vld [tilespmem:s24+$0x13830]  }
0x3e5: {  	v49 =	vld [tilespmem:s24+$0x13840]  }
0x3e6: {  	v50 =	vld [tilespmem:s24+$0xFC30]  }
0x3e7: {  	v51 =	vld [tilespmem:s24+$0xF870]  }
0x3e8: {  	v52 =	vld [tilespmem:s24+$0x13800]  }
0x3e9: {  	v53 =	vld [tilespmem:s24+$0x13870]  }
0x3ea: {  	v54 =	vld [tilespmem:s24+$0x13420]  }
0x3eb: {  	v55 =	vld [tilespmem:s24+$0xF860]  }
0x3ec: {  	v56 =	vld [tilespmem:s24+$0xF820];
	v5 =	vadd.f32 v5, v41  }
0x3ed: {  	v57 =	vld [tilespmem:s24+$0xF840];
	v6 =	vadd.f32 v6, v43  }
0x3ee: {  	v58 =	vld [tilespmem:s24+$0xF830];
	v4 =	vadd.f32 v7, v4;
	[tilespmem:s24+$0x1B050] =	vst v5  }
0x3ef: {  	v61 =	vld [tilespmem:s24+$0x13820];
	v3 =	vadd.f32 v49, v3;
	[tilespmem:s24+$0x1B060] =	vst v6  }
0x3f0: {  	v62 =	vld [tilespmem:s24+$0xFC20];
	v7 =	vadd.f32 v45, v55;
	[tilespmem:s24+$0x1B010] =	vst v4  }
0x3f1: {  	v59 =	vld [tilespmem:s24+$0x13430];
	v5 =	vadd.f32 v47, v51;
	[tilespmem:s24+$0x1B040] =	vst v3  }
0x3f2: {  	v60 =	vld [tilespmem:s24+$0xF810];
	v3 =	vadd.f32 v52, v40;
	[tilespmem:s24+$0x1AC60] =	vst v7  }
0x3f3: {  	v4 =	vadd.f32 v54, v56;
	v6 =	vld [tilespmem:s24+$0xF800];
	[tilespmem:s24+$0x1AC70] =	vst v5  }
0x3f4: {  	v5 =	vld [tilespmem:s24+$0x13440];
	[tilespmem:s24+$0x1B000] =	vst v3;
	v3 =	vadd.f32 v53, v44  }
0x3f5: {  	v9 =	vadd.f32 v61, v62;
	[tilespmem:s24+$0x1AC20] =	vst v4;
	v4 =	vld [tilespmem:s24+$0x13400]  }
0x3f6: {  	v63 =	vld [tilespmem:s24+$0x13410];
	[tilespmem:s24+$0x1B070] =	vst v3;
	v3 =	vadd.f32 v48, v50  }
0x3f7: {  	[tilespmem:s24+$0x1B020] =	vst v9;
	v7 =	vadd.f32 v59, v58  }
0x3f8: {  	[tilespmem:s24+$0x1B030] =	vst v3;
	v3 =	vadd.f32 v42, v46  }
0x3f9: {  	[tilespmem:s24+$0x1AC30] =	vst v7;
	v5 =	vadd.f32 v5, v57  }
0x3fa: {  	v4 =	vadd.f32 v4, v6;
	[tilespmem:s24+$0x1AC50] =	vst v3  }
0x3fb: {  	v3 =	vadd.f32 v63, v60;
	[tilespmem:s24+$0x1AC40] =	vst v5  }
0x3fc: {  	[tilespmem:s24+$0x1AC00] =	vst v4  }
0x3fd: {  	s25 =	sadd.s32 $0x800, s24;
	[tilespmem:s24+$0x1AC10] =	vst v3;
	v3 =	vld [tilespmem:s24+$0x13C00]  }
0x3fe: {  	v4 =	vld [tilespmem:s25+$0xF800];
	_ =	sdelay $0x4  }
0x3ff: {  	v3 =	vsub.f32 v4, v3;
	_ =	sdelay $0x1  }
0x400: {  	[tilespmem:s24+$0x1B400] =	vst v3;
	v3 =	vld [tilespmem:s24+$0x13C10]  }
0x401: {  	v4 =	vld [tilespmem:s25+$0xF810];
	_ =	sdelay $0x4  }
0x402: {  	v3 =	vsub.f32 v4, v3;
	_ =	sdelay $0x1  }
0x403: {  	v4 =	vld [tilespmem:s24+$0x13C20];
	[tilespmem:s24+$0x1B410] =	vst v3  }
0x404: {  	v5 =	vld [tilespmem:s25+$0xF820];
	_ =	sdelay $0x1  }
0x405: {  	s29 =	simm.s32 $0x2;
	s28 =	simm.s32 $0x0;
	v3 =	vld [tilespmem:s24+$0x13C60]  }
.LBB2_9:
0x406: {  	s30 =	smul.u32 $0xC00, s28  }
0x407: {  	v6 =	vld [tilespmem:s24+$0x13C50];
	s23 =	sadd.s32 $0x80, s23;
	s28 =	smov.u32 s29;
	s26 =	sadd.s32 $0x1, s29  }
0x408: {  	p0 =	sne.s32 s29, $0x27;
	s29 =	sand.u32 $0x380, s23;
	v4 =	vsub.f32 v5, v4;
	v5 =	vld [tilespmem:s24+$0x13C40]  }
0x409: {  	s29 =	sor.u32 s29, s30;
	v7 =	vld [tilespmem:s24+$0x13C30]  }
0x40a: {  	v8 =	vld [tilespmem:s29+$0xFC40];
	[tilespmem:s24+$0x1B420] =	vst v4  }
0x40b: {  	v4 =	vld [tilespmem:s25+$0xF830]  }
0x40c: {  	v9 =	vld [tilespmem:s29+$0xFC10]  }
0x40d: {  	v10 =	vld [tilespmem:s29+$0x13850]  }
0x40e: {  	v11 =	vld [tilespmem:s29+$0x13860]  }
0x40f: {  	v12 =	vld [tilespmem:s29+$0x13810]  }
0x410: {  	v13 =	vld [tilespmem:s29+$0xFC00];
	v4 =	vsub.f32 v4, v7  }
0x411: {  	v7 =	vld [tilespmem:s29+$0xFC50]  }
0x412: {  	v14 =	vld [tilespmem:s29+$0x13450];
	[tilespmem:s24+$0x1B430] =	vst v4  }
0x413: {  	v4 =	vld [tilespmem:s25+$0xF840]  }
0x414: {  	v15 =	vld [tilespmem:s29+$0xFC60]  }
0x415: {  	v16 =	vld [tilespmem:s29+$0xFC70]  }
0x416: {  	v17 =	vld [tilespmem:s29+$0x13460]  }
0x417: {  	v18 =	vld [tilespmem:s29+$0xF850]  }
0x418: {  	v19 =	vld [tilespmem:s29+$0x13470];
	v4 =	vsub.f32 v4, v5  }
0x419: {  	v7 =	vadd.f32 v10, v7;
	v5 =	vld [tilespmem:s29+$0x13830];
	v10 =	vadd.f32 v11, v15  }
0x41a: {  	v9 =	vadd.f32 v12, v9;
	v11 =	vld [tilespmem:s29+$0x13840];
	[tilespmem:s24+$0x1B440] =	vst v4  }
0x41b: {  	v4 =	vld [tilespmem:s25+$0xF850]  }
0x41c: {  	v12 =	vld [tilespmem:s29+$0xFC30]  }
0x41d: {  	v14 =	vadd.f32 v14, v18;
	v15 =	vld [tilespmem:s29+$0xF870]  }
0x41e: {  	v18 =	vld [tilespmem:s29+$0x13800]  }
0x41f: {  	v20 =	vld [tilespmem:s29+$0x13870]  }
0x420: {  	v21 =	vld [tilespmem:s29+$0x13420];
	v4 =	vsub.f32 v4, v6  }
0x421: {  	v6 =	vld [tilespmem:s29+$0xF860];
	v5 =	vadd.f32 v5, v12  }
0x422: {  	v12 =	vld [tilespmem:s29+$0xF820];
	[tilespmem:s24+$0x1B450] =	vst v4  }
0x423: {  	v4 =	vld [tilespmem:s25+$0xF860]  }
0x424: {  	v22 =	vld [tilespmem:s29+$0xF840];
	v16 =	vadd.f32 v20, v16  }
0x425: {  	v15 =	vadd.f32 v19, v15;
	v20 =	vld [tilespmem:s29+$0xF830]  }
0x426: {  	v13 =	vadd.f32 v18, v13;
	v19 =	vld [tilespmem:s29+$0x13430];
	v6 =	vadd.f32 v17, v6  }
0x427: {  	v17 =	vld [tilespmem:s29+$0xF810];
	v12 =	vadd.f32 v21, v12  }
0x428: {  	v8 =	vadd.f32 v11, v8;
	v3 =	vsub.f32 v4, v3;
	v4 =	vld [tilespmem:s24+$0x13C70]  }
0x429: {  	v11 =	vld [tilespmem:s29+$0x13820]  }
0x42a: {  	v18 =	vld [tilespmem:s29+$0xFC20];
	[tilespmem:s24+$0x1B460] =	vst v3  }
0x42b: {  	v3 =	vadd.f32 v19, v20;
	v19 =	vld [tilespmem:s25+$0xF870]  }
0x42c: {  	[tilespmem:s29+$0x1B050] =	vst v7  }
0x42d: {  	[tilespmem:s29+$0x1B060] =	vst v10  }
0x42e: {  	[tilespmem:s29+$0x1B010] =	vst v9  }
0x42f: {  	v7 =	vadd.f32 v11, v18;
	[tilespmem:s29+$0x1B040] =	vst v8  }
0x430: {  	[tilespmem:s29+$0x1AC70] =	vst v15;
	v4 =	vsub.f32 v19, v4  }
0x431: {  	v8 =	vld [tilespmem:s29+$0x13440];
	[tilespmem:s29+$0x1B000] =	vst v13  }
0x432: {  	[tilespmem:s29+$0x1AC20] =	vst v12  }
0x433: {  	v9 =	vld [tilespmem:s29+$0x13400];
	[tilespmem:s24+$0x1B470] =	vst v4;
	s24 =	smov.u32 s29  }
0x434: {  	v4 =	vld [tilespmem:s24+$0xF800];
	[tilespmem:s24+$0x1B070] =	vst v16  }
0x435: {  	v10 =	vld [tilespmem:s24+$0x13410];
	[tilespmem:s24+$0x1AC60] =	vst v6  }
0x436: {  	v6 =	vadd.f32 v8, v22;
	[tilespmem:s24+$0x1B030] =	vst v5  }
0x437: {  	[tilespmem:s24+$0x1B020] =	vst v7  }
0x438: {  	[tilespmem:s24+$0x1AC40] =	vst v6  }
0x439: {  	v4 =	vadd.f32 v9, v4;
	[tilespmem:s24+$0x1AC50] =	vst v14  }
0x43a: {  	v5 =	vadd.f32 v10, v17;
	[tilespmem:s24+$0x1AC30] =	vst v3  }
0x43b: {  	[tilespmem:s24+$0x1AC00] =	vst v4  }
0x43c: {  	s25 =	sadd.s32 $0x800, s24;
	[tilespmem:s24+$0x1AC10] =	vst v5;
	v3 =	vld [tilespmem:s24+$0x13C00]  }
0x43d: {  	v4 =	vld [tilespmem:s25+$0xF800];
	_ =	sdelay $0x4  }
0x43e: {  	v3 =	vsub.f32 v4, v3;
	_ =	sdelay $0x1  }
0x43f: {  	[tilespmem:s24+$0x1B400] =	vst v3;
	v3 =	vld [tilespmem:s24+$0x13C10]  }
0x440: {  	v4 =	vld [tilespmem:s25+$0xF810];
	_ =	sdelay $0x4  }
0x441: {  	v3 =	vsub.f32 v4, v3;
	_ =	sdelay $0x1  }
.Ltmp3:
0x442: {  	[tilespmem:s24+$0x1B410] =	vst v3;
	v4 =	vld [tilespmem:s24+$0x13C20];
	(pc) =	sbr.rel @p0 .LBB2_9-.Ltmp3, $2  }
0x443: {  	v5 =	vld [tilespmem:s25+$0xF820];
	_ =	sdelay $0x2  }
0x444: {  	s28 =	sshrl.u32 s28, $0x3;
	s29 =	smov.u32 s26;
	v3 =	vld [tilespmem:s24+$0x13C60]  }
0x445: {  	s26 =	smul.u32 $0xC00, s28;
	v6 =	vld [tilespmem:s24+$0x13C50];
	s23 =	sadd.s32 $0x80, s23  }
0x446: {  	v7 =	vld [tilespmem:s24+$0x13C40];
	s23 =	sand.u32 $0x380, s23;
	v4 =	vsub.f32 v5, v4  }
0x447: {  	v41 =	vld [tilespmem:s24+$0x13C30];
	s23 =	sor.u32 s23, s26  }
0x448: {  	v8 =	vld [tilespmem:s23+$0xFC40];
	[tilespmem:s24+$0x1B420] =	vst v4  }
0x449: {  	v4 =	vld [tilespmem:s25+$0xF830]  }
0x44a: {  	v9 =	vld [tilespmem:s23+$0xFC10]  }
0x44b: {  	v10 =	vld [tilespmem:s23+$0x13850]  }
0x44c: {  	v11 =	vld [tilespmem:s23+$0x13860]  }
0x44d: {  	v12 =	vld [tilespmem:s23+$0x13810]  }
0x44e: {  	v13 =	vld [tilespmem:s23+$0xFC00];
	v4 =	vsub.f32 v4, v41  }
0x44f: {  	v42 =	vld [tilespmem:s23+$0xFC50]  }
0x450: {  	v14 =	vld [tilespmem:s23+$0x13450];
	[tilespmem:s24+$0x1B430] =	vst v4  }
0x451: {  	v4 =	vld [tilespmem:s25+$0xF840]  }
0x452: {  	v15 =	vld [tilespmem:s23+$0xFC60]  }
0x453: {  	v16 =	vld [tilespmem:s23+$0xFC70]  }
0x454: {  	v17 =	vld [tilespmem:s23+$0x13460]  }
0x455: {  	v18 =	vld [tilespmem:s23+$0xF850]  }
0x456: {  	v19 =	vld [tilespmem:s23+$0x13470];
	v4 =	vsub.f32 v4, v7  }
0x457: {  	v43 =	vld [tilespmem:s23+$0x13830]  }
0x458: {  	v20 =	vld [tilespmem:s23+$0x13840];
	[tilespmem:s24+$0x1B440] =	vst v4  }
0x459: {  	v4 =	vld [tilespmem:s25+$0xF850]  }
0x45a: {  	v21 =	vld [tilespmem:s23+$0xFC30]  }
0x45b: {  	v22 =	vld [tilespmem:s23+$0xF870]  }
0x45c: {  	v23 =	vld [tilespmem:s23+$0x13800]  }
0x45d: {  	v24 =	vld [tilespmem:s23+$0x13870]  }
0x45e: {  	v25 =	vld [tilespmem:s23+$0x13420];
	v4 =	vsub.f32 v4, v6  }
0x45f: {  	v44 =	vld [tilespmem:s23+$0xF860]  }
0x460: {  	v26 =	vld [tilespmem:s23+$0xF820];
	[tilespmem:s24+$0x1B450] =	vst v4  }
0x461: {  	v4 =	vld [tilespmem:s25+$0xF860]  }
0x462: {  	v31 =	vld [tilespmem:s24+$0x13C70]  }
0x463: {  	v27 =	vld [tilespmem:s23+$0xF840]  }
0x464: {  	v28 =	vld [tilespmem:s23+$0xF830]  }
0x465: {  	v29 =	vld [tilespmem:s23+$0x13430]  }
0x466: {  	v30 =	vld [tilespmem:s23+$0xF810];
	v3 =	vsub.f32 v4, v3  }
0x467: {  	v5 =	vadd.f32 v10, v42;
	v45 =	vld [tilespmem:s23+$0x13820]  }
0x468: {  	v9 =	vadd.f32 v12, v9;
	v32 =	vld [tilespmem:s23+$0xFC20];
	[tilespmem:s24+$0x1B460] =	vst v3  }
0x469: {  	v47 =	vadd.f32 v20, v8;
	v46 =	vld [tilespmem:s25+$0xF870];
	[tilespmem:s23+$0x1B050] =	vst v5  }
0x46a: {  	v3 =	vadd.f32 v11, v15;
	[tilespmem:s23+$0x1B010] =	vst v9  }
0x46b: {  	v48 =	vadd.f32 v23, v13;
	[tilespmem:s23+$0x1B040] =	vst v47  }
0x46c: {  	[tilespmem:s23+$0x1B060] =	vst v3;
	v3 =	vadd.f32 v19, v22  }
0x46d: {  	v49 =	vadd.f32 v25, v26;
	[tilespmem:s23+$0x1B000] =	vst v48  }
0x46e: {  	[tilespmem:s23+$0x1AC70] =	vst v3;
	v3 =	vsub.f32 v46, v31  }
0x46f: {  	v56 =	vadd.f32 v29, v28;
	v50 =	vld [tilespmem:s23+$0x13440];
	[tilespmem:s23+$0x1AC20] =	vst v49  }
0x470: {  	v51 =	vadd.f32 v24, v16;
	v52 =	vld [tilespmem:s23+$0x13400];
	[tilespmem:s24+$0x1B470] =	vst v3  }
0x471: {  	v6 =	vadd.f32 v17, v44;
	[tilespmem:s23+$0x1AC30] =	vst v56;
	v53 =	vld [tilespmem:s23+$0xF800]  }
0x472: {  	v4 =	vadd.f32 v45, v32;
	[tilespmem:s23+$0x1B070] =	vst v51;
	v54 =	vld [tilespmem:s23+$0x13410]  }
0x473: {  	v3 =	vadd.f32 v43, v21;
	[tilespmem:s23+$0x1AC60] =	vst v6  }
0x474: {  	v55 =	vadd.f32 v50, v27;
	[tilespmem:s23+$0x1B020] =	vst v4  }
0x475: {  	[tilespmem:s23+$0x1B030] =	vst v3;
	v3 =	vadd.f32 v14, v18  }
0x476: {  	[tilespmem:s23+$0x1AC40] =	vst v55;
	v5 =	vadd.f32 v52, v53  }
0x477: {  	[tilespmem:s23+$0x1AC50] =	vst v3;
	v3 =	vadd.f32 v54, v30  }
0x478: {  	[tilespmem:s23+$0x1AC00] =	vst v5  }
0x479: {  	s29 =	sadd.s32 $0x800, s23;
	[tilespmem:s23+$0x1AC10] =	vst v3;
	v3 =	vld [tilespmem:s23+$0x13C00]  }
0x47a: {  	v4 =	vld [tilespmem:s29+$0xF800];
	_ =	sdelay $0x4  }
0x47b: {  	v3 =	vsub.f32 v4, v3;
	_ =	sdelay $0x1  }
0x47c: {  	[tilespmem:s23+$0x1B400] =	vst v3;
	v3 =	vld [tilespmem:s23+$0x13C10]  }
0x47d: {  	v57 =	vld [tilespmem:s29+$0xF810];
	_ =	sdelay $0x4  }
0x47e: {  	v3 =	vsub.f32 v57, v3;
	_ =	sdelay $0x1  }
0x47f: {  	[tilespmem:s23+$0x1B410] =	vst v3;
	v3 =	vld [tilespmem:s23+$0x13C20]  }
0x480: {  	v58 =	vld [tilespmem:s29+$0xF820];
	_ =	sdelay $0x4  }
0x481: {  	v3 =	vsub.f32 v58, v3;
	_ =	sdelay $0x1  }
0x482: {  	v59 =	vld [tilespmem:s23+$0x13C30];
	[tilespmem:s23+$0x1B420] =	vst v3  }
0x483: {  	v3 =	vld [tilespmem:s29+$0xF830];
	_ =	sdelay $0x4  }
0x484: {  	v3 =	vsub.f32 v3, v59;
	_ =	sdelay $0x1  }
0x485: {  	v60 =	vld [tilespmem:s23+$0x13C40];
	[tilespmem:s23+$0x1B430] =	vst v3  }
0x486: {  	v3 =	vld [tilespmem:s29+$0xF840];
	_ =	sdelay $0x4  }
0x487: {  	v3 =	vsub.f32 v3, v60;
	_ =	sdelay $0x1  }
0x488: {  	v61 =	vld [tilespmem:s23+$0x13C50];
	[tilespmem:s23+$0x1B440] =	vst v3  }
0x489: {  	v3 =	vld [tilespmem:s29+$0xF850];
	_ =	sdelay $0x4  }
0x48a: {  	v3 =	vsub.f32 v3, v61;
	_ =	sdelay $0x1  }
0x48b: {  	v62 =	vld [tilespmem:s23+$0x13C60];
	[tilespmem:s23+$0x1B450] =	vst v3  }
0x48c: {  	v3 =	vld [tilespmem:s29+$0xF860];
	_ =	sdelay $0x4  }
0x48d: {  	v3 =	vsub.f32 v3, v62;
	_ =	sdelay $0x1  }
0x48e: {  	v63 =	vld [tilespmem:s23+$0x13C70];
	[tilespmem:s23+$0x1B460] =	vst v3  }
0x48f: {  	v3 =	vld [tilespmem:s29+$0xF870]  }
0x490: {  	s22 =	smul.u32 $0x28, s22  }
0x491: {  	s21 =	sadd.s32 $0x1, s21  }
0x492: {  	p0 =	sne.s32 s21, $0x3D;
	s22 =	sadd.s32 s4, s22  }
.Ltmp4:
0x493: {  	s22 =	sshrl.u32 s22, $0x3;
	(pc) =	sbr.rel @p0 .LBB2_6-.Ltmp4, $3  }
0x494: {  	s22 =	smul.u32 $0x180, s22;
	v3 =	vsub.f32 v3, v63;
	_ =	sdelay $0x1  }
0x495: {  	s30 =	simm.s32 $0x1AC00;
	s22 =	sadd.s32 s6, s22;
	[tilespmem:s23+$0x1B470] =	vst v3  }
0x496: {  	[hbm4b:s22+s2] =	stream.linear.scatter [tilespmem:s30], [sflag:$0x4], $0x3C00, $0x38;
	[tilespmem:$0x1E800] =	vst v63  }
0x497: {  	_ =	swait.ge [sflag:s15], $0x3C00  }
0x498: {  	[sflag:s15] =	ssyncset.done $0x0  }
0x499: {  	[sflag:s15] =	ssyncadd.s32 $0xFFFFC400  }
0x49a: {  	_ =	swait.ge [sflag:s15], $0x3C00  }
0x49b: {  	[sflag:s15] =	ssyncset.done $0x0  }
0x49c: {  	s20 =	simm.s32 $0x0;
	[sflag:s15] =	ssyncadd.s32 $0xFFFFC400  }
0x49d: {  	s21 =	simm.s32 $0x0;
	s20 =	smul.u32 $0xC00, s20;
	_ =	swait.ge [sflag:s18], $0x3C00  }
0x49e: {  	s21 =	sand.u32 $0x380, s21;
	[sflag:s18] =	ssyncset.done $0x0  }
0x49f: {  	s20 =	sor.u32 s21, s20;
	[sflag:s18] =	ssyncadd.s32 $0xFFFFC400  }
0x4a0: {  	v3 =	vld [tilespmem:s20+$0x8870]  }
0x4a1: {  	v4 =	vld [tilespmem:s20+$0xC470]  }
0x4a2: {  	v5 =	vld [tilespmem:s20+$0x8000]  }
0x4a3: {  	v6 =	vld [tilespmem:s20+$0xBC00]  }
0x4a4: {  	v7 =	vld [tilespmem:s20+$0x8010]  }
0x4a5: {  	v8 =	vld [tilespmem:s20+$0xBC10]  }
0x4a6: {  	v9 =	vld [tilespmem:s20+$0x8020]  }
0x4a7: {  	v10 =	vld [tilespmem:s20+$0x8030]  }
0x4a8: {  	v11 =	vld [tilespmem:s20+$0xC420];
	v3 =	vsub.f32 v3, v4  }
0x4a9: {  	v4 =	vld [tilespmem:s20+$0xBC20]  }
0x4aa: {  	v5 =	vadd.f32 v6, v5;
	[tilespmem:s20+$0x17870] =	vst v3;
	v3 =	vld [tilespmem:s20+$0xBC30]  }
0x4ab: {  	v6 =	vld [tilespmem:s20+$0x8040]  }
0x4ac: {  	[tilespmem:s20+$0x17000] =	vst v5;
	v5 =	vadd.f32 v8, v7;
	v7 =	vld [tilespmem:s20+$0xBC40]  }
0x4ad: {  	v8 =	vld [tilespmem:s20+$0xBC50]  }
0x4ae: {  	[tilespmem:s20+$0x17010] =	vst v5;
	v5 =	vld [tilespmem:s20+$0x8050];
	v4 =	vadd.f32 v4, v9  }
0x4af: {  	v9 =	vld [tilespmem:s20+$0xBC60];
	v3 =	vadd.f32 v3, v10  }
0x4b0: {  	[tilespmem:s20+$0x17020] =	vst v4;
	v4 =	vld [tilespmem:s20+$0x8060]  }
0x4b1: {  	[tilespmem:s20+$0x17030] =	vst v3;
	v3 =	vadd.f32 v7, v6;
	v6 =	vld [tilespmem:s20+$0x8070]  }
0x4b2: {  	v7 =	vld [tilespmem:s20+$0xBC70]  }
0x4b3: {  	[tilespmem:s20+$0x17040] =	vst v3;
	v3 =	vadd.f32 v8, v5;
	v5 =	vld [tilespmem:s20+$0x8400]  }
0x4b4: {  	v8 =	vld [tilespmem:s20+$0xC000]  }
0x4b5: {  	[tilespmem:s20+$0x17050] =	vst v3;
	v3 =	vadd.f32 v9, v4;
	v4 =	vld [tilespmem:s20+$0x8410]  }
0x4b6: {  	v9 =	vld [tilespmem:s20+$0xC010]  }
0x4b7: {  	[tilespmem:s20+$0x17060] =	vst v3;
	v3 =	vadd.f32 v7, v6;
	v6 =	vld [tilespmem:s20+$0x8420]  }
0x4b8: {  	v7 =	vld [tilespmem:s20+$0xC020]  }
0x4b9: {  	[tilespmem:s20+$0x17070] =	vst v3;
	v3 =	vadd.f32 v8, v5;
	v5 =	vld [tilespmem:s20+$0x8430]  }
0x4ba: {  	v8 =	vld [tilespmem:s20+$0xC030]  }
0x4bb: {  	[tilespmem:s20+$0x17400] =	vst v3;
	v3 =	vadd.f32 v9, v4;
	v4 =	vld [tilespmem:s20+$0x8440]  }
0x4bc: {  	v9 =	vld [tilespmem:s20+$0xC040]  }
0x4bd: {  	[tilespmem:s20+$0x17410] =	vst v3;
	v3 =	vadd.f32 v7, v6;
	v6 =	vld [tilespmem:s20+$0x8450]  }
0x4be: {  	v7 =	vld [tilespmem:s20+$0xC050]  }
0x4bf: {  	[tilespmem:s20+$0x17420] =	vst v3;
	v3 =	vadd.f32 v8, v5;
	v5 =	vld [tilespmem:s20+$0x8460]  }
0x4c0: {  	v8 =	vld [tilespmem:s20+$0xC060]  }
0x4c1: {  	[tilespmem:s20+$0x17430] =	vst v3;
	v3 =	vadd.f32 v9, v4;
	v4 =	vld [tilespmem:s20+$0x8470]  }
0x4c2: {  	v9 =	vld [tilespmem:s20+$0xC070]  }
0x4c3: {  	[tilespmem:s20+$0x17440] =	vst v3;
	v3 =	vadd.f32 v7, v6;
	v6 =	vld [tilespmem:s20+$0x8800]  }
0x4c4: {  	v7 =	vld [tilespmem:s20+$0xC400]  }
0x4c5: {  	v10 =	vld [tilespmem:s20+$0xC410];
	[tilespmem:s20+$0x17450] =	vst v3;
	v3 =	vadd.f32 v8, v5  }
0x4c6: {  	v8 =	vld [tilespmem:s20+$0x8810]  }
0x4c7: {  	[tilespmem:s20+$0x17460] =	vst v3;
	v3 =	vadd.f32 v9, v4;
	v9 =	vld [tilespmem:s20+$0x8820]  }
0x4c8: {  	v5 =	vld [tilespmem:s20+$0x8830]  }
0x4c9: {  	[tilespmem:s20+$0x17470] =	vst v3;
	v3 =	vsub.f32 v6, v7;
	v7 =	vld [tilespmem:s20+$0xC430]  }
0x4ca: {  	v6 =	vld [tilespmem:s20+$0xC440]  }
0x4cb: {  	v4 =	vsub.f32 v8, v10;
	[tilespmem:s20+$0x17800] =	vst v3;
	v3 =	vld [tilespmem:s20+$0x8840]  }
0x4cc: {  	s30 =	simm.s32 $0x0;
	v8 =	vld [tilespmem:s20+$0xC450];
	v9 =	vsub.f32 v9, v11  }
0x4cd: {  	s22 =	simm.s32 $0x2;
	s23 =	smul.u32 $0xC00, s30;
	s21 =	simm.s32 $0x80;
	[tilespmem:s20+$0x17810] =	vst v4;
	v4 =	vld [tilespmem:s20+$0x8850]  }
.LBB2_12:
0x4ce: {  	p0 =	sne.s32 s22, $0x27;
	s24 =	sand.u32 $0x380, s21;
	[tilespmem:s20+$0x17820] =	vst v9;
	v5 =	vsub.f32 v5, v7;
	v7 =	vld [tilespmem:s20+$0x8860]  }
0x4cf: {  	s23 =	sor.u32 s24, s23;
	v9 =	vld [tilespmem:s20+$0xC460]  }
0x4d0: {  	v10 =	vld [tilespmem:s23+$0x8870];
	[tilespmem:s20+$0x17830] =	vst v5;
	v3 =	vsub.f32 v3, v6  }
0x4d1: {  	v5 =	vld [tilespmem:s23+$0xC470]  }
0x4d2: {  	v6 =	vld [tilespmem:s23+$0x8000];
	[tilespmem:s20+$0x17840] =	vst v3;
	v3 =	vsub.f32 v4, v8  }
0x4d3: {  	v4 =	vld [tilespmem:s23+$0xBC00]  }
0x4d4: {  	v8 =	vld [tilespmem:s23+$0x8010];
	[tilespmem:s20+$0x17850] =	vst v3;
	v3 =	vsub.f32 v7, v9  }
0x4d5: {  	v7 =	vld [tilespmem:s23+$0xBC10]  }
0x4d6: {  	v9 =	vld [tilespmem:s23+$0x8020];
	v5 =	vsub.f32 v10, v5;
	[tilespmem:s20+$0x17860] =	vst v3;
	s20 =	smov.u32 s23  }
0x4d7: {  	v3 =	vld [tilespmem:s20+$0xBC20]  }
0x4d8: {  	v4 =	vadd.f32 v4, v6;
	v6 =	vld [tilespmem:s20+$0x8030];
	[tilespmem:s20+$0x17870] =	vst v5  }
0x4d9: {  	v5 =	vld [tilespmem:s20+$0xBC30]  }
0x4da: {  	[tilespmem:s20+$0x17000] =	vst v4;
	v4 =	vadd.f32 v7, v8;
	v7 =	vld [tilespmem:s20+$0x8040]  }
0x4db: {  	v8 =	vld [tilespmem:s20+$0xBC40]  }
0x4dc: {  	[tilespmem:s20+$0x17010] =	vst v4;
	v3 =	vadd.f32 v3, v9;
	v4 =	vld [tilespmem:s20+$0x8050]  }
0x4dd: {  	v9 =	vld [tilespmem:s20+$0xBC50]  }
0x4de: {  	[tilespmem:s20+$0x17020] =	vst v3;
	v3 =	vadd.f32 v5, v6;
	v5 =	vld [tilespmem:s20+$0x8060]  }
0x4df: {  	v6 =	vld [tilespmem:s20+$0xBC60]  }
0x4e0: {  	[tilespmem:s20+$0x17030] =	vst v3;
	v3 =	vadd.f32 v8, v7;
	v7 =	vld [tilespmem:s20+$0x8070]  }
0x4e1: {  	v8 =	vld [tilespmem:s20+$0xBC70]  }
0x4e2: {  	[tilespmem:s20+$0x17040] =	vst v3;
	v3 =	vadd.f32 v9, v4;
	v4 =	vld [tilespmem:s20+$0x8400]  }
0x4e3: {  	v9 =	vld [tilespmem:s20+$0xC000]  }
0x4e4: {  	[tilespmem:s20+$0x17050] =	vst v3;
	v3 =	vadd.f32 v6, v5;
	v5 =	vld [tilespmem:s20+$0x8410]  }
0x4e5: {  	v6 =	vld [tilespmem:s20+$0xC010]  }
0x4e6: {  	[tilespmem:s20+$0x17060] =	vst v3;
	v3 =	vadd.f32 v8, v7;
	v7 =	vld [tilespmem:s20+$0x8420]  }
0x4e7: {  	v8 =	vld [tilespmem:s20+$0xC020]  }
0x4e8: {  	[tilespmem:s20+$0x17070] =	vst v3;
	v3 =	vadd.f32 v9, v4;
	v4 =	vld [tilespmem:s20+$0x8430]  }
0x4e9: {  	v9 =	vld [tilespmem:s20+$0xC030]  }
0x4ea: {  	[tilespmem:s20+$0x17400] =	vst v3;
	v3 =	vadd.f32 v6, v5;
	v5 =	vld [tilespmem:s20+$0x8440]  }
0x4eb: {  	v6 =	vld [tilespmem:s20+$0xC040]  }
0x4ec: {  	[tilespmem:s20+$0x17410] =	vst v3;
	v3 =	vadd.f32 v8, v7;
	v7 =	vld [tilespmem:s20+$0x8450]  }
0x4ed: {  	v8 =	vld [tilespmem:s20+$0xC050]  }
0x4ee: {  	[tilespmem:s20+$0x17420] =	vst v3;
	v3 =	vadd.f32 v9, v4;
	v4 =	vld [tilespmem:s20+$0x8460]  }
0x4ef: {  	v9 =	vld [tilespmem:s20+$0xC060]  }
0x4f0: {  	[tilespmem:s20+$0x17430] =	vst v3;
	v3 =	vadd.f32 v6, v5;
	v5 =	vld [tilespmem:s20+$0x8470]  }
0x4f1: {  	v6 =	vld [tilespmem:s20+$0xC070]  }
0x4f2: {  	[tilespmem:s20+$0x17440] =	vst v3;
	v3 =	vadd.f32 v8, v7;
	v7 =	vld [tilespmem:s20+$0x8800]  }
0x4f3: {  	v8 =	vld [tilespmem:s20+$0xC400]  }
0x4f4: {  	[tilespmem:s20+$0x17450] =	vst v3;
	v3 =	vadd.f32 v9, v4;
	v4 =	vld [tilespmem:s20+$0x8810]  }
0x4f5: {  	v9 =	vld [tilespmem:s20+$0xC410]  }
0x4f6: {  	[tilespmem:s20+$0x17460] =	vst v3;
	v3 =	vadd.f32 v6, v5;
	v10 =	vld [tilespmem:s20+$0x8820]  }
0x4f7: {  	v11 =	vld [tilespmem:s20+$0xC420]  }
0x4f8: {  	[tilespmem:s20+$0x17470] =	vst v3;
	v3 =	vsub.f32 v7, v8;
	v5 =	vld [tilespmem:s20+$0x8830]  }
.Ltmp5:
0x4f9: {  	v7 =	vld [tilespmem:s20+$0xC430];
	(pc) =	sbr.rel @p0 .LBB2_12-.Ltmp5, $4  }
0x4fa: {  	[tilespmem:s20+$0x17800] =	vst v3;
	v4 =	vsub.f32 v4, v9;
	v3 =	vld [tilespmem:s20+$0x8840]  }
0x4fb: {  	v6 =	vld [tilespmem:s20+$0xC440]  }
0x4fc: {  	s23 =	sshrl.u32 s22, $0x3;
	[tilespmem:s20+$0x17810] =	vst v4;
	v9 =	vsub.f32 v10, v11;
	v4 =	vld [tilespmem:s20+$0x8850]  }
0x4fd: {  	s21 =	sadd.s32 $0x80, s21;
	s22 =	sadd.s32 $0x1, s22;
	s23 =	smul.u32 $0xC00, s23;
	v8 =	vld [tilespmem:s20+$0xC450]  }
0x4fe: {  	s21 =	sand.u32 $0x380, s21;
	v59 =	vld [tilespmem:s20+$0x8860];
	v5 =	vsub.f32 v5, v7  }
0x4ff: {  	[tilespmem:s20+$0x17820] =	vst v9;
	v60 =	vld [tilespmem:s20+$0xC460];
	s21 =	sor.u32 s21, s23  }
0x500: {  	v10 =	vld [tilespmem:s21+$0x8870];
	[tilespmem:s20+$0x17830] =	vst v5;
	v3 =	vsub.f32 v3, v6  }
0x501: {  	v5 =	vld [tilespmem:s21+$0xC470]  }
0x502: {  	v61 =	vld [tilespmem:s21+$0x8000];
	[tilespmem:s20+$0x17840] =	vst v3;
	v3 =	vsub.f32 v4, v8  }
0x503: {  	v62 =	vld [tilespmem:s21+$0xBC00]  }
0x504: {  	v63 =	vld [tilespmem:s21+$0x8010];
	[tilespmem:s20+$0x17850] =	vst v3;
	v3 =	vsub.f32 v59, v60  }
0x505: {  	v33 =	vld [tilespmem:s21+$0xBC10]  }
0x506: {  	v34 =	vld [tilespmem:s21+$0x8020];
	[tilespmem:s20+$0x17860] =	vst v3  }
0x507: {  	v3 =	vld [tilespmem:s21+$0xBC20]  }
0x508: {  	v11 =	vld [tilespmem:s21+$0x8030]  }
0x509: {  	v12 =	vld [tilespmem:s21+$0xBC30]  }
0x50a: {  	v13 =	vld [tilespmem:s21+$0x8040]  }
0x50b: {  	v14 =	vld [tilespmem:s21+$0xBC40]  }
0x50c: {  	v15 =	vld [tilespmem:s21+$0x8050]  }
0x50d: {  	v16 =	vld [tilespmem:s21+$0xBC50]  }
0x50e: {  	v17 =	vld [tilespmem:s21+$0x8060]  }
0x50f: {  	v18 =	vld [tilespmem:s21+$0xBC60]  }
0x510: {  	v19 =	vld [tilespmem:s21+$0x8070]  }
0x511: {  	v20 =	vld [tilespmem:s21+$0xBC70]  }
0x512: {  	v21 =	vld [tilespmem:s21+$0x8400]  }
0x513: {  	v22 =	vld [tilespmem:s21+$0xC000]  }
0x514: {  	v23 =	vld [tilespmem:s21+$0x8410]  }
0x515: {  	v24 =	vld [tilespmem:s21+$0xC010]  }
0x516: {  	v25 =	vld [tilespmem:s21+$0x8420]  }
0x517: {  	v26 =	vld [tilespmem:s21+$0xC020]  }
0x518: {  	v27 =	vld [tilespmem:s21+$0x8430]  }
0x519: {  	v28 =	vld [tilespmem:s21+$0xC030]  }
0x51a: {  	v29 =	vld [tilespmem:s21+$0x8440]  }
0x51b: {  	v30 =	vld [tilespmem:s21+$0xC040]  }
0x51c: {  	v31 =	vld [tilespmem:s21+$0x8450]  }
0x51d: {  	v5 =	vsub.f32 v10, v5;
	v35 =	vld [tilespmem:s21+$0xC050]  }
0x51e: {  	v36 =	vld [tilespmem:s21+$0x8460];
	v4 =	vadd.f32 v62, v61  }
0x51f: {  	v38 =	vld [tilespmem:s21+$0xC060];
	[tilespmem:s21+$0x17870] =	vst v5;
	v37 =	vadd.f32 v33, v63  }
0x520: {  	v39 =	vld [tilespmem:s21+$0x8470];
	[tilespmem:s21+$0x17000] =	vst v4;
	v3 =	vadd.f32 v3, v34  }
0x521: {  	v41 =	vld [tilespmem:s21+$0xC070];
	[tilespmem:s21+$0x17010] =	vst v37;
	v40 =	vadd.f32 v12, v11  }
0x522: {  	v42 =	vld [tilespmem:s21+$0x8800];
	[tilespmem:s21+$0x17020] =	vst v3;
	v3 =	vadd.f32 v14, v13  }
0x523: {  	v44 =	vld [tilespmem:s21+$0xC400];
	v43 =	vadd.f32 v16, v15;
	[tilespmem:s21+$0x17030] =	vst v40  }
0x524: {  	v45 =	vld [tilespmem:s21+$0x8810];
	[tilespmem:s21+$0x17040] =	vst v3;
	v3 =	vadd.f32 v18, v17  }
0x525: {  	v47 =	vld [tilespmem:s21+$0xC410];
	v46 =	vadd.f32 v20, v19;
	[tilespmem:s21+$0x17050] =	vst v43  }
0x526: {  	v48 =	vld [tilespmem:s21+$0x8820];
	[tilespmem:s21+$0x17060] =	vst v3;
	v3 =	vadd.f32 v22, v21  }
0x527: {  	v50 =	vld [tilespmem:s21+$0xC420];
	v49 =	vadd.f32 v24, v23;
	[tilespmem:s21+$0x17070] =	vst v46  }
0x528: {  	v51 =	vld [tilespmem:s21+$0x8830];
	[tilespmem:s21+$0x17400] =	vst v3;
	v3 =	vadd.f32 v26, v25  }
0x529: {  	v53 =	vld [tilespmem:s21+$0xC430];
	v52 =	vadd.f32 v28, v27;
	[tilespmem:s21+$0x17410] =	vst v49  }
0x52a: {  	v54 =	vld [tilespmem:s21+$0x8840];
	[tilespmem:s21+$0x17420] =	vst v3;
	v3 =	vadd.f32 v30, v29  }
0x52b: {  	v56 =	vld [tilespmem:s21+$0xC440];
	v55 =	vadd.f32 v35, v31;
	[tilespmem:s21+$0x17430] =	vst v52  }
0x52c: {  	v57 =	vld [tilespmem:s21+$0x8850];
	[tilespmem:s21+$0x17440] =	vst v3;
	v3 =	vadd.f32 v38, v36  }
0x52d: {  	v58 =	vld [tilespmem:s21+$0xC450];
	v4 =	vadd.f32 v41, v39;
	[tilespmem:s21+$0x17450] =	vst v55  }
0x52e: {  	v59 =	vld [tilespmem:s21+$0x8860];
	[tilespmem:s21+$0x17460] =	vst v3;
	v3 =	vsub.f32 v42, v44  }
0x52f: {  	v61 =	vld [tilespmem:s21+$0xC460];
	v60 =	vsub.f32 v45, v47;
	[tilespmem:s21+$0x17470] =	vst v4  }
0x530: {  	[tilespmem:s21+$0x17800] =	vst v3;
	v3 =	vsub.f32 v48, v50  }
0x531: {  	v62 =	vsub.f32 v51, v53;
	[tilespmem:s21+$0x17810] =	vst v60  }
0x532: {  	[tilespmem:s21+$0x17820] =	vst v3;
	v3 =	vsub.f32 v54, v56  }
0x533: {  	v63 =	vsub.f32 v57, v58;
	[tilespmem:s21+$0x17830] =	vst v62  }
0x534: {  	[tilespmem:s21+$0x17840] =	vst v3;
	v3 =	vsub.f32 v59, v61  }
0x535: {  	[tilespmem:s21+$0x17850] =	vst v63  }
0x536: {  	s28 =	rddreg [dreg:$0x7];
	[tilespmem:s21+$0x17860] =	vst v3  }
0x537: {  	[hbm4b:s28+s2] =	stream.linear.scatter [tilespmem:s11], [sflag:$0x3], $0x3C00, $0x38;
	[tilespmem:$0x1E800] =	vst v63  }
0x538: {  	_ =	swait.ge [sflag:s19], $0x3C00  }
0x539: {  	[sflag:s19] =	ssyncset.done $0x0  }
0x53a: {  	[sflag:s19] =	ssyncadd.s32 $0xFFFFC400  }
0x53b: {  	_ =	swait.ge [sflag:s18], $0x3C00  }
0x53c: {  	s29 =	rddreg [dreg:$0x9]  }
0x53d: {  	s30 =	rddreg [dreg:$0x8];
	s21 =	sadd.s32 $0x1, s29  }
0x53e: {  	p0 =	sne.s32 s21, s30  }
.Ltmp6:
0x53f: {  	_ = 	snop;
	(pc) =	sbr.rel @p0 .LBB2_1-.Ltmp6, $3  }
0x540: {  	_ =	sdelay $0x1  }
0x541: {  	[sflag:s18] =	ssyncset.done $0x0  }
0x542: {  	[sflag:s18] =	ssyncadd.s32 $0xFFFFC400  }
0x543: {  	_ =	sfence.sel $0x180000  }
0x544: {  	[bflag:$0x0] =	sbarrier.arrive $0xFFFF  }
0x545: {  	_ =	strace $0x90000047  }
0x546: {  	s0 =	stileid.u32;
	[bflag:$0x2] =	sbarrier.arrive $0xFFFF  }
0x547: {  	p0 =	sne.s32 s0, $0x0;
	s0 =	rddreg [dreg:$0x2]  }
0x548: {  	s0 =	sadd.s32 @!p0 $0x100000, s0  }
0x549: {  	[sflag:s0] =	ssyncadd.tile.s32 @!p0 $0x1;
	_ =	shalt  }
.Lfunc_end2:
_tile_overlayer_lowered:
.L_overlay_start_2:
0x54a: {  	(tag) =	ssettag $0x2  }
0x54b: {  	s0 =	rddreg [dreg:$0x0];
	s2 =	stileid.u32  }
0x54c: {  	s1 =	rddreg [dreg:$0x1];
	p0 =	sne.s32 s2, $0x0  }
0x54d: {  	s3 =	rddreg [dreg:$0x2];
	[bflag:$0x3] =	sbarrier.arrive $0xFFFF;
	s2 =	simm.s32 @!p0 $0x1C05  }
0x54e: {  	[timem:s3], [sflag:s2] =	dma.local @!p0 [hbm:s0], s1  }
0x54f: {  	s0 =	simm.s32 @!p0 $0x5  }
0x550: {  	_ =	swait.ge @!p0 [sflag:s0], s1  }
0x551: {  	s1 =	ssub.s32 @!p0 $0x0, s1;
	[sflag:s0] =	ssyncset.done @!p0 $0x0  }
0x552: {  	[sflag:s0] =	ssyncadd.s32 @!p0 s1  }
0x553: {  	[bflag:$0x3] =	sbarrier.arrive $0xFFFF  }
0x554: {  	_ =	shalt  }

</sc_bundles>
